<compile_context>
chip_gen: v7x
topology: tpu7x:2x2x1
jax: 0.10.2.dev20260603
libtpu: 0.0.44.dev20260713+nightly
codegen_flags: <defaults>
</compile_context>

<pallas_src>
import functools

import jax
import jax.numpy as jnp
from jax import lax
from jax.experimental import pallas as pl
from jax.experimental.pallas import tpu as pltpu
from jax.experimental.pallas import tpu_sc as plsc

F32 = jnp.float32
KA = 64
KB = 128
K2 = 80
NW = 32
LANES = 8



def _proj_body(x_ref, ws, wd, was, wad, bd, fs_ref, xs_ref, xd_ref, fd_ref):
    x = x_ref[...]
    fs_ref[...] = x @ ws[...].T
    xs_ref[...] = x @ was[...].T
    xd_ref[...] = x @ wad[...].T
    fd_ref[...] = x @ wd[...].T + bd[...]


def _ee_body(ea_ref, we_ref, ee_ref):
    ee_ref[...] = ea_ref[...] @ we_ref[...].T


def _mid_body(sd0, sd1, ss0, ss1, fs, rsd_ref, g_ref):
    rsd_ref[...] = lax.rsqrt(sd0[...] + sd1[...] + 1e-16)
    rss = lax.rsqrt(ss0[...] + ss1[...] + 1e-16)
    g_ref[...] = fs[...] * rss


def _post_body(o0, o1, rsd, fd, sc_ref, of_ref, wagg, bagg, out_ref):
    h = (o0[...] + o1[...]) * rsd[...]
    mean = jnp.mean(h, axis=1, keepdims=True)
    var = jnp.mean((h - mean) ** 2, axis=1, keepdims=True) + 1e-9
    hn = (h - mean) * sc_ref[...] * lax.rsqrt(var) + of_ref[...]
    out_ref[...] = hn @ wagg[...].T + bagg[...] + fd[...]



def _zero_fill(buf):
    @pl.loop(0, buf.shape[0])
    def _(r):
        for c in range(LANES):
            buf[r, pl.ds(c * 16, 16)] = jnp.zeros((16,), F32)


def _zero_acc_rows(acc, qb, sid, n_rows):
    ck = qb.shape[0]
    nfull = n_rows // ck
    tail = n_rows - nfull * ck

    @pl.loop(sid, nfull, step=16)
    def _(ci):
        b = pl.multiple_of(ci * ck, 8)
        pltpu.sync_copy(qb, acc.at[pl.ds(b, ck)])

    if tail:
        @pl.when(sid == 0)
        def _():
            pltpu.sync_copy(qb.at[pl.ds(0, tail)],
                            acc.at[pl.ds(nfull * ck, tail)])


def _copy_acc_out(acc, cid, sid, out0, out1, n_rows, ck):
    nfull = n_rows // ck
    tail = n_rows - nfull * ck

    def _emit(out):
        @pl.loop(sid, nfull, step=16)
        def _(ci):
            b = pl.multiple_of(ci * ck, 8)
            pltpu.sync_copy(acc.at[pl.ds(b, ck)], out.at[pl.ds(b, ck)])

        if tail:
            @pl.when(sid == 0)
            def _():
                pltpu.sync_copy(acc.at[pl.ds(nfull * ck, tail)],
                                out.at[pl.ds(nfull * ck, tail)])

    @pl.when(cid == 0)
    def _():
        _emit(out0)

    @pl.when(cid == 1)
    def _():
        _emit(out1)



def _p1a_body(eidx_hbm, xs_hbm, xd_hbm, ee_hbm,
              rq_hbm, sd0_hbm, sd1_hbm,
              i0, i1, xsr0, xdr0, eer0, xsr1, xdr1, eer1, acc,
              sxs0, sxd0, see0, srq0, ssc0,
              sxs1, sxd1, see1, srq1, ssc1, nchunk):
    cid = lax.axis_index("c")
    sid = lax.axis_index("s")
    wid = sid * 2 + cid
    banks = [(i0, xsr0, xdr0, eer0, (sxs0, sxd0, see0, srq0, ssc0)),
             (i1, xsr1, xdr1, eer1, (sxs1, sxd1, see1, srq1, ssc1))]

    _zero_fill(eer0)
    _zero_acc_rows(acc, eer0, sid, acc.shape[0])
    plsc.subcore_barrier()

    nloc = (nchunk - wid + NW - 1) // NW

    def issue_in(g, bank):
        idx2, xsr, xdr, eer, sems = bank
        ci = wid + g * NW
        base = pl.multiple_of(ci * KA, 8)
        pltpu.sync_copy(eidx_hbm.at[ci], idx2)
        pltpu.async_copy(xs_hbm.at[idx2.at[0]], xsr, sems[0])
        pltpu.async_copy(xd_hbm.at[idx2.at[1]], xdr, sems[1])
        pltpu.async_copy(ee_hbm.at[pl.ds(base, KA)], eer, sems[2])

    def wait_in(bank):
        idx2, xsr, xdr, eer, sems = bank
        pltpu.make_async_copy(xs_hbm.at[idx2.at[0]], xsr, sems[0]).wait()
        pltpu.make_async_copy(xd_hbm.at[idx2.at[1]], xdr, sems[1]).wait()
        pltpu.make_async_copy(ee_hbm.at[pl.ds(0, KA)], eer, sems[2]).wait()

    def issue_out(g, bank):
        idx2, xsr, xdr, _, sems = bank
        base = pl.multiple_of((wid + g * NW) * KA, 8)
        pltpu.async_copy(xdr, rq_hbm.at[pl.ds(base, KA)], sems[3])
        pltpu.async_copy(xdr, acc.at[idx2.at[1]], sems[4], add=True)

    def wait_out(bank):
        idx2, xsr, xdr, _, sems = bank
        pltpu.make_async_copy(xdr, rq_hbm.at[pl.ds(0, KA)], sems[3]).wait()
        pltpu.make_async_copy(xdr, acc.at[idx2.at[1]], sems[4]).wait()

    issue_in(0, banks[0])
    nup = ((nloc + 1) // 2) * 2

    @pl.loop(0, nup, step=2)
    def _(g0):
        for b in range(2):
            g = g0 + b
            bank = banks[b]
            other = banks[1 - b]

            @pl.when(g < nloc)
            def _():
                wait_in(bank)

                @pl.when((g + 1 < nloc) & (g >= 1))
                def _():
                    wait_out(other)

                @pl.when(g + 1 < nloc)
                def _():
                    issue_in(g + 1, other)

                _, xsr, xdr, eer, _ = bank

                @pl.loop(0, KA)
                def _(r):
                    for c in range(LANES):
                        sl = pl.ds(c * 16, 16)
                        t = xsr[r, sl] + xdr[r, sl] + eer[r, sl]
                        t = jnp.maximum(t, 0.2 * t)
                        xdr[r, sl] = jnp.exp(t)

                issue_out(g, bank)

    wait_out(banks[0])
    wait_out(banks[1])
    plsc.subcore_barrier()
    _copy_acc_out(acc, cid, sid, sd0_hbm, sd1_hbm, acc.shape[0], KA)


def _p1b_body(src_hbm, rq_hbm, ss0_hbm, ss1_hbm,
              sidx0, sidx1, rqb0, rqb1, acc,
              semi0, semi1, semo0, semo1, nchunk):
    cid = lax.axis_index("c")
    sid = lax.axis_index("s")
    wid = sid * 2 + cid
    banks = [(sidx0, rqb0, semi0, semo0), (sidx1, rqb1, semi1, semo1)]

    _zero_fill(rqb0)
    _zero_acc_rows(acc, rqb0, sid, acc.shape[0])
    plsc.subcore_barrier()

    nloc = (nchunk - wid + NW - 1) // NW

    def issue_in(g, bank):
        idxb, rqbb, semi, _ = bank
        base = pl.multiple_of((wid + g * NW) * KB, 8)
        pltpu.async_copy(src_hbm.at[pl.ds(base, KB)], idxb, semi)
        pltpu.async_copy(rq_hbm.at[pl.ds(base, KB)], rqbb, semi)

    def wait_in(bank):
        idxb, rqbb, semi, _ = bank
        pltpu.make_async_copy(src_hbm.at[pl.ds(0, KB)], idxb, semi).wait()
        pltpu.make_async_copy(rq_hbm.at[pl.ds(0, KB)], rqbb, semi).wait()

    def issue_out(bank):
        idxb, rqbb, _, semo = bank
        pltpu.async_copy(rqbb, acc.at[idxb], semo, add=True)

    def wait_out(bank):
        idxb, rqbb, _, semo = bank
        pltpu.make_async_copy(rqbb, acc.at[idxb], semo).wait()

    issue_in(0, banks[0])
    nup = ((nloc + 1) // 2) * 2

    @pl.loop(0, nup, step=2)
    def _(g0):
        for b in range(2):
            g = g0 + b
            bank = banks[b]
            other = banks[1 - b]

            @pl.when(g < nloc)
            def _():
                wait_in(bank)

                @pl.when((g + 1 < nloc) & (g >= 1))
                def _():
                    wait_out(other)

                @pl.when(g + 1 < nloc)
                def _():
                    issue_in(g + 1, other)

                issue_out(bank)

    wait_out(banks[0])
    wait_out(banks[1])
    plsc.subcore_barrier()
    _copy_acc_out(acc, cid, sid, ss0_hbm, ss1_hbm, acc.shape[0], KB)


def _p2_body(eidx_hbm, rq_hbm, g_hbm,
             out0_hbm, out1_hbm,
             i0, i1, gr0, rqb0, gr1, rqb1, acc,
             sg0, sr0, sc0, sg1, sr1, sc1, nchunk):
    cid = lax.axis_index("c")
    sid = lax.axis_index("s")
    wid = sid * 2 + cid
    banks = [(i0, gr0, rqb0, (sg0, sr0, sc0)),
             (i1, gr1, rqb1, (sg1, sr1, sc1))]

    _zero_fill(gr0)
    _zero_acc_rows(acc, gr0, sid, acc.shape[0])
    plsc.subcore_barrier()

    nloc = (nchunk - wid + NW - 1) // NW

    def issue_in(g, bank):
        idx2, gr, rqbb, sems = bank
        ci = wid + g * NW
        base = pl.multiple_of(ci * K2, 8)
        pltpu.sync_copy(eidx_hbm.at[ci], idx2)
        pltpu.async_copy(g_hbm.at[idx2.at[0]], gr, sems[0])
        pltpu.async_copy(rq_hbm.at[pl.ds(base, K2)], rqbb, sems[1])

    def wait_in(bank):
        idx2, gr, rqbb, sems = bank
        pltpu.make_async_copy(g_hbm.at[idx2.at[0]], gr, sems[0]).wait()
        pltpu.make_async_copy(rq_hbm.at[pl.ds(0, K2)], rqbb, sems[1]).wait()

    def issue_out(bank):
        idx2, gr, _, sems = bank
        pltpu.async_copy(gr, acc.at[idx2.at[1]], sems[2], add=True)

    def wait_out(bank):
        idx2, gr, _, sems = bank
        pltpu.make_async_copy(gr, acc.at[idx2.at[1]], sems[2]).wait()

    issue_in(0, banks[0])
    nup = ((nloc + 1) // 2) * 2

    @pl.loop(0, nup, step=2)
    def _(g0):
        for b in range(2):
            g = g0 + b
            bank = banks[b]
            other = banks[1 - b]

            @pl.when(g < nloc)
            def _():
                wait_in(bank)

                @pl.when((g + 1 < nloc) & (g >= 1))
                def _():
                    wait_out(other)

                @pl.when(g + 1 < nloc)
                def _():
                    issue_in(g + 1, other)

                _, gr, rqbb, _ = bank

                @pl.loop(0, K2)
                def _(r):
                    for c in range(LANES):
                        sl = pl.ds(c * 16, 16)
                        gr[r, sl] = gr[r, sl] * rqbb[r, sl]

                issue_out(bank)

    wait_out(banks[0])
    wait_out(banks[1])
    plsc.subcore_barrier()
    _copy_acc_out(acc, cid, sid, out0_hbm, out1_hbm, acc.shape[0], K2)



def kernel(x, edge_index, edge_attr, W_src, W_dst, b_dst, W_attn_src,
           W_attn_dst, W_attn_edge, scale, offset, W_agg, b_agg):
    N, D = x.shape
    OUT = W_src.shape[0]
    E = edge_index.shape[1]
    ei32 = edge_index.astype(jnp.int32)
    src = ei32[0]
    eidx_a = ei32.reshape(2, E // KA, KA).transpose(1, 0, 2)
    eidx_2 = ei32.reshape(2, E // K2, K2).transpose(1, 0, 2)

    nb = N // 2000
    fs, xs, xd, fd = pl.pallas_call(
        _proj_body,
        out_shape=[jax.ShapeDtypeStruct((N, OUT), F32)] * 4,
        grid=(nb,),
        in_specs=[
            pl.BlockSpec((2000, D), lambda i: (i, 0)),
            pl.BlockSpec((OUT, D), lambda i: (0, 0)),
            pl.BlockSpec((OUT, D), lambda i: (0, 0)),
            pl.BlockSpec((OUT, D), lambda i: (0, 0)),
            pl.BlockSpec((OUT, D), lambda i: (0, 0)),
            pl.BlockSpec((1, OUT), lambda i: (0, 0)),
        ],
        out_specs=[pl.BlockSpec((2000, OUT), lambda i: (i, 0))] * 4,
    )(x, W_src, W_dst, W_attn_src, W_attn_dst, b_dst.reshape(1, OUT))

    eb = E // 10000
    ee = pl.pallas_call(
        _ee_body,
        out_shape=jax.ShapeDtypeStruct((E, OUT), F32),
        grid=(eb,),
        in_specs=[
            pl.BlockSpec((10000, edge_attr.shape[1]), lambda i: (i, 0)),
            pl.BlockSpec((OUT, edge_attr.shape[1]), lambda i: (0, 0)),
        ],
        out_specs=pl.BlockSpec((10000, OUT), lambda i: (i, 0)),
    )(edge_attr, W_attn_edge)

    mesh = plsc.VectorSubcoreMesh(core_axis_name="c", subcore_axis_name="s")

    p1a = functools.partial(
        pl.kernel,
        mesh=mesh,
        out_type=[jax.ShapeDtypeStruct((E, OUT), F32),
                  jax.ShapeDtypeStruct((N, OUT), F32),
                  jax.ShapeDtypeStruct((N, OUT), F32)],
        scratch_types=[
            pltpu.VMEM((2, KA), jnp.int32),
            pltpu.VMEM((2, KA), jnp.int32),
            pltpu.VMEM((KA, OUT), F32),
            pltpu.VMEM((KA, OUT), F32),
            pltpu.VMEM((KA, OUT), F32),
            pltpu.VMEM((KA, OUT), F32),
            pltpu.VMEM((KA, OUT), F32),
            pltpu.VMEM((KA, OUT), F32),
            pltpu.VMEM_SHARED((N, OUT), F32),
        ] + [pltpu.SemaphoreType.DMA] * 10,
    )(functools.partial(_p1a_body, nchunk=E // KA))
    rq, sd0, sd1 = p1a(eidx_a, xs, xd, ee)

    p1b = functools.partial(
        pl.kernel,
        mesh=mesh,
        out_type=[jax.ShapeDtypeStruct((N, OUT), F32),
                  jax.ShapeDtypeStruct((N, OUT), F32)],
        scratch_types=[
            pltpu.VMEM((KB,), jnp.int32),
            pltpu.VMEM((KB,), jnp.int32),
            pltpu.VMEM((KB, OUT), F32),
            pltpu.VMEM((KB, OUT), F32),
            pltpu.VMEM_SHARED((N, OUT), F32),
            pltpu.SemaphoreType.DMA,
            pltpu.SemaphoreType.DMA,
            pltpu.SemaphoreType.DMA,
            pltpu.SemaphoreType.DMA,
        ],
    )(functools.partial(_p1b_body, nchunk=E // KB))
    ss0, ss1 = p1b(src, rq)

    rsd, g = pl.pallas_call(
        _mid_body,
        out_shape=[jax.ShapeDtypeStruct((N, OUT), F32),
                   jax.ShapeDtypeStruct((N, OUT), F32)],
        grid=(nb,),
        in_specs=[pl.BlockSpec((2000, OUT), lambda i: (i, 0))] * 5,
        out_specs=[pl.BlockSpec((2000, OUT), lambda i: (i, 0))] * 2,
    )(sd0, sd1, ss0, ss1, fs)

    p2 = functools.partial(
        pl.kernel,
        mesh=mesh,
        out_type=[jax.ShapeDtypeStruct((N, OUT), F32),
                  jax.ShapeDtypeStruct((N, OUT), F32)],
        scratch_types=[
            pltpu.VMEM((2, K2), jnp.int32),
            pltpu.VMEM((2, K2), jnp.int32),
            pltpu.VMEM((K2, OUT), F32),
            pltpu.VMEM((K2, OUT), F32),
            pltpu.VMEM((K2, OUT), F32),
            pltpu.VMEM((K2, OUT), F32),
            pltpu.VMEM_SHARED((N, OUT), F32),
        ] + [pltpu.SemaphoreType.DMA] * 6,
    )(functools.partial(_p2_body, nchunk=E // K2))
    o0, o1 = p2(eidx_2, rq, g)

    rst = pl.pallas_call(
        _post_body,
        out_shape=jax.ShapeDtypeStruct((N, OUT), F32),
        grid=(nb,),
        in_specs=[
            pl.BlockSpec((2000, OUT), lambda i: (i, 0)),
            pl.BlockSpec((2000, OUT), lambda i: (i, 0)),
            pl.BlockSpec((2000, OUT), lambda i: (i, 0)),
            pl.BlockSpec((2000, OUT), lambda i: (i, 0)),
            pl.BlockSpec((1, OUT), lambda i: (0, 0)),
            pl.BlockSpec((1, OUT), lambda i: (0, 0)),
            pl.BlockSpec((OUT, OUT), lambda i: (0, 0)),
            pl.BlockSpec((1, OUT), lambda i: (0, 0)),
        ],
        out_specs=pl.BlockSpec((2000, OUT), lambda i: (i, 0)),
    )(o0, o1, rsd, fd, scale.reshape(1, OUT), offset.reshape(1, OUT),
      W_agg, b_agg.reshape(1, OUT))
    return rst

# --- scband reference (transcript-rebuilt; emitter-appended) ---
"""Pipeline reference for scband-gipa2-conv-34119220199760 (READ-ONLY COPY).

The authoritative reference and input builder live on the scoring server;
editing this copy changes nothing except your own understanding.
"""

import jax, jax.numpy as jnp
import numpy as np

N = 10000
E = 320000
D_FEAT = 128
D_EDGE = 16
OUT = 128
HEADS = 1


def _edge_softmax(e, idx, num_nodes):
    m = jax.ops.segment_max(e, idx, num_segments=num_nodes)
    m = jnp.where(jnp.isfinite(m), m, 0.0)
    ex = jnp.exp(e - m[idx])
    s = jax.ops.segment_sum(ex, idx, num_segments=num_nodes)
    return ex / (s[idx] + 1e-16)


def setup_inputs(seed: int = 0):
    key = jax.random.key(seed)
    ks = jax.random.split(key, 16)
    gain = np.sqrt(2.0)

    def xavier(k, shape):
        std = gain * np.sqrt(2.0 / (shape[0] + shape[1]))
        return jax.random.normal(k, shape, jnp.float32) * std

    x = jax.random.normal(ks[0], (N, D_FEAT), jnp.float32)
    edge_index = jax.random.randint(ks[1], (2, E), 0, N)
    edge_attr = jax.random.normal(ks[2], (E, D_EDGE), jnp.float32)
    W_src = xavier(ks[3], (OUT, D_FEAT))
    W_dst = xavier(ks[4], (OUT, D_FEAT))
    b_dst = jnp.zeros((OUT,), jnp.float32)
    W_attn_src = xavier(ks[5], (OUT, D_FEAT))
    W_attn_dst = xavier(ks[6], (OUT, D_FEAT))
    W_attn_edge = xavier(ks[7], (OUT, D_EDGE))
    scale = jnp.ones((1, HEADS, OUT // HEADS), jnp.float32)
    offset = jnp.zeros((1, HEADS, OUT // HEADS), jnp.float32)
    W_agg = xavier(ks[8], (OUT, OUT))
    b_agg = jnp.zeros((OUT,), jnp.float32)
    return {
        'x': x, 'edge_index': edge_index, 'edge_attr': edge_attr,
        'W_src': W_src, 'W_dst': W_dst, 'b_dst': b_dst,
        'W_attn_src': W_attn_src, 'W_attn_dst': W_attn_dst, 'W_attn_edge': W_attn_edge,
        'scale': scale, 'offset': offset, 'W_agg': W_agg, 'b_agg': b_agg,
    }


def reference(x, edge_index, edge_attr, W_src, W_dst, b_dst, W_attn_src, W_attn_dst, W_attn_edge, scale, offset, W_agg, b_agg):
    src = edge_index[0]
    dst = edge_index[1]
    # feat_dst = feat_src (graph is not a block)
    feat_src_fc = x @ W_src.T
    attn_src = x @ W_attn_src.T
    attn_dst = x @ W_attn_dst.T
    # u_add_v + edge attention term
    e = attn_src[src] + attn_dst[dst] + edge_attr @ W_attn_edge.T
    e = jax.nn.leaky_relu(e, negative_slope=0.2)
    # edge_agg_mode == 'both_softmax'
    a_dst = _edge_softmax(e, dst, N)
    a_src = _edge_softmax(e, src, N)
    a = jnp.sqrt(jnp.clip(a_dst, 1e-9, None) * jnp.clip(a_src, 1e-9, None))
    # u_mul_e then sum over dst
    msg = feat_src_fc[src] * a
    msg_sum = jax.ops.segment_sum(msg, dst, num_segments=N)
    # agg_function with batch_norm-style per-node normalization
    h = msg_sum.reshape(-1, HEADS, OUT // HEADS)
    mean = jnp.mean(h, axis=-1, keepdims=True)
    var = jnp.var(h, axis=-1, keepdims=True) + 1e-9
    h = (h - mean) * scale * jax.lax.rsqrt(var) + offset
    rst = h.reshape(-1, OUT) @ W_agg.T + b_agg
    rst = rst + (x @ W_dst.T + b_dst)
    return rst

if __name__ == "__main__":
    import jax
    _d = setup_inputs()
    print(jax.jit(kernel)(*tuple(_d.values())))

</pallas_src>

<mosaic_0001>
#map = affine_map<(d0, d1) -> (0, 0, 0)>
#map1 = affine_map<(d0, d1) -> (0, 0)>
module attributes {stable_mosaic.version = 14 : i64} {
  func.func @_p1a_body(%arg0: i32, %arg1: i32, %arg2: memref<5000x2x64xi32, #tpu.memory_space<hbm>>, %arg3: memref<10000x128xf32, #tpu.memory_space<hbm>>, %arg4: memref<10000x128xf32, #tpu.memory_space<hbm>>, %arg5: memref<320000x128xf32, #tpu.memory_space<hbm>>, %arg6: memref<320000x128xf32, #tpu.memory_space<hbm>>, %arg7: memref<10000x128xf32, #tpu.memory_space<hbm>>, %arg8: memref<10000x128xf32, #tpu.memory_space<hbm>>, %arg9: memref<2x64xi32, #tpu.memory_space<vmem>>, %arg10: memref<2x64xi32, #tpu.memory_space<vmem>>, %arg11: memref<64x128xf32, #tpu.memory_space<vmem>>, %arg12: memref<64x128xf32, #tpu.memory_space<vmem>>, %arg13: memref<64x128xf32, #tpu.memory_space<vmem>>, %arg14: memref<64x128xf32, #tpu.memory_space<vmem>>, %arg15: memref<64x128xf32, #tpu.memory_space<vmem>>, %arg16: memref<64x128xf32, #tpu.memory_space<vmem>>, %arg17: memref<10000x128xf32, #tpu.memory_space<vmem_shared>>, %arg18: memref<!tpu.dma_semaphore, #tpu.memory_space<semaphore_mem>>, %arg19: memref<!tpu.dma_semaphore, #tpu.memory_space<semaphore_mem>>, %arg20: memref<!tpu.dma_semaphore, #tpu.memory_space<semaphore_mem>>, %arg21: memref<!tpu.dma_semaphore, #tpu.memory_space<semaphore_mem>>, %arg22: memref<!tpu.dma_semaphore, #tpu.memory_space<semaphore_mem>>, %arg23: memref<!tpu.dma_semaphore, #tpu.memory_space<semaphore_mem>>, %arg24: memref<!tpu.dma_semaphore, #tpu.memory_space<semaphore_mem>>, %arg25: memref<!tpu.dma_semaphore, #tpu.memory_space<semaphore_mem>>, %arg26: memref<!tpu.dma_semaphore, #tpu.memory_space<semaphore_mem>>, %arg27: memref<!tpu.dma_semaphore, #tpu.memory_space<semaphore_mem>>) attributes {dimension_semantics = [#tpu.dimension_semantics<core_parallel>, #tpu.dimension_semantics<subcore_parallel>], iteration_bounds = array<i64: 2, 16>, scalar_prefetch = 0 : i64, scratch_operands = 19 : i64, tpu.core_type = #tpu.core_type<sc_vector_subcore>, window_params = [{transform_indices = #map}, {transform_indices = #map1}, {transform_indices = #map1}, {transform_indices = #map1}, {transform_indices = #map1}, {transform_indices = #map1}, {transform_indices = #map1}]} {
    %mul3A = arith.constant 2 : i32
    %mul3A_0 = arith.muli %arg1, %mul3A : i32
    %add3A = arith.addi %mul3A_0, %arg0 : i32
    %scan3A = arith.constant 0 : i32
    %scan3A_1 = arith.constant 64 : i32
    %scan3A_2 = arith.addi %scan3A, %scan3A_1 : i32
    %scan3A_3 = arith.constant 1 : i32
    scf.for %scan3A_150 = %scan3A to %scan3A_2 step %scan3A_3  : i32 {
      %mul3A_151 = arith.constant 1 : i32
      %mul3A_152 = arith.muli %scan3A_150, %mul3A_151 : i32
      %add3A_153 = arith.constant 0 : i32
      %add3A_154 = arith.addi %add3A_153, %mul3A_152 : i32
      %broadcast_in_dim3A = arith.constant 0.000000e+00 : f32
      %broadcast_in_dim3A_155 = vector.broadcast %broadcast_in_dim3A : f32 to vector<16xf32>
      %swap3A = arith.index_cast %add3A_154 : i32 to index
      %swap3A_156 = arith.constant 0 : index
      %swap3A_157 = tpu.vector_load %arg13[%swap3A, %swap3A_156] {strides = array<i32>} : memref<64x128xf32, #tpu.memory_space<vmem>>, vector<1x16xf32>,
      %swap3A_158 = vector.shape_cast %swap3A_157 : vector<1x16xf32> to vector<16xf32>
      %swap3A_159 = vector.shape_cast %broadcast_in_dim3A_155 : vector<16xf32> to vector<1x16xf32>
      tpu.vector_store %arg13[%swap3A, %swap3A_156], %swap3A_159 {strides = array<i32>} : memref<64x128xf32, #tpu.memory_space<vmem>>, vector<1x16xf32>,
      %broadcast_in_dim3A_160 = arith.constant 0.000000e+00 : f32
      %broadcast_in_dim3A_161 = vector.broadcast %broadcast_in_dim3A_160 : f32 to vector<16xf32>
      %swap3A_162 = arith.index_cast %add3A_154 : i32 to index
      %swap3A_163 = arith.constant 16 : index
      %swap3A_164 = tpu.vector_load %arg13[%swap3A_162, %swap3A_163] {strides = array<i32>} : memref<64x128xf32, #tpu.memory_space<vmem>>, vector<1x16xf32>,
      %swap3A_165 = vector.shape_cast %swap3A_164 : vector<1x16xf32> to vector<16xf32>
      %swap3A_166 = vector.shape_cast %broadcast_in_dim3A_161 : vector<16xf32> to vector<1x16xf32>
      tpu.vector_store %arg13[%swap3A_162, %swap3A_163], %swap3A_166 {strides = array<i32>} : memref<64x128xf32, #tpu.memory_space<vmem>>, vector<1x16xf32>,
      %broadcast_in_dim3A_167 = arith.constant 0.000000e+00 : f32
      %broadcast_in_dim3A_168 = vector.broadcast %broadcast_in_dim3A_167 : f32 to vector<16xf32>
      %swap3A_169 = arith.index_cast %add3A_154 : i32 to index
      %swap3A_170 = arith.constant 32 : index
      %swap3A_171 = tpu.vector_load %arg13[%swap3A_169, %swap3A_170] {strides = array<i32>} : memref<64x128xf32, #tpu.memory_space<vmem>>, vector<1x16xf32>,
      %swap3A_172 = vector.shape_cast %swap3A_171 : vector<1x16xf32> to vector<16xf32>
      %swap3A_173 = vector.shape_cast %broadcast_in_dim3A_168 : vector<16xf32> to vector<1x16xf32>
      tpu.vector_store %arg13[%swap3A_169, %swap3A_170], %swap3A_173 {strides = array<i32>} : memref<64x128xf32, #tpu.memory_space<vmem>>, vector<1x16xf32>,
      %broadcast_in_dim3A_174 = arith.constant 0.000000e+00 : f32
      %broadcast_in_dim3A_175 = vector.broadcast %broadcast_in_dim3A_174 : f32 to vector<16xf32>
      %swap3A_176 = arith.index_cast %add3A_154 : i32 to index
      %swap3A_177 = arith.constant 48 : index
      %swap3A_178 = tpu.vector_load %arg13[%swap3A_176, %swap3A_177] {strides = array<i32>} : memref<64x128xf32, #tpu.memory_space<vmem>>, vector<1x16xf32>,
      %swap3A_179 = vector.shape_cast %swap3A_178 : vector<1x16xf32> to vector<16xf32>
      %swap3A_180 = vector.shape_cast %broadcast_in_dim3A_175 : vector<16xf32> to vector<1x16xf32>
      tpu.vector_store %arg13[%swap3A_176, %swap3A_177], %swap3A_180 {strides = array<i32>} : memref<64x128xf32, #tpu.memory_space<vmem>>, vector<1x16xf32>,
      %broadcast_in_dim3A_181 = arith.constant 0.000000e+00 : f32
      %broadcast_in_dim3A_182 = vector.broadcast %broadcast_in_dim3A_181 : f32 to vector<16xf32>
      %swap3A_183 = arith.index_cast %add3A_154 : i32 to index
      %swap3A_184 = arith.constant 64 : index
      %swap3A_185 = tpu.vector_load %arg13[%swap3A_183, %swap3A_184] {strides = array<i32>} : memref<64x128xf32, #tpu.memory_space<vmem>>, vector<1x16xf32>,
      %swap3A_186 = vector.shape_cast %swap3A_185 : vector<1x16xf32> to vector<16xf32>
      %swap3A_187 = vector.shape_cast %broadcast_in_dim3A_182 : vector<16xf32> to vector<1x16xf32>
      tpu.vector_store %arg13[%swap3A_183, %swap3A_184], %swap3A_187 {strides = array<i32>} : memref<64x128xf32, #tpu.memory_space<vmem>>, vector<1x16xf32>,
      %broadcast_in_dim3A_188 = arith.constant 0.000000e+00 : f32
      %broadcast_in_dim3A_189 = vector.broadcast %broadcast_in_dim3A_188 : f32 to vector<16xf32>
      %swap3A_190 = arith.index_cast %add3A_154 : i32 to index
      %swap3A_191 = arith.constant 80 : index
      %swap3A_192 = tpu.vector_load %arg13[%swap3A_190, %swap3A_191] {strides = array<i32>} : memref<64x128xf32, #tpu.memory_space<vmem>>, vector<1x16xf32>,
      %swap3A_193 = vector.shape_cast %swap3A_192 : vector<1x16xf32> to vector<16xf32>
      %swap3A_194 = vector.shape_cast %broadcast_in_dim3A_189 : vector<16xf32> to vector<1x16xf32>
      tpu.vector_store %arg13[%swap3A_190, %swap3A_191], %swap3A_194 {strides = array<i32>} : memref<64x128xf32, #tpu.memory_space<vmem>>, vector<1x16xf32>,
      %broadcast_in_dim3A_195 = arith.constant 0.000000e+00 : f32
      %broadcast_in_dim3A_196 = vector.broadcast %broadcast_in_dim3A_195 : f32 to vector<16xf32>
      %swap3A_197 = arith.index_cast %add3A_154 : i32 to index
      %swap3A_198 = arith.constant 96 : index
      %swap3A_199 = tpu.vector_load %arg13[%swap3A_197, %swap3A_198] {strides = array<i32>} : memref<64x128xf32, #tpu.memory_space<vmem>>, vector<1x16xf32>,
      %swap3A_200 = vector.shape_cast %swap3A_199 : vector<1x16xf32> to vector<16xf32>
      %swap3A_201 = vector.shape_cast %broadcast_in_dim3A_196 : vector<16xf32> to vector<1x16xf32>
      tpu.vector_store %arg13[%swap3A_197, %swap3A_198], %swap3A_201 {strides = array<i32>} : memref<64x128xf32, #tpu.memory_space<vmem>>, vector<1x16xf32>,
      %broadcast_in_dim3A_202 = arith.constant 0.000000e+00 : f32
      %broadcast_in_dim3A_203 = vector.broadcast %broadcast_in_dim3A_202 : f32 to vector<16xf32>
      %swap3A_204 = arith.index_cast %add3A_154 : i32 to index
      %swap3A_205 = arith.constant 112 : index
      %swap3A_206 = tpu.vector_load %arg13[%swap3A_204, %swap3A_205] {strides = array<i32>} : memref<64x128xf32, #tpu.memory_space<vmem>>, vector<1x16xf32>,
      %swap3A_207 = vector.shape_cast %swap3A_206 : vector<1x16xf32> to vector<16xf32>
      %swap3A_208 = vector.shape_cast %broadcast_in_dim3A_203 : vector<16xf32> to vector<1x16xf32>
      tpu.vector_store %arg13[%swap3A_204, %swap3A_205], %swap3A_208 {strides = array<i32>} : memref<64x128xf32, #tpu.memory_space<vmem>>, vector<1x16xf32>,
    }
    %scan3A_4 = arith.constant 64 : i32
    %sub3A = arith.constant 156 : i32
    %sub3A_5 = arith.subi %sub3A, %arg1 : i32
    %sub3A_6 = arith.constant 16 : i32
    %sub3A_7 = arith.constant 1 : i32
    %sub3A_8 = arith.subi %sub3A_6, %sub3A_7 : i32
    %add3A_9 = arith.addi %sub3A_5, %sub3A_8 : i32
    %div3A = arith.constant 16 : i32
    %div3A_10 = arith.divsi %add3A_9, %div3A : i32
    %while3A = arith.constant 16 : i32
    %while3A_11 = arith.constant 0 : i32
    %while3A_12 = arith.subi %div3A_10, %while3A_11 : i32
    %while3A_13 = arith.addi %while3A_11, %while3A_12 : i32
    %while3A_14 = arith.constant 1 : i32
    %while3A_15 = arith.divsi %while3A_12, %while3A_14 : i32
    %while3A_16 = arith.muli %while3A_15, %while3A_14 : i32
    %while3A_17 = arith.addi %while3A_11, %while3A_16 : i32
    %while3A_18 = arith.constant 1 : i32
    scf.for %while3A_150 = %while3A_11 to %while3A_17 step %while3A_18  : i32 {
      %mul3A_151 = arith.muli %while3A_150, %while3A : i32
      %add3A_152 = arith.addi %arg1, %mul3A_151 : i32
      %mul3A_153 = arith.constant 64 : i32
      %mul3A_154 = arith.muli %add3A_152, %mul3A_153 : i32
      %multiple_of3A_155 = tpu.assume_multiple %mul3A_154, 8 : i32
      "tpu.region"() ({
        %run_scoped3A = tpu.sem_alloc : memref<!tpu.dma_semaphore, #tpu.memory_space<semaphore_mem>>
        %dma_start3A_156 = arith.constant 0 : i32
        %dma_start3A_157 = tpu.memref_slice %arg17[%multiple_of3A_155, %dma_start3A_156] : memref<10000x128xf32, #tpu.memory_space<vmem_shared>> -> memref<64x128xf32, #tpu.memory_space<vmem_shared>>
        %dma_start3A_158 = arith.constant 0 : i32
        %dma_start3A_159 = tpu.memref_slice %arg17[%multiple_of3A_155, %dma_start3A_158] : memref<10000x128xf32, #tpu.memory_space<vmem_shared>> -> memref<64x128xf32, #tpu.memory_space<vmem_shared>>
        tpu.enqueue_dma source(%arg13 : memref<64x128xf32, #tpu.memory_space<vmem>>) target(%dma_start3A_159 : memref<64x128xf32, #tpu.memory_space<vmem_shared>>) target_semaphore(%run_scoped3A : memref<!tpu.dma_semaphore, #tpu.memory_space<semaphore_mem>>)
        %dma_wait3A_160 = arith.constant 0 : i32
        %dma_wait3A_161 = tpu.memref_slice %arg17[%multiple_of3A_155, %dma_wait3A_160] : memref<10000x128xf32, #tpu.memory_space<vmem_shared>> -> memref<64x128xf32, #tpu.memory_space<vmem_shared>>
        %dma_wait3A_162 = arith.constant 0 : i32
        %dma_wait3A_163 = tpu.memref_slice %arg17[%multiple_of3A_155, %dma_wait3A_162] : memref<10000x128xf32, #tpu.memory_space<vmem_shared>> -> memref<64x128xf32, #tpu.memory_space<vmem_shared>>
        tpu.wait_dma2 semaphore(%run_scoped3A : memref<!tpu.dma_semaphore, #tpu.memory_space<semaphore_mem>>) src(%arg13 : memref<64x128xf32, #tpu.memory_space<vmem>>) dst(%dma_wait3A_163 : memref<64x128xf32, #tpu.memory_space<vmem_shared>>)
        tpu.yield
      }) : () -> ()
    }
    %while3A_19 = arith.constant 1 : i32
    scf.for %while3A_150 = %while3A_17 to %while3A_13 step %while3A_19  : i32 {
      %mul3A_151 = arith.muli %while3A_150, %while3A : i32
      %add3A_152 = arith.addi %arg1, %mul3A_151 : i32
      %mul3A_153 = arith.constant 64 : i32
      %mul3A_154 = arith.muli %add3A_152, %mul3A_153 : i32
      %multiple_of3A_155 = tpu.assume_multiple %mul3A_154, 8 : i32
      "tpu.region"() ({
        %run_scoped3A = tpu.sem_alloc : memref<!tpu.dma_semaphore, #tpu.memory_space<semaphore_mem>>
        %dma_start3A_156 = arith.constant 0 : i32
        %dma_start3A_157 = tpu.memref_slice %arg17[%multiple_of3A_155, %dma_start3A_156] : memref<10000x128xf32, #tpu.memory_space<vmem_shared>> -> memref<64x128xf32, #tpu.memory_space<vmem_shared>>
        %dma_start3A_158 = arith.constant 0 : i32
        %dma_start3A_159 = tpu.memref_slice %arg17[%multiple_of3A_155, %dma_start3A_158] : memref<10000x128xf32, #tpu.memory_space<vmem_shared>> -> memref<64x128xf32, #tpu.memory_space<vmem_shared>>
        tpu.enqueue_dma source(%arg13 : memref<64x128xf32, #tpu.memory_space<vmem>>) target(%dma_start3A_159 : memref<64x128xf32, #tpu.memory_space<vmem_shared>>) target_semaphore(%run_scoped3A : memref<!tpu.dma_semaphore, #tpu.memory_space<semaphore_mem>>)
        %dma_wait3A_160 = arith.constant 0 : i32
        %dma_wait3A_161 = tpu.memref_slice %arg17[%multiple_of3A_155, %dma_wait3A_160] : memref<10000x128xf32, #tpu.memory_space<vmem_shared>> -> memref<64x128xf32, #tpu.memory_space<vmem_shared>>
        %dma_wait3A_162 = arith.constant 0 : i32
        %dma_wait3A_163 = tpu.memref_slice %arg17[%multiple_of3A_155, %dma_wait3A_162] : memref<10000x128xf32, #tpu.memory_space<vmem_shared>> -> memref<64x128xf32, #tpu.memory_space<vmem_shared>>
        tpu.wait_dma2 semaphore(%run_scoped3A : memref<!tpu.dma_semaphore, #tpu.memory_space<semaphore_mem>>) src(%arg13 : memref<64x128xf32, #tpu.memory_space<vmem>>) dst(%dma_wait3A_163 : memref<64x128xf32, #tpu.memory_space<vmem_shared>>)
        tpu.yield
      }) : () -> ()
    }
    %eq3A = arith.constant 0 : i32
    %eq3A_20 = arith.cmpi eq, %arg1, %eq3A : i32
    %convert_element_type3A = arith.extui %eq3A_20 : i1 to i32
    %cond3A = arith.constant 0 : i32
    %cond3A_21 = arith.cmpi ne, %convert_element_type3A, %cond3A : i32
    scf.if %cond3A_21 {
      "tpu.region"() ({
        %run_scoped3A = tpu.sem_alloc : memref<!tpu.dma_semaphore, #tpu.memory_space<semaphore_mem>>
        %dma_start3A_150 = arith.constant 0 : i32
        %dma_start3A_151 = arith.constant 0 : i32
        %dma_start3A_152 = tpu.memref_slice %arg13[%dma_start3A_150, %dma_start3A_151] : memref<64x128xf32, #tpu.memory_space<vmem>> -> memref<16x128xf32, #tpu.memory_space<vmem>>
        %dma_start3A_153 = arith.constant 9984 : i32
        %dma_start3A_154 = arith.constant 0 : i32
        %dma_start3A_155 = tpu.memref_slice %arg17[%dma_start3A_153, %dma_start3A_154] : memref<10000x128xf32, #tpu.memory_space<vmem_shared>> -> memref<16x128xf32, #tpu.memory_space<vmem_shared>>
        %dma_start3A_156 = arith.constant 9984 : i32
        %dma_start3A_157 = arith.constant 0 : i32
        %dma_start3A_158 = tpu.memref_slice %arg17[%dma_start3A_156, %dma_start3A_157] : memref<10000x128xf32, #tpu.memory_space<vmem_shared>> -> memref<16x128xf32, #tpu.memory_space<vmem_shared>>
        %dma_start3A_159 = arith.constant 0 : i32
        %dma_start3A_160 = arith.constant 0 : i32
        %dma_start3A_161 = tpu.memref_slice %arg13[%dma_start3A_159, %dma_start3A_160] : memref<64x128xf32, #tpu.memory_space<vmem>> -> memref<16x128xf32, #tpu.memory_space<vmem>>
        tpu.enqueue_dma source(%dma_start3A_161 : memref<16x128xf32, #tpu.memory_space<vmem>>) target(%dma_start3A_158 : memref<16x128xf32, #tpu.memory_space<vmem_shared>>) target_semaphore(%run_scoped3A : memref<!tpu.dma_semaphore, #tpu.memory_space<semaphore_mem>>)
        %dma_wait3A_162 = arith.constant 0 : i32
        %dma_wait3A_163 = arith.constant 0 : i32
        %dma_wait3A_164 = tpu.memref_slice %arg13[%dma_wait3A_162, %dma_wait3A_163] : memref<64x128xf32, #tpu.memory_space<vmem>> -> memref<16x128xf32, #tpu.memory_space<vmem>>
        %dma_wait3A_165 = arith.constant 9984 : i32
        %dma_wait3A_166 = arith.constant 0 : i32
        %dma_wait3A_167 = tpu.memref_slice %arg17[%dma_wait3A_165, %dma_wait3A_166] : memref<10000x128xf32, #tpu.memory_space<vmem_shared>> -> memref<16x128xf32, #tpu.memory_space<vmem_shared>>
        %dma_wait3A_168 = arith.constant 9984 : i32
        %dma_wait3A_169 = arith.constant 0 : i32
        %dma_wait3A_170 = tpu.memref_slice %arg17[%dma_wait3A_168, %dma_wait3A_169] : memref<10000x128xf32, #tpu.memory_space<vmem_shared>> -> memref<16x128xf32, #tpu.memory_space<vmem_shared>>
        %dma_wait3A_171 = arith.constant 0 : i32
        %dma_wait3A_172 = arith.constant 0 : i32
        %dma_wait3A_173 = tpu.memref_slice %arg13[%dma_wait3A_171, %dma_wait3A_172] : memref<64x128xf32, #tpu.memory_space<vmem>> -> memref<16x128xf32, #tpu.memory_space<vmem>>
        tpu.wait_dma2 semaphore(%run_scoped3A : memref<!tpu.dma_semaphore, #tpu.memory_space<semaphore_mem>>) src(%dma_wait3A_173 : memref<16x128xf32, #tpu.memory_space<vmem>>) dst(%dma_wait3A_170 : memref<16x128xf32, #tpu.memory_space<vmem_shared>>)
        tpu.yield
      }) : () -> ()
    } else {
    }
    %barrier3A = arith.constant 0 : index
    tpu.barrier barrier_id(%barrier3A)
    %sub3A_22 = arith.constant 5000 : i32
    %sub3A_23 = arith.subi %sub3A_22, %add3A : i32
    %add3A_24 = arith.constant 32 : i32
    %add3A_25 = arith.addi %sub3A_23, %add3A_24 : i32
    %sub3A_26 = arith.constant 1 : i32
    %sub3A_27 = arith.subi %add3A_25, %sub3A_26 : i32
    %jit3A = arith.constant 32 : i32
    %div3A_28 = arith.divsi %sub3A_27, %jit3A : i32
    %sign3A = arith.constant 0 : i32
    %sign3A_29 = arith.cmpi sgt, %sub3A_27, %sign3A : i32
    %sign3A_30 = arith.extui %sign3A_29 : i1 to i32
    %sign3A_31 = arith.constant 0 : i32
    %sign3A_32 = arith.cmpi slt, %sub3A_27, %sign3A_31 : i32
    %sign3A_33 = arith.extui %sign3A_32 : i1 to i32
    %sign3A_34 = arith.subi %sign3A_30, %sign3A_33 : i32
    %sign3A_35 = arith.constant 0 : i32
    %sign3A_36 = arith.cmpi sgt, %jit3A, %sign3A_35 : i32
    %sign3A_37 = arith.extui %sign3A_36 : i1 to i32
    %sign3A_38 = arith.constant 0 : i32
    %sign3A_39 = arith.cmpi slt, %jit3A, %sign3A_38 : i32
    %sign3A_40 = arith.extui %sign3A_39 : i1 to i32
    %sign3A_41 = arith.subi %sign3A_37, %sign3A_40 : i32
    %ne3A = arith.cmpi ne, %sign3A_34, %sign3A_41 : i32
    %rem3A = arith.remsi %sub3A_27, %jit3A : i32
    %ne3A_42 = arith.constant 0 : i32
    %ne3A_43 = arith.cmpi ne, %rem3A, %ne3A_42 : i32
    %and3A = arith.andi %ne3A, %ne3A_43 : i1
    %sub3A_44 = arith.constant 1 : i32
    %sub3A_45 = arith.subi %div3A_28, %sub3A_44 : i32
    %select_n3A = arith.select %and3A, %sub3A_45, %div3A_28 : i32
    %add3A_46 = arith.constant 0 : i32
    %add3A_47 = arith.addi %add3A, %add3A_46 : i32
    %mul3A_48 = arith.constant 64 : i32
    %mul3A_49 = arith.muli %add3A_47, %mul3A_48 : i32
    %multiple_of3A = tpu.assume_multiple %mul3A_49, 8 : i32
    "tpu.region"() ({
      %run_scoped3A = tpu.sem_alloc : memref<!tpu.dma_semaphore, #tpu.memory_space<semaphore_mem>>
      %dma_start3A_150 = arith.constant 0 : i32
      %dma_start3A_151 = arith.constant 0 : i32
      %dma_start3A_152 = tpu.memref_slice %arg2[%add3A_47, %dma_start3A_150, %dma_start3A_151] : memref<5000x2x64xi32, #tpu.memory_space<hbm>> -> memref<1x2x64xi32, #tpu.memory_space<hbm>>
      %dma_start3A_153 = tpu.memref_squeeze %dma_start3A_152 : memref<1x2x64xi32, #tpu.memory_space<hbm>> -> memref<2x64xi32, #tpu.memory_space<hbm>>
      %dma_start3A_154 = arith.constant 0 : i32
      %dma_start3A_155 = arith.constant 0 : i32
      %dma_start3A_156 = tpu.memref_slice %arg2[%add3A_47, %dma_start3A_154, %dma_start3A_155] : memref<5000x2x64xi32, #tpu.memory_space<hbm>> -> memref<1x2x64xi32, #tpu.memory_space<hbm>>
      %dma_start3A_157 = tpu.memref_squeeze %dma_start3A_156 : memref<1x2x64xi32, #tpu.memory_space<hbm>> -> memref<2x64xi32, #tpu.memory_space<hbm>>
      tpu.enqueue_dma source(%dma_start3A_157 : memref<2x64xi32, #tpu.memory_space<hbm>>) target(%arg9 : memref<2x64xi32, #tpu.memory_space<vmem>>) target_semaphore(%run_scoped3A : memref<!tpu.dma_semaphore, #tpu.memory_space<semaphore_mem>>)
      %dma_wait3A_158 = arith.constant 0 : i32
      %dma_wait3A_159 = arith.constant 0 : i32
      %dma_wait3A_160 = tpu.memref_slice %arg2[%add3A_47, %dma_wait3A_158, %dma_wait3A_159] : memref<5000x2x64xi32, #tpu.memory_space<hbm>> -> memref<1x2x64xi32, #tpu.memory_space<hbm>>
      %dma_wait3A_161 = tpu.memref_squeeze %dma_wait3A_160 : memref<1x2x64xi32, #tpu.memory_space<hbm>> -> memref<2x64xi32, #tpu.memory_space<hbm>>
      %dma_wait3A_162 = arith.constant 0 : i32
      %dma_wait3A_163 = arith.constant 0 : i32
      %dma_wait3A_164 = tpu.memref_slice %arg2[%add3A_47, %dma_wait3A_162, %dma_wait3A_163] : memref<5000x2x64xi32, #tpu.memory_space<hbm>> -> memref<1x2x64xi32, #tpu.memory_space<hbm>>
      %dma_wait3A_165 = tpu.memref_squeeze %dma_wait3A_164 : memref<1x2x64xi32, #tpu.memory_space<hbm>> -> memref<2x64xi32, #tpu.memory_space<hbm>>
      tpu.wait_dma2 semaphore(%run_scoped3A : memref<!tpu.dma_semaphore, #tpu.memory_space<semaphore_mem>>) src(%dma_wait3A_165 : memref<2x64xi32, #tpu.memory_space<hbm>>) dst(%arg9 : memref<2x64xi32, #tpu.memory_space<vmem>>)
      tpu.yield
    }) : () -> ()
    %dma_start3A = arith.constant 0 : i32
    %dma_start3A_50 = arith.constant 0 : i32
    %dma_start3A_51 = tpu.memref_slice %arg9[%dma_start3A, %dma_start3A_50] : memref<2x64xi32, #tpu.memory_space<vmem>> -> memref<1x64xi32, #tpu.memory_space<vmem>>
    %dma_start3A_52 = tpu.memref_squeeze %dma_start3A_51 : memref<1x64xi32, #tpu.memory_space<vmem>> -> memref<64xi32, #tpu.memory_space<vmem>>
    %dma_start3A_53 = arith.constant 0 : i32
    %dma_start3A_54 = arith.constant 0 : i32
    %dma_start3A_55 = tpu.memref_slice %arg3[%dma_start3A_53, %dma_start3A_54] : memref<10000x128xf32, #tpu.memory_space<hbm>> -> memref<10000x128xf32, #tpu.memory_space<hbm>>
    tpu.enqueue_indirect_dma source(%dma_start3A_55 : memref<10000x128xf32, #tpu.memory_space<hbm>>) target(%arg11 : memref<64x128xf32, #tpu.memory_space<vmem>>) offsets(%dma_start3A_52 : memref<64xi32, #tpu.memory_space<vmem>>) semaphore(%arg18 : memref<!tpu.dma_semaphore, #tpu.memory_space<semaphore_mem>>)
    %dma_start3A_56 = arith.constant 1 : i32
    %dma_start3A_57 = arith.constant 0 : i32
    %dma_start3A_58 = tpu.memref_slice %arg9[%dma_start3A_56, %dma_start3A_57] : memref<2x64xi32, #tpu.memory_space<vmem>> -> memref<1x64xi32, #tpu.memory_space<vmem>>
    %dma_start3A_59 = tpu.memref_squeeze %dma_start3A_58 : memref<1x64xi32, #tpu.memory_space<vmem>> -> memref<64xi32, #tpu.memory_space<vmem>>
    %dma_start3A_60 = arith.constant 0 : i32
    %dma_start3A_61 = arith.constant 0 : i32
    %dma_start3A_62 = tpu.memref_slice %arg4[%dma_start3A_60, %dma_start3A_61] : memref<10000x128xf32, #tpu.memory_space<hbm>> -> memref<10000x128xf32, #tpu.memory_space<hbm>>
    tpu.enqueue_indirect_dma source(%dma_start3A_62 : memref<10000x128xf32, #tpu.memory_space<hbm>>) target(%arg12 : memref<64x128xf32, #tpu.memory_space<vmem>>) offsets(%dma_start3A_59 : memref<64xi32, #tpu.memory_space<vmem>>) semaphore(%arg19 : memref<!tpu.dma_semaphore, #tpu.memory_space<semaphore_mem>>)
    %dma_start3A_63 = arith.constant 0 : i32
    %dma_start3A_64 = tpu.memref_slice %arg5[%multiple_of3A, %dma_start3A_63] : memref<320000x128xf32, #tpu.memory_space<hbm>> -> memref<64x128xf32, #tpu.memory_space<hbm>>
    %dma_start3A_65 = arith.constant 0 : i32
    %dma_start3A_66 = tpu.memref_slice %arg5[%multiple_of3A, %dma_start3A_65] : memref<320000x128xf32, #tpu.memory_space<hbm>> -> memref<64x128xf32, #tpu.memory_space<hbm>>
    tpu.enqueue_dma source(%dma_start3A_66 : memref<64x128xf32, #tpu.memory_space<hbm>>) target(%arg13 : memref<64x128xf32, #tpu.memory_space<vmem>>) target_semaphore(%arg20 : memref<!tpu.dma_semaphore, #tpu.memory_space<semaphore_mem>>)
    %add3A_67 = arith.constant 1 : i32
    %add3A_68 = arith.addi %select_n3A, %add3A_67 : i32
    %jit3A_69 = arith.constant 2 : i32
    %div3A_70 = arith.divsi %add3A_68, %jit3A_69 : i32
    %sign3A_71 = arith.constant 0 : i32
    %sign3A_72 = arith.cmpi sgt, %add3A_68, %sign3A_71 : i32
    %sign3A_73 = arith.extui %sign3A_72 : i1 to i32
    %sign3A_74 = arith.constant 0 : i32
    %sign3A_75 = arith.cmpi slt, %add3A_68, %sign3A_74 : i32
    %sign3A_76 = arith.extui %sign3A_75 : i1 to i32
    %sign3A_77 = arith.subi %sign3A_73, %sign3A_76 : i32
    %sign3A_78 = arith.constant 0 : i32
    %sign3A_79 = arith.cmpi sgt, %jit3A_69, %sign3A_78 : i32
    %sign3A_80 = arith.extui %sign3A_79 : i1 to i32
    %sign3A_81 = arith.constant 0 : i32
    %sign3A_82 = arith.cmpi slt, %jit3A_69, %sign3A_81 : i32
    %sign3A_83 = arith.extui %sign3A_82 : i1 to i32
    %sign3A_84 = arith.subi %sign3A_80, %sign3A_83 : i32
    %ne3A_85 = arith.cmpi ne, %sign3A_77, %sign3A_84 : i32
    %rem3A_86 = arith.remsi %add3A_68, %jit3A_69 : i32
    %ne3A_87 = arith.constant 0 : i32
    %ne3A_88 = arith.cmpi ne, %rem3A_86, %ne3A_87 : i32
    %and3A_89 = arith.andi %ne3A_85, %ne3A_88 : i1
    %sub3A_90 = arith.constant 1 : i32
    %sub3A_91 = arith.subi %div3A_70, %sub3A_90 : i32
    %select_n3A_92 = arith.select %and3A_89, %sub3A_91, %div3A_70 : i32
    %mul3A_93 = arith.constant 2 : i32
    %mul3A_94 = arith.muli %select_n3A_92, %mul3A_93 : i32
    %sub3A_95 = arith.constant 0 : i32
    %sub3A_96 = arith.subi %mul3A_94, %sub3A_95 : i32
    %sub3A_97 = arith.constant 2 : i32
    %sub3A_98 = arith.constant 1 : i32
    %sub3A_99 = arith.subi %sub3A_97, %sub3A_98 : i32
    %add3A_100 = arith.addi %sub3A_96, %sub3A_99 : i32
    %div3A_101 = arith.constant 2 : i32
    %div3A_102 = arith.divsi %add3A_100, %div3A_101 : i32
    %while3A_103 = arith.constant 2 : i32
    %while3A_104 = arith.constant 0 : i32
    %while3A_105 = arith.constant 0 : i32
    %while3A_106 = arith.subi %div3A_102, %while3A_105 : i32
    %while3A_107 = arith.addi %while3A_105, %while3A_106 : i32
    %while3A_108 = arith.constant 1 : i32
    %while3A_109 = arith.divsi %while3A_106, %while3A_108 : i32
    %while3A_110 = arith.muli %while3A_109, %while3A_108 : i32
    %while3A_111 = arith.addi %while3A_105, %while3A_110 : i32
    %while3A_112 = arith.constant 1 : i32
    scf.for %while3A_150 = %while3A_105 to %while3A_111 step %while3A_112  : i32 {
      %mul3A_151 = arith.muli %while3A_150, %while3A_103 : i32
      %add3A_152 = arith.addi %while3A_104, %mul3A_151 : i32
      %add3A_153 = arith.constant 0 : i32
      %add3A_154 = arith.addi %add3A_152, %add3A_153 : i32
      %lt3A = arith.cmpi slt, %add3A_154, %select_n3A : i32
      %convert_element_type3A_155 = arith.extui %lt3A : i1 to i32
      %cond3A_156 = arith.constant 0 : i32
      %cond3A_157 = arith.cmpi ne, %convert_element_type3A_155, %cond3A_156 : i32
      scf.if %cond3A_157 {
        %dma_wait3A_164 = arith.constant 0 : i32
        %dma_wait3A_165 = arith.constant 0 : i32
        %dma_wait3A_166 = tpu.memref_slice %arg9[%dma_wait3A_164, %dma_wait3A_165] : memref<2x64xi32, #tpu.memory_space<vmem>> -> memref<1x64xi32, #tpu.memory_space<vmem>>
        %dma_wait3A_167 = tpu.memref_squeeze %dma_wait3A_166 : memref<1x64xi32, #tpu.memory_space<vmem>> -> memref<64xi32, #tpu.memory_space<vmem>>
        %dma_wait3A_168 = arith.constant 0 : i32
        %dma_wait3A_169 = arith.constant 0 : i32
        %dma_wait3A_170 = tpu.memref_slice %arg3[%dma_wait3A_168, %dma_wait3A_169] : memref<10000x128xf32, #tpu.memory_space<hbm>> -> memref<10000x128xf32, #tpu.memory_space<hbm>>
        tpu.wait_indirect_dma semaphore(%arg18 : memref<!tpu.dma_semaphore, #tpu.memory_space<semaphore_mem>>) src(%dma_wait3A_170 : memref<10000x128xf32, #tpu.memory_space<hbm>>) dst(%arg11 : memref<64x128xf32, #tpu.memory_space<vmem>>)
        %dma_wait3A_171 = arith.constant 1 : i32
        %dma_wait3A_172 = arith.constant 0 : i32
        %dma_wait3A_173 = tpu.memref_slice %arg9[%dma_wait3A_171, %dma_wait3A_172] : memref<2x64xi32, #tpu.memory_space<vmem>> -> memref<1x64xi32, #tpu.memory_space<vmem>>
        %dma_wait3A_174 = tpu.memref_squeeze %dma_wait3A_173 : memref<1x64xi32, #tpu.memory_space<vmem>> -> memref<64xi32, #tpu.memory_space<vmem>>
        %dma_wait3A_175 = arith.constant 0 : i32
        %dma_wait3A_176 = arith.constant 0 : i32
        %dma_wait3A_177 = tpu.memref_slice %arg4[%dma_wait3A_175, %dma_wait3A_176] : memref<10000x128xf32, #tpu.memory_space<hbm>> -> memref<10000x128xf32, #tpu.memory_space<hbm>>
        tpu.wait_indirect_dma semaphore(%arg19 : memref<!tpu.dma_semaphore, #tpu.memory_space<semaphore_mem>>) src(%dma_wait3A_177 : memref<10000x128xf32, #tpu.memory_space<hbm>>) dst(%arg12 : memref<64x128xf32, #tpu.memory_space<vmem>>)
        %dma_wait3A_178 = arith.constant 0 : i32
        %dma_wait3A_179 = arith.constant 0 : i32
        %dma_wait3A_180 = tpu.memref_slice %arg5[%dma_wait3A_178, %dma_wait3A_179] : memref<320000x128xf32, #tpu.memory_space<hbm>> -> memref<64x128xf32, #tpu.memory_space<hbm>>
        %dma_wait3A_181 = arith.constant 0 : i32
        %dma_wait3A_182 = arith.constant 0 : i32
        %dma_wait3A_183 = tpu.memref_slice %arg5[%dma_wait3A_181, %dma_wait3A_182] : memref<320000x128xf32, #tpu.memory_space<hbm>> -> memref<64x128xf32, #tpu.memory_space<hbm>>
        tpu.wait_dma2 semaphore(%arg20 : memref<!tpu.dma_semaphore, #tpu.memory_space<semaphore_mem>>) src(%dma_wait3A_183 : memref<64x128xf32, #tpu.memory_space<hbm>>) dst(%arg13 : memref<64x128xf32, #tpu.memory_space<vmem>>)
        %add3A_184 = arith.constant 1 : i32
        %add3A_185 = arith.addi %add3A_154, %add3A_184 : i32
        %lt3A_186 = arith.cmpi slt, %add3A_185, %select_n3A : i32
        %ge3A = arith.constant 1 : i32
        %ge3A_187 = arith.cmpi sge, %add3A_154, %ge3A : i32
        %and3A_188 = arith.andi %lt3A_186, %ge3A_187 : i1
        %convert_element_type3A_189 = arith.extui %and3A_188 : i1 to i32
        %cond3A_190 = arith.constant 0 : i32
        %cond3A_191 = arith.cmpi ne, %convert_element_type3A_189, %cond3A_190 : i32
        scf.if %cond3A_191 {
          %dma_wait3A_220 = arith.constant 0 : i32
          %dma_wait3A_221 = arith.constant 0 : i32
          %dma_wait3A_222 = tpu.memref_slice %arg6[%dma_wait3A_220, %dma_wait3A_221] : memref<320000x128xf32, #tpu.memory_space<hbm>> -> memref<64x128xf32, #tpu.memory_space<hbm>>
          %dma_wait3A_223 = arith.constant 0 : i32
          %dma_wait3A_224 = arith.constant 0 : i32
          %dma_wait3A_225 = tpu.memref_slice %arg6[%dma_wait3A_223, %dma_wait3A_224] : memref<320000x128xf32, #tpu.memory_space<hbm>> -> memref<64x128xf32, #tpu.memory_space<hbm>>
          tpu.wait_dma2 semaphore(%arg26 : memref<!tpu.dma_semaphore, #tpu.memory_space<semaphore_mem>>) src(%arg15 : memref<64x128xf32, #tpu.memory_space<vmem>>) dst(%dma_wait3A_225 : memref<64x128xf32, #tpu.memory_space<hbm>>)
          %dma_wait3A_226 = arith.constant 1 : i32
          %dma_wait3A_227 = arith.constant 0 : i32
          %dma_wait3A_228 = tpu.memref_slice %arg10[%dma_wait3A_226, %dma_wait3A_227] : memref<2x64xi32, #tpu.memory_space<vmem>> -> memref<1x64xi32, #tpu.memory_space<vmem>>
          %dma_wait3A_229 = tpu.memref_squeeze %dma_wait3A_228 : memref<1x64xi32, #tpu.memory_space<vmem>> -> memref<64xi32, #tpu.memory_space<vmem>>
          %dma_wait3A_230 = arith.constant 0 : i32
          %dma_wait3A_231 = arith.constant 0 : i32
          %dma_wait3A_232 = tpu.memref_slice %arg17[%dma_wait3A_230, %dma_wait3A_231] : memref<10000x128xf32, #tpu.memory_space<vmem_shared>> -> memref<10000x128xf32, #tpu.memory_space<vmem_shared>>
          tpu.wait_indirect_dma semaphore(%arg27 : memref<!tpu.dma_semaphore, #tpu.memory_space<semaphore_mem>>) src(%arg15 : memref<64x128xf32, #tpu.memory_space<vmem>>) dst(%dma_wait3A_232 : memref<10000x128xf32, #tpu.memory_space<vmem_shared>>)
        } else {
        }
        %add3A_192 = arith.constant 1 : i32
        %add3A_193 = arith.addi %add3A_154, %add3A_192 : i32
        %lt3A_194 = arith.cmpi slt, %add3A_193, %select_n3A : i32
        %convert_element_type3A_195 = arith.extui %lt3A_194 : i1 to i32
        %cond3A_196 = arith.constant 0 : i32
        %cond3A_197 = arith.cmpi ne, %convert_element_type3A_195, %cond3A_196 : i32
        scf.if %cond3A_197 {
          %add3A_220 = arith.constant 1 : i32
          %add3A_221 = arith.addi %add3A_154, %add3A_220 : i32
          %mul3A_222 = arith.constant 32 : i32
          %mul3A_223 = arith.muli %add3A_221, %mul3A_222 : i32
          %add3A_224 = arith.addi %add3A, %mul3A_223 : i32
          %mul3A_225 = arith.constant 64 : i32
          %mul3A_226 = arith.muli %add3A_224, %mul3A_225 : i32
          %multiple_of3A_227 = tpu.assume_multiple %mul3A_226, 8 : i32
          "tpu.region"() ({
            %run_scoped3A = tpu.sem_alloc : memref<!tpu.dma_semaphore, #tpu.memory_space<semaphore_mem>>
            %dma_start3A_246 = arith.constant 0 : i32
            %dma_start3A_247 = arith.constant 0 : i32
            %dma_start3A_248 = tpu.memref_slice %arg2[%add3A_224, %dma_start3A_246, %dma_start3A_247] : memref<5000x2x64xi32, #tpu.memory_space<hbm>> -> memref<1x2x64xi32, #tpu.memory_space<hbm>>
            %dma_start3A_249 = tpu.memref_squeeze %dma_start3A_248 : memref<1x2x64xi32, #tpu.memory_space<hbm>> -> memref<2x64xi32, #tpu.memory_space<hbm>>
            %dma_start3A_250 = arith.constant 0 : i32
            %dma_start3A_251 = arith.constant 0 : i32
            %dma_start3A_252 = tpu.memref_slice %arg2[%add3A_224, %dma_start3A_250, %dma_start3A_251] : memref<5000x2x64xi32, #tpu.memory_space<hbm>> -> memref<1x2x64xi32, #tpu.memory_space<hbm>>
            %dma_start3A_253 = tpu.memref_squeeze %dma_start3A_252 : memref<1x2x64xi32, #tpu.memory_space<hbm>> -> memref<2x64xi32, #tpu.memory_space<hbm>>
            tpu.enqueue_dma source(%dma_start3A_253 : memref<2x64xi32, #tpu.memory_space<hbm>>) target(%arg10 : memref<2x64xi32, #tpu.memory_space<vmem>>) target_semaphore(%run_scoped3A : memref<!tpu.dma_semaphore, #tpu.memory_space<semaphore_mem>>)
            %dma_wait3A_254 = arith.constant 0 : i32
            %dma_wait3A_255 = arith.constant 0 : i32
            %dma_wait3A_256 = tpu.memref_slice %arg2[%add3A_224, %dma_wait3A_254, %dma_wait3A_255] : memref<5000x2x64xi32, #tpu.memory_space<hbm>> -> memref<1x2x64xi32, #tpu.memory_space<hbm>>
            %dma_wait3A_257 = tpu.memref_squeeze %dma_wait3A_256 : memref<1x2x64xi32, #tpu.memory_space<hbm>> -> memref<2x64xi32, #tpu.memory_space<hbm>>
            %dma_wait3A_258 = arith.constant 0 : i32
            %dma_wait3A_259 = arith.constant 0 : i32
            %dma_wait3A_260 = tpu.memref_slice %arg2[%add3A_224, %dma_wait3A_258, %dma_wait3A_259] : memref<5000x2x64xi32, #tpu.memory_space<hbm>> -> memref<1x2x64xi32, #tpu.memory_space<hbm>>
            %dma_wait3A_261 = tpu.memref_squeeze %dma_wait3A_260 : memref<1x2x64xi32, #tpu.memory_space<hbm>> -> memref<2x64xi32, #tpu.memory_space<hbm>>
            tpu.wait_dma2 semaphore(%run_scoped3A : memref<!tpu.dma_semaphore, #tpu.memory_space<semaphore_mem>>) src(%dma_wait3A_261 : memref<2x64xi32, #tpu.memory_space<hbm>>) dst(%arg10 : memref<2x64xi32, #tpu.memory_space<vmem>>)
            tpu.yield
          }) : () -> ()
          %dma_start3A_228 = arith.constant 0 : i32
          %dma_start3A_229 = arith.constant 0 : i32
          %dma_start3A_230 = tpu.memref_slice %arg10[%dma_start3A_228, %dma_start3A_229] : memref<2x64xi32, #tpu.memory_space<vmem>> -> memref<1x64xi32, #tpu.memory_space<vmem>>
          %dma_start3A_231 = tpu.memref_squeeze %dma_start3A_230 : memref<1x64xi32, #tpu.memory_space<vmem>> -> memref<64xi32, #tpu.memory_space<vmem>>
          %dma_start3A_232 = arith.constant 0 : i32
          %dma_start3A_233 = arith.constant 0 : i32
          %dma_start3A_234 = tpu.memref_slice %arg3[%dma_start3A_232, %dma_start3A_233] : memref<10000x128xf32, #tpu.memory_space<hbm>> -> memref<10000x128xf32, #tpu.memory_space<hbm>>
          tpu.enqueue_indirect_dma source(%dma_start3A_234 : memref<10000x128xf32, #tpu.memory_space<hbm>>) target(%arg14 : memref<64x128xf32, #tpu.memory_space<vmem>>) offsets(%dma_start3A_231 : memref<64xi32, #tpu.memory_space<vmem>>) semaphore(%arg23 : memref<!tpu.dma_semaphore, #tpu.memory_space<semaphore_mem>>)
          %dma_start3A_235 = arith.constant 1 : i32
          %dma_start3A_236 = arith.constant 0 : i32
          %dma_start3A_237 = tpu.memref_slice %arg10[%dma_start3A_235, %dma_start3A_236] : memref<2x64xi32, #tpu.memory_space<vmem>> -> memref<1x64xi32, #tpu.memory_space<vmem>>
          %dma_start3A_238 = tpu.memref_squeeze %dma_start3A_237 : memref<1x64xi32, #tpu.memory_space<vmem>> -> memref<64xi32, #tpu.memory_space<vmem>>
          %dma_start3A_239 = arith.constant 0 : i32
          %dma_start3A_240 = arith.constant 0 : i32
          %dma_start3A_241 = tpu.memref_slice %arg4[%dma_start3A_239, %dma_start3A_240] : memref<10000x128xf32, #tpu.memory_space<hbm>> -> memref<10000x128xf32, #tpu.memory_space<hbm>>
          tpu.enqueue_indirect_dma source(%dma_start3A_241 : memref<10000x128xf32, #tpu.memory_space<hbm>>) target(%arg15 : memref<64x128xf32, #tpu.memory_space<vmem>>) offsets(%dma_start3A_238 : memref<64xi32, #tpu.memory_space<vmem>>) semaphore(%arg24 : memref<!tpu.dma_semaphore, #tpu.memory_space<semaphore_mem>>)
          %dma_start3A_242 = arith.constant 0 : i32
          %dma_start3A_243 = tpu.memref_slice %arg5[%multiple_of3A_227, %dma_start3A_242] : memref<320000x128xf32, #tpu.memory_space<hbm>> -> memref<64x128xf32, #tpu.memory_space<hbm>>
          %dma_start3A_244 = arith.constant 0 : i32
          %dma_start3A_245 = tpu.memref_slice %arg5[%multiple_of3A_227, %dma_start3A_244] : memref<320000x128xf32, #tpu.memory_space<hbm>> -> memref<64x128xf32, #tpu.memory_space<hbm>>
          tpu.enqueue_dma source(%dma_start3A_245 : memref<64x128xf32, #tpu.memory_space<hbm>>) target(%arg16 : memref<64x128xf32, #tpu.memory_space<vmem>>) target_semaphore(%arg25 : memref<!tpu.dma_semaphore, #tpu.memory_space<semaphore_mem>>)
        } else {
        }
        %scan3A_198 = arith.constant 0 : i32
        %scan3A_199 = arith.constant 64 : i32
        %scan3A_200 = arith.addi %scan3A_198, %scan3A_199 : i32
        %scan3A_201 = arith.constant 1 : i32
        scf.for %scan3A_220 = %scan3A_198 to %scan3A_200 step %scan3A_201  : i32 {
          %mul3A_221 = arith.constant 1 : i32
          %mul3A_222 = arith.muli %scan3A_220, %mul3A_221 : i32
          %add3A_223 = arith.constant 0 : i32
          %add3A_224 = arith.addi %add3A_223, %mul3A_222 : i32
          %get3A = arith.index_cast %add3A_224 : i32 to index
          %get3A_225 = arith.constant 0 : index
          %get3A_226 = tpu.vector_load %arg11[%get3A, %get3A_225] {strides = array<i32>} : memref<64x128xf32, #tpu.memory_space<vmem>>, vector<1x16xf32>,
          %get3A_227 = vector.shape_cast %get3A_226 : vector<1x16xf32> to vector<16xf32>
          %get3A_228 = arith.index_cast %add3A_224 : i32 to index
          %get3A_229 = arith.constant 0 : index
          %get3A_230 = tpu.vector_load %arg12[%get3A_228, %get3A_229] {strides = array<i32>} : memref<64x128xf32, #tpu.memory_space<vmem>>, vector<1x16xf32>,
          %get3A_231 = vector.shape_cast %get3A_230 : vector<1x16xf32> to vector<16xf32>
          %add3A_232 = arith.addf %get3A_227, %get3A_231 : vector<16xf32>
          %get3A_233 = arith.index_cast %add3A_224 : i32 to index
          %get3A_234 = arith.constant 0 : index
          %get3A_235 = tpu.vector_load %arg13[%get3A_233, %get3A_234] {strides = array<i32>} : memref<64x128xf32, #tpu.memory_space<vmem>>, vector<1x16xf32>,
          %get3A_236 = vector.shape_cast %get3A_235 : vector<1x16xf32> to vector<16xf32>
          %add3A_237 = arith.addf %add3A_232, %get3A_236 : vector<16xf32>
          %mul3A_238 = arith.constant 2.000000e-01 : f32
          %mul3A_239 = vector.broadcast %mul3A_238 : f32 to vector<16xf32>
          %mul3A_240 = arith.mulf %mul3A_239, %add3A_237 : vector<16xf32>
          %max3A = arith.maximumf %add3A_237, %mul3A_240 : vector<16xf32>
          %exp3A = math.exp %max3A : vector<16xf32>
          %swap3A = arith.index_cast %add3A_224 : i32 to index
          %swap3A_241 = arith.constant 0 : index
          %swap3A_242 = tpu.vector_load %arg12[%swap3A, %swap3A_241] {strides = array<i32>} : memref<64x128xf32, #tpu.memory_space<vmem>>, vector<1x16xf32>,
          %swap3A_243 = vector.shape_cast %swap3A_242 : vector<1x16xf32> to vector<16xf32>
          %swap3A_244 = vector.shape_cast %exp3A : vector<16xf32> to vector<1x16xf32>
          tpu.vector_store %arg12[%swap3A, %swap3A_241], %swap3A_244 {strides = array<i32>} : memref<64x128xf32, #tpu.memory_space<vmem>>, vector<1x16xf32>,
          %get3A_245 = arith.index_cast %add3A_224 : i32 to index
          %get3A_246 = arith.constant 16 : index
          %get3A_247 = tpu.vector_load %arg11[%get3A_245, %get3A_246] {strides = array<i32>} : memref<64x128xf32, #tpu.memory_space<vmem>>, vector<1x16xf32>,
          %get3A_248 = vector.shape_cast %get3A_247 : vector<1x16xf32> to vector<16xf32>
          %get3A_249 = arith.index_cast %add3A_224 : i32 to index
          %get3A_250 = arith.constant 16 : index
          %get3A_251 = tpu.vector_load %arg12[%get3A_249, %get3A_250] {strides = array<i32>} : memref<64x128xf32, #tpu.memory_space<vmem>>, vector<1x16xf32>,
          %get3A_252 = vector.shape_cast %get3A_251 : vector<1x16xf32> to vector<16xf32>
          %add3A_253 = arith.addf %get3A_248, %get3A_252 : vector<16xf32>
          %get3A_254 = arith.index_cast %add3A_224 : i32 to index
          %get3A_255 = arith.constant 16 : index
          %get3A_256 = tpu.vector_load %arg13[%get3A_254, %get3A_255] {strides = array<i32>} : memref<64x128xf32, #tpu.memory_space<vmem>>, vector<1x16xf32>,
          %get3A_257 = vector.shape_cast %get3A_256 : vector<1x16xf32> to vector<16xf32>
          %add3A_258 = arith.addf %add3A_253, %get3A_257 : vector<16xf32>
          %mul3A_259 = arith.constant 2.000000e-01 : f32
          %mul3A_260 = vector.broadcast %mul3A_259 : f32 to vector<16xf32>
          %mul3A_261 = arith.mulf %mul3A_260, %add3A_258 : vector<16xf32>
          %max3A_262 = arith.maximumf %add3A_258, %mul3A_261 : vector<16xf32>
          %exp3A_263 = math.exp %max3A_262 : vector<16xf32>
          %swap3A_264 = arith.index_cast %add3A_224 : i32 to index
          %swap3A_265 = arith.constant 16 : index
          %swap3A_266 = tpu.vector_load %arg12[%swap3A_264, %swap3A_265] {strides = array<i32>} : memref<64x128xf32, #tpu.memory_space<vmem>>, vector<1x16xf32>,
          %swap3A_267 = vector.shape_cast %swap3A_266 : vector<1x16xf32> to vector<16xf32>
          %swap3A_268 = vector.shape_cast %exp3A_263 : vector<16xf32> to vector<1x16xf32>
          tpu.vector_store %arg12[%swap3A_264, %swap3A_265], %swap3A_268 {strides = array<i32>} : memref<64x128xf32, #tpu.memory_space<vmem>>, vector<1x16xf32>,
          %get3A_269 = arith.index_cast %add3A_224 : i32 to index
          %get3A_270 = arith.constant 32 : index
          %get3A_271 = tpu.vector_load %arg11[%get3A_269, %get3A_270] {strides = array<i32>} : memref<64x128xf32, #tpu.memory_space<vmem>>, vector<1x16xf32>,
          %get3A_272 = vector.shape_cast %get3A_271 : vector<1x16xf32> to vector<16xf32>
          %get3A_273 = arith.index_cast %add3A_224 : i32 to index
          %get3A_274 = arith.constant 32 : index
          %get3A_275 = tpu.vector_load %arg12[%get3A_273, %get3A_274] {strides = array<i32>} : memref<64x128xf32, #tpu.memory_space<vmem>>, vector<1x16xf32>,
          %get3A_276 = vector.shape_cast %get3A_275 : vector<1x16xf32> to vector<16xf32>
          %add3A_277 = arith.addf %get3A_272, %get3A_276 : vector<16xf32>
          %get3A_278 = arith.index_cast %add3A_224 : i32 to index
          %get3A_279 = arith.constant 32 : index
          %get3A_280 = tpu.vector_load %arg13[%get3A_278, %get3A_279] {strides = array<i32>} : memref<64x128xf32, #tpu.memory_space<vmem>>, vector<1x16xf32>,
          %get3A_281 = vector.shape_cast %get3A_280 : vector<1x16xf32> to vector<16xf32>
          %add3A_282 = arith.addf %add3A_277, %get3A_281 : vector<16xf32>
          %mul3A_283 = arith.constant 2.000000e-01 : f32
          %mul3A_284 = vector.broadcast %mul3A_283 : f32 to vector<16xf32>
          %mul3A_285 = arith.mulf %mul3A_284, %add3A_282 : vector<16xf32>
          %max3A_286 = arith.maximumf %add3A_282, %mul3A_285 : vector<16xf32>
          %exp3A_287 = math.exp %max3A_286 : vector<16xf32>
          %swap3A_288 = arith.index_cast %add3A_224 : i32 to index
          %swap3A_289 = arith.constant 32 : index
          %swap3A_290 = tpu.vector_load %arg12[%swap3A_288, %swap3A_289] {strides = array<i32>} : memref<64x128xf32, #tpu.memory_space<vmem>>, vector<1x16xf32>,
          %swap3A_291 = vector.shape_cast %swap3A_290 : vector<1x16xf32> to vector<16xf32>
          %swap3A_292 = vector.shape_cast %exp3A_287 : vector<16xf32> to vector<1x16xf32>
          tpu.vector_store %arg12[%swap3A_288, %swap3A_289], %swap3A_292 {strides = array<i32>} : memref<64x128xf32, #tpu.memory_space<vmem>>, vector<1x16xf32>,
          %get3A_293 = arith.index_cast %add3A_224 : i32 to index
          %get3A_294 = arith.constant 48 : index
          %get3A_295 = tpu.vector_load %arg11[%get3A_293, %get3A_294] {strides = array<i32>} : memref<64x128xf32, #tpu.memory_space<vmem>>, vector<1x16xf32>,
          %get3A_296 = vector.shape_cast %get3A_295 : vector<1x16xf32> to vector<16xf32>
          %get3A_297 = arith.index_cast %add3A_224 : i32 to index
          %get3A_298 = arith.constant 48 : index
          %get3A_299 = tpu.vector_load %arg12[%get3A_297, %get3A_298] {strides = array<i32>} : memref<64x128xf32, #tpu.memory_space<vmem>>, vector<1x16xf32>,
          %get3A_300 = vector.shape_cast %get3A_299 : vector<1x16xf32> to vector<16xf32>
          %add3A_301 = arith.addf %get3A_296, %get3A_300 : vector<16xf32>
          %get3A_302 = arith.index_cast %add3A_224 : i32 to index
          %get3A_303 = arith.constant 48 : index
          %get3A_304 = tpu.vector_load %arg13[%get3A_302, %get3A_303] {strides = array<i32>} : memref<64x128xf32, #tpu.memory_space<vmem>>, vector<1x16xf32>,
          %get3A_305 = vector.shape_cast %get3A_304 : vector<1x16xf32> to vector<16xf32>
          %add3A_306 = arith.addf %add3A_301, %get3A_305 : vector<16xf32>
          %mul3A_307 = arith.constant 2.000000e-01 : f32
          %mul3A_308 = vector.broadcast %mul3A_307 : f32 to vector<16xf32>
          %mul3A_309 = arith.mulf %mul3A_308, %add3A_306 : vector<16xf32>
          %max3A_310 = arith.maximumf %add3A_306, %mul3A_309 : vector<16xf32>
          %exp3A_311 = math.exp %max3A_310 : vector<16xf32>
          %swap3A_312 = arith.index_cast %add3A_224 : i32 to index
          %swap3A_313 = arith.constant 48 : index
          %swap3A_314 = tpu.vector_load %arg12[%swap3A_312, %swap3A_313] {strides = array<i32>} : memref<64x128xf32, #tpu.memory_space<vmem>>, vector<1x16xf32>,
          %swap3A_315 = vector.shape_cast %swap3A_314 : vector<1x16xf32> to vector<16xf32>
          %swap3A_316 = vector.shape_cast %exp3A_311 : vector<16xf32> to vector<1x16xf32>
          tpu.vector_store %arg12[%swap3A_312, %swap3A_313], %swap3A_316 {strides = array<i32>} : memref<64x128xf32, #tpu.memory_space<vmem>>, vector<1x16xf32>,
          %get3A_317 = arith.index_cast %add3A_224 : i32 to index
          %get3A_318 = arith.constant 64 : index
          %get3A_319 = tpu.vector_load %arg11[%get3A_317, %get3A_318] {strides = array<i32>} : memref<64x128xf32, #tpu.memory_space<vmem>>, vector<1x16xf32>,
          %get3A_320 = vector.shape_cast %get3A_319 : vector<1x16xf32> to vector<16xf32>
          %get3A_321 = arith.index_cast %add3A_224 : i32 to index
          %get3A_322 = arith.constant 64 : index
          %get3A_323 = tpu.vector_load %arg12[%get3A_321, %get3A_322] {strides = array<i32>} : memref<64x128xf32, #tpu.memory_space<vmem>>, vector<1x16xf32>,
          %get3A_324 = vector.shape_cast %get3A_323 : vector<1x16xf32> to vector<16xf32>
          %add3A_325 = arith.addf %get3A_320, %get3A_324 : vector<16xf32>
          %get3A_326 = arith.index_cast %add3A_224 : i32 to index
          %get3A_327 = arith.constant 64 : index
          %get3A_328 = tpu.vector_load %arg13[%get3A_326, %get3A_327] {strides = array<i32>} : memref<64x128xf32, #tpu.memory_space<vmem>>, vector<1x16xf32>,
          %get3A_329 = vector.shape_cast %get3A_328 : vector<1x16xf32> to vector<16xf32>
          %add3A_330 = arith.addf %add3A_325, %get3A_329 : vector<16xf32>
          %mul3A_331 = arith.constant 2.000000e-01 : f32
          %mul3A_332 = vector.broadcast %mul3A_331 : f32 to vector<16xf32>
          %mul3A_333 = arith.mulf %mul3A_332, %add3A_330 : vector<16xf32>
          %max3A_334 = arith.maximumf %add3A_330, %mul3A_333 : vector<16xf32>
          %exp3A_335 = math.exp %max3A_334 : vector<16xf32>
          %swap3A_336 = arith.index_cast %add3A_224 : i32 to index
          %swap3A_337 = arith.constant 64 : index
          %swap3A_338 = tpu.vector_load %arg12[%swap3A_336, %swap3A_337] {strides = array<i32>} : memref<64x128xf32, #tpu.memory_space<vmem>>, vector<1x16xf32>,
          %swap3A_339 = vector.shape_cast %swap3A_338 : vector<1x16xf32> to vector<16xf32>
          %swap3A_340 = vector.shape_cast %exp3A_335 : vector<16xf32> to vector<1x16xf32>
          tpu.vector_store %arg12[%swap3A_336, %swap3A_337], %swap3A_340 {strides = array<i32>} : memref<64x128xf32, #tpu.memory_space<vmem>>, vector<1x16xf32>,
          %get3A_341 = arith.index_cast %add3A_224 : i32 to index
          %get3A_342 = arith.constant 80 : index
          %get3A_343 = tpu.vector_load %arg11[%get3A_341, %get3A_342] {strides = array<i32>} : memref<64x128xf32, #tpu.memory_space<vmem>>, vector<1x16xf32>,
          %get3A_344 = vector.shape_cast %get3A_343 : vector<1x16xf32> to vector<16xf32>
          %get3A_345 = arith.index_cast %add3A_224 : i32 to index
          %get3A_346 = arith.constant 80 : index
          %get3A_347 = tpu.vector_load %arg12[%get3A_345, %get3A_346] {strides = array<i32>} : memref<64x128xf32, #tpu.memory_space<vmem>>, vector<1x16xf32>,
          %get3A_348 = vector.shape_cast %get3A_347 : vector<1x16xf32> to vector<16xf32>
          %add3A_349 = arith.addf %get3A_344, %get3A_348 : vector<16xf32>
          %get3A_350 = arith.index_cast %add3A_224 : i32 to index
          %get3A_351 = arith.constant 80 : index
          %get3A_352 = tpu.vector_load %arg13[%get3A_350, %get3A_351] {strides = array<i32>} : memref<64x128xf32, #tpu.memory_space<vmem>>, vector<1x16xf32>,
          %get3A_353 = vector.shape_cast %get3A_352 : vector<1x16xf32> to vector<16xf32>
          %add3A_354 = arith.addf %add3A_349, %get3A_353 : vector<16xf32>
          %mul3A_355 = arith.constant 2.000000e-01 : f32
          %mul3A_356 = vector.broadcast %mul3A_355 : f32 to vector<16xf32>
          %mul3A_357 = arith.mulf %mul3A_356, %add3A_354 : vector<16xf32>
          %max3A_358 = arith.maximumf %add3A_354, %mul3A_357 : vector<16xf32>
          %exp3A_359 = math.exp %max3A_358 : vector<16xf32>
          %swap3A_360 = arith.index_cast %add3A_224 : i32 to index
          %swap3A_361 = arith.constant 80 : index
          %swap3A_362 = tpu.vector_load %arg12[%swap3A_360, %swap3A_361] {strides = array<i32>} : memref<64x128xf32, #tpu.memory_space<vmem>>, vector<1x16xf32>,
          %swap3A_363 = vector.shape_cast %swap3A_362 : vector<1x16xf32> to vector<16xf32>
          %swap3A_364 = vector.shape_cast %exp3A_359 : vector<16xf32> to vector<1x16xf32>
          tpu.vector_store %arg12[%swap3A_360, %swap3A_361], %swap3A_364 {strides = array<i32>} : memref<64x128xf32, #tpu.memory_space<vmem>>, vector<1x16xf32>,
          %get3A_365 = arith.index_cast %add3A_224 : i32 to index
          %get3A_366 = arith.constant 96 : index
          %get3A_367 = tpu.vector_load %arg11[%get3A_365, %get3A_366] {strides = array<i32>} : memref<64x128xf32, #tpu.memory_space<vmem>>, vector<1x16xf32>,
          %get3A_368 = vector.shape_cast %get3A_367 : vector<1x16xf32> to vector<16xf32>
          %get3A_369 = arith.index_cast %add3A_224 : i32 to index
          %get3A_370 = arith.constant 96 : index
          %get3A_371 = tpu.vector_load %arg12[%get3A_369, %get3A_370] {strides = array<i32>} : memref<64x128xf32, #tpu.memory_space<vmem>>, vector<1x16xf32>,
          %get3A_372 = vector.shape_cast %get3A_371 : vector<1x16xf32> to vector<16xf32>
          %add3A_373 = arith.addf %get3A_368, %get3A_372 : vector<16xf32>
          %get3A_374 = arith.index_cast %add3A_224 : i32 to index
          %get3A_375 = arith.constant 96 : index
          %get3A_376 = tpu.vector_load %arg13[%get3A_374, %get3A_375] {strides = array<i32>} : memref<64x128xf32, #tpu.memory_space<vmem>>, vector<1x16xf32>,
          %get3A_377 = vector.shape_cast %get3A_376 : vector<1x16xf32> to vector<16xf32>
          %add3A_378 = arith.addf %add3A_373, %get3A_377 : vector<16xf32>
          %mul3A_379 = arith.constant 2.000000e-01 : f32
          %mul3A_380 = vector.broadcast %mul3A_379 : f32 to vector<16xf32>
          %mul3A_381 = arith.mulf %mul3A_380, %add3A_378 : vector<16xf32>
          %max3A_382 = arith.maximumf %add3A_378, %mul3A_381 : vector<16xf32>
          %exp3A_383 = math.exp %max3A_382 : vector<16xf32>
          %swap3A_384 = arith.index_cast %add3A_224 : i32 to index
          %swap3A_385 = arith.constant 96 : index
          %swap3A_386 = tpu.vector_load %arg12[%swap3A_384, %swap3A_385] {strides = array<i32>} : memref<64x128xf32, #tpu.memory_space<vmem>>, vector<1x16xf32>,
          %swap3A_387 = vector.shape_cast %swap3A_386 : vector<1x16xf32> to vector<16xf32>
          %swap3A_388 = vector.shape_cast %exp3A_383 : vector<16xf32> to vector<1x16xf32>
          tpu.vector_store %arg12[%swap3A_384, %swap3A_385], %swap3A_388 {strides = array<i32>} : memref<64x128xf32, #tpu.memory_space<vmem>>, vector<1x16xf32>,
          %get3A_389 = arith.index_cast %add3A_224 : i32 to index
          %get3A_390 = arith.constant 112 : index
          %get3A_391 = tpu.vector_load %arg11[%get3A_389, %get3A_390] {strides = array<i32>} : memref<64x128xf32, #tpu.memory_space<vmem>>, vector<1x16xf32>,
          %get3A_392 = vector.shape_cast %get3A_391 : vector<1x16xf32> to vector<16xf32>
          %get3A_393 = arith.index_cast %add3A_224 : i32 to index
          %get3A_394 = arith.constant 112 : index
          %get3A_395 = tpu.vector_load %arg12[%get3A_393, %get3A_394] {strides = array<i32>} : memref<64x128xf32, #tpu.memory_space<vmem>>, vector<1x16xf32>,
          %get3A_396 = vector.shape_cast %get3A_395 : vector<1x16xf32> to vector<16xf32>
          %add3A_397 = arith.addf %get3A_392, %get3A_396 : vector<16xf32>
          %get3A_398 = arith.index_cast %add3A_224 : i32 to index
          %get3A_399 = arith.constant 112 : index
          %get3A_400 = tpu.vector_load %arg13[%get3A_398, %get3A_399] {strides = array<i32>} : memref<64x128xf32, #tpu.memory_space<vmem>>, vector<1x16xf32>,
          %get3A_401 = vector.shape_cast %get3A_400 : vector<1x16xf32> to vector<16xf32>
          %add3A_402 = arith.addf %add3A_397, %get3A_401 : vector<16xf32>
          %mul3A_403 = arith.constant 2.000000e-01 : f32
          %mul3A_404 = vector.broadcast %mul3A_403 : f32 to vector<16xf32>
          %mul3A_405 = arith.mulf %mul3A_404, %add3A_402 : vector<16xf32>
          %max3A_406 = arith.maximumf %add3A_402, %mul3A_405 : vector<16xf32>
          %exp3A_407 = math.exp %max3A_406 : vector<16xf32>
          %swap3A_408 = arith.index_cast %add3A_224 : i32 to index
          %swap3A_409 = arith.constant 112 : index
          %swap3A_410 = tpu.vector_load %arg12[%swap3A_408, %swap3A_409] {strides = array<i32>} : memref<64x128xf32, #tpu.memory_space<vmem>>, vector<1x16xf32>,
          %swap3A_411 = vector.shape_cast %swap3A_410 : vector<1x16xf32> to vector<16xf32>
          %swap3A_412 = vector.shape_cast %exp3A_407 : vector<16xf32> to vector<1x16xf32>
          tpu.vector_store %arg12[%swap3A_408, %swap3A_409], %swap3A_412 {strides = array<i32>} : memref<64x128xf32, #tpu.memory_space<vmem>>, vector<1x16xf32>,
        }
        %scan3A_202 = arith.constant 64 : i32
        %mul3A_203 = arith.constant 32 : i32
        %mul3A_204 = arith.muli %add3A_154, %mul3A_203 : i32
        %add3A_205 = arith.addi %add3A, %mul3A_204 : i32
        %mul3A_206 = arith.constant 64 : i32
        %mul3A_207 = arith.muli %add3A_205, %mul3A_206 : i32
        %multiple_of3A_208 = tpu.assume_multiple %mul3A_207, 8 : i32
        %dma_start3A_209 = arith.constant 0 : i32
        %dma_start3A_210 = tpu.memref_slice %arg6[%multiple_of3A_208, %dma_start3A_209] : memref<320000x128xf32, #tpu.memory_space<hbm>> -> memref<64x128xf32, #tpu.memory_space<hbm>>
        %dma_start3A_211 = arith.constant 0 : i32
        %dma_start3A_212 = tpu.memref_slice %arg6[%multiple_of3A_208, %dma_start3A_211] : memref<320000x128xf32, #tpu.memory_space<hbm>> -> memref<64x128xf32, #tpu.memory_space<hbm>>
        tpu.enqueue_dma source(%arg12 : memref<64x128xf32, #tpu.memory_space<vmem>>) target(%dma_start3A_212 : memref<64x128xf32, #tpu.memory_space<hbm>>) target_semaphore(%arg21 : memref<!tpu.dma_semaphore, #tpu.memory_space<semaphore_mem>>)
        %dma_start3A_213 = arith.constant 1 : i32
        %dma_start3A_214 = arith.constant 0 : i32
        %dma_start3A_215 = tpu.memref_slice %arg9[%dma_start3A_213, %dma_start3A_214] : memref<2x64xi32, #tpu.memory_space<vmem>> -> memref<1x64xi32, #tpu.memory_space<vmem>>
        %dma_start3A_216 = tpu.memref_squeeze %dma_start3A_215 : memref<1x64xi32, #tpu.memory_space<vmem>> -> memref<64xi32, #tpu.memory_space<vmem>>
        %dma_start3A_217 = arith.constant 0 : i32
        %dma_start3A_218 = arith.constant 0 : i32
        %dma_start3A_219 = tpu.memref_slice %arg17[%dma_start3A_217, %dma_start3A_218] : memref<10000x128xf32, #tpu.memory_space<vmem_shared>> -> memref<10000x128xf32, #tpu.memory_space<vmem_shared>>
        tpu.enqueue_indirect_dma source(%arg12 : memref<64x128xf32, #tpu.memory_space<vmem>>) target(%dma_start3A_219 : memref<10000x128xf32, #tpu.memory_space<vmem_shared>>) offsets(%dma_start3A_216 : memref<64xi32, #tpu.memory_space<vmem>>) semaphore(%arg22 : memref<!tpu.dma_semaphore, #tpu.memory_space<semaphore_mem>>) {add = true}
      } else {
      }
      %add3A_158 = arith.constant 1 : i32
      %add3A_159 = arith.addi %add3A_152, %add3A_158 : i32
      %lt3A_160 = arith.cmpi slt, %add3A_159, %select_n3A : i32
      %convert_element_type3A_161 = arith.extui %lt3A_160 : i1 to i32
      %cond3A_162 = arith.constant 0 : i32
      %cond3A_163 = arith.cmpi ne, %convert_element_type3A_161, %cond3A_162 : i32
      scf.if %cond3A_163 {
        %dma_wait3A_164 = arith.constant 0 : i32
        %dma_wait3A_165 = arith.constant 0 : i32
        %dma_wait3A_166 = tpu.memref_slice %arg10[%dma_wait3A_164, %dma_wait3A_165] : memref<2x64xi32, #tpu.memory_space<vmem>> -> memref<1x64xi32, #tpu.memory_space<vmem>>
        %dma_wait3A_167 = tpu.memref_squeeze %dma_wait3A_166 : memref<1x64xi32, #tpu.memory_space<vmem>> -> memref<64xi32, #tpu.memory_space<vmem>>
        %dma_wait3A_168 = arith.constant 0 : i32
        %dma_wait3A_169 = arith.constant 0 : i32
        %dma_wait3A_170 = tpu.memref_slice %arg3[%dma_wait3A_168, %dma_wait3A_169] : memref<10000x128xf32, #tpu.memory_space<hbm>> -> memref<10000x128xf32, #tpu.memory_space<hbm>>
        tpu.wait_indirect_dma semaphore(%arg23 : memref<!tpu.dma_semaphore, #tpu.memory_space<semaphore_mem>>) src(%dma_wait3A_170 : memref<10000x128xf32, #tpu.memory_space<hbm>>) dst(%arg14 : memref<64x128xf32, #tpu.memory_space<vmem>>)
        %dma_wait3A_171 = arith.constant 1 : i32
        %dma_wait3A_172 = arith.constant 0 : i32
        %dma_wait3A_173 = tpu.memref_slice %arg10[%dma_wait3A_171, %dma_wait3A_172] : memref<2x64xi32, #tpu.memory_space<vmem>> -> memref<1x64xi32, #tpu.memory_space<vmem>>
        %dma_wait3A_174 = tpu.memref_squeeze %dma_wait3A_173 : memref<1x64xi32, #tpu.memory_space<vmem>> -> memref<64xi32, #tpu.memory_space<vmem>>
        %dma_wait3A_175 = arith.constant 0 : i32
        %dma_wait3A_176 = arith.constant 0 : i32
        %dma_wait3A_177 = tpu.memref_slice %arg4[%dma_wait3A_175, %dma_wait3A_176] : memref<10000x128xf32, #tpu.memory_space<hbm>> -> memref<10000x128xf32, #tpu.memory_space<hbm>>
        tpu.wait_indirect_dma semaphore(%arg24 : memref<!tpu.dma_semaphore, #tpu.memory_space<semaphore_mem>>) src(%dma_wait3A_177 : memref<10000x128xf32, #tpu.memory_space<hbm>>) dst(%arg15 : memref<64x128xf32, #tpu.memory_space<vmem>>)
        %dma_wait3A_178 = arith.constant 0 : i32
        %dma_wait3A_179 = arith.constant 0 : i32
        %dma_wait3A_180 = tpu.memref_slice %arg5[%dma_wait3A_178, %dma_wait3A_179] : memref<320000x128xf32, #tpu.memory_space<hbm>> -> memref<64x128xf32, #tpu.memory_space<hbm>>
        %dma_wait3A_181 = arith.constant 0 : i32
        %dma_wait3A_182 = arith.constant 0 : i32
        %dma_wait3A_183 = tpu.memref_slice %arg5[%dma_wait3A_181, %dma_wait3A_182] : memref<320000x128xf32, #tpu.memory_space<hbm>> -> memref<64x128xf32, #tpu.memory_space<hbm>>
        tpu.wait_dma2 semaphore(%arg25 : memref<!tpu.dma_semaphore, #tpu.memory_space<semaphore_mem>>) src(%dma_wait3A_183 : memref<64x128xf32, #tpu.memory_space<hbm>>) dst(%arg16 : memref<64x128xf32, #tpu.memory_space<vmem>>)
        %add3A_184 = arith.constant 1 : i32
        %add3A_185 = arith.addi %add3A_159, %add3A_184 : i32
        %lt3A_186 = arith.cmpi slt, %add3A_185, %select_n3A : i32
        %ge3A = arith.constant 1 : i32
        %ge3A_187 = arith.cmpi sge, %add3A_159, %ge3A : i32
        %and3A_188 = arith.andi %lt3A_186, %ge3A_187 : i1
        %convert_element_type3A_189 = arith.extui %and3A_188 : i1 to i32
        %cond3A_190 = arith.constant 0 : i32
        %cond3A_191 = arith.cmpi ne, %convert_element_type3A_189, %cond3A_190 : i32
        scf.if %cond3A_191 {
          %dma_wait3A_220 = arith.constant 0 : i32
          %dma_wait3A_221 = arith.constant 0 : i32
          %dma_wait3A_222 = tpu.memref_slice %arg6[%dma_wait3A_220, %dma_wait3A_221] : memref<320000x128xf32, #tpu.memory_space<hbm>> -> memref<64x128xf32, #tpu.memory_space<hbm>>
          %dma_wait3A_223 = arith.constant 0 : i32
          %dma_wait3A_224 = arith.constant 0 : i32
          %dma_wait3A_225 = tpu.memref_slice %arg6[%dma_wait3A_223, %dma_wait3A_224] : memref<320000x128xf32, #tpu.memory_space<hbm>> -> memref<64x128xf32, #tpu.memory_space<hbm>>
          tpu.wait_dma2 semaphore(%arg21 : memref<!tpu.dma_semaphore, #tpu.memory_space<semaphore_mem>>) src(%arg12 : memref<64x128xf32, #tpu.memory_space<vmem>>) dst(%dma_wait3A_225 : memref<64x128xf32, #tpu.memory_space<hbm>>)
          %dma_wait3A_226 = arith.constant 1 : i32
          %dma_wait3A_227 = arith.constant 0 : i32
          %dma_wait3A_228 = tpu.memref_slice %arg9[%dma_wait3A_226, %dma_wait3A_227] : memref<2x64xi32, #tpu.memory_space<vmem>> -> memref<1x64xi32, #tpu.memory_space<vmem>>
          %dma_wait3A_229 = tpu.memref_squeeze %dma_wait3A_228 : memref<1x64xi32, #tpu.memory_space<vmem>> -> memref<64xi32, #tpu.memory_space<vmem>>
          %dma_wait3A_230 = arith.constant 0 : i32
          %dma_wait3A_231 = arith.constant 0 : i32
          %dma_wait3A_232 = tpu.memref_slice %arg17[%dma_wait3A_230, %dma_wait3A_231] : memref<10000x128xf32, #tpu.memory_space<vmem_shared>> -> memref<10000x128xf32, #tpu.memory_space<vmem_shared>>
          tpu.wait_indirect_dma semaphore(%arg22 : memref<!tpu.dma_semaphore, #tpu.memory_space<semaphore_mem>>) src(%arg12 : memref<64x128xf32, #tpu.memory_space<vmem>>) dst(%dma_wait3A_232 : memref<10000x128xf32, #tpu.memory_space<vmem_shared>>)
        } else {
        }
        %add3A_192 = arith.constant 1 : i32
        %add3A_193 = arith.addi %add3A_159, %add3A_192 : i32
        %lt3A_194 = arith.cmpi slt, %add3A_193, %select_n3A : i32
        %convert_element_type3A_195 = arith.extui %lt3A_194 : i1 to i32
        %cond3A_196 = arith.constant 0 : i32
        %cond3A_197 = arith.cmpi ne, %convert_element_type3A_195, %cond3A_196 : i32
        scf.if %cond3A_197 {
          %add3A_220 = arith.constant 1 : i32
          %add3A_221 = arith.addi %add3A_159, %add3A_220 : i32
          %mul3A_222 = arith.constant 32 : i32
          %mul3A_223 = arith.muli %add3A_221, %mul3A_222 : i32
          %add3A_224 = arith.addi %add3A, %mul3A_223 : i32
          %mul3A_225 = arith.constant 64 : i32
          %mul3A_226 = arith.muli %add3A_224, %mul3A_225 : i32
          %multiple_of3A_227 = tpu.assume_multiple %mul3A_226, 8 : i32
          "tpu.region"() ({
            %run_scoped3A = tpu.sem_alloc : memref<!tpu.dma_semaphore, #tpu.memory_space<semaphore_mem>>
            %dma_start3A_246 = arith.constant 0 : i32
            %dma_start3A_247 = arith.constant 0 : i32
            %dma_start3A_248 = tpu.memref_slice %arg2[%add3A_224, %dma_start3A_246, %dma_start3A_247] : memref<5000x2x64xi32, #tpu.memory_space<hbm>> -> memref<1x2x64xi32, #tpu.memory_space<hbm>>
            %dma_start3A_249 = tpu.memref_squeeze %dma_start3A_248 : memref<1x2x64xi32, #tpu.memory_space<hbm>> -> memref<2x64xi32, #tpu.memory_space<hbm>>
            %dma_start3A_250 = arith.constant 0 : i32
            %dma_start3A_251 = arith.constant 0 : i32
            %dma_start3A_252 = tpu.memref_slice %arg2[%add3A_224, %dma_start3A_250, %dma_start3A_251] : memref<5000x2x64xi32, #tpu.memory_space<hbm>> -> memref<1x2x64xi32, #tpu.memory_space<hbm>>
            %dma_start3A_253 = tpu.memref_squeeze %dma_start3A_252 : memref<1x2x64xi32, #tpu.memory_space<hbm>> -> memref<2x64xi32, #tpu.memory_space<hbm>>
            tpu.enqueue_dma source(%dma_start3A_253 : memref<2x64xi32, #tpu.memory_space<hbm>>) target(%arg9 : memref<2x64xi32, #tpu.memory_space<vmem>>) target_semaphore(%run_scoped3A : memref<!tpu.dma_semaphore, #tpu.memory_space<semaphore_mem>>)
            %dma_wait3A_254 = arith.constant 0 : i32
            %dma_wait3A_255 = arith.constant 0 : i32
            %dma_wait3A_256 = tpu.memref_slice %arg2[%add3A_224, %dma_wait3A_254, %dma_wait3A_255] : memref<5000x2x64xi32, #tpu.memory_space<hbm>> -> memref<1x2x64xi32, #tpu.memory_space<hbm>>
            %dma_wait3A_257 = tpu.memref_squeeze %dma_wait3A_256 : memref<1x2x64xi32, #tpu.memory_space<hbm>> -> memref<2x64xi32, #tpu.memory_space<hbm>>
            %dma_wait3A_258 = arith.constant 0 : i32
            %dma_wait3A_259 = arith.constant 0 : i32
            %dma_wait3A_260 = tpu.memref_slice %arg2[%add3A_224, %dma_wait3A_258, %dma_wait3A_259] : memref<5000x2x64xi32, #tpu.memory_space<hbm>> -> memref<1x2x64xi32, #tpu.memory_space<hbm>>
            %dma_wait3A_261 = tpu.memref_squeeze %dma_wait3A_260 : memref<1x2x64xi32, #tpu.memory_space<hbm>> -> memref<2x64xi32, #tpu.memory_space<hbm>>
            tpu.wait_dma2 semaphore(%run_scoped3A : memref<!tpu.dma_semaphore, #tpu.memory_space<semaphore_mem>>) src(%dma_wait3A_261 : memref<2x64xi32, #tpu.memory_space<hbm>>) dst(%arg9 : memref<2x64xi32, #tpu.memory_space<vmem>>)
            tpu.yield
          }) : () -> ()
          %dma_start3A_228 = arith.constant 0 : i32
          %dma_start3A_229 = arith.constant 0 : i32
          %dma_start3A_230 = tpu.memref_slice %arg9[%dma_start3A_228, %dma_start3A_229] : memref<2x64xi32, #tpu.memory_space<vmem>> -> memref<1x64xi32, #tpu.memory_space<vmem>>
          %dma_start3A_231 = tpu.memref_squeeze %dma_start3A_230 : memref<1x64xi32, #tpu.memory_space<vmem>> -> memref<64xi32, #tpu.memory_space<vmem>>
          %dma_start3A_232 = arith.constant 0 : i32
          %dma_start3A_233 = arith.constant 0 : i32
          %dma_start3A_234 = tpu.memref_slice %arg3[%dma_start3A_232, %dma_start3A_233] : memref<10000x128xf32, #tpu.memory_space<hbm>> -> memref<10000x128xf32, #tpu.memory_space<hbm>>
          tpu.enqueue_indirect_dma source(%dma_start3A_234 : memref<10000x128xf32, #tpu.memory_space<hbm>>) target(%arg11 : memref<64x128xf32, #tpu.memory_space<vmem>>) offsets(%dma_start3A_231 : memref<64xi32, #tpu.memory_space<vmem>>) semaphore(%arg18 : memref<!tpu.dma_semaphore, #tpu.memory_space<semaphore_mem>>)
          %dma_start3A_235 = arith.constant 1 : i32
          %dma_start3A_236 = arith.constant 0 : i32
          %dma_start3A_237 = tpu.memref_slice %arg9[%dma_start3A_235, %dma_start3A_236] : memref<2x64xi32, #tpu.memory_space<vmem>> -> memref<1x64xi32, #tpu.memory_space<vmem>>
          %dma_start3A_238 = tpu.memref_squeeze %dma_start3A_237 : memref<1x64xi32, #tpu.memory_space<vmem>> -> memref<64xi32, #tpu.memory_space<vmem>>
          %dma_start3A_239 = arith.constant 0 : i32
          %dma_start3A_240 = arith.constant 0 : i32
          %dma_start3A_241 = tpu.memref_slice %arg4[%dma_start3A_239, %dma_start3A_240] : memref<10000x128xf32, #tpu.memory_space<hbm>> -> memref<10000x128xf32, #tpu.memory_space<hbm>>
          tpu.enqueue_indirect_dma source(%dma_start3A_241 : memref<10000x128xf32, #tpu.memory_space<hbm>>) target(%arg12 : memref<64x128xf32, #tpu.memory_space<vmem>>) offsets(%dma_start3A_238 : memref<64xi32, #tpu.memory_space<vmem>>) semaphore(%arg19 : memref<!tpu.dma_semaphore, #tpu.memory_space<semaphore_mem>>)
          %dma_start3A_242 = arith.constant 0 : i32
          %dma_start3A_243 = tpu.memref_slice %arg5[%multiple_of3A_227, %dma_start3A_242] : memref<320000x128xf32, #tpu.memory_space<hbm>> -> memref<64x128xf32, #tpu.memory_space<hbm>>
          %dma_start3A_244 = arith.constant 0 : i32
          %dma_start3A_245 = tpu.memref_slice %arg5[%multiple_of3A_227, %dma_start3A_244] : memref<320000x128xf32, #tpu.memory_space<hbm>> -> memref<64x128xf32, #tpu.memory_space<hbm>>
          tpu.enqueue_dma source(%dma_start3A_245 : memref<64x128xf32, #tpu.memory_space<hbm>>) target(%arg13 : memref<64x128xf32, #tpu.memory_space<vmem>>) target_semaphore(%arg20 : memref<!tpu.dma_semaphore, #tpu.memory_space<semaphore_mem>>)
        } else {
        }
        %scan3A_198 = arith.constant 0 : i32
        %scan3A_199 = arith.constant 64 : i32
        %scan3A_200 = arith.addi %scan3A_198, %scan3A_199 : i32
        %scan3A_201 = arith.constant 1 : i32
        scf.for %scan3A_220 = %scan3A_198 to %scan3A_200 step %scan3A_201  : i32 {
          %mul3A_221 = arith.constant 1 : i32
          %mul3A_222 = arith.muli %scan3A_220, %mul3A_221 : i32
          %add3A_223 = arith.constant 0 : i32
          %add3A_224 = arith.addi %add3A_223, %mul3A_222 : i32
          %get3A = arith.index_cast %add3A_224 : i32 to index
          %get3A_225 = arith.constant 0 : index
          %get3A_226 = tpu.vector_load %arg14[%get3A, %get3A_225] {strides = array<i32>} : memref<64x128xf32, #tpu.memory_space<vmem>>, vector<1x16xf32>,
          %get3A_227 = vector.shape_cast %get3A_226 : vector<1x16xf32> to vector<16xf32>
          %get3A_228 = arith.index_cast %add3A_224 : i32 to index
          %get3A_229 = arith.constant 0 : index
          %get3A_230 = tpu.vector_load %arg15[%get3A_228, %get3A_229] {strides = array<i32>} : memref<64x128xf32, #tpu.memory_space<vmem>>, vector<1x16xf32>,
          %get3A_231 = vector.shape_cast %get3A_230 : vector<1x16xf32> to vector<16xf32>
          %add3A_232 = arith.addf %get3A_227, %get3A_231 : vector<16xf32>
          %get3A_233 = arith.index_cast %add3A_224 : i32 to index
          %get3A_234 = arith.constant 0 : index
          %get3A_235 = tpu.vector_load %arg16[%get3A_233, %get3A_234] {strides = array<i32>} : memref<64x128xf32, #tpu.memory_space<vmem>>, vector<1x16xf32>,
          %get3A_236 = vector.shape_cast %get3A_235 : vector<1x16xf32> to vector<16xf32>
          %add3A_237 = arith.addf %add3A_232, %get3A_236 : vector<16xf32>
          %mul3A_238 = arith.constant 2.000000e-01 : f32
          %mul3A_239 = vector.broadcast %mul3A_238 : f32 to vector<16xf32>
          %mul3A_240 = arith.mulf %mul3A_239, %add3A_237 : vector<16xf32>
          %max3A = arith.maximumf %add3A_237, %mul3A_240 : vector<16xf32>
          %exp3A = math.exp %max3A : vector<16xf32>
          %swap3A = arith.index_cast %add3A_224 : i32 to index
          %swap3A_241 = arith.constant 0 : index
          %swap3A_242 = tpu.vector_load %arg15[%swap3A, %swap3A_241] {strides = array<i32>} : memref<64x128xf32, #tpu.memory_space<vmem>>, vector<1x16xf32>,
          %swap3A_243 = vector.shape_cast %swap3A_242 : vector<1x16xf32> to vector<16xf32>
          %swap3A_244 = vector.shape_cast %exp3A : vector<16xf32> to vector<1x16xf32>
          tpu.vector_store %arg15[%swap3A, %swap3A_241], %swap3A_244 {strides = array<i32>} : memref<64x128xf32, #tpu.memory_space<vmem>>, vector<1x16xf32>,
          %get3A_245 = arith.index_cast %add3A_224 : i32 to index
          %get3A_246 = arith.constant 16 : index
          %get3A_247 = tpu.vector_load %arg14[%get3A_245, %get3A_246] {strides = array<i32>} : memref<64x128xf32, #tpu.memory_space<vmem>>, vector<1x16xf32>,
          %get3A_248 = vector.shape_cast %get3A_247 : vector<1x16xf32> to vector<16xf32>
          %get3A_249 = arith.index_cast %add3A_224 : i32 to index
          %get3A_250 = arith.constant 16 : index
          %get3A_251 = tpu.vector_load %arg15[%get3A_249, %get3A_250] {strides = array<i32>} : memref<64x128xf32, #tpu.memory_space<vmem>>, vector<1x16xf32>,
          %get3A_252 = vector.shape_cast %get3A_251 : vector<1x16xf32> to vector<16xf32>
          %add3A_253 = arith.addf %get3A_248, %get3A_252 : vector<16xf32>
          %get3A_254 = arith.index_cast %add3A_224 : i32 to index
          %get3A_255 = arith.constant 16 : index
          %get3A_256 = tpu.vector_load %arg16[%get3A_254, %get3A_255] {strides = array<i32>} : memref<64x128xf32, #tpu.memory_space<vmem>>, vector<1x16xf32>,
          %get3A_257 = vector.shape_cast %get3A_256 : vector<1x16xf32> to vector<16xf32>
          %add3A_258 = arith.addf %add3A_253, %get3A_257 : vector<16xf32>
          %mul3A_259 = arith.constant 2.000000e-01 : f32
          %mul3A_260 = vector.broadcast %mul3A_259 : f32 to vector<16xf32>
          %mul3A_261 = arith.mulf %mul3A_260, %add3A_258 : vector<16xf32>
          %max3A_262 = arith.maximumf %add3A_258, %mul3A_261 : vector<16xf32>
          %exp3A_263 = math.exp %max3A_262 : vector<16xf32>
          %swap3A_264 = arith.index_cast %add3A_224 : i32 to index
          %swap3A_265 = arith.constant 16 : index
          %swap3A_266 = tpu.vector_load %arg15[%swap3A_264, %swap3A_265] {strides = array<i32>} : memref<64x128xf32, #tpu.memory_space<vmem>>, vector<1x16xf32>,
          %swap3A_267 = vector.shape_cast %swap3A_266 : vector<1x16xf32> to vector<16xf32>
          %swap3A_268 = vector.shape_cast %exp3A_263 : vector<16xf32> to vector<1x16xf32>
          tpu.vector_store %arg15[%swap3A_264, %swap3A_265], %swap3A_268 {strides = array<i32>} : memref<64x128xf32, #tpu.memory_space<vmem>>, vector<1x16xf32>,
          %get3A_269 = arith.index_cast %add3A_224 : i32 to index
          %get3A_270 = arith.constant 32 : index
          %get3A_271 = tpu.vector_load %arg14[%get3A_269, %get3A_270] {strides = array<i32>} : memref<64x128xf32, #tpu.memory_space<vmem>>, vector<1x16xf32>,
          %get3A_272 = vector.shape_cast %get3A_271 : vector<1x16xf32> to vector<16xf32>
          %get3A_273 = arith.index_cast %add3A_224 : i32 to index
          %get3A_274 = arith.constant 32 : index
          %get3A_275 = tpu.vector_load %arg15[%get3A_273, %get3A_274] {strides = array<i32>} : memref<64x128xf32, #tpu.memory_space<vmem>>, vector<1x16xf32>,
          %get3A_276 = vector.shape_cast %get3A_275 : vector<1x16xf32> to vector<16xf32>
          %add3A_277 = arith.addf %get3A_272, %get3A_276 : vector<16xf32>
          %get3A_278 = arith.index_cast %add3A_224 : i32 to index
          %get3A_279 = arith.constant 32 : index
          %get3A_280 = tpu.vector_load %arg16[%get3A_278, %get3A_279] {strides = array<i32>} : memref<64x128xf32, #tpu.memory_space<vmem>>, vector<1x16xf32>,
          %get3A_281 = vector.shape_cast %get3A_280 : vector<1x16xf32> to vector<16xf32>
          %add3A_282 = arith.addf %add3A_277, %get3A_281 : vector<16xf32>
          %mul3A_283 = arith.constant 2.000000e-01 : f32
          %mul3A_284 = vector.broadcast %mul3A_283 : f32 to vector<16xf32>
          %mul3A_285 = arith.mulf %mul3A_284, %add3A_282 : vector<16xf32>
          %max3A_286 = arith.maximumf %add3A_282, %mul3A_285 : vector<16xf32>
          %exp3A_287 = math.exp %max3A_286 : vector<16xf32>
          %swap3A_288 = arith.index_cast %add3A_224 : i32 to index
          %swap3A_289 = arith.constant 32 : index
          %swap3A_290 = tpu.vector_load %arg15[%swap3A_288, %swap3A_289] {strides = array<i32>} : memref<64x128xf32, #tpu.memory_space<vmem>>, vector<1x16xf32>,
          %swap3A_291 = vector.shape_cast %swap3A_290 : vector<1x16xf32> to vector<16xf32>
          %swap3A_292 = vector.shape_cast %exp3A_287 : vector<16xf32> to vector<1x16xf32>
          tpu.vector_store %arg15[%swap3A_288, %swap3A_289], %swap3A_292 {strides = array<i32>} : memref<64x128xf32, #tpu.memory_space<vmem>>, vector<1x16xf32>,
          %get3A_293 = arith.index_cast %add3A_224 : i32 to index
          %get3A_294 = arith.constant 48 : index
          %get3A_295 = tpu.vector_load %arg14[%get3A_293, %get3A_294] {strides = array<i32>} : memref<64x128xf32, #tpu.memory_space<vmem>>, vector<1x16xf32>,
          %get3A_296 = vector.shape_cast %get3A_295 : vector<1x16xf32> to vector<16xf32>
          %get3A_297 = arith.index_cast %add3A_224 : i32 to index
          %get3A_298 = arith.constant 48 : index
          %get3A_299 = tpu.vector_load %arg15[%get3A_297, %get3A_298] {strides = array<i32>} : memref<64x128xf32, #tpu.memory_space<vmem>>, vector<1x16xf32>,
          %get3A_300 = vector.shape_cast %get3A_299 : vector<1x16xf32> to vector<16xf32>
          %add3A_301 = arith.addf %get3A_296, %get3A_300 : vector<16xf32>
          %get3A_302 = arith.index_cast %add3A_224 : i32 to index
          %get3A_303 = arith.constant 48 : index
          %get3A_304 = tpu.vector_load %arg16[%get3A_302, %get3A_303] {strides = array<i32>} : memref<64x128xf32, #tpu.memory_space<vmem>>, vector<1x16xf32>,
          %get3A_305 = vector.shape_cast %get3A_304 : vector<1x16xf32> to vector<16xf32>
          %add3A_306 = arith.addf %add3A_301, %get3A_305 : vector<16xf32>
          %mul3A_307 = arith.constant 2.000000e-01 : f32
          %mul3A_308 = vector.broadcast %mul3A_307 : f32 to vector<16xf32>
          %mul3A_309 = arith.mulf %mul3A_308, %add3A_306 : vector<16xf32>
          %max3A_310 = arith.maximumf %add3A_306, %mul3A_309 : vector<16xf32>
          %exp3A_311 = math.exp %max3A_310 : vector<16xf32>
          %swap3A_312 = arith.index_cast %add3A_224 : i32 to index
          %swap3A_313 = arith.constant 48 : index
          %swap3A_314 = tpu.vector_load %arg15[%swap3A_312, %swap3A_313] {strides = array<i32>} : memref<64x128xf32, #tpu.memory_space<vmem>>, vector<1x16xf32>,
          %swap3A_315 = vector.shape_cast %swap3A_314 : vector<1x16xf32> to vector<16xf32>
          %swap3A_316 = vector.shape_cast %exp3A_311 : vector<16xf32> to vector<1x16xf32>
          tpu.vector_store %arg15[%swap3A_312, %swap3A_313], %swap3A_316 {strides = array<i32>} : memref<64x128xf32, #tpu.memory_space<vmem>>, vector<1x16xf32>,
          %get3A_317 = arith.index_cast %add3A_224 : i32 to index
          %get3A_318 = arith.constant 64 : index
          %get3A_319 = tpu.vector_load %arg14[%get3A_317, %get3A_318] {strides = array<i32>} : memref<64x128xf32, #tpu.memory_space<vmem>>, vector<1x16xf32>,
          %get3A_320 = vector.shape_cast %get3A_319 : vector<1x16xf32> to vector<16xf32>
          %get3A_321 = arith.index_cast %add3A_224 : i32 to index
          %get3A_322 = arith.constant 64 : index
          %get3A_323 = tpu.vector_load %arg15[%get3A_321, %get3A_322] {strides = array<i32>} : memref<64x128xf32, #tpu.memory_space<vmem>>, vector<1x16xf32>,
          %get3A_324 = vector.shape_cast %get3A_323 : vector<1x16xf32> to vector<16xf32>
          %add3A_325 = arith.addf %get3A_320, %get3A_324 : vector<16xf32>
          %get3A_326 = arith.index_cast %add3A_224 : i32 to index
          %get3A_327 = arith.constant 64 : index
          %get3A_328 = tpu.vector_load %arg16[%get3A_326, %get3A_327] {strides = array<i32>} : memref<64x128xf32, #tpu.memory_space<vmem>>, vector<1x16xf32>,
          %get3A_329 = vector.shape_cast %get3A_328 : vector<1x16xf32> to vector<16xf32>
          %add3A_330 = arith.addf %add3A_325, %get3A_329 : vector<16xf32>
          %mul3A_331 = arith.constant 2.000000e-01 : f32
          %mul3A_332 = vector.broadcast %mul3A_331 : f32 to vector<16xf32>
          %mul3A_333 = arith.mulf %mul3A_332, %add3A_330 : vector<16xf32>
          %max3A_334 = arith.maximumf %add3A_330, %mul3A_333 : vector<16xf32>
          %exp3A_335 = math.exp %max3A_334 : vector<16xf32>
          %swap3A_336 = arith.index_cast %add3A_224 : i32 to index
          %swap3A_337 = arith.constant 64 : index
          %swap3A_338 = tpu.vector_load %arg15[%swap3A_336, %swap3A_337] {strides = array<i32>} : memref<64x128xf32, #tpu.memory_space<vmem>>, vector<1x16xf32>,
          %swap3A_339 = vector.shape_cast %swap3A_338 : vector<1x16xf32> to vector<16xf32>
          %swap3A_340 = vector.shape_cast %exp3A_335 : vector<16xf32> to vector<1x16xf32>
          tpu.vector_store %arg15[%swap3A_336, %swap3A_337], %swap3A_340 {strides = array<i32>} : memref<64x128xf32, #tpu.memory_space<vmem>>, vector<1x16xf32>,
          %get3A_341 = arith.index_cast %add3A_224 : i32 to index
          %get3A_342 = arith.constant 80 : index
          %get3A_343 = tpu.vector_load %arg14[%get3A_341, %get3A_342] {strides = array<i32>} : memref<64x128xf32, #tpu.memory_space<vmem>>, vector<1x16xf32>,
          %get3A_344 = vector.shape_cast %get3A_343 : vector<1x16xf32> to vector<16xf32>
          %get3A_345 = arith.index_cast %add3A_224 : i32 to index
          %get3A_346 = arith.constant 80 : index
          %get3A_347 = tpu.vector_load %arg15[%get3A_345, %get3A_346] {strides = array<i32>} : memref<64x128xf32, #tpu.memory_space<vmem>>, vector<1x16xf32>,
          %get3A_348 = vector.shape_cast %get3A_347 : vector<1x16xf32> to vector<16xf32>
          %add3A_349 = arith.addf %get3A_344, %get3A_348 : vector<16xf32>
          %get3A_350 = arith.index_cast %add3A_224 : i32 to index
          %get3A_351 = arith.constant 80 : index
          %get3A_352 = tpu.vector_load %arg16[%get3A_350, %get3A_351] {strides = array<i32>} : memref<64x128xf32, #tpu.memory_space<vmem>>, vector<1x16xf32>,
          %get3A_353 = vector.shape_cast %get3A_352 : vector<1x16xf32> to vector<16xf32>
          %add3A_354 = arith.addf %add3A_349, %get3A_353 : vector<16xf32>
          %mul3A_355 = arith.constant 2.000000e-01 : f32
          %mul3A_356 = vector.broadcast %mul3A_355 : f32 to vector<16xf32>
          %mul3A_357 = arith.mulf %mul3A_356, %add3A_354 : vector<16xf32>
          %max3A_358 = arith.maximumf %add3A_354, %mul3A_357 : vector<16xf32>
          %exp3A_359 = math.exp %max3A_358 : vector<16xf32>
          %swap3A_360 = arith.index_cast %add3A_224 : i32 to index
          %swap3A_361 = arith.constant 80 : index
          %swap3A_362 = tpu.vector_load %arg15[%swap3A_360, %swap3A_361] {strides = array<i32>} : memref<64x128xf32, #tpu.memory_space<vmem>>, vector<1x16xf32>,
          %swap3A_363 = vector.shape_cast %swap3A_362 : vector<1x16xf32> to vector<16xf32>
          %swap3A_364 = vector.shape_cast %exp3A_359 : vector<16xf32> to vector<1x16xf32>
          tpu.vector_store %arg15[%swap3A_360, %swap3A_361], %swap3A_364 {strides = array<i32>} : memref<64x128xf32, #tpu.memory_space<vmem>>, vector<1x16xf32>,
          %get3A_365 = arith.index_cast %add3A_224 : i32 to index
          %get3A_366 = arith.constant 96 : index
          %get3A_367 = tpu.vector_load %arg14[%get3A_365, %get3A_366] {strides = array<i32>} : memref<64x128xf32, #tpu.memory_space<vmem>>, vector<1x16xf32>,
          %get3A_368 = vector.shape_cast %get3A_367 : vector<1x16xf32> to vector<16xf32>
          %get3A_369 = arith.index_cast %add3A_224 : i32 to index
          %get3A_370 = arith.constant 96 : index
          %get3A_371 = tpu.vector_load %arg15[%get3A_369, %get3A_370] {strides = array<i32>} : memref<64x128xf32, #tpu.memory_space<vmem>>, vector<1x16xf32>,
          %get3A_372 = vector.shape_cast %get3A_371 : vector<1x16xf32> to vector<16xf32>
          %add3A_373 = arith.addf %get3A_368, %get3A_372 : vector<16xf32>
          %get3A_374 = arith.index_cast %add3A_224 : i32 to index
          %get3A_375 = arith.constant 96 : index
          %get3A_376 = tpu.vector_load %arg16[%get3A_374, %get3A_375] {strides = array<i32>} : memref<64x128xf32, #tpu.memory_space<vmem>>, vector<1x16xf32>,
          %get3A_377 = vector.shape_cast %get3A_376 : vector<1x16xf32> to vector<16xf32>
          %add3A_378 = arith.addf %add3A_373, %get3A_377 : vector<16xf32>
          %mul3A_379 = arith.constant 2.000000e-01 : f32
          %mul3A_380 = vector.broadcast %mul3A_379 : f32 to vector<16xf32>
          %mul3A_381 = arith.mulf %mul3A_380, %add3A_378 : vector<16xf32>
          %max3A_382 = arith.maximumf %add3A_378, %mul3A_381 : vector<16xf32>
          %exp3A_383 = math.exp %max3A_382 : vector<16xf32>
          %swap3A_384 = arith.index_cast %add3A_224 : i32 to index
          %swap3A_385 = arith.constant 96 : index
          %swap3A_386 = tpu.vector_load %arg15[%swap3A_384, %swap3A_385] {strides = array<i32>} : memref<64x128xf32, #tpu.memory_space<vmem>>, vector<1x16xf32>,
          %swap3A_387 = vector.shape_cast %swap3A_386 : vector<1x16xf32> to vector<16xf32>
          %swap3A_388 = vector.shape_cast %exp3A_383 : vector<16xf32> to vector<1x16xf32>
          tpu.vector_store %arg15[%swap3A_384, %swap3A_385], %swap3A_388 {strides = array<i32>} : memref<64x128xf32, #tpu.memory_space<vmem>>, vector<1x16xf32>,
          %get3A_389 = arith.index_cast %add3A_224 : i32 to index
          %get3A_390 = arith.constant 112 : index
          %get3A_391 = tpu.vector_load %arg14[%get3A_389, %get3A_390] {strides = array<i32>} : memref<64x128xf32, #tpu.memory_space<vmem>>, vector<1x16xf32>,
          %get3A_392 = vector.shape_cast %get3A_391 : vector<1x16xf32> to vector<16xf32>
          %get3A_393 = arith.index_cast %add3A_224 : i32 to index
          %get3A_394 = arith.constant 112 : index
          %get3A_395 = tpu.vector_load %arg15[%get3A_393, %get3A_394] {strides = array<i32>} : memref<64x128xf32, #tpu.memory_space<vmem>>, vector<1x16xf32>,
          %get3A_396 = vector.shape_cast %get3A_395 : vector<1x16xf32> to vector<16xf32>
          %add3A_397 = arith.addf %get3A_392, %get3A_396 : vector<16xf32>
          %get3A_398 = arith.index_cast %add3A_224 : i32 to index
          %get3A_399 = arith.constant 112 : index
          %get3A_400 = tpu.vector_load %arg16[%get3A_398, %get3A_399] {strides = array<i32>} : memref<64x128xf32, #tpu.memory_space<vmem>>, vector<1x16xf32>,
          %get3A_401 = vector.shape_cast %get3A_400 : vector<1x16xf32> to vector<16xf32>
          %add3A_402 = arith.addf %add3A_397, %get3A_401 : vector<16xf32>
          %mul3A_403 = arith.constant 2.000000e-01 : f32
          %mul3A_404 = vector.broadcast %mul3A_403 : f32 to vector<16xf32>
          %mul3A_405 = arith.mulf %mul3A_404, %add3A_402 : vector<16xf32>
          %max3A_406 = arith.maximumf %add3A_402, %mul3A_405 : vector<16xf32>
          %exp3A_407 = math.exp %max3A_406 : vector<16xf32>
          %swap3A_408 = arith.index_cast %add3A_224 : i32 to index
          %swap3A_409 = arith.constant 112 : index
          %swap3A_410 = tpu.vector_load %arg15[%swap3A_408, %swap3A_409] {strides = array<i32>} : memref<64x128xf32, #tpu.memory_space<vmem>>, vector<1x16xf32>,
          %swap3A_411 = vector.shape_cast %swap3A_410 : vector<1x16xf32> to vector<16xf32>
          %swap3A_412 = vector.shape_cast %exp3A_407 : vector<16xf32> to vector<1x16xf32>
          tpu.vector_store %arg15[%swap3A_408, %swap3A_409], %swap3A_412 {strides = array<i32>} : memref<64x128xf32, #tpu.memory_space<vmem>>, vector<1x16xf32>,
        }
        %scan3A_202 = arith.constant 64 : i32
        %mul3A_203 = arith.constant 32 : i32
        %mul3A_204 = arith.muli %add3A_159, %mul3A_203 : i32
        %add3A_205 = arith.addi %add3A, %mul3A_204 : i32
        %mul3A_206 = arith.constant 64 : i32
        %mul3A_207 = arith.muli %add3A_205, %mul3A_206 : i32
        %multiple_of3A_208 = tpu.assume_multiple %mul3A_207, 8 : i32
        %dma_start3A_209 = arith.constant 0 : i32
        %dma_start3A_210 = tpu.memref_slice %arg6[%multiple_of3A_208, %dma_start3A_209] : memref<320000x128xf32, #tpu.memory_space<hbm>> -> memref<64x128xf32, #tpu.memory_space<hbm>>
        %dma_start3A_211 = arith.constant 0 : i32
        %dma_start3A_212 = tpu.memref_slice %arg6[%multiple_of3A_208, %dma_start3A_211] : memref<320000x128xf32, #tpu.memory_space<hbm>> -> memref<64x128xf32, #tpu.memory_space<hbm>>
        tpu.enqueue_dma source(%arg15 : memref<64x128xf32, #tpu.memory_space<vmem>>) target(%dma_start3A_212 : memref<64x128xf32, #tpu.memory_space<hbm>>) target_semaphore(%arg26 : memref<!tpu.dma_semaphore, #tpu.memory_space<semaphore_mem>>)
        %dma_start3A_213 = arith.constant 1 : i32
        %dma_start3A_214 = arith.constant 0 : i32
        %dma_start3A_215 = tpu.memref_slice %arg10[%dma_start3A_213, %dma_start3A_214] : memref<2x64xi32, #tpu.memory_space<vmem>> -> memref<1x64xi32, #tpu.memory_space<vmem>>
        %dma_start3A_216 = tpu.memref_squeeze %dma_start3A_215 : memref<1x64xi32, #tpu.memory_space<vmem>> -> memref<64xi32, #tpu.memory_space<vmem>>
        %dma_start3A_217 = arith.constant 0 : i32
        %dma_start3A_218 = arith.constant 0 : i32
        %dma_start3A_219 = tpu.memref_slice %arg17[%dma_start3A_217, %dma_start3A_218] : memref<10000x128xf32, #tpu.memory_space<vmem_shared>> -> memref<10000x128xf32, #tpu.memory_space<vmem_shared>>
        tpu.enqueue_indirect_dma source(%arg15 : memref<64x128xf32, #tpu.memory_space<vmem>>) target(%dma_start3A_219 : memref<10000x128xf32, #tpu.memory_space<vmem_shared>>) offsets(%dma_start3A_216 : memref<64xi32, #tpu.memory_space<vmem>>) semaphore(%arg27 : memref<!tpu.dma_semaphore, #tpu.memory_space<semaphore_mem>>) {add = true}
      } else {
      }
    }
    %while3A_113 = arith.constant 1 : i32
    scf.for %while3A_150 = %while3A_111 to %while3A_107 step %while3A_113  : i32 {
      %mul3A_151 = arith.muli %while3A_150, %while3A_103 : i32
      %add3A_152 = arith.addi %while3A_104, %mul3A_151 : i32
      %add3A_153 = arith.constant 0 : i32
      %add3A_154 = arith.addi %add3A_152, %add3A_153 : i32
      %lt3A = arith.cmpi slt, %add3A_154, %select_n3A : i32
      %convert_element_type3A_155 = arith.extui %lt3A : i1 to i32
      %cond3A_156 = arith.constant 0 : i32
      %cond3A_157 = arith.cmpi ne, %convert_element_type3A_155, %cond3A_156 : i32
      scf.if %cond3A_157 {
        %dma_wait3A_164 = arith.constant 0 : i32
        %dma_wait3A_165 = arith.constant 0 : i32
        %dma_wait3A_166 = tpu.memref_slice %arg9[%dma_wait3A_164, %dma_wait3A_165] : memref<2x64xi32, #tpu.memory_space<vmem>> -> memref<1x64xi32, #tpu.memory_space<vmem>>
        %dma_wait3A_167 = tpu.memref_squeeze %dma_wait3A_166 : memref<1x64xi32, #tpu.memory_space<vmem>> -> memref<64xi32, #tpu.memory_space<vmem>>
        %dma_wait3A_168 = arith.constant 0 : i32
        %dma_wait3A_169 = arith.constant 0 : i32
        %dma_wait3A_170 = tpu.memref_slice %arg3[%dma_wait3A_168, %dma_wait3A_169] : memref<10000x128xf32, #tpu.memory_space<hbm>> -> memref<10000x128xf32, #tpu.memory_space<hbm>>
        tpu.wait_indirect_dma semaphore(%arg18 : memref<!tpu.dma_semaphore, #tpu.memory_space<semaphore_mem>>) src(%dma_wait3A_170 : memref<10000x128xf32, #tpu.memory_space<hbm>>) dst(%arg11 : memref<64x128xf32, #tpu.memory_space<vmem>>)
        %dma_wait3A_171 = arith.constant 1 : i32
        %dma_wait3A_172 = arith.constant 0 : i32
        %dma_wait3A_173 = tpu.memref_slice %arg9[%dma_wait3A_171, %dma_wait3A_172] : memref<2x64xi32, #tpu.memory_space<vmem>> -> memref<1x64xi32, #tpu.memory_space<vmem>>
        %dma_wait3A_174 = tpu.memref_squeeze %dma_wait3A_173 : memref<1x64xi32, #tpu.memory_space<vmem>> -> memref<64xi32, #tpu.memory_space<vmem>>
        %dma_wait3A_175 = arith.constant 0 : i32
        %dma_wait3A_176 = arith.constant 0 : i32
        %dma_wait3A_177 = tpu.memref_slice %arg4[%dma_wait3A_175, %dma_wait3A_176] : memref<10000x128xf32, #tpu.memory_space<hbm>> -> memref<10000x128xf32, #tpu.memory_space<hbm>>
        tpu.wait_indirect_dma semaphore(%arg19 : memref<!tpu.dma_semaphore, #tpu.memory_space<semaphore_mem>>) src(%dma_wait3A_177 : memref<10000x128xf32, #tpu.memory_space<hbm>>) dst(%arg12 : memref<64x128xf32, #tpu.memory_space<vmem>>)
        %dma_wait3A_178 = arith.constant 0 : i32
        %dma_wait3A_179 = arith.constant 0 : i32
        %dma_wait3A_180 = tpu.memref_slice %arg5[%dma_wait3A_178, %dma_wait3A_179] : memref<320000x128xf32, #tpu.memory_space<hbm>> -> memref<64x128xf32, #tpu.memory_space<hbm>>
        %dma_wait3A_181 = arith.constant 0 : i32
        %dma_wait3A_182 = arith.constant 0 : i32
        %dma_wait3A_183 = tpu.memref_slice %arg5[%dma_wait3A_181, %dma_wait3A_182] : memref<320000x128xf32, #tpu.memory_space<hbm>> -> memref<64x128xf32, #tpu.memory_space<hbm>>
        tpu.wait_dma2 semaphore(%arg20 : memref<!tpu.dma_semaphore, #tpu.memory_space<semaphore_mem>>) src(%dma_wait3A_183 : memref<64x128xf32, #tpu.memory_space<hbm>>) dst(%arg13 : memref<64x128xf32, #tpu.memory_space<vmem>>)
        %add3A_184 = arith.constant 1 : i32
        %add3A_185 = arith.addi %add3A_154, %add3A_184 : i32
        %lt3A_186 = arith.cmpi slt, %add3A_185, %select_n3A : i32
        %ge3A = arith.constant 1 : i32
        %ge3A_187 = arith.cmpi sge, %add3A_154, %ge3A : i32
        %and3A_188 = arith.andi %lt3A_186, %ge3A_187 : i1
        %convert_element_type3A_189 = arith.extui %and3A_188 : i1 to i32
        %cond3A_190 = arith.constant 0 : i32
        %cond3A_191 = arith.cmpi ne, %convert_element_type3A_189, %cond3A_190 : i32
        scf.if %cond3A_191 {
          %dma_wait3A_220 = arith.constant 0 : i32
          %dma_wait3A_221 = arith.constant 0 : i32
          %dma_wait3A_222 = tpu.memref_slice %arg6[%dma_wait3A_220, %dma_wait3A_221] : memref<320000x128xf32, #tpu.memory_space<hbm>> -> memref<64x128xf32, #tpu.memory_space<hbm>>
          %dma_wait3A_223 = arith.constant 0 : i32
          %dma_wait3A_224 = arith.constant 0 : i32
          %dma_wait3A_225 = tpu.memref_slice %arg6[%dma_wait3A_223, %dma_wait3A_224] : memref<320000x128xf32, #tpu.memory_space<hbm>> -> memref<64x128xf32, #tpu.memory_space<hbm>>
          tpu.wait_dma2 semaphore(%arg26 : memref<!tpu.dma_semaphore, #tpu.memory_space<semaphore_mem>>) src(%arg15 : memref<64x128xf32, #tpu.memory_space<vmem>>) dst(%dma_wait3A_225 : memref<64x128xf32, #tpu.memory_space<hbm>>)
          %dma_wait3A_226 = arith.constant 1 : i32
          %dma_wait3A_227 = arith.constant 0 : i32
          %dma_wait3A_228 = tpu.memref_slice %arg10[%dma_wait3A_226, %dma_wait3A_227] : memref<2x64xi32, #tpu.memory_space<vmem>> -> memref<1x64xi32, #tpu.memory_space<vmem>>
          %dma_wait3A_229 = tpu.memref_squeeze %dma_wait3A_228 : memref<1x64xi32, #tpu.memory_space<vmem>> -> memref<64xi32, #tpu.memory_space<vmem>>
          %dma_wait3A_230 = arith.constant 0 : i32
          %dma_wait3A_231 = arith.constant 0 : i32
          %dma_wait3A_232 = tpu.memref_slice %arg17[%dma_wait3A_230, %dma_wait3A_231] : memref<10000x128xf32, #tpu.memory_space<vmem_shared>> -> memref<10000x128xf32, #tpu.memory_space<vmem_shared>>
          tpu.wait_indirect_dma semaphore(%arg27 : memref<!tpu.dma_semaphore, #tpu.memory_space<semaphore_mem>>) src(%arg15 : memref<64x128xf32, #tpu.memory_space<vmem>>) dst(%dma_wait3A_232 : memref<10000x128xf32, #tpu.memory_space<vmem_shared>>)
        } else {
        }
        %add3A_192 = arith.constant 1 : i32
        %add3A_193 = arith.addi %add3A_154, %add3A_192 : i32
        %lt3A_194 = arith.cmpi slt, %add3A_193, %select_n3A : i32
        %convert_element_type3A_195 = arith.extui %lt3A_194 : i1 to i32
        %cond3A_196 = arith.constant 0 : i32
        %cond3A_197 = arith.cmpi ne, %convert_element_type3A_195, %cond3A_196 : i32
        scf.if %cond3A_197 {
          %add3A_220 = arith.constant 1 : i32
          %add3A_221 = arith.addi %add3A_154, %add3A_220 : i32
          %mul3A_222 = arith.constant 32 : i32
          %mul3A_223 = arith.muli %add3A_221, %mul3A_222 : i32
          %add3A_224 = arith.addi %add3A, %mul3A_223 : i32
          %mul3A_225 = arith.constant 64 : i32
          %mul3A_226 = arith.muli %add3A_224, %mul3A_225 : i32
          %multiple_of3A_227 = tpu.assume_multiple %mul3A_226, 8 : i32
          "tpu.region"() ({
            %run_scoped3A = tpu.sem_alloc : memref<!tpu.dma_semaphore, #tpu.memory_space<semaphore_mem>>
            %dma_start3A_246 = arith.constant 0 : i32
            %dma_start3A_247 = arith.constant 0 : i32
            %dma_start3A_248 = tpu.memref_slice %arg2[%add3A_224, %dma_start3A_246, %dma_start3A_247] : memref<5000x2x64xi32, #tpu.memory_space<hbm>> -> memref<1x2x64xi32, #tpu.memory_space<hbm>>
            %dma_start3A_249 = tpu.memref_squeeze %dma_start3A_248 : memref<1x2x64xi32, #tpu.memory_space<hbm>> -> memref<2x64xi32, #tpu.memory_space<hbm>>
            %dma_start3A_250 = arith.constant 0 : i32
            %dma_start3A_251 = arith.constant 0 : i32
            %dma_start3A_252 = tpu.memref_slice %arg2[%add3A_224, %dma_start3A_250, %dma_start3A_251] : memref<5000x2x64xi32, #tpu.memory_space<hbm>> -> memref<1x2x64xi32, #tpu.memory_space<hbm>>
            %dma_start3A_253 = tpu.memref_squeeze %dma_start3A_252 : memref<1x2x64xi32, #tpu.memory_space<hbm>> -> memref<2x64xi32, #tpu.memory_space<hbm>>
            tpu.enqueue_dma source(%dma_start3A_253 : memref<2x64xi32, #tpu.memory_space<hbm>>) target(%arg10 : memref<2x64xi32, #tpu.memory_space<vmem>>) target_semaphore(%run_scoped3A : memref<!tpu.dma_semaphore, #tpu.memory_space<semaphore_mem>>)
            %dma_wait3A_254 = arith.constant 0 : i32
            %dma_wait3A_255 = arith.constant 0 : i32
            %dma_wait3A_256 = tpu.memref_slice %arg2[%add3A_224, %dma_wait3A_254, %dma_wait3A_255] : memref<5000x2x64xi32, #tpu.memory_space<hbm>> -> memref<1x2x64xi32, #tpu.memory_space<hbm>>
            %dma_wait3A_257 = tpu.memref_squeeze %dma_wait3A_256 : memref<1x2x64xi32, #tpu.memory_space<hbm>> -> memref<2x64xi32, #tpu.memory_space<hbm>>
            %dma_wait3A_258 = arith.constant 0 : i32
            %dma_wait3A_259 = arith.constant 0 : i32
            %dma_wait3A_260 = tpu.memref_slice %arg2[%add3A_224, %dma_wait3A_258, %dma_wait3A_259] : memref<5000x2x64xi32, #tpu.memory_space<hbm>> -> memref<1x2x64xi32, #tpu.memory_space<hbm>>
            %dma_wait3A_261 = tpu.memref_squeeze %dma_wait3A_260 : memref<1x2x64xi32, #tpu.memory_space<hbm>> -> memref<2x64xi32, #tpu.memory_space<hbm>>
            tpu.wait_dma2 semaphore(%run_scoped3A : memref<!tpu.dma_semaphore, #tpu.memory_space<semaphore_mem>>) src(%dma_wait3A_261 : memref<2x64xi32, #tpu.memory_space<hbm>>) dst(%arg10 : memref<2x64xi32, #tpu.memory_space<vmem>>)
            tpu.yield
          }) : () -> ()
          %dma_start3A_228 = arith.constant 0 : i32
          %dma_start3A_229 = arith.constant 0 : i32
          %dma_start3A_230 = tpu.memref_slice %arg10[%dma_start3A_228, %dma_start3A_229] : memref<2x64xi32, #tpu.memory_space<vmem>> -> memref<1x64xi32, #tpu.memory_space<vmem>>
          %dma_start3A_231 = tpu.memref_squeeze %dma_start3A_230 : memref<1x64xi32, #tpu.memory_space<vmem>> -> memref<64xi32, #tpu.memory_space<vmem>>
          %dma_start3A_232 = arith.constant 0 : i32
          %dma_start3A_233 = arith.constant 0 : i32
          %dma_start3A_234 = tpu.memref_slice %arg3[%dma_start3A_232, %dma_start3A_233] : memref<10000x128xf32, #tpu.memory_space<hbm>> -> memref<10000x128xf32, #tpu.memory_space<hbm>>
          tpu.enqueue_indirect_dma source(%dma_start3A_234 : memref<10000x128xf32, #tpu.memory_space<hbm>>) target(%arg14 : memref<64x128xf32, #tpu.memory_space<vmem>>) offsets(%dma_start3A_231 : memref<64xi32, #tpu.memory_space<vmem>>) semaphore(%arg23 : memref<!tpu.dma_semaphore, #tpu.memory_space<semaphore_mem>>)
          %dma_start3A_235 = arith.constant 1 : i32
          %dma_start3A_236 = arith.constant 0 : i32
          %dma_start3A_237 = tpu.memref_slice %arg10[%dma_start3A_235, %dma_start3A_236] : memref<2x64xi32, #tpu.memory_space<vmem>> -> memref<1x64xi32, #tpu.memory_space<vmem>>
          %dma_start3A_238 = tpu.memref_squeeze %dma_start3A_237 : memref<1x64xi32, #tpu.memory_space<vmem>> -> memref<64xi32, #tpu.memory_space<vmem>>
          %dma_start3A_239 = arith.constant 0 : i32
          %dma_start3A_240 = arith.constant 0 : i32
          %dma_start3A_241 = tpu.memref_slice %arg4[%dma_start3A_239, %dma_start3A_240] : memref<10000x128xf32, #tpu.memory_space<hbm>> -> memref<10000x128xf32, #tpu.memory_space<hbm>>
          tpu.enqueue_indirect_dma source(%dma_start3A_241 : memref<10000x128xf32, #tpu.memory_space<hbm>>) target(%arg15 : memref<64x128xf32, #tpu.memory_space<vmem>>) offsets(%dma_start3A_238 : memref<64xi32, #tpu.memory_space<vmem>>) semaphore(%arg24 : memref<!tpu.dma_semaphore, #tpu.memory_space<semaphore_mem>>)
          %dma_start3A_242 = arith.constant 0 : i32
          %dma_start3A_243 = tpu.memref_slice %arg5[%multiple_of3A_227, %dma_start3A_242] : memref<320000x128xf32, #tpu.memory_space<hbm>> -> memref<64x128xf32, #tpu.memory_space<hbm>>
          %dma_start3A_244 = arith.constant 0 : i32
          %dma_start3A_245 = tpu.memref_slice %arg5[%multiple_of3A_227, %dma_start3A_244] : memref<320000x128xf32, #tpu.memory_space<hbm>> -> memref<64x128xf32, #tpu.memory_space<hbm>>
          tpu.enqueue_dma source(%dma_start3A_245 : memref<64x128xf32, #tpu.memory_space<hbm>>) target(%arg16 : memref<64x128xf32, #tpu.memory_space<vmem>>) target_semaphore(%arg25 : memref<!tpu.dma_semaphore, #tpu.memory_space<semaphore_mem>>)
        } else {
        }
        %scan3A_198 = arith.constant 0 : i32
        %scan3A_199 = arith.constant 64 : i32
        %scan3A_200 = arith.addi %scan3A_198, %scan3A_199 : i32
        %scan3A_201 = arith.constant 1 : i32
        scf.for %scan3A_220 = %scan3A_198 to %scan3A_200 step %scan3A_201  : i32 {
          %mul3A_221 = arith.constant 1 : i32
          %mul3A_222 = arith.muli %scan3A_220, %mul3A_221 : i32
          %add3A_223 = arith.constant 0 : i32
          %add3A_224 = arith.addi %add3A_223, %mul3A_222 : i32
          %get3A = arith.index_cast %add3A_224 : i32 to index
          %get3A_225 = arith.constant 0 : index
          %get3A_226 = tpu.vector_load %arg11[%get3A, %get3A_225] {strides = array<i32>} : memref<64x128xf32, #tpu.memory_space<vmem>>, vector<1x16xf32>,
          %get3A_227 = vector.shape_cast %get3A_226 : vector<1x16xf32> to vector<16xf32>
          %get3A_228 = arith.index_cast %add3A_224 : i32 to index
          %get3A_229 = arith.constant 0 : index
          %get3A_230 = tpu.vector_load %arg12[%get3A_228, %get3A_229] {strides = array<i32>} : memref<64x128xf32, #tpu.memory_space<vmem>>, vector<1x16xf32>,
          %get3A_231 = vector.shape_cast %get3A_230 : vector<1x16xf32> to vector<16xf32>
          %add3A_232 = arith.addf %get3A_227, %get3A_231 : vector<16xf32>
          %get3A_233 = arith.index_cast %add3A_224 : i32 to index
          %get3A_234 = arith.constant 0 : index
          %get3A_235 = tpu.vector_load %arg13[%get3A_233, %get3A_234] {strides = array<i32>} : memref<64x128xf32, #tpu.memory_space<vmem>>, vector<1x16xf32>,
          %get3A_236 = vector.shape_cast %get3A_235 : vector<1x16xf32> to vector<16xf32>
          %add3A_237 = arith.addf %add3A_232, %get3A_236 : vector<16xf32>
          %mul3A_238 = arith.constant 2.000000e-01 : f32
          %mul3A_239 = vector.broadcast %mul3A_238 : f32 to vector<16xf32>
          %mul3A_240 = arith.mulf %mul3A_239, %add3A_237 : vector<16xf32>
          %max3A = arith.maximumf %add3A_237, %mul3A_240 : vector<16xf32>
          %exp3A = math.exp %max3A : vector<16xf32>
          %swap3A = arith.index_cast %add3A_224 : i32 to index
          %swap3A_241 = arith.constant 0 : index
          %swap3A_242 = tpu.vector_load %arg12[%swap3A, %swap3A_241] {strides = array<i32>} : memref<64x128xf32, #tpu.memory_space<vmem>>, vector<1x16xf32>,
          %swap3A_243 = vector.shape_cast %swap3A_242 : vector<1x16xf32> to vector<16xf32>
          %swap3A_244 = vector.shape_cast %exp3A : vector<16xf32> to vector<1x16xf32>
          tpu.vector_store %arg12[%swap3A, %swap3A_241], %swap3A_244 {strides = array<i32>} : memref<64x128xf32, #tpu.memory_space<vmem>>, vector<1x16xf32>,
          %get3A_245 = arith.index_cast %add3A_224 : i32 to index
          %get3A_246 = arith.constant 16 : index
          %get3A_247 = tpu.vector_load %arg11[%get3A_245, %get3A_246] {strides = array<i32>} : memref<64x128xf32, #tpu.memory_space<vmem>>, vector<1x16xf32>,
          %get3A_248 = vector.shape_cast %get3A_247 : vector<1x16xf32> to vector<16xf32>
          %get3A_249 = arith.index_cast %add3A_224 : i32 to index
          %get3A_250 = arith.constant 16 : index
          %get3A_251 = tpu.vector_load %arg12[%get3A_249, %get3A_250] {strides = array<i32>} : memref<64x128xf32, #tpu.memory_space<vmem>>, vector<1x16xf32>,
          %get3A_252 = vector.shape_cast %get3A_251 : vector<1x16xf32> to vector<16xf32>
          %add3A_253 = arith.addf %get3A_248, %get3A_252 : vector<16xf32>
          %get3A_254 = arith.index_cast %add3A_224 : i32 to index
          %get3A_255 = arith.constant 16 : index
          %get3A_256 = tpu.vector_load %arg13[%get3A_254, %get3A_255] {strides = array<i32>} : memref<64x128xf32, #tpu.memory_space<vmem>>, vector<1x16xf32>,
          %get3A_257 = vector.shape_cast %get3A_256 : vector<1x16xf32> to vector<16xf32>
          %add3A_258 = arith.addf %add3A_253, %get3A_257 : vector<16xf32>
          %mul3A_259 = arith.constant 2.000000e-01 : f32
          %mul3A_260 = vector.broadcast %mul3A_259 : f32 to vector<16xf32>
          %mul3A_261 = arith.mulf %mul3A_260, %add3A_258 : vector<16xf32>
          %max3A_262 = arith.maximumf %add3A_258, %mul3A_261 : vector<16xf32>
          %exp3A_263 = math.exp %max3A_262 : vector<16xf32>
          %swap3A_264 = arith.index_cast %add3A_224 : i32 to index
          %swap3A_265 = arith.constant 16 : index
          %swap3A_266 = tpu.vector_load %arg12[%swap3A_264, %swap3A_265] {strides = array<i32>} : memref<64x128xf32, #tpu.memory_space<vmem>>, vector<1x16xf32>,
          %swap3A_267 = vector.shape_cast %swap3A_266 : vector<1x16xf32> to vector<16xf32>
          %swap3A_268 = vector.shape_cast %exp3A_263 : vector<16xf32> to vector<1x16xf32>
          tpu.vector_store %arg12[%swap3A_264, %swap3A_265], %swap3A_268 {strides = array<i32>} : memref<64x128xf32, #tpu.memory_space<vmem>>, vector<1x16xf32>,
          %get3A_269 = arith.index_cast %add3A_224 : i32 to index
          %get3A_270 = arith.constant 32 : index
          %get3A_271 = tpu.vector_load %arg11[%get3A_269, %get3A_270] {strides = array<i32>} : memref<64x128xf32, #tpu.memory_space<vmem>>, vector<1x16xf32>,
          %get3A_272 = vector.shape_cast %get3A_271 : vector<1x16xf32> to vector<16xf32>
          %get3A_273 = arith.index_cast %add3A_224 : i32 to index
          %get3A_274 = arith.constant 32 : index
          %get3A_275 = tpu.vector_load %arg12[%get3A_273, %get3A_274] {strides = array<i32>} : memref<64x128xf32, #tpu.memory_space<vmem>>, vector<1x16xf32>,
          %get3A_276 = vector.shape_cast %get3A_275 : vector<1x16xf32> to vector<16xf32>
          %add3A_277 = arith.addf %get3A_272, %get3A_276 : vector<16xf32>
          %get3A_278 = arith.index_cast %add3A_224 : i32 to index
          %get3A_279 = arith.constant 32 : index
          %get3A_280 = tpu.vector_load %arg13[%get3A_278, %get3A_279] {strides = array<i32>} : memref<64x128xf32, #tpu.memory_space<vmem>>, vector<1x16xf32>,
          %get3A_281 = vector.shape_cast %get3A_280 : vector<1x16xf32> to vector<16xf32>
          %add3A_282 = arith.addf %add3A_277, %get3A_281 : vector<16xf32>
          %mul3A_283 = arith.constant 2.000000e-01 : f32
          %mul3A_284 = vector.broadcast %mul3A_283 : f32 to vector<16xf32>
          %mul3A_285 = arith.mulf %mul3A_284, %add3A_282 : vector<16xf32>
          %max3A_286 = arith.maximumf %add3A_282, %mul3A_285 : vector<16xf32>
          %exp3A_287 = math.exp %max3A_286 : vector<16xf32>
          %swap3A_288 = arith.index_cast %add3A_224 : i32 to index
          %swap3A_289 = arith.constant 32 : index
          %swap3A_290 = tpu.vector_load %arg12[%swap3A_288, %swap3A_289] {strides = array<i32>} : memref<64x128xf32, #tpu.memory_space<vmem>>, vector<1x16xf32>,
          %swap3A_291 = vector.shape_cast %swap3A_290 : vector<1x16xf32> to vector<16xf32>
          %swap3A_292 = vector.shape_cast %exp3A_287 : vector<16xf32> to vector<1x16xf32>
          tpu.vector_store %arg12[%swap3A_288, %swap3A_289], %swap3A_292 {strides = array<i32>} : memref<64x128xf32, #tpu.memory_space<vmem>>, vector<1x16xf32>,
          %get3A_293 = arith.index_cast %add3A_224 : i32 to index
          %get3A_294 = arith.constant 48 : index
          %get3A_295 = tpu.vector_load %arg11[%get3A_293, %get3A_294] {strides = array<i32>} : memref<64x128xf32, #tpu.memory_space<vmem>>, vector<1x16xf32>,
          %get3A_296 = vector.shape_cast %get3A_295 : vector<1x16xf32> to vector<16xf32>
          %get3A_297 = arith.index_cast %add3A_224 : i32 to index
          %get3A_298 = arith.constant 48 : index
          %get3A_299 = tpu.vector_load %arg12[%get3A_297, %get3A_298] {strides = array<i32>} : memref<64x128xf32, #tpu.memory_space<vmem>>, vector<1x16xf32>,
          %get3A_300 = vector.shape_cast %get3A_299 : vector<1x16xf32> to vector<16xf32>
          %add3A_301 = arith.addf %get3A_296, %get3A_300 : vector<16xf32>
          %get3A_302 = arith.index_cast %add3A_224 : i32 to index
          %get3A_303 = arith.constant 48 : index
          %get3A_304 = tpu.vector_load %arg13[%get3A_302, %get3A_303] {strides = array<i32>} : memref<64x128xf32, #tpu.memory_space<vmem>>, vector<1x16xf32>,
          %get3A_305 = vector.shape_cast %get3A_304 : vector<1x16xf32> to vector<16xf32>
          %add3A_306 = arith.addf %add3A_301, %get3A_305 : vector<16xf32>
          %mul3A_307 = arith.constant 2.000000e-01 : f32
          %mul3A_308 = vector.broadcast %mul3A_307 : f32 to vector<16xf32>
          %mul3A_309 = arith.mulf %mul3A_308, %add3A_306 : vector<16xf32>
          %max3A_310 = arith.maximumf %add3A_306, %mul3A_309 : vector<16xf32>
          %exp3A_311 = math.exp %max3A_310 : vector<16xf32>
          %swap3A_312 = arith.index_cast %add3A_224 : i32 to index
          %swap3A_313 = arith.constant 48 : index
          %swap3A_314 = tpu.vector_load %arg12[%swap3A_312, %swap3A_313] {strides = array<i32>} : memref<64x128xf32, #tpu.memory_space<vmem>>, vector<1x16xf32>,
          %swap3A_315 = vector.shape_cast %swap3A_314 : vector<1x16xf32> to vector<16xf32>
          %swap3A_316 = vector.shape_cast %exp3A_311 : vector<16xf32> to vector<1x16xf32>
          tpu.vector_store %arg12[%swap3A_312, %swap3A_313], %swap3A_316 {strides = array<i32>} : memref<64x128xf32, #tpu.memory_space<vmem>>, vector<1x16xf32>,
          %get3A_317 = arith.index_cast %add3A_224 : i32 to index
          %get3A_318 = arith.constant 64 : index
          %get3A_319 = tpu.vector_load %arg11[%get3A_317, %get3A_318] {strides = array<i32>} : memref<64x128xf32, #tpu.memory_space<vmem>>, vector<1x16xf32>,
          %get3A_320 = vector.shape_cast %get3A_319 : vector<1x16xf32> to vector<16xf32>
          %get3A_321 = arith.index_cast %add3A_224 : i32 to index
          %get3A_322 = arith.constant 64 : index
          %get3A_323 = tpu.vector_load %arg12[%get3A_321, %get3A_322] {strides = array<i32>} : memref<64x128xf32, #tpu.memory_space<vmem>>, vector<1x16xf32>,
          %get3A_324 = vector.shape_cast %get3A_323 : vector<1x16xf32> to vector<16xf32>
          %add3A_325 = arith.addf %get3A_320, %get3A_324 : vector<16xf32>
          %get3A_326 = arith.index_cast %add3A_224 : i32 to index
          %get3A_327 = arith.constant 64 : index
          %get3A_328 = tpu.vector_load %arg13[%get3A_326, %get3A_327] {strides = array<i32>} : memref<64x128xf32, #tpu.memory_space<vmem>>, vector<1x16xf32>,
          %get3A_329 = vector.shape_cast %get3A_328 : vector<1x16xf32> to vector<16xf32>
          %add3A_330 = arith.addf %add3A_325, %get3A_329 : vector<16xf32>
          %mul3A_331 = arith.constant 2.000000e-01 : f32
          %mul3A_332 = vector.broadcast %mul3A_331 : f32 to vector<16xf32>
          %mul3A_333 = arith.mulf %mul3A_332, %add3A_330 : vector<16xf32>
          %max3A_334 = arith.maximumf %add3A_330, %mul3A_333 : vector<16xf32>
          %exp3A_335 = math.exp %max3A_334 : vector<16xf32>
          %swap3A_336 = arith.index_cast %add3A_224 : i32 to index
          %swap3A_337 = arith.constant 64 : index
          %swap3A_338 = tpu.vector_load %arg12[%swap3A_336, %swap3A_337] {strides = array<i32>} : memref<64x128xf32, #tpu.memory_space<vmem>>, vector<1x16xf32>,
          %swap3A_339 = vector.shape_cast %swap3A_338 : vector<1x16xf32> to vector<16xf32>
          %swap3A_340 = vector.shape_cast %exp3A_335 : vector<16xf32> to vector<1x16xf32>
          tpu.vector_store %arg12[%swap3A_336, %swap3A_337], %swap3A_340 {strides = array<i32>} : memref<64x128xf32, #tpu.memory_space<vmem>>, vector<1x16xf32>,
          %get3A_341 = arith.index_cast %add3A_224 : i32 to index
          %get3A_342 = arith.constant 80 : index
          %get3A_343 = tpu.vector_load %arg11[%get3A_341, %get3A_342] {strides = array<i32>} : memref<64x128xf32, #tpu.memory_space<vmem>>, vector<1x16xf32>,
          %get3A_344 = vector.shape_cast %get3A_343 : vector<1x16xf32> to vector<16xf32>
          %get3A_345 = arith.index_cast %add3A_224 : i32 to index
          %get3A_346 = arith.constant 80 : index
          %get3A_347 = tpu.vector_load %arg12[%get3A_345, %get3A_346] {strides = array<i32>} : memref<64x128xf32, #tpu.memory_space<vmem>>, vector<1x16xf32>,
          %get3A_348 = vector.shape_cast %get3A_347 : vector<1x16xf32> to vector<16xf32>
          %add3A_349 = arith.addf %get3A_344, %get3A_348 : vector<16xf32>
          %get3A_350 = arith.index_cast %add3A_224 : i32 to index
          %get3A_351 = arith.constant 80 : index
          %get3A_352 = tpu.vector_load %arg13[%get3A_350, %get3A_351] {strides = array<i32>} : memref<64x128xf32, #tpu.memory_space<vmem>>, vector<1x16xf32>,
          %get3A_353 = vector.shape_cast %get3A_352 : vector<1x16xf32> to vector<16xf32>
          %add3A_354 = arith.addf %add3A_349, %get3A_353 : vector<16xf32>
          %mul3A_355 = arith.constant 2.000000e-01 : f32
          %mul3A_356 = vector.broadcast %mul3A_355 : f32 to vector<16xf32>
          %mul3A_357 = arith.mulf %mul3A_356, %add3A_354 : vector<16xf32>
          %max3A_358 = arith.maximumf %add3A_354, %mul3A_357 : vector<16xf32>
          %exp3A_359 = math.exp %max3A_358 : vector<16xf32>
          %swap3A_360 = arith.index_cast %add3A_224 : i32 to index
          %swap3A_361 = arith.constant 80 : index
          %swap3A_362 = tpu.vector_load %arg12[%swap3A_360, %swap3A_361] {strides = array<i32>} : memref<64x128xf32, #tpu.memory_space<vmem>>, vector<1x16xf32>,
          %swap3A_363 = vector.shape_cast %swap3A_362 : vector<1x16xf32> to vector<16xf32>
          %swap3A_364 = vector.shape_cast %exp3A_359 : vector<16xf32> to vector<1x16xf32>
          tpu.vector_store %arg12[%swap3A_360, %swap3A_361], %swap3A_364 {strides = array<i32>} : memref<64x128xf32, #tpu.memory_space<vmem>>, vector<1x16xf32>,
          %get3A_365 = arith.index_cast %add3A_224 : i32 to index
          %get3A_366 = arith.constant 96 : index
          %get3A_367 = tpu.vector_load %arg11[%get3A_365, %get3A_366] {strides = array<i32>} : memref<64x128xf32, #tpu.memory_space<vmem>>, vector<1x16xf32>,
          %get3A_368 = vector.shape_cast %get3A_367 : vector<1x16xf32> to vector<16xf32>
          %get3A_369 = arith.index_cast %add3A_224 : i32 to index
          %get3A_370 = arith.constant 96 : index
          %get3A_371 = tpu.vector_load %arg12[%get3A_369, %get3A_370] {strides = array<i32>} : memref<64x128xf32, #tpu.memory_space<vmem>>, vector<1x16xf32>,
          %get3A_372 = vector.shape_cast %get3A_371 : vector<1x16xf32> to vector<16xf32>
          %add3A_373 = arith.addf %get3A_368, %get3A_372 : vector<16xf32>
          %get3A_374 = arith.index_cast %add3A_224 : i32 to index
          %get3A_375 = arith.constant 96 : index
          %get3A_376 = tpu.vector_load %arg13[%get3A_374, %get3A_375] {strides = array<i32>} : memref<64x128xf32, #tpu.memory_space<vmem>>, vector<1x16xf32>,
          %get3A_377 = vector.shape_cast %get3A_376 : vector<1x16xf32> to vector<16xf32>
          %add3A_378 = arith.addf %add3A_373, %get3A_377 : vector<16xf32>
          %mul3A_379 = arith.constant 2.000000e-01 : f32
          %mul3A_380 = vector.broadcast %mul3A_379 : f32 to vector<16xf32>
          %mul3A_381 = arith.mulf %mul3A_380, %add3A_378 : vector<16xf32>
          %max3A_382 = arith.maximumf %add3A_378, %mul3A_381 : vector<16xf32>
          %exp3A_383 = math.exp %max3A_382 : vector<16xf32>
          %swap3A_384 = arith.index_cast %add3A_224 : i32 to index
          %swap3A_385 = arith.constant 96 : index
          %swap3A_386 = tpu.vector_load %arg12[%swap3A_384, %swap3A_385] {strides = array<i32>} : memref<64x128xf32, #tpu.memory_space<vmem>>, vector<1x16xf32>,
          %swap3A_387 = vector.shape_cast %swap3A_386 : vector<1x16xf32> to vector<16xf32>
          %swap3A_388 = vector.shape_cast %exp3A_383 : vector<16xf32> to vector<1x16xf32>
          tpu.vector_store %arg12[%swap3A_384, %swap3A_385], %swap3A_388 {strides = array<i32>} : memref<64x128xf32, #tpu.memory_space<vmem>>, vector<1x16xf32>,
          %get3A_389 = arith.index_cast %add3A_224 : i32 to index
          %get3A_390 = arith.constant 112 : index
          %get3A_391 = tpu.vector_load %arg11[%get3A_389, %get3A_390] {strides = array<i32>} : memref<64x128xf32, #tpu.memory_space<vmem>>, vector<1x16xf32>,
          %get3A_392 = vector.shape_cast %get3A_391 : vector<1x16xf32> to vector<16xf32>
          %get3A_393 = arith.index_cast %add3A_224 : i32 to index
          %get3A_394 = arith.constant 112 : index
          %get3A_395 = tpu.vector_load %arg12[%get3A_393, %get3A_394] {strides = array<i32>} : memref<64x128xf32, #tpu.memory_space<vmem>>, vector<1x16xf32>,
          %get3A_396 = vector.shape_cast %get3A_395 : vector<1x16xf32> to vector<16xf32>
          %add3A_397 = arith.addf %get3A_392, %get3A_396 : vector<16xf32>
          %get3A_398 = arith.index_cast %add3A_224 : i32 to index
          %get3A_399 = arith.constant 112 : index
          %get3A_400 = tpu.vector_load %arg13[%get3A_398, %get3A_399] {strides = array<i32>} : memref<64x128xf32, #tpu.memory_space<vmem>>, vector<1x16xf32>,
          %get3A_401 = vector.shape_cast %get3A_400 : vector<1x16xf32> to vector<16xf32>
          %add3A_402 = arith.addf %add3A_397, %get3A_401 : vector<16xf32>
          %mul3A_403 = arith.constant 2.000000e-01 : f32
          %mul3A_404 = vector.broadcast %mul3A_403 : f32 to vector<16xf32>
          %mul3A_405 = arith.mulf %mul3A_404, %add3A_402 : vector<16xf32>
          %max3A_406 = arith.maximumf %add3A_402, %mul3A_405 : vector<16xf32>
          %exp3A_407 = math.exp %max3A_406 : vector<16xf32>
          %swap3A_408 = arith.index_cast %add3A_224 : i32 to index
          %swap3A_409 = arith.constant 112 : index
          %swap3A_410 = tpu.vector_load %arg12[%swap3A_408, %swap3A_409] {strides = array<i32>} : memref<64x128xf32, #tpu.memory_space<vmem>>, vector<1x16xf32>,
          %swap3A_411 = vector.shape_cast %swap3A_410 : vector<1x16xf32> to vector<16xf32>
          %swap3A_412 = vector.shape_cast %exp3A_407 : vector<16xf32> to vector<1x16xf32>
          tpu.vector_store %arg12[%swap3A_408, %swap3A_409], %swap3A_412 {strides = array<i32>} : memref<64x128xf32, #tpu.memory_space<vmem>>, vector<1x16xf32>,
        }
        %scan3A_202 = arith.constant 64 : i32
        %mul3A_203 = arith.constant 32 : i32
        %mul3A_204 = arith.muli %add3A_154, %mul3A_203 : i32
        %add3A_205 = arith.addi %add3A, %mul3A_204 : i32
        %mul3A_206 = arith.constant 64 : i32
        %mul3A_207 = arith.muli %add3A_205, %mul3A_206 : i32
        %multiple_of3A_208 = tpu.assume_multiple %mul3A_207, 8 : i32
        %dma_start3A_209 = arith.constant 0 : i32
        %dma_start3A_210 = tpu.memref_slice %arg6[%multiple_of3A_208, %dma_start3A_209] : memref<320000x128xf32, #tpu.memory_space<hbm>> -> memref<64x128xf32, #tpu.memory_space<hbm>>
        %dma_start3A_211 = arith.constant 0 : i32
        %dma_start3A_212 = tpu.memref_slice %arg6[%multiple_of3A_208, %dma_start3A_211] : memref<320000x128xf32, #tpu.memory_space<hbm>> -> memref<64x128xf32, #tpu.memory_space<hbm>>
        tpu.enqueue_dma source(%arg12 : memref<64x128xf32, #tpu.memory_space<vmem>>) target(%dma_start3A_212 : memref<64x128xf32, #tpu.memory_space<hbm>>) target_semaphore(%arg21 : memref<!tpu.dma_semaphore, #tpu.memory_space<semaphore_mem>>)
        %dma_start3A_213 = arith.constant 1 : i32
        %dma_start3A_214 = arith.constant 0 : i32
        %dma_start3A_215 = tpu.memref_slice %arg9[%dma_start3A_213, %dma_start3A_214] : memref<2x64xi32, #tpu.memory_space<vmem>> -> memref<1x64xi32, #tpu.memory_space<vmem>>
        %dma_start3A_216 = tpu.memref_squeeze %dma_start3A_215 : memref<1x64xi32, #tpu.memory_space<vmem>> -> memref<64xi32, #tpu.memory_space<vmem>>
        %dma_start3A_217 = arith.constant 0 : i32
        %dma_start3A_218 = arith.constant 0 : i32
        %dma_start3A_219 = tpu.memref_slice %arg17[%dma_start3A_217, %dma_start3A_218] : memref<10000x128xf32, #tpu.memory_space<vmem_shared>> -> memref<10000x128xf32, #tpu.memory_space<vmem_shared>>
        tpu.enqueue_indirect_dma source(%arg12 : memref<64x128xf32, #tpu.memory_space<vmem>>) target(%dma_start3A_219 : memref<10000x128xf32, #tpu.memory_space<vmem_shared>>) offsets(%dma_start3A_216 : memref<64xi32, #tpu.memory_space<vmem>>) semaphore(%arg22 : memref<!tpu.dma_semaphore, #tpu.memory_space<semaphore_mem>>) {add = true}
      } else {
      }
      %add3A_158 = arith.constant 1 : i32
      %add3A_159 = arith.addi %add3A_152, %add3A_158 : i32
      %lt3A_160 = arith.cmpi slt, %add3A_159, %select_n3A : i32
      %convert_element_type3A_161 = arith.extui %lt3A_160 : i1 to i32
      %cond3A_162 = arith.constant 0 : i32
      %cond3A_163 = arith.cmpi ne, %convert_element_type3A_161, %cond3A_162 : i32
      scf.if %cond3A_163 {
        %dma_wait3A_164 = arith.constant 0 : i32
        %dma_wait3A_165 = arith.constant 0 : i32
        %dma_wait3A_166 = tpu.memref_slice %arg10[%dma_wait3A_164, %dma_wait3A_165] : memref<2x64xi32, #tpu.memory_space<vmem>> -> memref<1x64xi32, #tpu.memory_space<vmem>>
        %dma_wait3A_167 = tpu.memref_squeeze %dma_wait3A_166 : memref<1x64xi32, #tpu.memory_space<vmem>> -> memref<64xi32, #tpu.memory_space<vmem>>
        %dma_wait3A_168 = arith.constant 0 : i32
        %dma_wait3A_169 = arith.constant 0 : i32
        %dma_wait3A_170 = tpu.memref_slice %arg3[%dma_wait3A_168, %dma_wait3A_169] : memref<10000x128xf32, #tpu.memory_space<hbm>> -> memref<10000x128xf32, #tpu.memory_space<hbm>>
        tpu.wait_indirect_dma semaphore(%arg23 : memref<!tpu.dma_semaphore, #tpu.memory_space<semaphore_mem>>) src(%dma_wait3A_170 : memref<10000x128xf32, #tpu.memory_space<hbm>>) dst(%arg14 : memref<64x128xf32, #tpu.memory_space<vmem>>)
        %dma_wait3A_171 = arith.constant 1 : i32
        %dma_wait3A_172 = arith.constant 0 : i32
        %dma_wait3A_173 = tpu.memref_slice %arg10[%dma_wait3A_171, %dma_wait3A_172] : memref<2x64xi32, #tpu.memory_space<vmem>> -> memref<1x64xi32, #tpu.memory_space<vmem>>
        %dma_wait3A_174 = tpu.memref_squeeze %dma_wait3A_173 : memref<1x64xi32, #tpu.memory_space<vmem>> -> memref<64xi32, #tpu.memory_space<vmem>>
        %dma_wait3A_175 = arith.constant 0 : i32
        %dma_wait3A_176 = arith.constant 0 : i32
        %dma_wait3A_177 = tpu.memref_slice %arg4[%dma_wait3A_175, %dma_wait3A_176] : memref<10000x128xf32, #tpu.memory_space<hbm>> -> memref<10000x128xf32, #tpu.memory_space<hbm>>
        tpu.wait_indirect_dma semaphore(%arg24 : memref<!tpu.dma_semaphore, #tpu.memory_space<semaphore_mem>>) src(%dma_wait3A_177 : memref<10000x128xf32, #tpu.memory_space<hbm>>) dst(%arg15 : memref<64x128xf32, #tpu.memory_space<vmem>>)
        %dma_wait3A_178 = arith.constant 0 : i32
        %dma_wait3A_179 = arith.constant 0 : i32
        %dma_wait3A_180 = tpu.memref_slice %arg5[%dma_wait3A_178, %dma_wait3A_179] : memref<320000x128xf32, #tpu.memory_space<hbm>> -> memref<64x128xf32, #tpu.memory_space<hbm>>
        %dma_wait3A_181 = arith.constant 0 : i32
        %dma_wait3A_182 = arith.constant 0 : i32
        %dma_wait3A_183 = tpu.memref_slice %arg5[%dma_wait3A_181, %dma_wait3A_182] : memref<320000x128xf32, #tpu.memory_space<hbm>> -> memref<64x128xf32, #tpu.memory_space<hbm>>
        tpu.wait_dma2 semaphore(%arg25 : memref<!tpu.dma_semaphore, #tpu.memory_space<semaphore_mem>>) src(%dma_wait3A_183 : memref<64x128xf32, #tpu.memory_space<hbm>>) dst(%arg16 : memref<64x128xf32, #tpu.memory_space<vmem>>)
        %add3A_184 = arith.constant 1 : i32
        %add3A_185 = arith.addi %add3A_159, %add3A_184 : i32
        %lt3A_186 = arith.cmpi slt, %add3A_185, %select_n3A : i32
        %ge3A = arith.constant 1 : i32
        %ge3A_187 = arith.cmpi sge, %add3A_159, %ge3A : i32
        %and3A_188 = arith.andi %lt3A_186, %ge3A_187 : i1
        %convert_element_type3A_189 = arith.extui %and3A_188 : i1 to i32
        %cond3A_190 = arith.constant 0 : i32
        %cond3A_191 = arith.cmpi ne, %convert_element_type3A_189, %cond3A_190 : i32
        scf.if %cond3A_191 {
          %dma_wait3A_220 = arith.constant 0 : i32
          %dma_wait3A_221 = arith.constant 0 : i32
          %dma_wait3A_222 = tpu.memref_slice %arg6[%dma_wait3A_220, %dma_wait3A_221] : memref<320000x128xf32, #tpu.memory_space<hbm>> -> memref<64x128xf32, #tpu.memory_space<hbm>>
          %dma_wait3A_223 = arith.constant 0 : i32
          %dma_wait3A_224 = arith.constant 0 : i32
          %dma_wait3A_225 = tpu.memref_slice %arg6[%dma_wait3A_223, %dma_wait3A_224] : memref<320000x128xf32, #tpu.memory_space<hbm>> -> memref<64x128xf32, #tpu.memory_space<hbm>>
          tpu.wait_dma2 semaphore(%arg21 : memref<!tpu.dma_semaphore, #tpu.memory_space<semaphore_mem>>) src(%arg12 : memref<64x128xf32, #tpu.memory_space<vmem>>) dst(%dma_wait3A_225 : memref<64x128xf32, #tpu.memory_space<hbm>>)
          %dma_wait3A_226 = arith.constant 1 : i32
          %dma_wait3A_227 = arith.constant 0 : i32
          %dma_wait3A_228 = tpu.memref_slice %arg9[%dma_wait3A_226, %dma_wait3A_227] : memref<2x64xi32, #tpu.memory_space<vmem>> -> memref<1x64xi32, #tpu.memory_space<vmem>>
          %dma_wait3A_229 = tpu.memref_squeeze %dma_wait3A_228 : memref<1x64xi32, #tpu.memory_space<vmem>> -> memref<64xi32, #tpu.memory_space<vmem>>
          %dma_wait3A_230 = arith.constant 0 : i32
          %dma_wait3A_231 = arith.constant 0 : i32
          %dma_wait3A_232 = tpu.memref_slice %arg17[%dma_wait3A_230, %dma_wait3A_231] : memref<10000x128xf32, #tpu.memory_space<vmem_shared>> -> memref<10000x128xf32, #tpu.memory_space<vmem_shared>>
          tpu.wait_indirect_dma semaphore(%arg22 : memref<!tpu.dma_semaphore, #tpu.memory_space<semaphore_mem>>) src(%arg12 : memref<64x128xf32, #tpu.memory_space<vmem>>) dst(%dma_wait3A_232 : memref<10000x128xf32, #tpu.memory_space<vmem_shared>>)
        } else {
        }
        %add3A_192 = arith.constant 1 : i32
        %add3A_193 = arith.addi %add3A_159, %add3A_192 : i32
        %lt3A_194 = arith.cmpi slt, %add3A_193, %select_n3A : i32
        %convert_element_type3A_195 = arith.extui %lt3A_194 : i1 to i32
        %cond3A_196 = arith.constant 0 : i32
        %cond3A_197 = arith.cmpi ne, %convert_element_type3A_195, %cond3A_196 : i32
        scf.if %cond3A_197 {
          %add3A_220 = arith.constant 1 : i32
          %add3A_221 = arith.addi %add3A_159, %add3A_220 : i32
          %mul3A_222 = arith.constant 32 : i32
          %mul3A_223 = arith.muli %add3A_221, %mul3A_222 : i32
          %add3A_224 = arith.addi %add3A, %mul3A_223 : i32
          %mul3A_225 = arith.constant 64 : i32
          %mul3A_226 = arith.muli %add3A_224, %mul3A_225 : i32
          %multiple_of3A_227 = tpu.assume_multiple %mul3A_226, 8 : i32
          "tpu.region"() ({
            %run_scoped3A = tpu.sem_alloc : memref<!tpu.dma_semaphore, #tpu.memory_space<semaphore_mem>>
            %dma_start3A_246 = arith.constant 0 : i32
            %dma_start3A_247 = arith.constant 0 : i32
            %dma_start3A_248 = tpu.memref_slice %arg2[%add3A_224, %dma_start3A_246, %dma_start3A_247] : memref<5000x2x64xi32, #tpu.memory_space<hbm>> -> memref<1x2x64xi32, #tpu.memory_space<hbm>>
            %dma_start3A_249 = tpu.memref_squeeze %dma_start3A_248 : memref<1x2x64xi32, #tpu.memory_space<hbm>> -> memref<2x64xi32, #tpu.memory_space<hbm>>
            %dma_start3A_250 = arith.constant 0 : i32
            %dma_start3A_251 = arith.constant 0 : i32
            %dma_start3A_252 = tpu.memref_slice %arg2[%add3A_224, %dma_start3A_250, %dma_start3A_251] : memref<5000x2x64xi32, #tpu.memory_space<hbm>> -> memref<1x2x64xi32, #tpu.memory_space<hbm>>
            %dma_start3A_253 = tpu.memref_squeeze %dma_start3A_252 : memref<1x2x64xi32, #tpu.memory_space<hbm>> -> memref<2x64xi32, #tpu.memory_space<hbm>>
            tpu.enqueue_dma source(%dma_start3A_253 : memref<2x64xi32, #tpu.memory_space<hbm>>) target(%arg9 : memref<2x64xi32, #tpu.memory_space<vmem>>) target_semaphore(%run_scoped3A : memref<!tpu.dma_semaphore, #tpu.memory_space<semaphore_mem>>)
            %dma_wait3A_254 = arith.constant 0 : i32
            %dma_wait3A_255 = arith.constant 0 : i32
            %dma_wait3A_256 = tpu.memref_slice %arg2[%add3A_224, %dma_wait3A_254, %dma_wait3A_255] : memref<5000x2x64xi32, #tpu.memory_space<hbm>> -> memref<1x2x64xi32, #tpu.memory_space<hbm>>
            %dma_wait3A_257 = tpu.memref_squeeze %dma_wait3A_256 : memref<1x2x64xi32, #tpu.memory_space<hbm>> -> memref<2x64xi32, #tpu.memory_space<hbm>>
            %dma_wait3A_258 = arith.constant 0 : i32
            %dma_wait3A_259 = arith.constant 0 : i32
            %dma_wait3A_260 = tpu.memref_slice %arg2[%add3A_224, %dma_wait3A_258, %dma_wait3A_259] : memref<5000x2x64xi32, #tpu.memory_space<hbm>> -> memref<1x2x64xi32, #tpu.memory_space<hbm>>
            %dma_wait3A_261 = tpu.memref_squeeze %dma_wait3A_260 : memref<1x2x64xi32, #tpu.memory_space<hbm>> -> memref<2x64xi32, #tpu.memory_space<hbm>>
            tpu.wait_dma2 semaphore(%run_scoped3A : memref<!tpu.dma_semaphore, #tpu.memory_space<semaphore_mem>>) src(%dma_wait3A_261 : memref<2x64xi32, #tpu.memory_space<hbm>>) dst(%arg9 : memref<2x64xi32, #tpu.memory_space<vmem>>)
            tpu.yield
          }) : () -> ()
          %dma_start3A_228 = arith.constant 0 : i32
          %dma_start3A_229 = arith.constant 0 : i32
          %dma_start3A_230 = tpu.memref_slice %arg9[%dma_start3A_228, %dma_start3A_229] : memref<2x64xi32, #tpu.memory_space<vmem>> -> memref<1x64xi32, #tpu.memory_space<vmem>>
          %dma_start3A_231 = tpu.memref_squeeze %dma_start3A_230 : memref<1x64xi32, #tpu.memory_space<vmem>> -> memref<64xi32, #tpu.memory_space<vmem>>
          %dma_start3A_232 = arith.constant 0 : i32
          %dma_start3A_233 = arith.constant 0 : i32
          %dma_start3A_234 = tpu.memref_slice %arg3[%dma_start3A_232, %dma_start3A_233] : memref<10000x128xf32, #tpu.memory_space<hbm>> -> memref<10000x128xf32, #tpu.memory_space<hbm>>
          tpu.enqueue_indirect_dma source(%dma_start3A_234 : memref<10000x128xf32, #tpu.memory_space<hbm>>) target(%arg11 : memref<64x128xf32, #tpu.memory_space<vmem>>) offsets(%dma_start3A_231 : memref<64xi32, #tpu.memory_space<vmem>>) semaphore(%arg18 : memref<!tpu.dma_semaphore, #tpu.memory_space<semaphore_mem>>)
          %dma_start3A_235 = arith.constant 1 : i32
          %dma_start3A_236 = arith.constant 0 : i32
          %dma_start3A_237 = tpu.memref_slice %arg9[%dma_start3A_235, %dma_start3A_236] : memref<2x64xi32, #tpu.memory_space<vmem>> -> memref<1x64xi32, #tpu.memory_space<vmem>>
          %dma_start3A_238 = tpu.memref_squeeze %dma_start3A_237 : memref<1x64xi32, #tpu.memory_space<vmem>> -> memref<64xi32, #tpu.memory_space<vmem>>
          %dma_start3A_239 = arith.constant 0 : i32
          %dma_start3A_240 = arith.constant 0 : i32
          %dma_start3A_241 = tpu.memref_slice %arg4[%dma_start3A_239, %dma_start3A_240] : memref<10000x128xf32, #tpu.memory_space<hbm>> -> memref<10000x128xf32, #tpu.memory_space<hbm>>
          tpu.enqueue_indirect_dma source(%dma_start3A_241 : memref<10000x128xf32, #tpu.memory_space<hbm>>) target(%arg12 : memref<64x128xf32, #tpu.memory_space<vmem>>) offsets(%dma_start3A_238 : memref<64xi32, #tpu.memory_space<vmem>>) semaphore(%arg19 : memref<!tpu.dma_semaphore, #tpu.memory_space<semaphore_mem>>)
          %dma_start3A_242 = arith.constant 0 : i32
          %dma_start3A_243 = tpu.memref_slice %arg5[%multiple_of3A_227, %dma_start3A_242] : memref<320000x128xf32, #tpu.memory_space<hbm>> -> memref<64x128xf32, #tpu.memory_space<hbm>>
          %dma_start3A_244 = arith.constant 0 : i32
          %dma_start3A_245 = tpu.memref_slice %arg5[%multiple_of3A_227, %dma_start3A_244] : memref<320000x128xf32, #tpu.memory_space<hbm>> -> memref<64x128xf32, #tpu.memory_space<hbm>>
          tpu.enqueue_dma source(%dma_start3A_245 : memref<64x128xf32, #tpu.memory_space<hbm>>) target(%arg13 : memref<64x128xf32, #tpu.memory_space<vmem>>) target_semaphore(%arg20 : memref<!tpu.dma_semaphore, #tpu.memory_space<semaphore_mem>>)
        } else {
        }
        %scan3A_198 = arith.constant 0 : i32
        %scan3A_199 = arith.constant 64 : i32
        %scan3A_200 = arith.addi %scan3A_198, %scan3A_199 : i32
        %scan3A_201 = arith.constant 1 : i32
        scf.for %scan3A_220 = %scan3A_198 to %scan3A_200 step %scan3A_201  : i32 {
          %mul3A_221 = arith.constant 1 : i32
          %mul3A_222 = arith.muli %scan3A_220, %mul3A_221 : i32
          %add3A_223 = arith.constant 0 : i32
          %add3A_224 = arith.addi %add3A_223, %mul3A_222 : i32
          %get3A = arith.index_cast %add3A_224 : i32 to index
          %get3A_225 = arith.constant 0 : index
          %get3A_226 = tpu.vector_load %arg14[%get3A, %get3A_225] {strides = array<i32>} : memref<64x128xf32, #tpu.memory_space<vmem>>, vector<1x16xf32>,
          %get3A_227 = vector.shape_cast %get3A_226 : vector<1x16xf32> to vector<16xf32>
          %get3A_228 = arith.index_cast %add3A_224 : i32 to index
          %get3A_229 = arith.constant 0 : index
          %get3A_230 = tpu.vector_load %arg15[%get3A_228, %get3A_229] {strides = array<i32>} : memref<64x128xf32, #tpu.memory_space<vmem>>, vector<1x16xf32>,
          %get3A_231 = vector.shape_cast %get3A_230 : vector<1x16xf32> to vector<16xf32>
          %add3A_232 = arith.addf %get3A_227, %get3A_231 : vector<16xf32>
          %get3A_233 = arith.index_cast %add3A_224 : i32 to index
          %get3A_234 = arith.constant 0 : index
          %get3A_235 = tpu.vector_load %arg16[%get3A_233, %get3A_234] {strides = array<i32>} : memref<64x128xf32, #tpu.memory_space<vmem>>, vector<1x16xf32>,
          %get3A_236 = vector.shape_cast %get3A_235 : vector<1x16xf32> to vector<16xf32>
          %add3A_237 = arith.addf %add3A_232, %get3A_236 : vector<16xf32>
          %mul3A_238 = arith.constant 2.000000e-01 : f32
          %mul3A_239 = vector.broadcast %mul3A_238 : f32 to vector<16xf32>
          %mul3A_240 = arith.mulf %mul3A_239, %add3A_237 : vector<16xf32>
          %max3A = arith.maximumf %add3A_237, %mul3A_240 : vector<16xf32>
          %exp3A = math.exp %max3A : vector<16xf32>
          %swap3A = arith.index_cast %add3A_224 : i32 to index
          %swap3A_241 = arith.constant 0 : index
          %swap3A_242 = tpu.vector_load %arg15[%swap3A, %swap3A_241] {strides = array<i32>} : memref<64x128xf32, #tpu.memory_space<vmem>>, vector<1x16xf32>,
          %swap3A_243 = vector.shape_cast %swap3A_242 : vector<1x16xf32> to vector<16xf32>
          %swap3A_244 = vector.shape_cast %exp3A : vector<16xf32> to vector<1x16xf32>
          tpu.vector_store %arg15[%swap3A, %swap3A_241], %swap3A_244 {strides = array<i32>} : memref<64x128xf32, #tpu.memory_space<vmem>>, vector<1x16xf32>,
          %get3A_245 = arith.index_cast %add3A_224 : i32 to index
          %get3A_246 = arith.constant 16 : index
          %get3A_247 = tpu.vector_load %arg14[%get3A_245, %get3A_246] {strides = array<i32>} : memref<64x128xf32, #tpu.memory_space<vmem>>, vector<1x16xf32>,
          %get3A_248 = vector.shape_cast %get3A_247 : vector<1x16xf32> to vector<16xf32>
          %get3A_249 = arith.index_cast %add3A_224 : i32 to index
          %get3A_250 = arith.constant 16 : index
          %get3A_251 = tpu.vector_load %arg15[%get3A_249, %get3A_250] {strides = array<i32>} : memref<64x128xf32, #tpu.memory_space<vmem>>, vector<1x16xf32>,
          %get3A_252 = vector.shape_cast %get3A_251 : vector<1x16xf32> to vector<16xf32>
          %add3A_253 = arith.addf %get3A_248, %get3A_252 : vector<16xf32>
          %get3A_254 = arith.index_cast %add3A_224 : i32 to index
          %get3A_255 = arith.constant 16 : index
          %get3A_256 = tpu.vector_load %arg16[%get3A_254, %get3A_255] {strides = array<i32>} : memref<64x128xf32, #tpu.memory_space<vmem>>, vector<1x16xf32>,
          %get3A_257 = vector.shape_cast %get3A_256 : vector<1x16xf32> to vector<16xf32>
          %add3A_258 = arith.addf %add3A_253, %get3A_257 : vector<16xf32>
          %mul3A_259 = arith.constant 2.000000e-01 : f32
          %mul3A_260 = vector.broadcast %mul3A_259 : f32 to vector<16xf32>
          %mul3A_261 = arith.mulf %mul3A_260, %add3A_258 : vector<16xf32>
          %max3A_262 = arith.maximumf %add3A_258, %mul3A_261 : vector<16xf32>
          %exp3A_263 = math.exp %max3A_262 : vector<16xf32>
          %swap3A_264 = arith.index_cast %add3A_224 : i32 to index
          %swap3A_265 = arith.constant 16 : index
          %swap3A_266 = tpu.vector_load %arg15[%swap3A_264, %swap3A_265] {strides = array<i32>} : memref<64x128xf32, #tpu.memory_space<vmem>>, vector<1x16xf32>,
          %swap3A_267 = vector.shape_cast %swap3A_266 : vector<1x16xf32> to vector<16xf32>
          %swap3A_268 = vector.shape_cast %exp3A_263 : vector<16xf32> to vector<1x16xf32>
          tpu.vector_store %arg15[%swap3A_264, %swap3A_265], %swap3A_268 {strides = array<i32>} : memref<64x128xf32, #tpu.memory_space<vmem>>, vector<1x16xf32>,
          %get3A_269 = arith.index_cast %add3A_224 : i32 to index
          %get3A_270 = arith.constant 32 : index
          %get3A_271 = tpu.vector_load %arg14[%get3A_269, %get3A_270] {strides = array<i32>} : memref<64x128xf32, #tpu.memory_space<vmem>>, vector<1x16xf32>,
          %get3A_272 = vector.shape_cast %get3A_271 : vector<1x16xf32> to vector<16xf32>
          %get3A_273 = arith.index_cast %add3A_224 : i32 to index
          %get3A_274 = arith.constant 32 : index
          %get3A_275 = tpu.vector_load %arg15[%get3A_273, %get3A_274] {strides = array<i32>} : memref<64x128xf32, #tpu.memory_space<vmem>>, vector<1x16xf32>,
          %get3A_276 = vector.shape_cast %get3A_275 : vector<1x16xf32> to vector<16xf32>
          %add3A_277 = arith.addf %get3A_272, %get3A_276 : vector<16xf32>
          %get3A_278 = arith.index_cast %add3A_224 : i32 to index
          %get3A_279 = arith.constant 32 : index
          %get3A_280 = tpu.vector_load %arg16[%get3A_278, %get3A_279] {strides = array<i32>} : memref<64x128xf32, #tpu.memory_space<vmem>>, vector<1x16xf32>,
          %get3A_281 = vector.shape_cast %get3A_280 : vector<1x16xf32> to vector<16xf32>
          %add3A_282 = arith.addf %add3A_277, %get3A_281 : vector<16xf32>
          %mul3A_283 = arith.constant 2.000000e-01 : f32
          %mul3A_284 = vector.broadcast %mul3A_283 : f32 to vector<16xf32>
          %mul3A_285 = arith.mulf %mul3A_284, %add3A_282 : vector<16xf32>
          %max3A_286 = arith.maximumf %add3A_282, %mul3A_285 : vector<16xf32>
          %exp3A_287 = math.exp %max3A_286 : vector<16xf32>
          %swap3A_288 = arith.index_cast %add3A_224 : i32 to index
          %swap3A_289 = arith.constant 32 : index
          %swap3A_290 = tpu.vector_load %arg15[%swap3A_288, %swap3A_289] {strides = array<i32>} : memref<64x128xf32, #tpu.memory_space<vmem>>, vector<1x16xf32>,
          %swap3A_291 = vector.shape_cast %swap3A_290 : vector<1x16xf32> to vector<16xf32>
          %swap3A_292 = vector.shape_cast %exp3A_287 : vector<16xf32> to vector<1x16xf32>
          tpu.vector_store %arg15[%swap3A_288, %swap3A_289], %swap3A_292 {strides = array<i32>} : memref<64x128xf32, #tpu.memory_space<vmem>>, vector<1x16xf32>,
          %get3A_293 = arith.index_cast %add3A_224 : i32 to index
          %get3A_294 = arith.constant 48 : index
          %get3A_295 = tpu.vector_load %arg14[%get3A_293, %get3A_294] {strides = array<i32>} : memref<64x128xf32, #tpu.memory_space<vmem>>, vector<1x16xf32>,
          %get3A_296 = vector.shape_cast %get3A_295 : vector<1x16xf32> to vector<16xf32>
          %get3A_297 = arith.index_cast %add3A_224 : i32 to index
          %get3A_298 = arith.constant 48 : index
          %get3A_299 = tpu.vector_load %arg15[%get3A_297, %get3A_298] {strides = array<i32>} : memref<64x128xf32, #tpu.memory_space<vmem>>, vector<1x16xf32>,
          %get3A_300 = vector.shape_cast %get3A_299 : vector<1x16xf32> to vector<16xf32>
          %add3A_301 = arith.addf %get3A_296, %get3A_300 : vector<16xf32>
          %get3A_302 = arith.index_cast %add3A_224 : i32 to index
          %get3A_303 = arith.constant 48 : index
          %get3A_304 = tpu.vector_load %arg16[%get3A_302, %get3A_303] {strides = array<i32>} : memref<64x128xf32, #tpu.memory_space<vmem>>, vector<1x16xf32>,
          %get3A_305 = vector.shape_cast %get3A_304 : vector<1x16xf32> to vector<16xf32>
          %add3A_306 = arith.addf %add3A_301, %get3A_305 : vector<16xf32>
          %mul3A_307 = arith.constant 2.000000e-01 : f32
          %mul3A_308 = vector.broadcast %mul3A_307 : f32 to vector<16xf32>
          %mul3A_309 = arith.mulf %mul3A_308, %add3A_306 : vector<16xf32>
          %max3A_310 = arith.maximumf %add3A_306, %mul3A_309 : vector<16xf32>
          %exp3A_311 = math.exp %max3A_310 : vector<16xf32>
          %swap3A_312 = arith.index_cast %add3A_224 : i32 to index
          %swap3A_313 = arith.constant 48 : index
          %swap3A_314 = tpu.vector_load %arg15[%swap3A_312, %swap3A_313] {strides = array<i32>} : memref<64x128xf32, #tpu.memory_space<vmem>>, vector<1x16xf32>,
          %swap3A_315 = vector.shape_cast %swap3A_314 : vector<1x16xf32> to vector<16xf32>
          %swap3A_316 = vector.shape_cast %exp3A_311 : vector<16xf32> to vector<1x16xf32>
          tpu.vector_store %arg15[%swap3A_312, %swap3A_313], %swap3A_316 {strides = array<i32>} : memref<64x128xf32, #tpu.memory_space<vmem>>, vector<1x16xf32>,
          %get3A_317 = arith.index_cast %add3A_224 : i32 to index
          %get3A_318 = arith.constant 64 : index
          %get3A_319 = tpu.vector_load %arg14[%get3A_317, %get3A_318] {strides = array<i32>} : memref<64x128xf32, #tpu.memory_space<vmem>>, vector<1x16xf32>,
          %get3A_320 = vector.shape_cast %get3A_319 : vector<1x16xf32> to vector<16xf32>
          %get3A_321 = arith.index_cast %add3A_224 : i32 to index
          %get3A_322 = arith.constant 64 : index
          %get3A_323 = tpu.vector_load %arg15[%get3A_321, %get3A_322] {strides = array<i32>} : memref<64x128xf32, #tpu.memory_space<vmem>>, vector<1x16xf32>,
          %get3A_324 = vector.shape_cast %get3A_323 : vector<1x16xf32> to vector<16xf32>
          %add3A_325 = arith.addf %get3A_320, %get3A_324 : vector<16xf32>
          %get3A_326 = arith.index_cast %add3A_224 : i32 to index
          %get3A_327 = arith.constant 64 : index
          %get3A_328 = tpu.vector_load %arg16[%get3A_326, %get3A_327] {strides = array<i32>} : memref<64x128xf32, #tpu.memory_space<vmem>>, vector<1x16xf32>,
          %get3A_329 = vector.shape_cast %get3A_328 : vector<1x16xf32> to vector<16xf32>
          %add3A_330 = arith.addf %add3A_325, %get3A_329 : vector<16xf32>
          %mul3A_331 = arith.constant 2.000000e-01 : f32
          %mul3A_332 = vector.broadcast %mul3A_331 : f32 to vector<16xf32>
          %mul3A_333 = arith.mulf %mul3A_332, %add3A_330 : vector<16xf32>
          %max3A_334 = arith.maximumf %add3A_330, %mul3A_333 : vector<16xf32>
          %exp3A_335 = math.exp %max3A_334 : vector<16xf32>
          %swap3A_336 = arith.index_cast %add3A_224 : i32 to index
          %swap3A_337 = arith.constant 64 : index
          %swap3A_338 = tpu.vector_load %arg15[%swap3A_336, %swap3A_337] {strides = array<i32>} : memref<64x128xf32, #tpu.memory_space<vmem>>, vector<1x16xf32>,
          %swap3A_339 = vector.shape_cast %swap3A_338 : vector<1x16xf32> to vector<16xf32>
          %swap3A_340 = vector.shape_cast %exp3A_335 : vector<16xf32> to vector<1x16xf32>
          tpu.vector_store %arg15[%swap3A_336, %swap3A_337], %swap3A_340 {strides = array<i32>} : memref<64x128xf32, #tpu.memory_space<vmem>>, vector<1x16xf32>,
          %get3A_341 = arith.index_cast %add3A_224 : i32 to index
          %get3A_342 = arith.constant 80 : index
          %get3A_343 = tpu.vector_load %arg14[%get3A_341, %get3A_342] {strides = array<i32>} : memref<64x128xf32, #tpu.memory_space<vmem>>, vector<1x16xf32>,
          %get3A_344 = vector.shape_cast %get3A_343 : vector<1x16xf32> to vector<16xf32>
          %get3A_345 = arith.index_cast %add3A_224 : i32 to index
          %get3A_346 = arith.constant 80 : index
          %get3A_347 = tpu.vector_load %arg15[%get3A_345, %get3A_346] {strides = array<i32>} : memref<64x128xf32, #tpu.memory_space<vmem>>, vector<1x16xf32>,
          %get3A_348 = vector.shape_cast %get3A_347 : vector<1x16xf32> to vector<16xf32>
          %add3A_349 = arith.addf %get3A_344, %get3A_348 : vector<16xf32>
          %get3A_350 = arith.index_cast %add3A_224 : i32 to index
          %get3A_351 = arith.constant 80 : index
          %get3A_352 = tpu.vector_load %arg16[%get3A_350, %get3A_351] {strides = array<i32>} : memref<64x128xf32, #tpu.memory_space<vmem>>, vector<1x16xf32>,
          %get3A_353 = vector.shape_cast %get3A_352 : vector<1x16xf32> to vector<16xf32>
          %add3A_354 = arith.addf %add3A_349, %get3A_353 : vector<16xf32>
          %mul3A_355 = arith.constant 2.000000e-01 : f32
          %mul3A_356 = vector.broadcast %mul3A_355 : f32 to vector<16xf32>
          %mul3A_357 = arith.mulf %mul3A_356, %add3A_354 : vector<16xf32>
          %max3A_358 = arith.maximumf %add3A_354, %mul3A_357 : vector<16xf32>
          %exp3A_359 = math.exp %max3A_358 : vector<16xf32>
          %swap3A_360 = arith.index_cast %add3A_224 : i32 to index
          %swap3A_361 = arith.constant 80 : index
          %swap3A_362 = tpu.vector_load %arg15[%swap3A_360, %swap3A_361] {strides = array<i32>} : memref<64x128xf32, #tpu.memory_space<vmem>>, vector<1x16xf32>,
          %swap3A_363 = vector.shape_cast %swap3A_362 : vector<1x16xf32> to vector<16xf32>
          %swap3A_364 = vector.shape_cast %exp3A_359 : vector<16xf32> to vector<1x16xf32>
          tpu.vector_store %arg15[%swap3A_360, %swap3A_361], %swap3A_364 {strides = array<i32>} : memref<64x128xf32, #tpu.memory_space<vmem>>, vector<1x16xf32>,
          %get3A_365 = arith.index_cast %add3A_224 : i32 to index
          %get3A_366 = arith.constant 96 : index
          %get3A_367 = tpu.vector_load %arg14[%get3A_365, %get3A_366] {strides = array<i32>} : memref<64x128xf32, #tpu.memory_space<vmem>>, vector<1x16xf32>,
          %get3A_368 = vector.shape_cast %get3A_367 : vector<1x16xf32> to vector<16xf32>
          %get3A_369 = arith.index_cast %add3A_224 : i32 to index
          %get3A_370 = arith.constant 96 : index
          %get3A_371 = tpu.vector_load %arg15[%get3A_369, %get3A_370] {strides = array<i32>} : memref<64x128xf32, #tpu.memory_space<vmem>>, vector<1x16xf32>,
          %get3A_372 = vector.shape_cast %get3A_371 : vector<1x16xf32> to vector<16xf32>
          %add3A_373 = arith.addf %get3A_368, %get3A_372 : vector<16xf32>
          %get3A_374 = arith.index_cast %add3A_224 : i32 to index
          %get3A_375 = arith.constant 96 : index
          %get3A_376 = tpu.vector_load %arg16[%get3A_374, %get3A_375] {strides = array<i32>} : memref<64x128xf32, #tpu.memory_space<vmem>>, vector<1x16xf32>,
          %get3A_377 = vector.shape_cast %get3A_376 : vector<1x16xf32> to vector<16xf32>
          %add3A_378 = arith.addf %add3A_373, %get3A_377 : vector<16xf32>
          %mul3A_379 = arith.constant 2.000000e-01 : f32
          %mul3A_380 = vector.broadcast %mul3A_379 : f32 to vector<16xf32>
          %mul3A_381 = arith.mulf %mul3A_380, %add3A_378 : vector<16xf32>
          %max3A_382 = arith.maximumf %add3A_378, %mul3A_381 : vector<16xf32>
          %exp3A_383 = math.exp %max3A_382 : vector<16xf32>
          %swap3A_384 = arith.index_cast %add3A_224 : i32 to index
          %swap3A_385 = arith.constant 96 : index
          %swap3A_386 = tpu.vector_load %arg15[%swap3A_384, %swap3A_385] {strides = array<i32>} : memref<64x128xf32, #tpu.memory_space<vmem>>, vector<1x16xf32>,
          %swap3A_387 = vector.shape_cast %swap3A_386 : vector<1x16xf32> to vector<16xf32>
          %swap3A_388 = vector.shape_cast %exp3A_383 : vector<16xf32> to vector<1x16xf32>
          tpu.vector_store %arg15[%swap3A_384, %swap3A_385], %swap3A_388 {strides = array<i32>} : memref<64x128xf32, #tpu.memory_space<vmem>>, vector<1x16xf32>,
          %get3A_389 = arith.index_cast %add3A_224 : i32 to index
          %get3A_390 = arith.constant 112 : index
          %get3A_391 = tpu.vector_load %arg14[%get3A_389, %get3A_390] {strides = array<i32>} : memref<64x128xf32, #tpu.memory_space<vmem>>, vector<1x16xf32>,
          %get3A_392 = vector.shape_cast %get3A_391 : vector<1x16xf32> to vector<16xf32>
          %get3A_393 = arith.index_cast %add3A_224 : i32 to index
          %get3A_394 = arith.constant 112 : index
          %get3A_395 = tpu.vector_load %arg15[%get3A_393, %get3A_394] {strides = array<i32>} : memref<64x128xf32, #tpu.memory_space<vmem>>, vector<1x16xf32>,
          %get3A_396 = vector.shape_cast %get3A_395 : vector<1x16xf32> to vector<16xf32>
          %add3A_397 = arith.addf %get3A_392, %get3A_396 : vector<16xf32>
          %get3A_398 = arith.index_cast %add3A_224 : i32 to index
          %get3A_399 = arith.constant 112 : index
          %get3A_400 = tpu.vector_load %arg16[%get3A_398, %get3A_399] {strides = array<i32>} : memref<64x128xf32, #tpu.memory_space<vmem>>, vector<1x16xf32>,
          %get3A_401 = vector.shape_cast %get3A_400 : vector<1x16xf32> to vector<16xf32>
          %add3A_402 = arith.addf %add3A_397, %get3A_401 : vector<16xf32>
          %mul3A_403 = arith.constant 2.000000e-01 : f32
          %mul3A_404 = vector.broadcast %mul3A_403 : f32 to vector<16xf32>
          %mul3A_405 = arith.mulf %mul3A_404, %add3A_402 : vector<16xf32>
          %max3A_406 = arith.maximumf %add3A_402, %mul3A_405 : vector<16xf32>
          %exp3A_407 = math.exp %max3A_406 : vector<16xf32>
          %swap3A_408 = arith.index_cast %add3A_224 : i32 to index
          %swap3A_409 = arith.constant 112 : index
          %swap3A_410 = tpu.vector_load %arg15[%swap3A_408, %swap3A_409] {strides = array<i32>} : memref<64x128xf32, #tpu.memory_space<vmem>>, vector<1x16xf32>,
          %swap3A_411 = vector.shape_cast %swap3A_410 : vector<1x16xf32> to vector<16xf32>
          %swap3A_412 = vector.shape_cast %exp3A_407 : vector<16xf32> to vector<1x16xf32>
          tpu.vector_store %arg15[%swap3A_408, %swap3A_409], %swap3A_412 {strides = array<i32>} : memref<64x128xf32, #tpu.memory_space<vmem>>, vector<1x16xf32>,
        }
        %scan3A_202 = arith.constant 64 : i32
        %mul3A_203 = arith.constant 32 : i32
        %mul3A_204 = arith.muli %add3A_159, %mul3A_203 : i32
        %add3A_205 = arith.addi %add3A, %mul3A_204 : i32
        %mul3A_206 = arith.constant 64 : i32
        %mul3A_207 = arith.muli %add3A_205, %mul3A_206 : i32
        %multiple_of3A_208 = tpu.assume_multiple %mul3A_207, 8 : i32
        %dma_start3A_209 = arith.constant 0 : i32
        %dma_start3A_210 = tpu.memref_slice %arg6[%multiple_of3A_208, %dma_start3A_209] : memref<320000x128xf32, #tpu.memory_space<hbm>> -> memref<64x128xf32, #tpu.memory_space<hbm>>
        %dma_start3A_211 = arith.constant 0 : i32
        %dma_start3A_212 = tpu.memref_slice %arg6[%multiple_of3A_208, %dma_start3A_211] : memref<320000x128xf32, #tpu.memory_space<hbm>> -> memref<64x128xf32, #tpu.memory_space<hbm>>
        tpu.enqueue_dma source(%arg15 : memref<64x128xf32, #tpu.memory_space<vmem>>) target(%dma_start3A_212 : memref<64x128xf32, #tpu.memory_space<hbm>>) target_semaphore(%arg26 : memref<!tpu.dma_semaphore, #tpu.memory_space<semaphore_mem>>)
        %dma_start3A_213 = arith.constant 1 : i32
        %dma_start3A_214 = arith.constant 0 : i32
        %dma_start3A_215 = tpu.memref_slice %arg10[%dma_start3A_213, %dma_start3A_214] : memref<2x64xi32, #tpu.memory_space<vmem>> -> memref<1x64xi32, #tpu.memory_space<vmem>>
        %dma_start3A_216 = tpu.memref_squeeze %dma_start3A_215 : memref<1x64xi32, #tpu.memory_space<vmem>> -> memref<64xi32, #tpu.memory_space<vmem>>
        %dma_start3A_217 = arith.constant 0 : i32
        %dma_start3A_218 = arith.constant 0 : i32
        %dma_start3A_219 = tpu.memref_slice %arg17[%dma_start3A_217, %dma_start3A_218] : memref<10000x128xf32, #tpu.memory_space<vmem_shared>> -> memref<10000x128xf32, #tpu.memory_space<vmem_shared>>
        tpu.enqueue_indirect_dma source(%arg15 : memref<64x128xf32, #tpu.memory_space<vmem>>) target(%dma_start3A_219 : memref<10000x128xf32, #tpu.memory_space<vmem_shared>>) offsets(%dma_start3A_216 : memref<64xi32, #tpu.memory_space<vmem>>) semaphore(%arg27 : memref<!tpu.dma_semaphore, #tpu.memory_space<semaphore_mem>>) {add = true}
      } else {
      }
    }
    %dma_wait3A = arith.constant 0 : i32
    %dma_wait3A_114 = arith.constant 0 : i32
    %dma_wait3A_115 = tpu.memref_slice %arg6[%dma_wait3A, %dma_wait3A_114] : memref<320000x128xf32, #tpu.memory_space<hbm>> -> memref<64x128xf32, #tpu.memory_space<hbm>>
    %dma_wait3A_116 = arith.constant 0 : i32
    %dma_wait3A_117 = arith.constant 0 : i32
    %dma_wait3A_118 = tpu.memref_slice %arg6[%dma_wait3A_116, %dma_wait3A_117] : memref<320000x128xf32, #tpu.memory_space<hbm>> -> memref<64x128xf32, #tpu.memory_space<hbm>>
    tpu.wait_dma2 semaphore(%arg21 : memref<!tpu.dma_semaphore, #tpu.memory_space<semaphore_mem>>) src(%arg12 : memref<64x128xf32, #tpu.memory_space<vmem>>) dst(%dma_wait3A_118 : memref<64x128xf32, #tpu.memory_space<hbm>>)
    %dma_wait3A_119 = arith.constant 1 : i32
    %dma_wait3A_120 = arith.constant 0 : i32
    %dma_wait3A_121 = tpu.memref_slice %arg9[%dma_wait3A_119, %dma_wait3A_120] : memref<2x64xi32, #tpu.memory_space<vmem>> -> memref<1x64xi32, #tpu.memory_space<vmem>>
    %dma_wait3A_122 = tpu.memref_squeeze %dma_wait3A_121 : memref<1x64xi32, #tpu.memory_space<vmem>> -> memref<64xi32, #tpu.memory_space<vmem>>
    %dma_wait3A_123 = arith.constant 0 : i32
    %dma_wait3A_124 = arith.constant 0 : i32
    %dma_wait3A_125 = tpu.memref_slice %arg17[%dma_wait3A_123, %dma_wait3A_124] : memref<10000x128xf32, #tpu.memory_space<vmem_shared>> -> memref<10000x128xf32, #tpu.memory_space<vmem_shared>>
    tpu.wait_indirect_dma semaphore(%arg22 : memref<!tpu.dma_semaphore, #tpu.memory_space<semaphore_mem>>) src(%arg12 : memref<64x128xf32, #tpu.memory_space<vmem>>) dst(%dma_wait3A_125 : memref<10000x128xf32, #tpu.memory_space<vmem_shared>>)
    %dma_wait3A_126 = arith.constant 0 : i32
    %dma_wait3A_127 = arith.constant 0 : i32
    %dma_wait3A_128 = tpu.memref_slice %arg6[%dma_wait3A_126, %dma_wait3A_127] : memref<320000x128xf32, #tpu.memory_space<hbm>> -> memref<64x128xf32, #tpu.memory_space<hbm>>
    %dma_wait3A_129 = arith.constant 0 : i32
    %dma_wait3A_130 = arith.constant 0 : i32
    %dma_wait3A_131 = tpu.memref_slice %arg6[%dma_wait3A_129, %dma_wait3A_130] : memref<320000x128xf32, #tpu.memory_space<hbm>> -> memref<64x128xf32, #tpu.memory_space<hbm>>
    tpu.wait_dma2 semaphore(%arg26 : memref<!tpu.dma_semaphore, #tpu.memory_space<semaphore_mem>>) src(%arg15 : memref<64x128xf32, #tpu.memory_space<vmem>>) dst(%dma_wait3A_131 : memref<64x128xf32, #tpu.memory_space<hbm>>)
    %dma_wait3A_132 = arith.constant 1 : i32
    %dma_wait3A_133 = arith.constant 0 : i32
    %dma_wait3A_134 = tpu.memref_slice %arg10[%dma_wait3A_132, %dma_wait3A_133] : memref<2x64xi32, #tpu.memory_space<vmem>> -> memref<1x64xi32, #tpu.memory_space<vmem>>
    %dma_wait3A_135 = tpu.memref_squeeze %dma_wait3A_134 : memref<1x64xi32, #tpu.memory_space<vmem>> -> memref<64xi32, #tpu.memory_space<vmem>>
    %dma_wait3A_136 = arith.constant 0 : i32
    %dma_wait3A_137 = arith.constant 0 : i32
    %dma_wait3A_138 = tpu.memref_slice %arg17[%dma_wait3A_136, %dma_wait3A_137] : memref<10000x128xf32, #tpu.memory_space<vmem_shared>> -> memref<10000x128xf32, #tpu.memory_space<vmem_shared>>
    tpu.wait_indirect_dma semaphore(%arg27 : memref<!tpu.dma_semaphore, #tpu.memory_space<semaphore_mem>>) src(%arg15 : memref<64x128xf32, #tpu.memory_space<vmem>>) dst(%dma_wait3A_138 : memref<10000x128xf32, #tpu.memory_space<vmem_shared>>)
    %barrier3A_139 = arith.constant 0 : index
    tpu.barrier barrier_id(%barrier3A_139)
    %eq3A_140 = arith.constant 0 : i32
    %eq3A_141 = arith.cmpi eq, %arg0, %eq3A_140 : i32
    %convert_element_type3A_142 = arith.extui %eq3A_141 : i1 to i32
    %cond3A_143 = arith.constant 0 : i32
    %cond3A_144 = arith.cmpi ne, %convert_element_type3A_142, %cond3A_143 : i32
    scf.if %cond3A_144 {
      %sub3A_150 = arith.constant 156 : i32
      %sub3A_151 = arith.subi %sub3A_150, %arg1 : i32
      %sub3A_152 = arith.constant 16 : i32
      %sub3A_153 = arith.constant 1 : i32
      %sub3A_154 = arith.subi %sub3A_152, %sub3A_153 : i32
      %add3A_155 = arith.addi %sub3A_151, %sub3A_154 : i32
      %div3A_156 = arith.constant 16 : i32
      %div3A_157 = arith.divsi %add3A_155, %div3A_156 : i32
      %while3A_158 = arith.constant 16 : i32
      %while3A_159 = arith.constant 0 : i32
      %while3A_160 = arith.subi %div3A_157, %while3A_159 : i32
      %while3A_161 = arith.addi %while3A_159, %while3A_160 : i32
      %while3A_162 = arith.constant 1 : i32
      %while3A_163 = arith.divsi %while3A_160, %while3A_162 : i32
      %while3A_164 = arith.muli %while3A_163, %while3A_162 : i32
      %while3A_165 = arith.addi %while3A_159, %while3A_164 : i32
      %while3A_166 = arith.constant 1 : i32
      scf.for %while3A_173 = %while3A_159 to %while3A_165 step %while3A_166  : i32 {
        %mul3A_174 = arith.muli %while3A_173, %while3A_158 : i32
        %add3A_175 = arith.addi %arg1, %mul3A_174 : i32
        %mul3A_176 = arith.constant 64 : i32
        %mul3A_177 = arith.muli %add3A_175, %mul3A_176 : i32
        %multiple_of3A_178 = tpu.assume_multiple %mul3A_177, 8 : i32
        "tpu.region"() ({
          %run_scoped3A = tpu.sem_alloc : memref<!tpu.dma_semaphore, #tpu.memory_space<semaphore_mem>>
          %dma_start3A_179 = arith.constant 0 : i32
          %dma_start3A_180 = tpu.memref_slice %arg7[%multiple_of3A_178, %dma_start3A_179] : memref<10000x128xf32, #tpu.memory_space<hbm>> -> memref<64x128xf32, #tpu.memory_space<hbm>>
          %dma_start3A_181 = arith.constant 0 : i32
          %dma_start3A_182 = tpu.memref_slice %arg17[%multiple_of3A_178, %dma_start3A_181] : memref<10000x128xf32, #tpu.memory_space<vmem_shared>> -> memref<64x128xf32, #tpu.memory_space<vmem_shared>>
          tpu.enqueue_dma source(%dma_start3A_182 : memref<64x128xf32, #tpu.memory_space<vmem_shared>>) target(%dma_start3A_180 : memref<64x128xf32, #tpu.memory_space<hbm>>) target_semaphore(%run_scoped3A : memref<!tpu.dma_semaphore, #tpu.memory_space<semaphore_mem>>)
          %dma_wait3A_183 = arith.constant 0 : i32
          %dma_wait3A_184 = tpu.memref_slice %arg7[%multiple_of3A_178, %dma_wait3A_183] : memref<10000x128xf32, #tpu.memory_space<hbm>> -> memref<64x128xf32, #tpu.memory_space<hbm>>
          %dma_wait3A_185 = arith.constant 0 : i32
          %dma_wait3A_186 = tpu.memref_slice %arg17[%multiple_of3A_178, %dma_wait3A_185] : memref<10000x128xf32, #tpu.memory_space<vmem_shared>> -> memref<64x128xf32, #tpu.memory_space<vmem_shared>>
          tpu.wait_dma2 semaphore(%run_scoped3A : memref<!tpu.dma_semaphore, #tpu.memory_space<semaphore_mem>>) src(%dma_wait3A_186 : memref<64x128xf32, #tpu.memory_space<vmem_shared>>) dst(%dma_wait3A_184 : memref<64x128xf32, #tpu.memory_space<hbm>>)
          tpu.yield
        }) : () -> ()
      }
      %while3A_167 = arith.constant 1 : i32
      scf.for %while3A_173 = %while3A_165 to %while3A_161 step %while3A_167  : i32 {
        %mul3A_174 = arith.muli %while3A_173, %while3A_158 : i32
        %add3A_175 = arith.addi %arg1, %mul3A_174 : i32
        %mul3A_176 = arith.constant 64 : i32
        %mul3A_177 = arith.muli %add3A_175, %mul3A_176 : i32
        %multiple_of3A_178 = tpu.assume_multiple %mul3A_177, 8 : i32
        "tpu.region"() ({
          %run_scoped3A = tpu.sem_alloc : memref<!tpu.dma_semaphore, #tpu.memory_space<semaphore_mem>>
          %dma_start3A_179 = arith.constant 0 : i32
          %dma_start3A_180 = tpu.memref_slice %arg7[%multiple_of3A_178, %dma_start3A_179] : memref<10000x128xf32, #tpu.memory_space<hbm>> -> memref<64x128xf32, #tpu.memory_space<hbm>>
          %dma_start3A_181 = arith.constant 0 : i32
          %dma_start3A_182 = tpu.memref_slice %arg17[%multiple_of3A_178, %dma_start3A_181] : memref<10000x128xf32, #tpu.memory_space<vmem_shared>> -> memref<64x128xf32, #tpu.memory_space<vmem_shared>>
          tpu.enqueue_dma source(%dma_start3A_182 : memref<64x128xf32, #tpu.memory_space<vmem_shared>>) target(%dma_start3A_180 : memref<64x128xf32, #tpu.memory_space<hbm>>) target_semaphore(%run_scoped3A : memref<!tpu.dma_semaphore, #tpu.memory_space<semaphore_mem>>)
          %dma_wait3A_183 = arith.constant 0 : i32
          %dma_wait3A_184 = tpu.memref_slice %arg7[%multiple_of3A_178, %dma_wait3A_183] : memref<10000x128xf32, #tpu.memory_space<hbm>> -> memref<64x128xf32, #tpu.memory_space<hbm>>
          %dma_wait3A_185 = arith.constant 0 : i32
          %dma_wait3A_186 = tpu.memref_slice %arg17[%multiple_of3A_178, %dma_wait3A_185] : memref<10000x128xf32, #tpu.memory_space<vmem_shared>> -> memref<64x128xf32, #tpu.memory_space<vmem_shared>>
          tpu.wait_dma2 semaphore(%run_scoped3A : memref<!tpu.dma_semaphore, #tpu.memory_space<semaphore_mem>>) src(%dma_wait3A_186 : memref<64x128xf32, #tpu.memory_space<vmem_shared>>) dst(%dma_wait3A_184 : memref<64x128xf32, #tpu.memory_space<hbm>>)
          tpu.yield
        }) : () -> ()
      }
      %eq3A_168 = arith.constant 0 : i32
      %eq3A_169 = arith.cmpi eq, %arg1, %eq3A_168 : i32
      %convert_element_type3A_170 = arith.extui %eq3A_169 : i1 to i32
      %cond3A_171 = arith.constant 0 : i32
      %cond3A_172 = arith.cmpi ne, %convert_element_type3A_170, %cond3A_171 : i32
      scf.if %cond3A_172 {
        "tpu.region"() ({
          %run_scoped3A = tpu.sem_alloc : memref<!tpu.dma_semaphore, #tpu.memory_space<semaphore_mem>>
          %dma_start3A_173 = arith.constant 9984 : i32
          %dma_start3A_174 = arith.constant 0 : i32
          %dma_start3A_175 = tpu.memref_slice %arg7[%dma_start3A_173, %dma_start3A_174] : memref<10000x128xf32, #tpu.memory_space<hbm>> -> memref<16x128xf32, #tpu.memory_space<hbm>>
          %dma_start3A_176 = arith.constant 9984 : i32
          %dma_start3A_177 = arith.constant 0 : i32
          %dma_start3A_178 = tpu.memref_slice %arg17[%dma_start3A_176, %dma_start3A_177] : memref<10000x128xf32, #tpu.memory_space<vmem_shared>> -> memref<16x128xf32, #tpu.memory_space<vmem_shared>>
          tpu.enqueue_dma source(%dma_start3A_178 : memref<16x128xf32, #tpu.memory_space<vmem_shared>>) target(%dma_start3A_175 : memref<16x128xf32, #tpu.memory_space<hbm>>) target_semaphore(%run_scoped3A : memref<!tpu.dma_semaphore, #tpu.memory_space<semaphore_mem>>)
          %dma_wait3A_179 = arith.constant 9984 : i32
          %dma_wait3A_180 = arith.constant 0 : i32
          %dma_wait3A_181 = tpu.memref_slice %arg7[%dma_wait3A_179, %dma_wait3A_180] : memref<10000x128xf32, #tpu.memory_space<hbm>> -> memref<16x128xf32, #tpu.memory_space<hbm>>
          %dma_wait3A_182 = arith.constant 9984 : i32
          %dma_wait3A_183 = arith.constant 0 : i32
          %dma_wait3A_184 = tpu.memref_slice %arg17[%dma_wait3A_182, %dma_wait3A_183] : memref<10000x128xf32, #tpu.memory_space<vmem_shared>> -> memref<16x128xf32, #tpu.memory_space<vmem_shared>>
          tpu.wait_dma2 semaphore(%run_scoped3A : memref<!tpu.dma_semaphore, #tpu.memory_space<semaphore_mem>>) src(%dma_wait3A_184 : memref<16x128xf32, #tpu.memory_space<vmem_shared>>) dst(%dma_wait3A_181 : memref<16x128xf32, #tpu.memory_space<hbm>>)
          tpu.yield
        }) : () -> ()
      } else {
      }
    } else {
    }
    %eq3A_145 = arith.constant 1 : i32
    %eq3A_146 = arith.cmpi eq, %arg0, %eq3A_145 : i32
    %convert_element_type3A_147 = arith.extui %eq3A_146 : i1 to i32
    %cond3A_148 = arith.constant 0 : i32
    %cond3A_149 = arith.cmpi ne, %convert_element_type3A_147, %cond3A_148 : i32
    scf.if %cond3A_149 {
      %sub3A_150 = arith.constant 156 : i32
      %sub3A_151 = arith.subi %sub3A_150, %arg1 : i32
      %sub3A_152 = arith.constant 16 : i32
      %sub3A_153 = arith.constant 1 : i32
      %sub3A_154 = arith.subi %sub3A_152, %sub3A_153 : i32
      %add3A_155 = arith.addi %sub3A_151, %sub3A_154 : i32
      %div3A_156 = arith.constant 16 : i32
      %div3A_157 = arith.divsi %add3A_155, %div3A_156 : i32
      %while3A_158 = arith.constant 16 : i32
      %while3A_159 = arith.constant 0 : i32
      %while3A_160 = arith.subi %div3A_157, %while3A_159 : i32
      %while3A_161 = arith.addi %while3A_159, %while3A_160 : i32
      %while3A_162 = arith.constant 1 : i32
      %while3A_163 = arith.divsi %while3A_160, %while3A_162 : i32
      %while3A_164 = arith.muli %while3A_163, %while3A_162 : i32
      %while3A_165 = arith.addi %while3A_159, %while3A_164 : i32
      %while3A_166 = arith.constant 1 : i32
      scf.for %while3A_173 = %while3A_159 to %while3A_165 step %while3A_166  : i32 {
        %mul3A_174 = arith.muli %while3A_173, %while3A_158 : i32
        %add3A_175 = arith.addi %arg1, %mul3A_174 : i32
        %mul3A_176 = arith.constant 64 : i32
        %mul3A_177 = arith.muli %add3A_175, %mul3A_176 : i32
        %multiple_of3A_178 = tpu.assume_multiple %mul3A_177, 8 : i32
        "tpu.region"() ({
          %run_scoped3A = tpu.sem_alloc : memref<!tpu.dma_semaphore, #tpu.memory_space<semaphore_mem>>
          %dma_start3A_179 = arith.constant 0 : i32
          %dma_start3A_180 = tpu.memref_slice %arg8[%multiple_of3A_178, %dma_start3A_179] : memref<10000x128xf32, #tpu.memory_space<hbm>> -> memref<64x128xf32, #tpu.memory_space<hbm>>
          %dma_start3A_181 = arith.constant 0 : i32
          %dma_start3A_182 = tpu.memref_slice %arg17[%multiple_of3A_178, %dma_start3A_181] : memref<10000x128xf32, #tpu.memory_space<vmem_shared>> -> memref<64x128xf32, #tpu.memory_space<vmem_shared>>
          tpu.enqueue_dma source(%dma_start3A_182 : memref<64x128xf32, #tpu.memory_space<vmem_shared>>) target(%dma_start3A_180 : memref<64x128xf32, #tpu.memory_space<hbm>>) target_semaphore(%run_scoped3A : memref<!tpu.dma_semaphore, #tpu.memory_space<semaphore_mem>>)
          %dma_wait3A_183 = arith.constant 0 : i32
          %dma_wait3A_184 = tpu.memref_slice %arg8[%multiple_of3A_178, %dma_wait3A_183] : memref<10000x128xf32, #tpu.memory_space<hbm>> -> memref<64x128xf32, #tpu.memory_space<hbm>>
          %dma_wait3A_185 = arith.constant 0 : i32
          %dma_wait3A_186 = tpu.memref_slice %arg17[%multiple_of3A_178, %dma_wait3A_185] : memref<10000x128xf32, #tpu.memory_space<vmem_shared>> -> memref<64x128xf32, #tpu.memory_space<vmem_shared>>
          tpu.wait_dma2 semaphore(%run_scoped3A : memref<!tpu.dma_semaphore, #tpu.memory_space<semaphore_mem>>) src(%dma_wait3A_186 : memref<64x128xf32, #tpu.memory_space<vmem_shared>>) dst(%dma_wait3A_184 : memref<64x128xf32, #tpu.memory_space<hbm>>)
          tpu.yield
        }) : () -> ()
      }
      %while3A_167 = arith.constant 1 : i32
      scf.for %while3A_173 = %while3A_165 to %while3A_161 step %while3A_167  : i32 {
        %mul3A_174 = arith.muli %while3A_173, %while3A_158 : i32
        %add3A_175 = arith.addi %arg1, %mul3A_174 : i32
        %mul3A_176 = arith.constant 64 : i32
        %mul3A_177 = arith.muli %add3A_175, %mul3A_176 : i32
        %multiple_of3A_178 = tpu.assume_multiple %mul3A_177, 8 : i32
        "tpu.region"() ({
          %run_scoped3A = tpu.sem_alloc : memref<!tpu.dma_semaphore, #tpu.memory_space<semaphore_mem>>
          %dma_start3A_179 = arith.constant 0 : i32
          %dma_start3A_180 = tpu.memref_slice %arg8[%multiple_of3A_178, %dma_start3A_179] : memref<10000x128xf32, #tpu.memory_space<hbm>> -> memref<64x128xf32, #tpu.memory_space<hbm>>
          %dma_start3A_181 = arith.constant 0 : i32
          %dma_start3A_182 = tpu.memref_slice %arg17[%multiple_of3A_178, %dma_start3A_181] : memref<10000x128xf32, #tpu.memory_space<vmem_shared>> -> memref<64x128xf32, #tpu.memory_space<vmem_shared>>
          tpu.enqueue_dma source(%dma_start3A_182 : memref<64x128xf32, #tpu.memory_space<vmem_shared>>) target(%dma_start3A_180 : memref<64x128xf32, #tpu.memory_space<hbm>>) target_semaphore(%run_scoped3A : memref<!tpu.dma_semaphore, #tpu.memory_space<semaphore_mem>>)
          %dma_wait3A_183 = arith.constant 0 : i32
          %dma_wait3A_184 = tpu.memref_slice %arg8[%multiple_of3A_178, %dma_wait3A_183] : memref<10000x128xf32, #tpu.memory_space<hbm>> -> memref<64x128xf32, #tpu.memory_space<hbm>>
          %dma_wait3A_185 = arith.constant 0 : i32
          %dma_wait3A_186 = tpu.memref_slice %arg17[%multiple_of3A_178, %dma_wait3A_185] : memref<10000x128xf32, #tpu.memory_space<vmem_shared>> -> memref<64x128xf32, #tpu.memory_space<vmem_shared>>
          tpu.wait_dma2 semaphore(%run_scoped3A : memref<!tpu.dma_semaphore, #tpu.memory_space<semaphore_mem>>) src(%dma_wait3A_186 : memref<64x128xf32, #tpu.memory_space<vmem_shared>>) dst(%dma_wait3A_184 : memref<64x128xf32, #tpu.memory_space<hbm>>)
          tpu.yield
        }) : () -> ()
      }
      %eq3A_168 = arith.constant 0 : i32
      %eq3A_169 = arith.cmpi eq, %arg1, %eq3A_168 : i32
      %convert_element_type3A_170 = arith.extui %eq3A_169 : i1 to i32
      %cond3A_171 = arith.constant 0 : i32
      %cond3A_172 = arith.cmpi ne, %convert_element_type3A_170, %cond3A_171 : i32
      scf.if %cond3A_172 {
        "tpu.region"() ({
          %run_scoped3A = tpu.sem_alloc : memref<!tpu.dma_semaphore, #tpu.memory_space<semaphore_mem>>
          %dma_start3A_173 = arith.constant 9984 : i32
          %dma_start3A_174 = arith.constant 0 : i32
          %dma_start3A_175 = tpu.memref_slice %arg8[%dma_start3A_173, %dma_start3A_174] : memref<10000x128xf32, #tpu.memory_space<hbm>> -> memref<16x128xf32, #tpu.memory_space<hbm>>
          %dma_start3A_176 = arith.constant 9984 : i32
          %dma_start3A_177 = arith.constant 0 : i32
          %dma_start3A_178 = tpu.memref_slice %arg17[%dma_start3A_176, %dma_start3A_177] : memref<10000x128xf32, #tpu.memory_space<vmem_shared>> -> memref<16x128xf32, #tpu.memory_space<vmem_shared>>
          tpu.enqueue_dma source(%dma_start3A_178 : memref<16x128xf32, #tpu.memory_space<vmem_shared>>) target(%dma_start3A_175 : memref<16x128xf32, #tpu.memory_space<hbm>>) target_semaphore(%run_scoped3A : memref<!tpu.dma_semaphore, #tpu.memory_space<semaphore_mem>>)
          %dma_wait3A_179 = arith.constant 9984 : i32
          %dma_wait3A_180 = arith.constant 0 : i32
          %dma_wait3A_181 = tpu.memref_slice %arg8[%dma_wait3A_179, %dma_wait3A_180] : memref<10000x128xf32, #tpu.memory_space<hbm>> -> memref<16x128xf32, #tpu.memory_space<hbm>>
          %dma_wait3A_182 = arith.constant 9984 : i32
          %dma_wait3A_183 = arith.constant 0 : i32
          %dma_wait3A_184 = tpu.memref_slice %arg17[%dma_wait3A_182, %dma_wait3A_183] : memref<10000x128xf32, #tpu.memory_space<vmem_shared>> -> memref<16x128xf32, #tpu.memory_space<vmem_shared>>
          tpu.wait_dma2 semaphore(%run_scoped3A : memref<!tpu.dma_semaphore, #tpu.memory_space<semaphore_mem>>) src(%dma_wait3A_184 : memref<16x128xf32, #tpu.memory_space<vmem_shared>>) dst(%dma_wait3A_181 : memref<16x128xf32, #tpu.memory_space<hbm>>)
          tpu.yield
        }) : () -> ()
      } else {
      }
    } else {
    }
    return
  }
}

#map = affine_map<(d0, d1) -> (0, 0, 0)>
#map1 = affine_map<(d0, d1) -> (0, 0)>
module attributes {stable_mosaic.version = 14 : i64} {
  func.func @_p2_body(%arg0: i32, %arg1: i32, %arg2: memref<4000x2x80xi32, #tpu.memory_space<hbm>>, %arg3: memref<320000x128xf32, #tpu.memory_space<hbm>>, %arg4: memref<10000x128xf32, #tpu.memory_space<hbm>>, %arg5: memref<10000x128xf32, #tpu.memory_space<hbm>>, %arg6: memref<10000x128xf32, #tpu.memory_space<hbm>>, %arg7: memref<2x80xi32, #tpu.memory_space<vmem>>, %arg8: memref<2x80xi32, #tpu.memory_space<vmem>>, %arg9: memref<80x128xf32, #tpu.memory_space<vmem>>, %arg10: memref<80x128xf32, #tpu.memory_space<vmem>>, %arg11: memref<80x128xf32, #tpu.memory_space<vmem>>, %arg12: memref<80x128xf32, #tpu.memory_space<vmem>>, %arg13: memref<10000x128xf32, #tpu.memory_space<vmem_shared>>, %arg14: memref<!tpu.dma_semaphore, #tpu.memory_space<semaphore_mem>>, %arg15: memref<!tpu.dma_semaphore, #tpu.memory_space<semaphore_mem>>, %arg16: memref<!tpu.dma_semaphore, #tpu.memory_space<semaphore_mem>>, %arg17: memref<!tpu.dma_semaphore, #tpu.memory_space<semaphore_mem>>, %arg18: memref<!tpu.dma_semaphore, #tpu.memory_space<semaphore_mem>>, %arg19: memref<!tpu.dma_semaphore, #tpu.memory_space<semaphore_mem>>) attributes {dimension_semantics = [#tpu.dimension_semantics<core_parallel>, #tpu.dimension_semantics<subcore_parallel>], iteration_bounds = array<i64: 2, 16>, scalar_prefetch = 0 : i64, scratch_operands = 13 : i64, tpu.core_type = #tpu.core_type<sc_vector_subcore>, window_params = [{transform_indices = #map}, {transform_indices = #map1}, {transform_indices = #map1}, {transform_indices = #map1}, {transform_indices = #map1}]} {
    %mul3A = arith.constant 2 : i32
    %mul3A_0 = arith.muli %arg1, %mul3A : i32
    %add3A = arith.addi %mul3A_0, %arg0 : i32
    %scan3A = arith.constant 0 : i32
    %scan3A_1 = arith.constant 80 : i32
    %scan3A_2 = arith.addi %scan3A, %scan3A_1 : i32
    %scan3A_3 = arith.constant 1 : i32
    scf.for %scan3A_126 = %scan3A to %scan3A_2 step %scan3A_3  : i32 {
      %mul3A_127 = arith.constant 1 : i32
      %mul3A_128 = arith.muli %scan3A_126, %mul3A_127 : i32
      %add3A_129 = arith.constant 0 : i32
      %add3A_130 = arith.addi %add3A_129, %mul3A_128 : i32
      %broadcast_in_dim3A = arith.constant 0.000000e+00 : f32
      %broadcast_in_dim3A_131 = vector.broadcast %broadcast_in_dim3A : f32 to vector<16xf32>
      %swap3A = arith.index_cast %add3A_130 : i32 to index
      %swap3A_132 = arith.constant 0 : index
      %swap3A_133 = tpu.vector_load %arg9[%swap3A, %swap3A_132] {strides = array<i32>} : memref<80x128xf32, #tpu.memory_space<vmem>>, vector<1x16xf32>,
      %swap3A_134 = vector.shape_cast %swap3A_133 : vector<1x16xf32> to vector<16xf32>
      %swap3A_135 = vector.shape_cast %broadcast_in_dim3A_131 : vector<16xf32> to vector<1x16xf32>
      tpu.vector_store %arg9[%swap3A, %swap3A_132], %swap3A_135 {strides = array<i32>} : memref<80x128xf32, #tpu.memory_space<vmem>>, vector<1x16xf32>,
      %broadcast_in_dim3A_136 = arith.constant 0.000000e+00 : f32
      %broadcast_in_dim3A_137 = vector.broadcast %broadcast_in_dim3A_136 : f32 to vector<16xf32>
      %swap3A_138 = arith.index_cast %add3A_130 : i32 to index
      %swap3A_139 = arith.constant 16 : index
      %swap3A_140 = tpu.vector_load %arg9[%swap3A_138, %swap3A_139] {strides = array<i32>} : memref<80x128xf32, #tpu.memory_space<vmem>>, vector<1x16xf32>,
      %swap3A_141 = vector.shape_cast %swap3A_140 : vector<1x16xf32> to vector<16xf32>
      %swap3A_142 = vector.shape_cast %broadcast_in_dim3A_137 : vector<16xf32> to vector<1x16xf32>
      tpu.vector_store %arg9[%swap3A_138, %swap3A_139], %swap3A_142 {strides = array<i32>} : memref<80x128xf32, #tpu.memory_space<vmem>>, vector<1x16xf32>,
      %broadcast_in_dim3A_143 = arith.constant 0.000000e+00 : f32
      %broadcast_in_dim3A_144 = vector.broadcast %broadcast_in_dim3A_143 : f32 to vector<16xf32>
      %swap3A_145 = arith.index_cast %add3A_130 : i32 to index
      %swap3A_146 = arith.constant 32 : index
      %swap3A_147 = tpu.vector_load %arg9[%swap3A_145, %swap3A_146] {strides = array<i32>} : memref<80x128xf32, #tpu.memory_space<vmem>>, vector<1x16xf32>,
      %swap3A_148 = vector.shape_cast %swap3A_147 : vector<1x16xf32> to vector<16xf32>
      %swap3A_149 = vector.shape_cast %broadcast_in_dim3A_144 : vector<16xf32> to vector<1x16xf32>
      tpu.vector_store %arg9[%swap3A_145, %swap3A_146], %swap3A_149 {strides = array<i32>} : memref<80x128xf32, #tpu.memory_space<vmem>>, vector<1x16xf32>,
      %broadcast_in_dim3A_150 = arith.constant 0.000000e+00 : f32
      %broadcast_in_dim3A_151 = vector.broadcast %broadcast_in_dim3A_150 : f32 to vector<16xf32>
      %swap3A_152 = arith.index_cast %add3A_130 : i32 to index
      %swap3A_153 = arith.constant 48 : index
      %swap3A_154 = tpu.vector_load %arg9[%swap3A_152, %swap3A_153] {strides = array<i32>} : memref<80x128xf32, #tpu.memory_space<vmem>>, vector<1x16xf32>,
      %swap3A_155 = vector.shape_cast %swap3A_154 : vector<1x16xf32> to vector<16xf32>
      %swap3A_156 = vector.shape_cast %broadcast_in_dim3A_151 : vector<16xf32> to vector<1x16xf32>
      tpu.vector_store %arg9[%swap3A_152, %swap3A_153], %swap3A_156 {strides = array<i32>} : memref<80x128xf32, #tpu.memory_space<vmem>>, vector<1x16xf32>,
      %broadcast_in_dim3A_157 = arith.constant 0.000000e+00 : f32
      %broadcast_in_dim3A_158 = vector.broadcast %broadcast_in_dim3A_157 : f32 to vector<16xf32>
      %swap3A_159 = arith.index_cast %add3A_130 : i32 to index
      %swap3A_160 = arith.constant 64 : index
      %swap3A_161 = tpu.vector_load %arg9[%swap3A_159, %swap3A_160] {strides = array<i32>} : memref<80x128xf32, #tpu.memory_space<vmem>>, vector<1x16xf32>,
      %swap3A_162 = vector.shape_cast %swap3A_161 : vector<1x16xf32> to vector<16xf32>
      %swap3A_163 = vector.shape_cast %broadcast_in_dim3A_158 : vector<16xf32> to vector<1x16xf32>
      tpu.vector_store %arg9[%swap3A_159, %swap3A_160], %swap3A_163 {strides = array<i32>} : memref<80x128xf32, #tpu.memory_space<vmem>>, vector<1x16xf32>,
      %broadcast_in_dim3A_164 = arith.constant 0.000000e+00 : f32
      %broadcast_in_dim3A_165 = vector.broadcast %broadcast_in_dim3A_164 : f32 to vector<16xf32>
      %swap3A_166 = arith.index_cast %add3A_130 : i32 to index
      %swap3A_167 = arith.constant 80 : index
      %swap3A_168 = tpu.vector_load %arg9[%swap3A_166, %swap3A_167] {strides = array<i32>} : memref<80x128xf32, #tpu.memory_space<vmem>>, vector<1x16xf32>,
      %swap3A_169 = vector.shape_cast %swap3A_168 : vector<1x16xf32> to vector<16xf32>
      %swap3A_170 = vector.shape_cast %broadcast_in_dim3A_165 : vector<16xf32> to vector<1x16xf32>
      tpu.vector_store %arg9[%swap3A_166, %swap3A_167], %swap3A_170 {strides = array<i32>} : memref<80x128xf32, #tpu.memory_space<vmem>>, vector<1x16xf32>,
      %broadcast_in_dim3A_171 = arith.constant 0.000000e+00 : f32
      %broadcast_in_dim3A_172 = vector.broadcast %broadcast_in_dim3A_171 : f32 to vector<16xf32>
      %swap3A_173 = arith.index_cast %add3A_130 : i32 to index
      %swap3A_174 = arith.constant 96 : index
      %swap3A_175 = tpu.vector_load %arg9[%swap3A_173, %swap3A_174] {strides = array<i32>} : memref<80x128xf32, #tpu.memory_space<vmem>>, vector<1x16xf32>,
      %swap3A_176 = vector.shape_cast %swap3A_175 : vector<1x16xf32> to vector<16xf32>
      %swap3A_177 = vector.shape_cast %broadcast_in_dim3A_172 : vector<16xf32> to vector<1x16xf32>
      tpu.vector_store %arg9[%swap3A_173, %swap3A_174], %swap3A_177 {strides = array<i32>} : memref<80x128xf32, #tpu.memory_space<vmem>>, vector<1x16xf32>,
      %broadcast_in_dim3A_178 = arith.constant 0.000000e+00 : f32
      %broadcast_in_dim3A_179 = vector.broadcast %broadcast_in_dim3A_178 : f32 to vector<16xf32>
      %swap3A_180 = arith.index_cast %add3A_130 : i32 to index
      %swap3A_181 = arith.constant 112 : index
      %swap3A_182 = tpu.vector_load %arg9[%swap3A_180, %swap3A_181] {strides = array<i32>} : memref<80x128xf32, #tpu.memory_space<vmem>>, vector<1x16xf32>,
      %swap3A_183 = vector.shape_cast %swap3A_182 : vector<1x16xf32> to vector<16xf32>
      %swap3A_184 = vector.shape_cast %broadcast_in_dim3A_179 : vector<16xf32> to vector<1x16xf32>
      tpu.vector_store %arg9[%swap3A_180, %swap3A_181], %swap3A_184 {strides = array<i32>} : memref<80x128xf32, #tpu.memory_space<vmem>>, vector<1x16xf32>,
    }
    %scan3A_4 = arith.constant 80 : i32
    %sub3A = arith.constant 125 : i32
    %sub3A_5 = arith.subi %sub3A, %arg1 : i32
    %sub3A_6 = arith.constant 16 : i32
    %sub3A_7 = arith.constant 1 : i32
    %sub3A_8 = arith.subi %sub3A_6, %sub3A_7 : i32
    %add3A_9 = arith.addi %sub3A_5, %sub3A_8 : i32
    %div3A = arith.constant 16 : i32
    %div3A_10 = arith.divsi %add3A_9, %div3A : i32
    %while3A = arith.constant 16 : i32
    %while3A_11 = arith.constant 0 : i32
    %while3A_12 = arith.subi %div3A_10, %while3A_11 : i32
    %while3A_13 = arith.addi %while3A_11, %while3A_12 : i32
    %while3A_14 = arith.constant 1 : i32
    %while3A_15 = arith.divsi %while3A_12, %while3A_14 : i32
    %while3A_16 = arith.muli %while3A_15, %while3A_14 : i32
    %while3A_17 = arith.addi %while3A_11, %while3A_16 : i32
    %while3A_18 = arith.constant 1 : i32
    scf.for %while3A_126 = %while3A_11 to %while3A_17 step %while3A_18  : i32 {
      %mul3A_127 = arith.muli %while3A_126, %while3A : i32
      %add3A_128 = arith.addi %arg1, %mul3A_127 : i32
      %mul3A_129 = arith.constant 80 : i32
      %mul3A_130 = arith.muli %add3A_128, %mul3A_129 : i32
      %multiple_of3A_131 = tpu.assume_multiple %mul3A_130, 8 : i32
      "tpu.region"() ({
        %run_scoped3A = tpu.sem_alloc : memref<!tpu.dma_semaphore, #tpu.memory_space<semaphore_mem>>
        %dma_start3A_132 = arith.constant 0 : i32
        %dma_start3A_133 = tpu.memref_slice %arg13[%multiple_of3A_131, %dma_start3A_132] : memref<10000x128xf32, #tpu.memory_space<vmem_shared>> -> memref<80x128xf32, #tpu.memory_space<vmem_shared>>
        %dma_start3A_134 = arith.constant 0 : i32
        %dma_start3A_135 = tpu.memref_slice %arg13[%multiple_of3A_131, %dma_start3A_134] : memref<10000x128xf32, #tpu.memory_space<vmem_shared>> -> memref<80x128xf32, #tpu.memory_space<vmem_shared>>
        tpu.enqueue_dma source(%arg9 : memref<80x128xf32, #tpu.memory_space<vmem>>) target(%dma_start3A_135 : memref<80x128xf32, #tpu.memory_space<vmem_shared>>) target_semaphore(%run_scoped3A : memref<!tpu.dma_semaphore, #tpu.memory_space<semaphore_mem>>)
        %dma_wait3A_136 = arith.constant 0 : i32
        %dma_wait3A_137 = tpu.memref_slice %arg13[%multiple_of3A_131, %dma_wait3A_136] : memref<10000x128xf32, #tpu.memory_space<vmem_shared>> -> memref<80x128xf32, #tpu.memory_space<vmem_shared>>
        %dma_wait3A_138 = arith.constant 0 : i32
        %dma_wait3A_139 = tpu.memref_slice %arg13[%multiple_of3A_131, %dma_wait3A_138] : memref<10000x128xf32, #tpu.memory_space<vmem_shared>> -> memref<80x128xf32, #tpu.memory_space<vmem_shared>>
        tpu.wait_dma2 semaphore(%run_scoped3A : memref<!tpu.dma_semaphore, #tpu.memory_space<semaphore_mem>>) src(%arg9 : memref<80x128xf32, #tpu.memory_space<vmem>>) dst(%dma_wait3A_139 : memref<80x128xf32, #tpu.memory_space<vmem_shared>>)
        tpu.yield
      }) : () -> ()
    }
    %while3A_19 = arith.constant 1 : i32
    scf.for %while3A_126 = %while3A_17 to %while3A_13 step %while3A_19  : i32 {
      %mul3A_127 = arith.muli %while3A_126, %while3A : i32
      %add3A_128 = arith.addi %arg1, %mul3A_127 : i32
      %mul3A_129 = arith.constant 80 : i32
      %mul3A_130 = arith.muli %add3A_128, %mul3A_129 : i32
      %multiple_of3A_131 = tpu.assume_multiple %mul3A_130, 8 : i32
      "tpu.region"() ({
        %run_scoped3A = tpu.sem_alloc : memref<!tpu.dma_semaphore, #tpu.memory_space<semaphore_mem>>
        %dma_start3A_132 = arith.constant 0 : i32
        %dma_start3A_133 = tpu.memref_slice %arg13[%multiple_of3A_131, %dma_start3A_132] : memref<10000x128xf32, #tpu.memory_space<vmem_shared>> -> memref<80x128xf32, #tpu.memory_space<vmem_shared>>
        %dma_start3A_134 = arith.constant 0 : i32
        %dma_start3A_135 = tpu.memref_slice %arg13[%multiple_of3A_131, %dma_start3A_134] : memref<10000x128xf32, #tpu.memory_space<vmem_shared>> -> memref<80x128xf32, #tpu.memory_space<vmem_shared>>
        tpu.enqueue_dma source(%arg9 : memref<80x128xf32, #tpu.memory_space<vmem>>) target(%dma_start3A_135 : memref<80x128xf32, #tpu.memory_space<vmem_shared>>) target_semaphore(%run_scoped3A : memref<!tpu.dma_semaphore, #tpu.memory_space<semaphore_mem>>)
        %dma_wait3A_136 = arith.constant 0 : i32
        %dma_wait3A_137 = tpu.memref_slice %arg13[%multiple_of3A_131, %dma_wait3A_136] : memref<10000x128xf32, #tpu.memory_space<vmem_shared>> -> memref<80x128xf32, #tpu.memory_space<vmem_shared>>
        %dma_wait3A_138 = arith.constant 0 : i32
        %dma_wait3A_139 = tpu.memref_slice %arg13[%multiple_of3A_131, %dma_wait3A_138] : memref<10000x128xf32, #tpu.memory_space<vmem_shared>> -> memref<80x128xf32, #tpu.memory_space<vmem_shared>>
        tpu.wait_dma2 semaphore(%run_scoped3A : memref<!tpu.dma_semaphore, #tpu.memory_space<semaphore_mem>>) src(%arg9 : memref<80x128xf32, #tpu.memory_space<vmem>>) dst(%dma_wait3A_139 : memref<80x128xf32, #tpu.memory_space<vmem_shared>>)
        tpu.yield
      }) : () -> ()
    }
    %barrier3A = arith.constant 0 : index
    tpu.barrier barrier_id(%barrier3A)
    %sub3A_20 = arith.constant 4000 : i32
    %sub3A_21 = arith.subi %sub3A_20, %add3A : i32
    %add3A_22 = arith.constant 32 : i32
    %add3A_23 = arith.addi %sub3A_21, %add3A_22 : i32
    %sub3A_24 = arith.constant 1 : i32
    %sub3A_25 = arith.subi %add3A_23, %sub3A_24 : i32
    %jit3A = arith.constant 32 : i32
    %div3A_26 = arith.divsi %sub3A_25, %jit3A : i32
    %sign3A = arith.constant 0 : i32
    %sign3A_27 = arith.cmpi sgt, %sub3A_25, %sign3A : i32
    %sign3A_28 = arith.extui %sign3A_27 : i1 to i32
    %sign3A_29 = arith.constant 0 : i32
    %sign3A_30 = arith.cmpi slt, %sub3A_25, %sign3A_29 : i32
    %sign3A_31 = arith.extui %sign3A_30 : i1 to i32
    %sign3A_32 = arith.subi %sign3A_28, %sign3A_31 : i32
    %sign3A_33 = arith.constant 0 : i32
    %sign3A_34 = arith.cmpi sgt, %jit3A, %sign3A_33 : i32
    %sign3A_35 = arith.extui %sign3A_34 : i1 to i32
    %sign3A_36 = arith.constant 0 : i32
    %sign3A_37 = arith.cmpi slt, %jit3A, %sign3A_36 : i32
    %sign3A_38 = arith.extui %sign3A_37 : i1 to i32
    %sign3A_39 = arith.subi %sign3A_35, %sign3A_38 : i32
    %ne3A = arith.cmpi ne, %sign3A_32, %sign3A_39 : i32
    %rem3A = arith.remsi %sub3A_25, %jit3A : i32
    %ne3A_40 = arith.constant 0 : i32
    %ne3A_41 = arith.cmpi ne, %rem3A, %ne3A_40 : i32
    %and3A = arith.andi %ne3A, %ne3A_41 : i1
    %sub3A_42 = arith.constant 1 : i32
    %sub3A_43 = arith.subi %div3A_26, %sub3A_42 : i32
    %select_n3A = arith.select %and3A, %sub3A_43, %div3A_26 : i32
    %add3A_44 = arith.constant 0 : i32
    %add3A_45 = arith.addi %add3A, %add3A_44 : i32
    %mul3A_46 = arith.constant 80 : i32
    %mul3A_47 = arith.muli %add3A_45, %mul3A_46 : i32
    %multiple_of3A = tpu.assume_multiple %mul3A_47, 8 : i32
    "tpu.region"() ({
      %run_scoped3A = tpu.sem_alloc : memref<!tpu.dma_semaphore, #tpu.memory_space<semaphore_mem>>
      %dma_start3A_126 = arith.constant 0 : i32
      %dma_start3A_127 = arith.constant 0 : i32
      %dma_start3A_128 = tpu.memref_slice %arg2[%add3A_45, %dma_start3A_126, %dma_start3A_127] : memref<4000x2x80xi32, #tpu.memory_space<hbm>> -> memref<1x2x80xi32, #tpu.memory_space<hbm>>
      %dma_start3A_129 = tpu.memref_squeeze %dma_start3A_128 : memref<1x2x80xi32, #tpu.memory_space<hbm>> -> memref<2x80xi32, #tpu.memory_space<hbm>>
      %dma_start3A_130 = arith.constant 0 : i32
      %dma_start3A_131 = arith.constant 0 : i32
      %dma_start3A_132 = tpu.memref_slice %arg2[%add3A_45, %dma_start3A_130, %dma_start3A_131] : memref<4000x2x80xi32, #tpu.memory_space<hbm>> -> memref<1x2x80xi32, #tpu.memory_space<hbm>>
      %dma_start3A_133 = tpu.memref_squeeze %dma_start3A_132 : memref<1x2x80xi32, #tpu.memory_space<hbm>> -> memref<2x80xi32, #tpu.memory_space<hbm>>
      tpu.enqueue_dma source(%dma_start3A_133 : memref<2x80xi32, #tpu.memory_space<hbm>>) target(%arg7 : memref<2x80xi32, #tpu.memory_space<vmem>>) target_semaphore(%run_scoped3A : memref<!tpu.dma_semaphore, #tpu.memory_space<semaphore_mem>>)
      %dma_wait3A_134 = arith.constant 0 : i32
      %dma_wait3A_135 = arith.constant 0 : i32
      %dma_wait3A_136 = tpu.memref_slice %arg2[%add3A_45, %dma_wait3A_134, %dma_wait3A_135] : memref<4000x2x80xi32, #tpu.memory_space<hbm>> -> memref<1x2x80xi32, #tpu.memory_space<hbm>>
      %dma_wait3A_137 = tpu.memref_squeeze %dma_wait3A_136 : memref<1x2x80xi32, #tpu.memory_space<hbm>> -> memref<2x80xi32, #tpu.memory_space<hbm>>
      %dma_wait3A_138 = arith.constant 0 : i32
      %dma_wait3A_139 = arith.constant 0 : i32
      %dma_wait3A_140 = tpu.memref_slice %arg2[%add3A_45, %dma_wait3A_138, %dma_wait3A_139] : memref<4000x2x80xi32, #tpu.memory_space<hbm>> -> memref<1x2x80xi32, #tpu.memory_space<hbm>>
      %dma_wait3A_141 = tpu.memref_squeeze %dma_wait3A_140 : memref<1x2x80xi32, #tpu.memory_space<hbm>> -> memref<2x80xi32, #tpu.memory_space<hbm>>
      tpu.wait_dma2 semaphore(%run_scoped3A : memref<!tpu.dma_semaphore, #tpu.memory_space<semaphore_mem>>) src(%dma_wait3A_141 : memref<2x80xi32, #tpu.memory_space<hbm>>) dst(%arg7 : memref<2x80xi32, #tpu.memory_space<vmem>>)
      tpu.yield
    }) : () -> ()
    %dma_start3A = arith.constant 0 : i32
    %dma_start3A_48 = arith.constant 0 : i32
    %dma_start3A_49 = tpu.memref_slice %arg7[%dma_start3A, %dma_start3A_48] : memref<2x80xi32, #tpu.memory_space<vmem>> -> memref<1x80xi32, #tpu.memory_space<vmem>>
    %dma_start3A_50 = tpu.memref_squeeze %dma_start3A_49 : memref<1x80xi32, #tpu.memory_space<vmem>> -> memref<80xi32, #tpu.memory_space<vmem>>
    %dma_start3A_51 = arith.constant 0 : i32
    %dma_start3A_52 = arith.constant 0 : i32
    %dma_start3A_53 = tpu.memref_slice %arg4[%dma_start3A_51, %dma_start3A_52] : memref<10000x128xf32, #tpu.memory_space<hbm>> -> memref<10000x128xf32, #tpu.memory_space<hbm>>
    tpu.enqueue_indirect_dma source(%dma_start3A_53 : memref<10000x128xf32, #tpu.memory_space<hbm>>) target(%arg9 : memref<80x128xf32, #tpu.memory_space<vmem>>) offsets(%dma_start3A_50 : memref<80xi32, #tpu.memory_space<vmem>>) semaphore(%arg14 : memref<!tpu.dma_semaphore, #tpu.memory_space<semaphore_mem>>)
    %dma_start3A_54 = arith.constant 0 : i32
    %dma_start3A_55 = tpu.memref_slice %arg3[%multiple_of3A, %dma_start3A_54] : memref<320000x128xf32, #tpu.memory_space<hbm>> -> memref<80x128xf32, #tpu.memory_space<hbm>>
    %dma_start3A_56 = arith.constant 0 : i32
    %dma_start3A_57 = tpu.memref_slice %arg3[%multiple_of3A, %dma_start3A_56] : memref<320000x128xf32, #tpu.memory_space<hbm>> -> memref<80x128xf32, #tpu.memory_space<hbm>>
    tpu.enqueue_dma source(%dma_start3A_57 : memref<80x128xf32, #tpu.memory_space<hbm>>) target(%arg10 : memref<80x128xf32, #tpu.memory_space<vmem>>) target_semaphore(%arg15 : memref<!tpu.dma_semaphore, #tpu.memory_space<semaphore_mem>>)
    %add3A_58 = arith.constant 1 : i32
    %add3A_59 = arith.addi %select_n3A, %add3A_58 : i32
    %jit3A_60 = arith.constant 2 : i32
    %div3A_61 = arith.divsi %add3A_59, %jit3A_60 : i32
    %sign3A_62 = arith.constant 0 : i32
    %sign3A_63 = arith.cmpi sgt, %add3A_59, %sign3A_62 : i32
    %sign3A_64 = arith.extui %sign3A_63 : i1 to i32
    %sign3A_65 = arith.constant 0 : i32
    %sign3A_66 = arith.cmpi slt, %add3A_59, %sign3A_65 : i32
    %sign3A_67 = arith.extui %sign3A_66 : i1 to i32
    %sign3A_68 = arith.subi %sign3A_64, %sign3A_67 : i32
    %sign3A_69 = arith.constant 0 : i32
    %sign3A_70 = arith.cmpi sgt, %jit3A_60, %sign3A_69 : i32
    %sign3A_71 = arith.extui %sign3A_70 : i1 to i32
    %sign3A_72 = arith.constant 0 : i32
    %sign3A_73 = arith.cmpi slt, %jit3A_60, %sign3A_72 : i32
    %sign3A_74 = arith.extui %sign3A_73 : i1 to i32
    %sign3A_75 = arith.subi %sign3A_71, %sign3A_74 : i32
    %ne3A_76 = arith.cmpi ne, %sign3A_68, %sign3A_75 : i32
    %rem3A_77 = arith.remsi %add3A_59, %jit3A_60 : i32
    %ne3A_78 = arith.constant 0 : i32
    %ne3A_79 = arith.cmpi ne, %rem3A_77, %ne3A_78 : i32
    %and3A_80 = arith.andi %ne3A_76, %ne3A_79 : i1
    %sub3A_81 = arith.constant 1 : i32
    %sub3A_82 = arith.subi %div3A_61, %sub3A_81 : i32
    %select_n3A_83 = arith.select %and3A_80, %sub3A_82, %div3A_61 : i32
    %mul3A_84 = arith.constant 2 : i32
    %mul3A_85 = arith.muli %select_n3A_83, %mul3A_84 : i32
    %sub3A_86 = arith.constant 0 : i32
    %sub3A_87 = arith.subi %mul3A_85, %sub3A_86 : i32
    %sub3A_88 = arith.constant 2 : i32
    %sub3A_89 = arith.constant 1 : i32
    %sub3A_90 = arith.subi %sub3A_88, %sub3A_89 : i32
    %add3A_91 = arith.addi %sub3A_87, %sub3A_90 : i32
    %div3A_92 = arith.constant 2 : i32
    %div3A_93 = arith.divsi %add3A_91, %div3A_92 : i32
    %while3A_94 = arith.constant 2 : i32
    %while3A_95 = arith.constant 0 : i32
    %while3A_96 = arith.constant 0 : i32
    %while3A_97 = arith.subi %div3A_93, %while3A_96 : i32
    %while3A_98 = arith.addi %while3A_96, %while3A_97 : i32
    %while3A_99 = arith.constant 1 : i32
    %while3A_100 = arith.divsi %while3A_97, %while3A_99 : i32
    %while3A_101 = arith.muli %while3A_100, %while3A_99 : i32
    %while3A_102 = arith.addi %while3A_96, %while3A_101 : i32
    %while3A_103 = arith.constant 1 : i32
    scf.for %while3A_126 = %while3A_96 to %while3A_102 step %while3A_103  : i32 {
      %mul3A_127 = arith.muli %while3A_126, %while3A_94 : i32
      %add3A_128 = arith.addi %while3A_95, %mul3A_127 : i32
      %add3A_129 = arith.constant 0 : i32
      %add3A_130 = arith.addi %add3A_128, %add3A_129 : i32
      %lt3A = arith.cmpi slt, %add3A_130, %select_n3A : i32
      %convert_element_type3A_131 = arith.extui %lt3A : i1 to i32
      %cond3A_132 = arith.constant 0 : i32
      %cond3A_133 = arith.cmpi ne, %convert_element_type3A_131, %cond3A_132 : i32
      scf.if %cond3A_133 {
        %dma_wait3A_140 = arith.constant 0 : i32
        %dma_wait3A_141 = arith.constant 0 : i32
        %dma_wait3A_142 = tpu.memref_slice %arg7[%dma_wait3A_140, %dma_wait3A_141] : memref<2x80xi32, #tpu.memory_space<vmem>> -> memref<1x80xi32, #tpu.memory_space<vmem>>
        %dma_wait3A_143 = tpu.memref_squeeze %dma_wait3A_142 : memref<1x80xi32, #tpu.memory_space<vmem>> -> memref<80xi32, #tpu.memory_space<vmem>>
        %dma_wait3A_144 = arith.constant 0 : i32
        %dma_wait3A_145 = arith.constant 0 : i32
        %dma_wait3A_146 = tpu.memref_slice %arg4[%dma_wait3A_144, %dma_wait3A_145] : memref<10000x128xf32, #tpu.memory_space<hbm>> -> memref<10000x128xf32, #tpu.memory_space<hbm>>
        tpu.wait_indirect_dma semaphore(%arg14 : memref<!tpu.dma_semaphore, #tpu.memory_space<semaphore_mem>>) src(%dma_wait3A_146 : memref<10000x128xf32, #tpu.memory_space<hbm>>) dst(%arg9 : memref<80x128xf32, #tpu.memory_space<vmem>>)
        %dma_wait3A_147 = arith.constant 0 : i32
        %dma_wait3A_148 = arith.constant 0 : i32
        %dma_wait3A_149 = tpu.memref_slice %arg3[%dma_wait3A_147, %dma_wait3A_148] : memref<320000x128xf32, #tpu.memory_space<hbm>> -> memref<80x128xf32, #tpu.memory_space<hbm>>
        %dma_wait3A_150 = arith.constant 0 : i32
        %dma_wait3A_151 = arith.constant 0 : i32
        %dma_wait3A_152 = tpu.memref_slice %arg3[%dma_wait3A_150, %dma_wait3A_151] : memref<320000x128xf32, #tpu.memory_space<hbm>> -> memref<80x128xf32, #tpu.memory_space<hbm>>
        tpu.wait_dma2 semaphore(%arg15 : memref<!tpu.dma_semaphore, #tpu.memory_space<semaphore_mem>>) src(%dma_wait3A_152 : memref<80x128xf32, #tpu.memory_space<hbm>>) dst(%arg10 : memref<80x128xf32, #tpu.memory_space<vmem>>)
        %add3A_153 = arith.constant 1 : i32
        %add3A_154 = arith.addi %add3A_130, %add3A_153 : i32
        %lt3A_155 = arith.cmpi slt, %add3A_154, %select_n3A : i32
        %ge3A = arith.constant 1 : i32
        %ge3A_156 = arith.cmpi sge, %add3A_130, %ge3A : i32
        %and3A_157 = arith.andi %lt3A_155, %ge3A_156 : i1
        %convert_element_type3A_158 = arith.extui %and3A_157 : i1 to i32
        %cond3A_159 = arith.constant 0 : i32
        %cond3A_160 = arith.cmpi ne, %convert_element_type3A_158, %cond3A_159 : i32
        scf.if %cond3A_160 {
          %dma_wait3A_179 = arith.constant 1 : i32
          %dma_wait3A_180 = arith.constant 0 : i32
          %dma_wait3A_181 = tpu.memref_slice %arg8[%dma_wait3A_179, %dma_wait3A_180] : memref<2x80xi32, #tpu.memory_space<vmem>> -> memref<1x80xi32, #tpu.memory_space<vmem>>
          %dma_wait3A_182 = tpu.memref_squeeze %dma_wait3A_181 : memref<1x80xi32, #tpu.memory_space<vmem>> -> memref<80xi32, #tpu.memory_space<vmem>>
          %dma_wait3A_183 = arith.constant 0 : i32
          %dma_wait3A_184 = arith.constant 0 : i32
          %dma_wait3A_185 = tpu.memref_slice %arg13[%dma_wait3A_183, %dma_wait3A_184] : memref<10000x128xf32, #tpu.memory_space<vmem_shared>> -> memref<10000x128xf32, #tpu.memory_space<vmem_shared>>
          tpu.wait_indirect_dma semaphore(%arg19 : memref<!tpu.dma_semaphore, #tpu.memory_space<semaphore_mem>>) src(%arg11 : memref<80x128xf32, #tpu.memory_space<vmem>>) dst(%dma_wait3A_185 : memref<10000x128xf32, #tpu.memory_space<vmem_shared>>)
        } else {
        }
        %add3A_161 = arith.constant 1 : i32
        %add3A_162 = arith.addi %add3A_130, %add3A_161 : i32
        %lt3A_163 = arith.cmpi slt, %add3A_162, %select_n3A : i32
        %convert_element_type3A_164 = arith.extui %lt3A_163 : i1 to i32
        %cond3A_165 = arith.constant 0 : i32
        %cond3A_166 = arith.cmpi ne, %convert_element_type3A_164, %cond3A_165 : i32
        scf.if %cond3A_166 {
          %add3A_179 = arith.constant 1 : i32
          %add3A_180 = arith.addi %add3A_130, %add3A_179 : i32
          %mul3A_181 = arith.constant 32 : i32
          %mul3A_182 = arith.muli %add3A_180, %mul3A_181 : i32
          %add3A_183 = arith.addi %add3A, %mul3A_182 : i32
          %mul3A_184 = arith.constant 80 : i32
          %mul3A_185 = arith.muli %add3A_183, %mul3A_184 : i32
          %multiple_of3A_186 = tpu.assume_multiple %mul3A_185, 8 : i32
          "tpu.region"() ({
            %run_scoped3A = tpu.sem_alloc : memref<!tpu.dma_semaphore, #tpu.memory_space<semaphore_mem>>
            %dma_start3A_198 = arith.constant 0 : i32
            %dma_start3A_199 = arith.constant 0 : i32
            %dma_start3A_200 = tpu.memref_slice %arg2[%add3A_183, %dma_start3A_198, %dma_start3A_199] : memref<4000x2x80xi32, #tpu.memory_space<hbm>> -> memref<1x2x80xi32, #tpu.memory_space<hbm>>
            %dma_start3A_201 = tpu.memref_squeeze %dma_start3A_200 : memref<1x2x80xi32, #tpu.memory_space<hbm>> -> memref<2x80xi32, #tpu.memory_space<hbm>>
            %dma_start3A_202 = arith.constant 0 : i32
            %dma_start3A_203 = arith.constant 0 : i32
            %dma_start3A_204 = tpu.memref_slice %arg2[%add3A_183, %dma_start3A_202, %dma_start3A_203] : memref<4000x2x80xi32, #tpu.memory_space<hbm>> -> memref<1x2x80xi32, #tpu.memory_space<hbm>>
            %dma_start3A_205 = tpu.memref_squeeze %dma_start3A_204 : memref<1x2x80xi32, #tpu.memory_space<hbm>> -> memref<2x80xi32, #tpu.memory_space<hbm>>
            tpu.enqueue_dma source(%dma_start3A_205 : memref<2x80xi32, #tpu.memory_space<hbm>>) target(%arg8 : memref<2x80xi32, #tpu.memory_space<vmem>>) target_semaphore(%run_scoped3A : memref<!tpu.dma_semaphore, #tpu.memory_space<semaphore_mem>>)
            %dma_wait3A_206 = arith.constant 0 : i32
            %dma_wait3A_207 = arith.constant 0 : i32
            %dma_wait3A_208 = tpu.memref_slice %arg2[%add3A_183, %dma_wait3A_206, %dma_wait3A_207] : memref<4000x2x80xi32, #tpu.memory_space<hbm>> -> memref<1x2x80xi32, #tpu.memory_space<hbm>>
            %dma_wait3A_209 = tpu.memref_squeeze %dma_wait3A_208 : memref<1x2x80xi32, #tpu.memory_space<hbm>> -> memref<2x80xi32, #tpu.memory_space<hbm>>
            %dma_wait3A_210 = arith.constant 0 : i32
            %dma_wait3A_211 = arith.constant 0 : i32
            %dma_wait3A_212 = tpu.memref_slice %arg2[%add3A_183, %dma_wait3A_210, %dma_wait3A_211] : memref<4000x2x80xi32, #tpu.memory_space<hbm>> -> memref<1x2x80xi32, #tpu.memory_space<hbm>>
            %dma_wait3A_213 = tpu.memref_squeeze %dma_wait3A_212 : memref<1x2x80xi32, #tpu.memory_space<hbm>> -> memref<2x80xi32, #tpu.memory_space<hbm>>
            tpu.wait_dma2 semaphore(%run_scoped3A : memref<!tpu.dma_semaphore, #tpu.memory_space<semaphore_mem>>) src(%dma_wait3A_213 : memref<2x80xi32, #tpu.memory_space<hbm>>) dst(%arg8 : memref<2x80xi32, #tpu.memory_space<vmem>>)
            tpu.yield
          }) : () -> ()
          %dma_start3A_187 = arith.constant 0 : i32
          %dma_start3A_188 = arith.constant 0 : i32
          %dma_start3A_189 = tpu.memref_slice %arg8[%dma_start3A_187, %dma_start3A_188] : memref<2x80xi32, #tpu.memory_space<vmem>> -> memref<1x80xi32, #tpu.memory_space<vmem>>
          %dma_start3A_190 = tpu.memref_squeeze %dma_start3A_189 : memref<1x80xi32, #tpu.memory_space<vmem>> -> memref<80xi32, #tpu.memory_space<vmem>>
          %dma_start3A_191 = arith.constant 0 : i32
          %dma_start3A_192 = arith.constant 0 : i32
          %dma_start3A_193 = tpu.memref_slice %arg4[%dma_start3A_191, %dma_start3A_192] : memref<10000x128xf32, #tpu.memory_space<hbm>> -> memref<10000x128xf32, #tpu.memory_space<hbm>>
          tpu.enqueue_indirect_dma source(%dma_start3A_193 : memref<10000x128xf32, #tpu.memory_space<hbm>>) target(%arg11 : memref<80x128xf32, #tpu.memory_space<vmem>>) offsets(%dma_start3A_190 : memref<80xi32, #tpu.memory_space<vmem>>) semaphore(%arg17 : memref<!tpu.dma_semaphore, #tpu.memory_space<semaphore_mem>>)
          %dma_start3A_194 = arith.constant 0 : i32
          %dma_start3A_195 = tpu.memref_slice %arg3[%multiple_of3A_186, %dma_start3A_194] : memref<320000x128xf32, #tpu.memory_space<hbm>> -> memref<80x128xf32, #tpu.memory_space<hbm>>
          %dma_start3A_196 = arith.constant 0 : i32
          %dma_start3A_197 = tpu.memref_slice %arg3[%multiple_of3A_186, %dma_start3A_196] : memref<320000x128xf32, #tpu.memory_space<hbm>> -> memref<80x128xf32, #tpu.memory_space<hbm>>
          tpu.enqueue_dma source(%dma_start3A_197 : memref<80x128xf32, #tpu.memory_space<hbm>>) target(%arg12 : memref<80x128xf32, #tpu.memory_space<vmem>>) target_semaphore(%arg18 : memref<!tpu.dma_semaphore, #tpu.memory_space<semaphore_mem>>)
        } else {
        }
        %scan3A_167 = arith.constant 0 : i32
        %scan3A_168 = arith.constant 80 : i32
        %scan3A_169 = arith.addi %scan3A_167, %scan3A_168 : i32
        %scan3A_170 = arith.constant 1 : i32
        scf.for %scan3A_179 = %scan3A_167 to %scan3A_169 step %scan3A_170  : i32 {
          %mul3A_180 = arith.constant 1 : i32
          %mul3A_181 = arith.muli %scan3A_179, %mul3A_180 : i32
          %add3A_182 = arith.constant 0 : i32
          %add3A_183 = arith.addi %add3A_182, %mul3A_181 : i32
          %get3A = arith.index_cast %add3A_183 : i32 to index
          %get3A_184 = arith.constant 0 : index
          %get3A_185 = tpu.vector_load %arg9[%get3A, %get3A_184] {strides = array<i32>} : memref<80x128xf32, #tpu.memory_space<vmem>>, vector<1x16xf32>,
          %get3A_186 = vector.shape_cast %get3A_185 : vector<1x16xf32> to vector<16xf32>
          %get3A_187 = arith.index_cast %add3A_183 : i32 to index
          %get3A_188 = arith.constant 0 : index
          %get3A_189 = tpu.vector_load %arg10[%get3A_187, %get3A_188] {strides = array<i32>} : memref<80x128xf32, #tpu.memory_space<vmem>>, vector<1x16xf32>,
          %get3A_190 = vector.shape_cast %get3A_189 : vector<1x16xf32> to vector<16xf32>
          %mul3A_191 = arith.mulf %get3A_186, %get3A_190 : vector<16xf32>
          %swap3A = arith.index_cast %add3A_183 : i32 to index
          %swap3A_192 = arith.constant 0 : index
          %swap3A_193 = tpu.vector_load %arg9[%swap3A, %swap3A_192] {strides = array<i32>} : memref<80x128xf32, #tpu.memory_space<vmem>>, vector<1x16xf32>,
          %swap3A_194 = vector.shape_cast %swap3A_193 : vector<1x16xf32> to vector<16xf32>
          %swap3A_195 = vector.shape_cast %mul3A_191 : vector<16xf32> to vector<1x16xf32>
          tpu.vector_store %arg9[%swap3A, %swap3A_192], %swap3A_195 {strides = array<i32>} : memref<80x128xf32, #tpu.memory_space<vmem>>, vector<1x16xf32>,
          %get3A_196 = arith.index_cast %add3A_183 : i32 to index
          %get3A_197 = arith.constant 16 : index
          %get3A_198 = tpu.vector_load %arg9[%get3A_196, %get3A_197] {strides = array<i32>} : memref<80x128xf32, #tpu.memory_space<vmem>>, vector<1x16xf32>,
          %get3A_199 = vector.shape_cast %get3A_198 : vector<1x16xf32> to vector<16xf32>
          %get3A_200 = arith.index_cast %add3A_183 : i32 to index
          %get3A_201 = arith.constant 16 : index
          %get3A_202 = tpu.vector_load %arg10[%get3A_200, %get3A_201] {strides = array<i32>} : memref<80x128xf32, #tpu.memory_space<vmem>>, vector<1x16xf32>,
          %get3A_203 = vector.shape_cast %get3A_202 : vector<1x16xf32> to vector<16xf32>
          %mul3A_204 = arith.mulf %get3A_199, %get3A_203 : vector<16xf32>
          %swap3A_205 = arith.index_cast %add3A_183 : i32 to index
          %swap3A_206 = arith.constant 16 : index
          %swap3A_207 = tpu.vector_load %arg9[%swap3A_205, %swap3A_206] {strides = array<i32>} : memref<80x128xf32, #tpu.memory_space<vmem>>, vector<1x16xf32>,
          %swap3A_208 = vector.shape_cast %swap3A_207 : vector<1x16xf32> to vector<16xf32>
          %swap3A_209 = vector.shape_cast %mul3A_204 : vector<16xf32> to vector<1x16xf32>
          tpu.vector_store %arg9[%swap3A_205, %swap3A_206], %swap3A_209 {strides = array<i32>} : memref<80x128xf32, #tpu.memory_space<vmem>>, vector<1x16xf32>,
          %get3A_210 = arith.index_cast %add3A_183 : i32 to index
          %get3A_211 = arith.constant 32 : index
          %get3A_212 = tpu.vector_load %arg9[%get3A_210, %get3A_211] {strides = array<i32>} : memref<80x128xf32, #tpu.memory_space<vmem>>, vector<1x16xf32>,
          %get3A_213 = vector.shape_cast %get3A_212 : vector<1x16xf32> to vector<16xf32>
          %get3A_214 = arith.index_cast %add3A_183 : i32 to index
          %get3A_215 = arith.constant 32 : index
          %get3A_216 = tpu.vector_load %arg10[%get3A_214, %get3A_215] {strides = array<i32>} : memref<80x128xf32, #tpu.memory_space<vmem>>, vector<1x16xf32>,
          %get3A_217 = vector.shape_cast %get3A_216 : vector<1x16xf32> to vector<16xf32>
          %mul3A_218 = arith.mulf %get3A_213, %get3A_217 : vector<16xf32>
          %swap3A_219 = arith.index_cast %add3A_183 : i32 to index
          %swap3A_220 = arith.constant 32 : index
          %swap3A_221 = tpu.vector_load %arg9[%swap3A_219, %swap3A_220] {strides = array<i32>} : memref<80x128xf32, #tpu.memory_space<vmem>>, vector<1x16xf32>,
          %swap3A_222 = vector.shape_cast %swap3A_221 : vector<1x16xf32> to vector<16xf32>
          %swap3A_223 = vector.shape_cast %mul3A_218 : vector<16xf32> to vector<1x16xf32>
          tpu.vector_store %arg9[%swap3A_219, %swap3A_220], %swap3A_223 {strides = array<i32>} : memref<80x128xf32, #tpu.memory_space<vmem>>, vector<1x16xf32>,
          %get3A_224 = arith.index_cast %add3A_183 : i32 to index
          %get3A_225 = arith.constant 48 : index
          %get3A_226 = tpu.vector_load %arg9[%get3A_224, %get3A_225] {strides = array<i32>} : memref<80x128xf32, #tpu.memory_space<vmem>>, vector<1x16xf32>,
          %get3A_227 = vector.shape_cast %get3A_226 : vector<1x16xf32> to vector<16xf32>
          %get3A_228 = arith.index_cast %add3A_183 : i32 to index
          %get3A_229 = arith.constant 48 : index
          %get3A_230 = tpu.vector_load %arg10[%get3A_228, %get3A_229] {strides = array<i32>} : memref<80x128xf32, #tpu.memory_space<vmem>>, vector<1x16xf32>,
          %get3A_231 = vector.shape_cast %get3A_230 : vector<1x16xf32> to vector<16xf32>
          %mul3A_232 = arith.mulf %get3A_227, %get3A_231 : vector<16xf32>
          %swap3A_233 = arith.index_cast %add3A_183 : i32 to index
          %swap3A_234 = arith.constant 48 : index
          %swap3A_235 = tpu.vector_load %arg9[%swap3A_233, %swap3A_234] {strides = array<i32>} : memref<80x128xf32, #tpu.memory_space<vmem>>, vector<1x16xf32>,
          %swap3A_236 = vector.shape_cast %swap3A_235 : vector<1x16xf32> to vector<16xf32>
          %swap3A_237 = vector.shape_cast %mul3A_232 : vector<16xf32> to vector<1x16xf32>
          tpu.vector_store %arg9[%swap3A_233, %swap3A_234], %swap3A_237 {strides = array<i32>} : memref<80x128xf32, #tpu.memory_space<vmem>>, vector<1x16xf32>,
          %get3A_238 = arith.index_cast %add3A_183 : i32 to index
          %get3A_239 = arith.constant 64 : index
          %get3A_240 = tpu.vector_load %arg9[%get3A_238, %get3A_239] {strides = array<i32>} : memref<80x128xf32, #tpu.memory_space<vmem>>, vector<1x16xf32>,
          %get3A_241 = vector.shape_cast %get3A_240 : vector<1x16xf32> to vector<16xf32>
          %get3A_242 = arith.index_cast %add3A_183 : i32 to index
          %get3A_243 = arith.constant 64 : index
          %get3A_244 = tpu.vector_load %arg10[%get3A_242, %get3A_243] {strides = array<i32>} : memref<80x128xf32, #tpu.memory_space<vmem>>, vector<1x16xf32>,
          %get3A_245 = vector.shape_cast %get3A_244 : vector<1x16xf32> to vector<16xf32>
          %mul3A_246 = arith.mulf %get3A_241, %get3A_245 : vector<16xf32>
          %swap3A_247 = arith.index_cast %add3A_183 : i32 to index
          %swap3A_248 = arith.constant 64 : index
          %swap3A_249 = tpu.vector_load %arg9[%swap3A_247, %swap3A_248] {strides = array<i32>} : memref<80x128xf32, #tpu.memory_space<vmem>>, vector<1x16xf32>,
          %swap3A_250 = vector.shape_cast %swap3A_249 : vector<1x16xf32> to vector<16xf32>
          %swap3A_251 = vector.shape_cast %mul3A_246 : vector<16xf32> to vector<1x16xf32>
          tpu.vector_store %arg9[%swap3A_247, %swap3A_248], %swap3A_251 {strides = array<i32>} : memref<80x128xf32, #tpu.memory_space<vmem>>, vector<1x16xf32>,
          %get3A_252 = arith.index_cast %add3A_183 : i32 to index
          %get3A_253 = arith.constant 80 : index
          %get3A_254 = tpu.vector_load %arg9[%get3A_252, %get3A_253] {strides = array<i32>} : memref<80x128xf32, #tpu.memory_space<vmem>>, vector<1x16xf32>,
          %get3A_255 = vector.shape_cast %get3A_254 : vector<1x16xf32> to vector<16xf32>
          %get3A_256 = arith.index_cast %add3A_183 : i32 to index
          %get3A_257 = arith.constant 80 : index
          %get3A_258 = tpu.vector_load %arg10[%get3A_256, %get3A_257] {strides = array<i32>} : memref<80x128xf32, #tpu.memory_space<vmem>>, vector<1x16xf32>,
          %get3A_259 = vector.shape_cast %get3A_258 : vector<1x16xf32> to vector<16xf32>
          %mul3A_260 = arith.mulf %get3A_255, %get3A_259 : vector<16xf32>
          %swap3A_261 = arith.index_cast %add3A_183 : i32 to index
          %swap3A_262 = arith.constant 80 : index
          %swap3A_263 = tpu.vector_load %arg9[%swap3A_261, %swap3A_262] {strides = array<i32>} : memref<80x128xf32, #tpu.memory_space<vmem>>, vector<1x16xf32>,
          %swap3A_264 = vector.shape_cast %swap3A_263 : vector<1x16xf32> to vector<16xf32>
          %swap3A_265 = vector.shape_cast %mul3A_260 : vector<16xf32> to vector<1x16xf32>
          tpu.vector_store %arg9[%swap3A_261, %swap3A_262], %swap3A_265 {strides = array<i32>} : memref<80x128xf32, #tpu.memory_space<vmem>>, vector<1x16xf32>,
          %get3A_266 = arith.index_cast %add3A_183 : i32 to index
          %get3A_267 = arith.constant 96 : index
          %get3A_268 = tpu.vector_load %arg9[%get3A_266, %get3A_267] {strides = array<i32>} : memref<80x128xf32, #tpu.memory_space<vmem>>, vector<1x16xf32>,
          %get3A_269 = vector.shape_cast %get3A_268 : vector<1x16xf32> to vector<16xf32>
          %get3A_270 = arith.index_cast %add3A_183 : i32 to index
          %get3A_271 = arith.constant 96 : index
          %get3A_272 = tpu.vector_load %arg10[%get3A_270, %get3A_271] {strides = array<i32>} : memref<80x128xf32, #tpu.memory_space<vmem>>, vector<1x16xf32>,
          %get3A_273 = vector.shape_cast %get3A_272 : vector<1x16xf32> to vector<16xf32>
          %mul3A_274 = arith.mulf %get3A_269, %get3A_273 : vector<16xf32>
          %swap3A_275 = arith.index_cast %add3A_183 : i32 to index
          %swap3A_276 = arith.constant 96 : index
          %swap3A_277 = tpu.vector_load %arg9[%swap3A_275, %swap3A_276] {strides = array<i32>} : memref<80x128xf32, #tpu.memory_space<vmem>>, vector<1x16xf32>,
          %swap3A_278 = vector.shape_cast %swap3A_277 : vector<1x16xf32> to vector<16xf32>
          %swap3A_279 = vector.shape_cast %mul3A_274 : vector<16xf32> to vector<1x16xf32>
          tpu.vector_store %arg9[%swap3A_275, %swap3A_276], %swap3A_279 {strides = array<i32>} : memref<80x128xf32, #tpu.memory_space<vmem>>, vector<1x16xf32>,
          %get3A_280 = arith.index_cast %add3A_183 : i32 to index
          %get3A_281 = arith.constant 112 : index
          %get3A_282 = tpu.vector_load %arg9[%get3A_280, %get3A_281] {strides = array<i32>} : memref<80x128xf32, #tpu.memory_space<vmem>>, vector<1x16xf32>,
          %get3A_283 = vector.shape_cast %get3A_282 : vector<1x16xf32> to vector<16xf32>
          %get3A_284 = arith.index_cast %add3A_183 : i32 to index
          %get3A_285 = arith.constant 112 : index
          %get3A_286 = tpu.vector_load %arg10[%get3A_284, %get3A_285] {strides = array<i32>} : memref<80x128xf32, #tpu.memory_space<vmem>>, vector<1x16xf32>,
          %get3A_287 = vector.shape_cast %get3A_286 : vector<1x16xf32> to vector<16xf32>
          %mul3A_288 = arith.mulf %get3A_283, %get3A_287 : vector<16xf32>
          %swap3A_289 = arith.index_cast %add3A_183 : i32 to index
          %swap3A_290 = arith.constant 112 : index
          %swap3A_291 = tpu.vector_load %arg9[%swap3A_289, %swap3A_290] {strides = array<i32>} : memref<80x128xf32, #tpu.memory_space<vmem>>, vector<1x16xf32>,
          %swap3A_292 = vector.shape_cast %swap3A_291 : vector<1x16xf32> to vector<16xf32>
          %swap3A_293 = vector.shape_cast %mul3A_288 : vector<16xf32> to vector<1x16xf32>
          tpu.vector_store %arg9[%swap3A_289, %swap3A_290], %swap3A_293 {strides = array<i32>} : memref<80x128xf32, #tpu.memory_space<vmem>>, vector<1x16xf32>,
        }
        %scan3A_171 = arith.constant 80 : i32
        %dma_start3A_172 = arith.constant 1 : i32
        %dma_start3A_173 = arith.constant 0 : i32
        %dma_start3A_174 = tpu.memref_slice %arg7[%dma_start3A_172, %dma_start3A_173] : memref<2x80xi32, #tpu.memory_space<vmem>> -> memref<1x80xi32, #tpu.memory_space<vmem>>
        %dma_start3A_175 = tpu.memref_squeeze %dma_start3A_174 : memref<1x80xi32, #tpu.memory_space<vmem>> -> memref<80xi32, #tpu.memory_space<vmem>>
        %dma_start3A_176 = arith.constant 0 : i32
        %dma_start3A_177 = arith.constant 0 : i32
        %dma_start3A_178 = tpu.memref_slice %arg13[%dma_start3A_176, %dma_start3A_177] : memref<10000x128xf32, #tpu.memory_space<vmem_shared>> -> memref<10000x128xf32, #tpu.memory_space<vmem_shared>>
        tpu.enqueue_indirect_dma source(%arg9 : memref<80x128xf32, #tpu.memory_space<vmem>>) target(%dma_start3A_178 : memref<10000x128xf32, #tpu.memory_space<vmem_shared>>) offsets(%dma_start3A_175 : memref<80xi32, #tpu.memory_space<vmem>>) semaphore(%arg16 : memref<!tpu.dma_semaphore, #tpu.memory_space<semaphore_mem>>) {add = true}
      } else {
      }
      %add3A_134 = arith.constant 1 : i32
      %add3A_135 = arith.addi %add3A_128, %add3A_134 : i32
      %lt3A_136 = arith.cmpi slt, %add3A_135, %select_n3A : i32
      %convert_element_type3A_137 = arith.extui %lt3A_136 : i1 to i32
      %cond3A_138 = arith.constant 0 : i32
      %cond3A_139 = arith.cmpi ne, %convert_element_type3A_137, %cond3A_138 : i32
      scf.if %cond3A_139 {
        %dma_wait3A_140 = arith.constant 0 : i32
        %dma_wait3A_141 = arith.constant 0 : i32
        %dma_wait3A_142 = tpu.memref_slice %arg8[%dma_wait3A_140, %dma_wait3A_141] : memref<2x80xi32, #tpu.memory_space<vmem>> -> memref<1x80xi32, #tpu.memory_space<vmem>>
        %dma_wait3A_143 = tpu.memref_squeeze %dma_wait3A_142 : memref<1x80xi32, #tpu.memory_space<vmem>> -> memref<80xi32, #tpu.memory_space<vmem>>
        %dma_wait3A_144 = arith.constant 0 : i32
        %dma_wait3A_145 = arith.constant 0 : i32
        %dma_wait3A_146 = tpu.memref_slice %arg4[%dma_wait3A_144, %dma_wait3A_145] : memref<10000x128xf32, #tpu.memory_space<hbm>> -> memref<10000x128xf32, #tpu.memory_space<hbm>>
        tpu.wait_indirect_dma semaphore(%arg17 : memref<!tpu.dma_semaphore, #tpu.memory_space<semaphore_mem>>) src(%dma_wait3A_146 : memref<10000x128xf32, #tpu.memory_space<hbm>>) dst(%arg11 : memref<80x128xf32, #tpu.memory_space<vmem>>)
        %dma_wait3A_147 = arith.constant 0 : i32
        %dma_wait3A_148 = arith.constant 0 : i32
        %dma_wait3A_149 = tpu.memref_slice %arg3[%dma_wait3A_147, %dma_wait3A_148] : memref<320000x128xf32, #tpu.memory_space<hbm>> -> memref<80x128xf32, #tpu.memory_space<hbm>>
        %dma_wait3A_150 = arith.constant 0 : i32
        %dma_wait3A_151 = arith.constant 0 : i32
        %dma_wait3A_152 = tpu.memref_slice %arg3[%dma_wait3A_150, %dma_wait3A_151] : memref<320000x128xf32, #tpu.memory_space<hbm>> -> memref<80x128xf32, #tpu.memory_space<hbm>>
        tpu.wait_dma2 semaphore(%arg18 : memref<!tpu.dma_semaphore, #tpu.memory_space<semaphore_mem>>) src(%dma_wait3A_152 : memref<80x128xf32, #tpu.memory_space<hbm>>) dst(%arg12 : memref<80x128xf32, #tpu.memory_space<vmem>>)
        %add3A_153 = arith.constant 1 : i32
        %add3A_154 = arith.addi %add3A_135, %add3A_153 : i32
        %lt3A_155 = arith.cmpi slt, %add3A_154, %select_n3A : i32
        %ge3A = arith.constant 1 : i32
        %ge3A_156 = arith.cmpi sge, %add3A_135, %ge3A : i32
        %and3A_157 = arith.andi %lt3A_155, %ge3A_156 : i1
        %convert_element_type3A_158 = arith.extui %and3A_157 : i1 to i32
        %cond3A_159 = arith.constant 0 : i32
        %cond3A_160 = arith.cmpi ne, %convert_element_type3A_158, %cond3A_159 : i32
        scf.if %cond3A_160 {
          %dma_wait3A_179 = arith.constant 1 : i32
          %dma_wait3A_180 = arith.constant 0 : i32
          %dma_wait3A_181 = tpu.memref_slice %arg7[%dma_wait3A_179, %dma_wait3A_180] : memref<2x80xi32, #tpu.memory_space<vmem>> -> memref<1x80xi32, #tpu.memory_space<vmem>>
          %dma_wait3A_182 = tpu.memref_squeeze %dma_wait3A_181 : memref<1x80xi32, #tpu.memory_space<vmem>> -> memref<80xi32, #tpu.memory_space<vmem>>
          %dma_wait3A_183 = arith.constant 0 : i32
          %dma_wait3A_184 = arith.constant 0 : i32
          %dma_wait3A_185 = tpu.memref_slice %arg13[%dma_wait3A_183, %dma_wait3A_184] : memref<10000x128xf32, #tpu.memory_space<vmem_shared>> -> memref<10000x128xf32, #tpu.memory_space<vmem_shared>>
          tpu.wait_indirect_dma semaphore(%arg16 : memref<!tpu.dma_semaphore, #tpu.memory_space<semaphore_mem>>) src(%arg9 : memref<80x128xf32, #tpu.memory_space<vmem>>) dst(%dma_wait3A_185 : memref<10000x128xf32, #tpu.memory_space<vmem_shared>>)
        } else {
        }
        %add3A_161 = arith.constant 1 : i32
        %add3A_162 = arith.addi %add3A_135, %add3A_161 : i32
        %lt3A_163 = arith.cmpi slt, %add3A_162, %select_n3A : i32
        %convert_element_type3A_164 = arith.extui %lt3A_163 : i1 to i32
        %cond3A_165 = arith.constant 0 : i32
        %cond3A_166 = arith.cmpi ne, %convert_element_type3A_164, %cond3A_165 : i32
        scf.if %cond3A_166 {
          %add3A_179 = arith.constant 1 : i32
          %add3A_180 = arith.addi %add3A_135, %add3A_179 : i32
          %mul3A_181 = arith.constant 32 : i32
          %mul3A_182 = arith.muli %add3A_180, %mul3A_181 : i32
          %add3A_183 = arith.addi %add3A, %mul3A_182 : i32
          %mul3A_184 = arith.constant 80 : i32
          %mul3A_185 = arith.muli %add3A_183, %mul3A_184 : i32
          %multiple_of3A_186 = tpu.assume_multiple %mul3A_185, 8 : i32
          "tpu.region"() ({
            %run_scoped3A = tpu.sem_alloc : memref<!tpu.dma_semaphore, #tpu.memory_space<semaphore_mem>>
            %dma_start3A_198 = arith.constant 0 : i32
            %dma_start3A_199 = arith.constant 0 : i32
            %dma_start3A_200 = tpu.memref_slice %arg2[%add3A_183, %dma_start3A_198, %dma_start3A_199] : memref<4000x2x80xi32, #tpu.memory_space<hbm>> -> memref<1x2x80xi32, #tpu.memory_space<hbm>>
            %dma_start3A_201 = tpu.memref_squeeze %dma_start3A_200 : memref<1x2x80xi32, #tpu.memory_space<hbm>> -> memref<2x80xi32, #tpu.memory_space<hbm>>
            %dma_start3A_202 = arith.constant 0 : i32
            %dma_start3A_203 = arith.constant 0 : i32
            %dma_start3A_204 = tpu.memref_slice %arg2[%add3A_183, %dma_start3A_202, %dma_start3A_203] : memref<4000x2x80xi32, #tpu.memory_space<hbm>> -> memref<1x2x80xi32, #tpu.memory_space<hbm>>
            %dma_start3A_205 = tpu.memref_squeeze %dma_start3A_204 : memref<1x2x80xi32, #tpu.memory_space<hbm>> -> memref<2x80xi32, #tpu.memory_space<hbm>>
            tpu.enqueue_dma source(%dma_start3A_205 : memref<2x80xi32, #tpu.memory_space<hbm>>) target(%arg7 : memref<2x80xi32, #tpu.memory_space<vmem>>) target_semaphore(%run_scoped3A : memref<!tpu.dma_semaphore, #tpu.memory_space<semaphore_mem>>)
            %dma_wait3A_206 = arith.constant 0 : i32
            %dma_wait3A_207 = arith.constant 0 : i32
            %dma_wait3A_208 = tpu.memref_slice %arg2[%add3A_183, %dma_wait3A_206, %dma_wait3A_207] : memref<4000x2x80xi32, #tpu.memory_space<hbm>> -> memref<1x2x80xi32, #tpu.memory_space<hbm>>
            %dma_wait3A_209 = tpu.memref_squeeze %dma_wait3A_208 : memref<1x2x80xi32, #tpu.memory_space<hbm>> -> memref<2x80xi32, #tpu.memory_space<hbm>>
            %dma_wait3A_210 = arith.constant 0 : i32
            %dma_wait3A_211 = arith.constant 0 : i32
            %dma_wait3A_212 = tpu.memref_slice %arg2[%add3A_183, %dma_wait3A_210, %dma_wait3A_211] : memref<4000x2x80xi32, #tpu.memory_space<hbm>> -> memref<1x2x80xi32, #tpu.memory_space<hbm>>
            %dma_wait3A_213 = tpu.memref_squeeze %dma_wait3A_212 : memref<1x2x80xi32, #tpu.memory_space<hbm>> -> memref<2x80xi32, #tpu.memory_space<hbm>>
            tpu.wait_dma2 semaphore(%run_scoped3A : memref<!tpu.dma_semaphore, #tpu.memory_space<semaphore_mem>>) src(%dma_wait3A_213 : memref<2x80xi32, #tpu.memory_space<hbm>>) dst(%arg7 : memref<2x80xi32, #tpu.memory_space<vmem>>)
            tpu.yield
          }) : () -> ()
          %dma_start3A_187 = arith.constant 0 : i32
          %dma_start3A_188 = arith.constant 0 : i32
          %dma_start3A_189 = tpu.memref_slice %arg7[%dma_start3A_187, %dma_start3A_188] : memref<2x80xi32, #tpu.memory_space<vmem>> -> memref<1x80xi32, #tpu.memory_space<vmem>>
          %dma_start3A_190 = tpu.memref_squeeze %dma_start3A_189 : memref<1x80xi32, #tpu.memory_space<vmem>> -> memref<80xi32, #tpu.memory_space<vmem>>
          %dma_start3A_191 = arith.constant 0 : i32
          %dma_start3A_192 = arith.constant 0 : i32
          %dma_start3A_193 = tpu.memref_slice %arg4[%dma_start3A_191, %dma_start3A_192] : memref<10000x128xf32, #tpu.memory_space<hbm>> -> memref<10000x128xf32, #tpu.memory_space<hbm>>
          tpu.enqueue_indirect_dma source(%dma_start3A_193 : memref<10000x128xf32, #tpu.memory_space<hbm>>) target(%arg9 : memref<80x128xf32, #tpu.memory_space<vmem>>) offsets(%dma_start3A_190 : memref<80xi32, #tpu.memory_space<vmem>>) semaphore(%arg14 : memref<!tpu.dma_semaphore, #tpu.memory_space<semaphore_mem>>)
          %dma_start3A_194 = arith.constant 0 : i32
          %dma_start3A_195 = tpu.memref_slice %arg3[%multiple_of3A_186, %dma_start3A_194] : memref<320000x128xf32, #tpu.memory_space<hbm>> -> memref<80x128xf32, #tpu.memory_space<hbm>>
          %dma_start3A_196 = arith.constant 0 : i32
          %dma_start3A_197 = tpu.memref_slice %arg3[%multiple_of3A_186, %dma_start3A_196] : memref<320000x128xf32, #tpu.memory_space<hbm>> -> memref<80x128xf32, #tpu.memory_space<hbm>>
          tpu.enqueue_dma source(%dma_start3A_197 : memref<80x128xf32, #tpu.memory_space<hbm>>) target(%arg10 : memref<80x128xf32, #tpu.memory_space<vmem>>) target_semaphore(%arg15 : memref<!tpu.dma_semaphore, #tpu.memory_space<semaphore_mem>>)
        } else {
        }
        %scan3A_167 = arith.constant 0 : i32
        %scan3A_168 = arith.constant 80 : i32
        %scan3A_169 = arith.addi %scan3A_167, %scan3A_168 : i32
        %scan3A_170 = arith.constant 1 : i32
        scf.for %scan3A_179 = %scan3A_167 to %scan3A_169 step %scan3A_170  : i32 {
          %mul3A_180 = arith.constant 1 : i32
          %mul3A_181 = arith.muli %scan3A_179, %mul3A_180 : i32
          %add3A_182 = arith.constant 0 : i32
          %add3A_183 = arith.addi %add3A_182, %mul3A_181 : i32
          %get3A = arith.index_cast %add3A_183 : i32 to index
          %get3A_184 = arith.constant 0 : index
          %get3A_185 = tpu.vector_load %arg11[%get3A, %get3A_184] {strides = array<i32>} : memref<80x128xf32, #tpu.memory_space<vmem>>, vector<1x16xf32>,
          %get3A_186 = vector.shape_cast %get3A_185 : vector<1x16xf32> to vector<16xf32>
          %get3A_187 = arith.index_cast %add3A_183 : i32 to index
          %get3A_188 = arith.constant 0 : index
          %get3A_189 = tpu.vector_load %arg12[%get3A_187, %get3A_188] {strides = array<i32>} : memref<80x128xf32, #tpu.memory_space<vmem>>, vector<1x16xf32>,
          %get3A_190 = vector.shape_cast %get3A_189 : vector<1x16xf32> to vector<16xf32>
          %mul3A_191 = arith.mulf %get3A_186, %get3A_190 : vector<16xf32>
          %swap3A = arith.index_cast %add3A_183 : i32 to index
          %swap3A_192 = arith.constant 0 : index
          %swap3A_193 = tpu.vector_load %arg11[%swap3A, %swap3A_192] {strides = array<i32>} : memref<80x128xf32, #tpu.memory_space<vmem>>, vector<1x16xf32>,
          %swap3A_194 = vector.shape_cast %swap3A_193 : vector<1x16xf32> to vector<16xf32>
          %swap3A_195 = vector.shape_cast %mul3A_191 : vector<16xf32> to vector<1x16xf32>
          tpu.vector_store %arg11[%swap3A, %swap3A_192], %swap3A_195 {strides = array<i32>} : memref<80x128xf32, #tpu.memory_space<vmem>>, vector<1x16xf32>,
          %get3A_196 = arith.index_cast %add3A_183 : i32 to index
          %get3A_197 = arith.constant 16 : index
          %get3A_198 = tpu.vector_load %arg11[%get3A_196, %get3A_197] {strides = array<i32>} : memref<80x128xf32, #tpu.memory_space<vmem>>, vector<1x16xf32>,
          %get3A_199 = vector.shape_cast %get3A_198 : vector<1x16xf32> to vector<16xf32>
          %get3A_200 = arith.index_cast %add3A_183 : i32 to index
          %get3A_201 = arith.constant 16 : index
          %get3A_202 = tpu.vector_load %arg12[%get3A_200, %get3A_201] {strides = array<i32>} : memref<80x128xf32, #tpu.memory_space<vmem>>, vector<1x16xf32>,
          %get3A_203 = vector.shape_cast %get3A_202 : vector<1x16xf32> to vector<16xf32>
          %mul3A_204 = arith.mulf %get3A_199, %get3A_203 : vector<16xf32>
          %swap3A_205 = arith.index_cast %add3A_183 : i32 to index
          %swap3A_206 = arith.constant 16 : index
          %swap3A_207 = tpu.vector_load %arg11[%swap3A_205, %swap3A_206] {strides = array<i32>} : memref<80x128xf32, #tpu.memory_space<vmem>>, vector<1x16xf32>,
          %swap3A_208 = vector.shape_cast %swap3A_207 : vector<1x16xf32> to vector<16xf32>
          %swap3A_209 = vector.shape_cast %mul3A_204 : vector<16xf32> to vector<1x16xf32>
          tpu.vector_store %arg11[%swap3A_205, %swap3A_206], %swap3A_209 {strides = array<i32>} : memref<80x128xf32, #tpu.memory_space<vmem>>, vector<1x16xf32>,
          %get3A_210 = arith.index_cast %add3A_183 : i32 to index
          %get3A_211 = arith.constant 32 : index
          %get3A_212 = tpu.vector_load %arg11[%get3A_210, %get3A_211] {strides = array<i32>} : memref<80x128xf32, #tpu.memory_space<vmem>>, vector<1x16xf32>,
          %get3A_213 = vector.shape_cast %get3A_212 : vector<1x16xf32> to vector<16xf32>
          %get3A_214 = arith.index_cast %add3A_183 : i32 to index
          %get3A_215 = arith.constant 32 : index
          %get3A_216 = tpu.vector_load %arg12[%get3A_214, %get3A_215] {strides = array<i32>} : memref<80x128xf32, #tpu.memory_space<vmem>>, vector<1x16xf32>,
          %get3A_217 = vector.shape_cast %get3A_216 : vector<1x16xf32> to vector<16xf32>
          %mul3A_218 = arith.mulf %get3A_213, %get3A_217 : vector<16xf32>
          %swap3A_219 = arith.index_cast %add3A_183 : i32 to index
          %swap3A_220 = arith.constant 32 : index
          %swap3A_221 = tpu.vector_load %arg11[%swap3A_219, %swap3A_220] {strides = array<i32>} : memref<80x128xf32, #tpu.memory_space<vmem>>, vector<1x16xf32>,
          %swap3A_222 = vector.shape_cast %swap3A_221 : vector<1x16xf32> to vector<16xf32>
          %swap3A_223 = vector.shape_cast %mul3A_218 : vector<16xf32> to vector<1x16xf32>
          tpu.vector_store %arg11[%swap3A_219, %swap3A_220], %swap3A_223 {strides = array<i32>} : memref<80x128xf32, #tpu.memory_space<vmem>>, vector<1x16xf32>,
          %get3A_224 = arith.index_cast %add3A_183 : i32 to index
          %get3A_225 = arith.constant 48 : index
          %get3A_226 = tpu.vector_load %arg11[%get3A_224, %get3A_225] {strides = array<i32>} : memref<80x128xf32, #tpu.memory_space<vmem>>, vector<1x16xf32>,
          %get3A_227 = vector.shape_cast %get3A_226 : vector<1x16xf32> to vector<16xf32>
          %get3A_228 = arith.index_cast %add3A_183 : i32 to index
          %get3A_229 = arith.constant 48 : index
          %get3A_230 = tpu.vector_load %arg12[%get3A_228, %get3A_229] {strides = array<i32>} : memref<80x128xf32, #tpu.memory_space<vmem>>, vector<1x16xf32>,
          %get3A_231 = vector.shape_cast %get3A_230 : vector<1x16xf32> to vector<16xf32>
          %mul3A_232 = arith.mulf %get3A_227, %get3A_231 : vector<16xf32>
          %swap3A_233 = arith.index_cast %add3A_183 : i32 to index
          %swap3A_234 = arith.constant 48 : index
          %swap3A_235 = tpu.vector_load %arg11[%swap3A_233, %swap3A_234] {strides = array<i32>} : memref<80x128xf32, #tpu.memory_space<vmem>>, vector<1x16xf32>,
          %swap3A_236 = vector.shape_cast %swap3A_235 : vector<1x16xf32> to vector<16xf32>
          %swap3A_237 = vector.shape_cast %mul3A_232 : vector<16xf32> to vector<1x16xf32>
          tpu.vector_store %arg11[%swap3A_233, %swap3A_234], %swap3A_237 {strides = array<i32>} : memref<80x128xf32, #tpu.memory_space<vmem>>, vector<1x16xf32>,
          %get3A_238 = arith.index_cast %add3A_183 : i32 to index
          %get3A_239 = arith.constant 64 : index
          %get3A_240 = tpu.vector_load %arg11[%get3A_238, %get3A_239] {strides = array<i32>} : memref<80x128xf32, #tpu.memory_space<vmem>>, vector<1x16xf32>,
          %get3A_241 = vector.shape_cast %get3A_240 : vector<1x16xf32> to vector<16xf32>
          %get3A_242 = arith.index_cast %add3A_183 : i32 to index
          %get3A_243 = arith.constant 64 : index
          %get3A_244 = tpu.vector_load %arg12[%get3A_242, %get3A_243] {strides = array<i32>} : memref<80x128xf32, #tpu.memory_space<vmem>>, vector<1x16xf32>,
          %get3A_245 = vector.shape_cast %get3A_244 : vector<1x16xf32> to vector<16xf32>
          %mul3A_246 = arith.mulf %get3A_241, %get3A_245 : vector<16xf32>
          %swap3A_247 = arith.index_cast %add3A_183 : i32 to index
          %swap3A_248 = arith.constant 64 : index
          %swap3A_249 = tpu.vector_load %arg11[%swap3A_247, %swap3A_248] {strides = array<i32>} : memref<80x128xf32, #tpu.memory_space<vmem>>, vector<1x16xf32>,
          %swap3A_250 = vector.shape_cast %swap3A_249 : vector<1x16xf32> to vector<16xf32>
          %swap3A_251 = vector.shape_cast %mul3A_246 : vector<16xf32> to vector<1x16xf32>
          tpu.vector_store %arg11[%swap3A_247, %swap3A_248], %swap3A_251 {strides = array<i32>} : memref<80x128xf32, #tpu.memory_space<vmem>>, vector<1x16xf32>,
          %get3A_252 = arith.index_cast %add3A_183 : i32 to index
          %get3A_253 = arith.constant 80 : index
          %get3A_254 = tpu.vector_load %arg11[%get3A_252, %get3A_253] {strides = array<i32>} : memref<80x128xf32, #tpu.memory_space<vmem>>, vector<1x16xf32>,
          %get3A_255 = vector.shape_cast %get3A_254 : vector<1x16xf32> to vector<16xf32>
          %get3A_256 = arith.index_cast %add3A_183 : i32 to index
          %get3A_257 = arith.constant 80 : index
          %get3A_258 = tpu.vector_load %arg12[%get3A_256, %get3A_257] {strides = array<i32>} : memref<80x128xf32, #tpu.memory_space<vmem>>, vector<1x16xf32>,
          %get3A_259 = vector.shape_cast %get3A_258 : vector<1x16xf32> to vector<16xf32>
          %mul3A_260 = arith.mulf %get3A_255, %get3A_259 : vector<16xf32>
          %swap3A_261 = arith.index_cast %add3A_183 : i32 to index
          %swap3A_262 = arith.constant 80 : index
          %swap3A_263 = tpu.vector_load %arg11[%swap3A_261, %swap3A_262] {strides = array<i32>} : memref<80x128xf32, #tpu.memory_space<vmem>>, vector<1x16xf32>,
          %swap3A_264 = vector.shape_cast %swap3A_263 : vector<1x16xf32> to vector<16xf32>
          %swap3A_265 = vector.shape_cast %mul3A_260 : vector<16xf32> to vector<1x16xf32>
          tpu.vector_store %arg11[%swap3A_261, %swap3A_262], %swap3A_265 {strides = array<i32>} : memref<80x128xf32, #tpu.memory_space<vmem>>, vector<1x16xf32>,
          %get3A_266 = arith.index_cast %add3A_183 : i32 to index
          %get3A_267 = arith.constant 96 : index
          %get3A_268 = tpu.vector_load %arg11[%get3A_266, %get3A_267] {strides = array<i32>} : memref<80x128xf32, #tpu.memory_space<vmem>>, vector<1x16xf32>,
          %get3A_269 = vector.shape_cast %get3A_268 : vector<1x16xf32> to vector<16xf32>
          %get3A_270 = arith.index_cast %add3A_183 : i32 to index
          %get3A_271 = arith.constant 96 : index
          %get3A_272 = tpu.vector_load %arg12[%get3A_270, %get3A_271] {strides = array<i32>} : memref<80x128xf32, #tpu.memory_space<vmem>>, vector<1x16xf32>,
          %get3A_273 = vector.shape_cast %get3A_272 : vector<1x16xf32> to vector<16xf32>
          %mul3A_274 = arith.mulf %get3A_269, %get3A_273 : vector<16xf32>
          %swap3A_275 = arith.index_cast %add3A_183 : i32 to index
          %swap3A_276 = arith.constant 96 : index
          %swap3A_277 = tpu.vector_load %arg11[%swap3A_275, %swap3A_276] {strides = array<i32>} : memref<80x128xf32, #tpu.memory_space<vmem>>, vector<1x16xf32>,
          %swap3A_278 = vector.shape_cast %swap3A_277 : vector<1x16xf32> to vector<16xf32>
          %swap3A_279 = vector.shape_cast %mul3A_274 : vector<16xf32> to vector<1x16xf32>
          tpu.vector_store %arg11[%swap3A_275, %swap3A_276], %swap3A_279 {strides = array<i32>} : memref<80x128xf32, #tpu.memory_space<vmem>>, vector<1x16xf32>,
          %get3A_280 = arith.index_cast %add3A_183 : i32 to index
          %get3A_281 = arith.constant 112 : index
          %get3A_282 = tpu.vector_load %arg11[%get3A_280, %get3A_281] {strides = array<i32>} : memref<80x128xf32, #tpu.memory_space<vmem>>, vector<1x16xf32>,
          %get3A_283 = vector.shape_cast %get3A_282 : vector<1x16xf32> to vector<16xf32>
          %get3A_284 = arith.index_cast %add3A_183 : i32 to index
          %get3A_285 = arith.constant 112 : index
          %get3A_286 = tpu.vector_load %arg12[%get3A_284, %get3A_285] {strides = array<i32>} : memref<80x128xf32, #tpu.memory_space<vmem>>, vector<1x16xf32>,
          %get3A_287 = vector.shape_cast %get3A_286 : vector<1x16xf32> to vector<16xf32>
          %mul3A_288 = arith.mulf %get3A_283, %get3A_287 : vector<16xf32>
          %swap3A_289 = arith.index_cast %add3A_183 : i32 to index
          %swap3A_290 = arith.constant 112 : index
          %swap3A_291 = tpu.vector_load %arg11[%swap3A_289, %swap3A_290] {strides = array<i32>} : memref<80x128xf32, #tpu.memory_space<vmem>>, vector<1x16xf32>,
          %swap3A_292 = vector.shape_cast %swap3A_291 : vector<1x16xf32> to vector<16xf32>
          %swap3A_293 = vector.shape_cast %mul3A_288 : vector<16xf32> to vector<1x16xf32>
          tpu.vector_store %arg11[%swap3A_289, %swap3A_290], %swap3A_293 {strides = array<i32>} : memref<80x128xf32, #tpu.memory_space<vmem>>, vector<1x16xf32>,
        }
        %scan3A_171 = arith.constant 80 : i32
        %dma_start3A_172 = arith.constant 1 : i32
        %dma_start3A_173 = arith.constant 0 : i32
        %dma_start3A_174 = tpu.memref_slice %arg8[%dma_start3A_172, %dma_start3A_173] : memref<2x80xi32, #tpu.memory_space<vmem>> -> memref<1x80xi32, #tpu.memory_space<vmem>>
        %dma_start3A_175 = tpu.memref_squeeze %dma_start3A_174 : memref<1x80xi32, #tpu.memory_space<vmem>> -> memref<80xi32, #tpu.memory_space<vmem>>
        %dma_start3A_176 = arith.constant 0 : i32
        %dma_start3A_177 = arith.constant 0 : i32
        %dma_start3A_178 = tpu.memref_slice %arg13[%dma_start3A_176, %dma_start3A_177] : memref<10000x128xf32, #tpu.memory_space<vmem_shared>> -> memref<10000x128xf32, #tpu.memory_space<vmem_shared>>
        tpu.enqueue_indirect_dma source(%arg11 : memref<80x128xf32, #tpu.memory_space<vmem>>) target(%dma_start3A_178 : memref<10000x128xf32, #tpu.memory_space<vmem_shared>>) offsets(%dma_start3A_175 : memref<80xi32, #tpu.memory_space<vmem>>) semaphore(%arg19 : memref<!tpu.dma_semaphore, #tpu.memory_space<semaphore_mem>>) {add = true}
      } else {
      }
    }
    %while3A_104 = arith.constant 1 : i32
    scf.for %while3A_126 = %while3A_102 to %while3A_98 step %while3A_104  : i32 {
      %mul3A_127 = arith.muli %while3A_126, %while3A_94 : i32
      %add3A_128 = arith.addi %while3A_95, %mul3A_127 : i32
      %add3A_129 = arith.constant 0 : i32
      %add3A_130 = arith.addi %add3A_128, %add3A_129 : i32
      %lt3A = arith.cmpi slt, %add3A_130, %select_n3A : i32
      %convert_element_type3A_131 = arith.extui %lt3A : i1 to i32
      %cond3A_132 = arith.constant 0 : i32
      %cond3A_133 = arith.cmpi ne, %convert_element_type3A_131, %cond3A_132 : i32
      scf.if %cond3A_133 {
        %dma_wait3A_140 = arith.constant 0 : i32
        %dma_wait3A_141 = arith.constant 0 : i32
        %dma_wait3A_142 = tpu.memref_slice %arg7[%dma_wait3A_140, %dma_wait3A_141] : memref<2x80xi32, #tpu.memory_space<vmem>> -> memref<1x80xi32, #tpu.memory_space<vmem>>
        %dma_wait3A_143 = tpu.memref_squeeze %dma_wait3A_142 : memref<1x80xi32, #tpu.memory_space<vmem>> -> memref<80xi32, #tpu.memory_space<vmem>>
        %dma_wait3A_144 = arith.constant 0 : i32
        %dma_wait3A_145 = arith.constant 0 : i32
        %dma_wait3A_146 = tpu.memref_slice %arg4[%dma_wait3A_144, %dma_wait3A_145] : memref<10000x128xf32, #tpu.memory_space<hbm>> -> memref<10000x128xf32, #tpu.memory_space<hbm>>
        tpu.wait_indirect_dma semaphore(%arg14 : memref<!tpu.dma_semaphore, #tpu.memory_space<semaphore_mem>>) src(%dma_wait3A_146 : memref<10000x128xf32, #tpu.memory_space<hbm>>) dst(%arg9 : memref<80x128xf32, #tpu.memory_space<vmem>>)
        %dma_wait3A_147 = arith.constant 0 : i32
        %dma_wait3A_148 = arith.constant 0 : i32
        %dma_wait3A_149 = tpu.memref_slice %arg3[%dma_wait3A_147, %dma_wait3A_148] : memref<320000x128xf32, #tpu.memory_space<hbm>> -> memref<80x128xf32, #tpu.memory_space<hbm>>
        %dma_wait3A_150 = arith.constant 0 : i32
        %dma_wait3A_151 = arith.constant 0 : i32
        %dma_wait3A_152 = tpu.memref_slice %arg3[%dma_wait3A_150, %dma_wait3A_151] : memref<320000x128xf32, #tpu.memory_space<hbm>> -> memref<80x128xf32, #tpu.memory_space<hbm>>
        tpu.wait_dma2 semaphore(%arg15 : memref<!tpu.dma_semaphore, #tpu.memory_space<semaphore_mem>>) src(%dma_wait3A_152 : memref<80x128xf32, #tpu.memory_space<hbm>>) dst(%arg10 : memref<80x128xf32, #tpu.memory_space<vmem>>)
        %add3A_153 = arith.constant 1 : i32
        %add3A_154 = arith.addi %add3A_130, %add3A_153 : i32
        %lt3A_155 = arith.cmpi slt, %add3A_154, %select_n3A : i32
        %ge3A = arith.constant 1 : i32
        %ge3A_156 = arith.cmpi sge, %add3A_130, %ge3A : i32
        %and3A_157 = arith.andi %lt3A_155, %ge3A_156 : i1
        %convert_element_type3A_158 = arith.extui %and3A_157 : i1 to i32
        %cond3A_159 = arith.constant 0 : i32
        %cond3A_160 = arith.cmpi ne, %convert_element_type3A_158, %cond3A_159 : i32
        scf.if %cond3A_160 {
          %dma_wait3A_179 = arith.constant 1 : i32
          %dma_wait3A_180 = arith.constant 0 : i32
          %dma_wait3A_181 = tpu.memref_slice %arg8[%dma_wait3A_179, %dma_wait3A_180] : memref<2x80xi32, #tpu.memory_space<vmem>> -> memref<1x80xi32, #tpu.memory_space<vmem>>
          %dma_wait3A_182 = tpu.memref_squeeze %dma_wait3A_181 : memref<1x80xi32, #tpu.memory_space<vmem>> -> memref<80xi32, #tpu.memory_space<vmem>>
          %dma_wait3A_183 = arith.constant 0 : i32
          %dma_wait3A_184 = arith.constant 0 : i32
          %dma_wait3A_185 = tpu.memref_slice %arg13[%dma_wait3A_183, %dma_wait3A_184] : memref<10000x128xf32, #tpu.memory_space<vmem_shared>> -> memref<10000x128xf32, #tpu.memory_space<vmem_shared>>
          tpu.wait_indirect_dma semaphore(%arg19 : memref<!tpu.dma_semaphore, #tpu.memory_space<semaphore_mem>>) src(%arg11 : memref<80x128xf32, #tpu.memory_space<vmem>>) dst(%dma_wait3A_185 : memref<10000x128xf32, #tpu.memory_space<vmem_shared>>)
        } else {
        }
        %add3A_161 = arith.constant 1 : i32
        %add3A_162 = arith.addi %add3A_130, %add3A_161 : i32
        %lt3A_163 = arith.cmpi slt, %add3A_162, %select_n3A : i32
        %convert_element_type3A_164 = arith.extui %lt3A_163 : i1 to i32
        %cond3A_165 = arith.constant 0 : i32
        %cond3A_166 = arith.cmpi ne, %convert_element_type3A_164, %cond3A_165 : i32
        scf.if %cond3A_166 {
          %add3A_179 = arith.constant 1 : i32
          %add3A_180 = arith.addi %add3A_130, %add3A_179 : i32
          %mul3A_181 = arith.constant 32 : i32
          %mul3A_182 = arith.muli %add3A_180, %mul3A_181 : i32
          %add3A_183 = arith.addi %add3A, %mul3A_182 : i32
          %mul3A_184 = arith.constant 80 : i32
          %mul3A_185 = arith.muli %add3A_183, %mul3A_184 : i32
          %multiple_of3A_186 = tpu.assume_multiple %mul3A_185, 8 : i32
          "tpu.region"() ({
            %run_scoped3A = tpu.sem_alloc : memref<!tpu.dma_semaphore, #tpu.memory_space<semaphore_mem>>
            %dma_start3A_198 = arith.constant 0 : i32
            %dma_start3A_199 = arith.constant 0 : i32
            %dma_start3A_200 = tpu.memref_slice %arg2[%add3A_183, %dma_start3A_198, %dma_start3A_199] : memref<4000x2x80xi32, #tpu.memory_space<hbm>> -> memref<1x2x80xi32, #tpu.memory_space<hbm>>
            %dma_start3A_201 = tpu.memref_squeeze %dma_start3A_200 : memref<1x2x80xi32, #tpu.memory_space<hbm>> -> memref<2x80xi32, #tpu.memory_space<hbm>>
            %dma_start3A_202 = arith.constant 0 : i32
            %dma_start3A_203 = arith.constant 0 : i32
            %dma_start3A_204 = tpu.memref_slice %arg2[%add3A_183, %dma_start3A_202, %dma_start3A_203] : memref<4000x2x80xi32, #tpu.memory_space<hbm>> -> memref<1x2x80xi32, #tpu.memory_space<hbm>>
            %dma_start3A_205 = tpu.memref_squeeze %dma_start3A_204 : memref<1x2x80xi32, #tpu.memory_space<hbm>> -> memref<2x80xi32, #tpu.memory_space<hbm>>
            tpu.enqueue_dma source(%dma_start3A_205 : memref<2x80xi32, #tpu.memory_space<hbm>>) target(%arg8 : memref<2x80xi32, #tpu.memory_space<vmem>>) target_semaphore(%run_scoped3A : memref<!tpu.dma_semaphore, #tpu.memory_space<semaphore_mem>>)
            %dma_wait3A_206 = arith.constant 0 : i32
            %dma_wait3A_207 = arith.constant 0 : i32
            %dma_wait3A_208 = tpu.memref_slice %arg2[%add3A_183, %dma_wait3A_206, %dma_wait3A_207] : memref<4000x2x80xi32, #tpu.memory_space<hbm>> -> memref<1x2x80xi32, #tpu.memory_space<hbm>>
            %dma_wait3A_209 = tpu.memref_squeeze %dma_wait3A_208 : memref<1x2x80xi32, #tpu.memory_space<hbm>> -> memref<2x80xi32, #tpu.memory_space<hbm>>
            %dma_wait3A_210 = arith.constant 0 : i32
            %dma_wait3A_211 = arith.constant 0 : i32
            %dma_wait3A_212 = tpu.memref_slice %arg2[%add3A_183, %dma_wait3A_210, %dma_wait3A_211] : memref<4000x2x80xi32, #tpu.memory_space<hbm>> -> memref<1x2x80xi32, #tpu.memory_space<hbm>>
            %dma_wait3A_213 = tpu.memref_squeeze %dma_wait3A_212 : memref<1x2x80xi32, #tpu.memory_space<hbm>> -> memref<2x80xi32, #tpu.memory_space<hbm>>
            tpu.wait_dma2 semaphore(%run_scoped3A : memref<!tpu.dma_semaphore, #tpu.memory_space<semaphore_mem>>) src(%dma_wait3A_213 : memref<2x80xi32, #tpu.memory_space<hbm>>) dst(%arg8 : memref<2x80xi32, #tpu.memory_space<vmem>>)
            tpu.yield
          }) : () -> ()
          %dma_start3A_187 = arith.constant 0 : i32
          %dma_start3A_188 = arith.constant 0 : i32
          %dma_start3A_189 = tpu.memref_slice %arg8[%dma_start3A_187, %dma_start3A_188] : memref<2x80xi32, #tpu.memory_space<vmem>> -> memref<1x80xi32, #tpu.memory_space<vmem>>
          %dma_start3A_190 = tpu.memref_squeeze %dma_start3A_189 : memref<1x80xi32, #tpu.memory_space<vmem>> -> memref<80xi32, #tpu.memory_space<vmem>>
          %dma_start3A_191 = arith.constant 0 : i32
          %dma_start3A_192 = arith.constant 0 : i32
          %dma_start3A_193 = tpu.memref_slice %arg4[%dma_start3A_191, %dma_start3A_192] : memref<10000x128xf32, #tpu.memory_space<hbm>> -> memref<10000x128xf32, #tpu.memory_space<hbm>>
          tpu.enqueue_indirect_dma source(%dma_start3A_193 : memref<10000x128xf32, #tpu.memory_space<hbm>>) target(%arg11 : memref<80x128xf32, #tpu.memory_space<vmem>>) offsets(%dma_start3A_190 : memref<80xi32, #tpu.memory_space<vmem>>) semaphore(%arg17 : memref<!tpu.dma_semaphore, #tpu.memory_space<semaphore_mem>>)
          %dma_start3A_194 = arith.constant 0 : i32
          %dma_start3A_195 = tpu.memref_slice %arg3[%multiple_of3A_186, %dma_start3A_194] : memref<320000x128xf32, #tpu.memory_space<hbm>> -> memref<80x128xf32, #tpu.memory_space<hbm>>
          %dma_start3A_196 = arith.constant 0 : i32
          %dma_start3A_197 = tpu.memref_slice %arg3[%multiple_of3A_186, %dma_start3A_196] : memref<320000x128xf32, #tpu.memory_space<hbm>> -> memref<80x128xf32, #tpu.memory_space<hbm>>
          tpu.enqueue_dma source(%dma_start3A_197 : memref<80x128xf32, #tpu.memory_space<hbm>>) target(%arg12 : memref<80x128xf32, #tpu.memory_space<vmem>>) target_semaphore(%arg18 : memref<!tpu.dma_semaphore, #tpu.memory_space<semaphore_mem>>)
        } else {
        }
        %scan3A_167 = arith.constant 0 : i32
        %scan3A_168 = arith.constant 80 : i32
        %scan3A_169 = arith.addi %scan3A_167, %scan3A_168 : i32
        %scan3A_170 = arith.constant 1 : i32
        scf.for %scan3A_179 = %scan3A_167 to %scan3A_169 step %scan3A_170  : i32 {
          %mul3A_180 = arith.constant 1 : i32
          %mul3A_181 = arith.muli %scan3A_179, %mul3A_180 : i32
          %add3A_182 = arith.constant 0 : i32
          %add3A_183 = arith.addi %add3A_182, %mul3A_181 : i32
          %get3A = arith.index_cast %add3A_183 : i32 to index
          %get3A_184 = arith.constant 0 : index
          %get3A_185 = tpu.vector_load %arg9[%get3A, %get3A_184] {strides = array<i32>} : memref<80x128xf32, #tpu.memory_space<vmem>>, vector<1x16xf32>,
          %get3A_186 = vector.shape_cast %get3A_185 : vector<1x16xf32> to vector<16xf32>
          %get3A_187 = arith.index_cast %add3A_183 : i32 to index
          %get3A_188 = arith.constant 0 : index
          %get3A_189 = tpu.vector_load %arg10[%get3A_187, %get3A_188] {strides = array<i32>} : memref<80x128xf32, #tpu.memory_space<vmem>>, vector<1x16xf32>,
          %get3A_190 = vector.shape_cast %get3A_189 : vector<1x16xf32> to vector<16xf32>
          %mul3A_191 = arith.mulf %get3A_186, %get3A_190 : vector<16xf32>
          %swap3A = arith.index_cast %add3A_183 : i32 to index
          %swap3A_192 = arith.constant 0 : index
          %swap3A_193 = tpu.vector_load %arg9[%swap3A, %swap3A_192] {strides = array<i32>} : memref<80x128xf32, #tpu.memory_space<vmem>>, vector<1x16xf32>,
          %swap3A_194 = vector.shape_cast %swap3A_193 : vector<1x16xf32> to vector<16xf32>
          %swap3A_195 = vector.shape_cast %mul3A_191 : vector<16xf32> to vector<1x16xf32>
          tpu.vector_store %arg9[%swap3A, %swap3A_192], %swap3A_195 {strides = array<i32>} : memref<80x128xf32, #tpu.memory_space<vmem>>, vector<1x16xf32>,
          %get3A_196 = arith.index_cast %add3A_183 : i32 to index
          %get3A_197 = arith.constant 16 : index
          %get3A_198 = tpu.vector_load %arg9[%get3A_196, %get3A_197] {strides = array<i32>} : memref<80x128xf32, #tpu.memory_space<vmem>>, vector<1x16xf32>,
          %get3A_199 = vector.shape_cast %get3A_198 : vector<1x16xf32> to vector<16xf32>
          %get3A_200 = arith.index_cast %add3A_183 : i32 to index
          %get3A_201 = arith.constant 16 : index
          %get3A_202 = tpu.vector_load %arg10[%get3A_200, %get3A_201] {strides = array<i32>} : memref<80x128xf32, #tpu.memory_space<vmem>>, vector<1x16xf32>,
          %get3A_203 = vector.shape_cast %get3A_202 : vector<1x16xf32> to vector<16xf32>
          %mul3A_204 = arith.mulf %get3A_199, %get3A_203 : vector<16xf32>
          %swap3A_205 = arith.index_cast %add3A_183 : i32 to index
          %swap3A_206 = arith.constant 16 : index
          %swap3A_207 = tpu.vector_load %arg9[%swap3A_205, %swap3A_206] {strides = array<i32>} : memref<80x128xf32, #tpu.memory_space<vmem>>, vector<1x16xf32>,
          %swap3A_208 = vector.shape_cast %swap3A_207 : vector<1x16xf32> to vector<16xf32>
          %swap3A_209 = vector.shape_cast %mul3A_204 : vector<16xf32> to vector<1x16xf32>
          tpu.vector_store %arg9[%swap3A_205, %swap3A_206], %swap3A_209 {strides = array<i32>} : memref<80x128xf32, #tpu.memory_space<vmem>>, vector<1x16xf32>,
          %get3A_210 = arith.index_cast %add3A_183 : i32 to index
          %get3A_211 = arith.constant 32 : index
          %get3A_212 = tpu.vector_load %arg9[%get3A_210, %get3A_211] {strides = array<i32>} : memref<80x128xf32, #tpu.memory_space<vmem>>, vector<1x16xf32>,
          %get3A_213 = vector.shape_cast %get3A_212 : vector<1x16xf32> to vector<16xf32>
          %get3A_214 = arith.index_cast %add3A_183 : i32 to index
          %get3A_215 = arith.constant 32 : index
          %get3A_216 = tpu.vector_load %arg10[%get3A_214, %get3A_215] {strides = array<i32>} : memref<80x128xf32, #tpu.memory_space<vmem>>, vector<1x16xf32>,
          %get3A_217 = vector.shape_cast %get3A_216 : vector<1x16xf32> to vector<16xf32>
          %mul3A_218 = arith.mulf %get3A_213, %get3A_217 : vector<16xf32>
          %swap3A_219 = arith.index_cast %add3A_183 : i32 to index
          %swap3A_220 = arith.constant 32 : index
          %swap3A_221 = tpu.vector_load %arg9[%swap3A_219, %swap3A_220] {strides = array<i32>} : memref<80x128xf32, #tpu.memory_space<vmem>>, vector<1x16xf32>,
          %swap3A_222 = vector.shape_cast %swap3A_221 : vector<1x16xf32> to vector<16xf32>
          %swap3A_223 = vector.shape_cast %mul3A_218 : vector<16xf32> to vector<1x16xf32>
          tpu.vector_store %arg9[%swap3A_219, %swap3A_220], %swap3A_223 {strides = array<i32>} : memref<80x128xf32, #tpu.memory_space<vmem>>, vector<1x16xf32>,
          %get3A_224 = arith.index_cast %add3A_183 : i32 to index
          %get3A_225 = arith.constant 48 : index
          %get3A_226 = tpu.vector_load %arg9[%get3A_224, %get3A_225] {strides = array<i32>} : memref<80x128xf32, #tpu.memory_space<vmem>>, vector<1x16xf32>,
          %get3A_227 = vector.shape_cast %get3A_226 : vector<1x16xf32> to vector<16xf32>
          %get3A_228 = arith.index_cast %add3A_183 : i32 to index
          %get3A_229 = arith.constant 48 : index
          %get3A_230 = tpu.vector_load %arg10[%get3A_228, %get3A_229] {strides = array<i32>} : memref<80x128xf32, #tpu.memory_space<vmem>>, vector<1x16xf32>,
          %get3A_231 = vector.shape_cast %get3A_230 : vector<1x16xf32> to vector<16xf32>
          %mul3A_232 = arith.mulf %get3A_227, %get3A_231 : vector<16xf32>
          %swap3A_233 = arith.index_cast %add3A_183 : i32 to index
          %swap3A_234 = arith.constant 48 : index
          %swap3A_235 = tpu.vector_load %arg9[%swap3A_233, %swap3A_234] {strides = array<i32>} : memref<80x128xf32, #tpu.memory_space<vmem>>, vector<1x16xf32>,
          %swap3A_236 = vector.shape_cast %swap3A_235 : vector<1x16xf32> to vector<16xf32>
          %swap3A_237 = vector.shape_cast %mul3A_232 : vector<16xf32> to vector<1x16xf32>
          tpu.vector_store %arg9[%swap3A_233, %swap3A_234], %swap3A_237 {strides = array<i32>} : memref<80x128xf32, #tpu.memory_space<vmem>>, vector<1x16xf32>,
          %get3A_238 = arith.index_cast %add3A_183 : i32 to index
          %get3A_239 = arith.constant 64 : index
          %get3A_240 = tpu.vector_load %arg9[%get3A_238, %get3A_239] {strides = array<i32>} : memref<80x128xf32, #tpu.memory_space<vmem>>, vector<1x16xf32>,
          %get3A_241 = vector.shape_cast %get3A_240 : vector<1x16xf32> to vector<16xf32>
          %get3A_242 = arith.index_cast %add3A_183 : i32 to index
          %get3A_243 = arith.constant 64 : index
          %get3A_244 = tpu.vector_load %arg10[%get3A_242, %get3A_243] {strides = array<i32>} : memref<80x128xf32, #tpu.memory_space<vmem>>, vector<1x16xf32>,
          %get3A_245 = vector.shape_cast %get3A_244 : vector<1x16xf32> to vector<16xf32>
          %mul3A_246 = arith.mulf %get3A_241, %get3A_245 : vector<16xf32>
          %swap3A_247 = arith.index_cast %add3A_183 : i32 to index
          %swap3A_248 = arith.constant 64 : index
          %swap3A_249 = tpu.vector_load %arg9[%swap3A_247, %swap3A_248] {strides = array<i32>} : memref<80x128xf32, #tpu.memory_space<vmem>>, vector<1x16xf32>,
          %swap3A_250 = vector.shape_cast %swap3A_249 : vector<1x16xf32> to vector<16xf32>
          %swap3A_251 = vector.shape_cast %mul3A_246 : vector<16xf32> to vector<1x16xf32>
          tpu.vector_store %arg9[%swap3A_247, %swap3A_248], %swap3A_251 {strides = array<i32>} : memref<80x128xf32, #tpu.memory_space<vmem>>, vector<1x16xf32>,
          %get3A_252 = arith.index_cast %add3A_183 : i32 to index
          %get3A_253 = arith.constant 80 : index
          %get3A_254 = tpu.vector_load %arg9[%get3A_252, %get3A_253] {strides = array<i32>} : memref<80x128xf32, #tpu.memory_space<vmem>>, vector<1x16xf32>,
          %get3A_255 = vector.shape_cast %get3A_254 : vector<1x16xf32> to vector<16xf32>
          %get3A_256 = arith.index_cast %add3A_183 : i32 to index
          %get3A_257 = arith.constant 80 : index
          %get3A_258 = tpu.vector_load %arg10[%get3A_256, %get3A_257] {strides = array<i32>} : memref<80x128xf32, #tpu.memory_space<vmem>>, vector<1x16xf32>,
          %get3A_259 = vector.shape_cast %get3A_258 : vector<1x16xf32> to vector<16xf32>
          %mul3A_260 = arith.mulf %get3A_255, %get3A_259 : vector<16xf32>
          %swap3A_261 = arith.index_cast %add3A_183 : i32 to index
          %swap3A_262 = arith.constant 80 : index
          %swap3A_263 = tpu.vector_load %arg9[%swap3A_261, %swap3A_262] {strides = array<i32>} : memref<80x128xf32, #tpu.memory_space<vmem>>, vector<1x16xf32>,
          %swap3A_264 = vector.shape_cast %swap3A_263 : vector<1x16xf32> to vector<16xf32>
          %swap3A_265 = vector.shape_cast %mul3A_260 : vector<16xf32> to vector<1x16xf32>
          tpu.vector_store %arg9[%swap3A_261, %swap3A_262], %swap3A_265 {strides = array<i32>} : memref<80x128xf32, #tpu.memory_space<vmem>>, vector<1x16xf32>,
          %get3A_266 = arith.index_cast %add3A_183 : i32 to index
          %get3A_267 = arith.constant 96 : index
          %get3A_268 = tpu.vector_load %arg9[%get3A_266, %get3A_267] {strides = array<i32>} : memref<80x128xf32, #tpu.memory_space<vmem>>, vector<1x16xf32>,
          %get3A_269 = vector.shape_cast %get3A_268 : vector<1x16xf32> to vector<16xf32>
          %get3A_270 = arith.index_cast %add3A_183 : i32 to index
          %get3A_271 = arith.constant 96 : index
          %get3A_272 = tpu.vector_load %arg10[%get3A_270, %get3A_271] {strides = array<i32>} : memref<80x128xf32, #tpu.memory_space<vmem>>, vector<1x16xf32>,
          %get3A_273 = vector.shape_cast %get3A_272 : vector<1x16xf32> to vector<16xf32>
          %mul3A_274 = arith.mulf %get3A_269, %get3A_273 : vector<16xf32>
          %swap3A_275 = arith.index_cast %add3A_183 : i32 to index
          %swap3A_276 = arith.constant 96 : index
          %swap3A_277 = tpu.vector_load %arg9[%swap3A_275, %swap3A_276] {strides = array<i32>} : memref<80x128xf32, #tpu.memory_space<vmem>>, vector<1x16xf32>,
          %swap3A_278 = vector.shape_cast %swap3A_277 : vector<1x16xf32> to vector<16xf32>
          %swap3A_279 = vector.shape_cast %mul3A_274 : vector<16xf32> to vector<1x16xf32>
          tpu.vector_store %arg9[%swap3A_275, %swap3A_276], %swap3A_279 {strides = array<i32>} : memref<80x128xf32, #tpu.memory_space<vmem>>, vector<1x16xf32>,
          %get3A_280 = arith.index_cast %add3A_183 : i32 to index
          %get3A_281 = arith.constant 112 : index
          %get3A_282 = tpu.vector_load %arg9[%get3A_280, %get3A_281] {strides = array<i32>} : memref<80x128xf32, #tpu.memory_space<vmem>>, vector<1x16xf32>,
          %get3A_283 = vector.shape_cast %get3A_282 : vector<1x16xf32> to vector<16xf32>
          %get3A_284 = arith.index_cast %add3A_183 : i32 to index
          %get3A_285 = arith.constant 112 : index
          %get3A_286 = tpu.vector_load %arg10[%get3A_284, %get3A_285] {strides = array<i32>} : memref<80x128xf32, #tpu.memory_space<vmem>>, vector<1x16xf32>,
          %get3A_287 = vector.shape_cast %get3A_286 : vector<1x16xf32> to vector<16xf32>
          %mul3A_288 = arith.mulf %get3A_283, %get3A_287 : vector<16xf32>
          %swap3A_289 = arith.index_cast %add3A_183 : i32 to index
          %swap3A_290 = arith.constant 112 : index
          %swap3A_291 = tpu.vector_load %arg9[%swap3A_289, %swap3A_290] {strides = array<i32>} : memref<80x128xf32, #tpu.memory_space<vmem>>, vector<1x16xf32>,
          %swap3A_292 = vector.shape_cast %swap3A_291 : vector<1x16xf32> to vector<16xf32>
          %swap3A_293 = vector.shape_cast %mul3A_288 : vector<16xf32> to vector<1x16xf32>
          tpu.vector_store %arg9[%swap3A_289, %swap3A_290], %swap3A_293 {strides = array<i32>} : memref<80x128xf32, #tpu.memory_space<vmem>>, vector<1x16xf32>,
        }
        %scan3A_171 = arith.constant 80 : i32
        %dma_start3A_172 = arith.constant 1 : i32
        %dma_start3A_173 = arith.constant 0 : i32
        %dma_start3A_174 = tpu.memref_slice %arg7[%dma_start3A_172, %dma_start3A_173] : memref<2x80xi32, #tpu.memory_space<vmem>> -> memref<1x80xi32, #tpu.memory_space<vmem>>
        %dma_start3A_175 = tpu.memref_squeeze %dma_start3A_174 : memref<1x80xi32, #tpu.memory_space<vmem>> -> memref<80xi32, #tpu.memory_space<vmem>>
        %dma_start3A_176 = arith.constant 0 : i32
        %dma_start3A_177 = arith.constant 0 : i32
        %dma_start3A_178 = tpu.memref_slice %arg13[%dma_start3A_176, %dma_start3A_177] : memref<10000x128xf32, #tpu.memory_space<vmem_shared>> -> memref<10000x128xf32, #tpu.memory_space<vmem_shared>>
        tpu.enqueue_indirect_dma source(%arg9 : memref<80x128xf32, #tpu.memory_space<vmem>>) target(%dma_start3A_178 : memref<10000x128xf32, #tpu.memory_space<vmem_shared>>) offsets(%dma_start3A_175 : memref<80xi32, #tpu.memory_space<vmem>>) semaphore(%arg16 : memref<!tpu.dma_semaphore, #tpu.memory_space<semaphore_mem>>) {add = true}
      } else {
      }
      %add3A_134 = arith.constant 1 : i32
      %add3A_135 = arith.addi %add3A_128, %add3A_134 : i32
      %lt3A_136 = arith.cmpi slt, %add3A_135, %select_n3A : i32
      %convert_element_type3A_137 = arith.extui %lt3A_136 : i1 to i32
      %cond3A_138 = arith.constant 0 : i32
      %cond3A_139 = arith.cmpi ne, %convert_element_type3A_137, %cond3A_138 : i32
      scf.if %cond3A_139 {
        %dma_wait3A_140 = arith.constant 0 : i32
        %dma_wait3A_141 = arith.constant 0 : i32
        %dma_wait3A_142 = tpu.memref_slice %arg8[%dma_wait3A_140, %dma_wait3A_141] : memref<2x80xi32, #tpu.memory_space<vmem>> -> memref<1x80xi32, #tpu.memory_space<vmem>>
        %dma_wait3A_143 = tpu.memref_squeeze %dma_wait3A_142 : memref<1x80xi32, #tpu.memory_space<vmem>> -> memref<80xi32, #tpu.memory_space<vmem>>
        %dma_wait3A_144 = arith.constant 0 : i32
        %dma_wait3A_145 = arith.constant 0 : i32
        %dma_wait3A_146 = tpu.memref_slice %arg4[%dma_wait3A_144, %dma_wait3A_145] : memref<10000x128xf32, #tpu.memory_space<hbm>> -> memref<10000x128xf32, #tpu.memory_space<hbm>>
        tpu.wait_indirect_dma semaphore(%arg17 : memref<!tpu.dma_semaphore, #tpu.memory_space<semaphore_mem>>) src(%dma_wait3A_146 : memref<10000x128xf32, #tpu.memory_space<hbm>>) dst(%arg11 : memref<80x128xf32, #tpu.memory_space<vmem>>)
        %dma_wait3A_147 = arith.constant 0 : i32
        %dma_wait3A_148 = arith.constant 0 : i32
        %dma_wait3A_149 = tpu.memref_slice %arg3[%dma_wait3A_147, %dma_wait3A_148] : memref<320000x128xf32, #tpu.memory_space<hbm>> -> memref<80x128xf32, #tpu.memory_space<hbm>>
        %dma_wait3A_150 = arith.constant 0 : i32
        %dma_wait3A_151 = arith.constant 0 : i32
        %dma_wait3A_152 = tpu.memref_slice %arg3[%dma_wait3A_150, %dma_wait3A_151] : memref<320000x128xf32, #tpu.memory_space<hbm>> -> memref<80x128xf32, #tpu.memory_space<hbm>>
        tpu.wait_dma2 semaphore(%arg18 : memref<!tpu.dma_semaphore, #tpu.memory_space<semaphore_mem>>) src(%dma_wait3A_152 : memref<80x128xf32, #tpu.memory_space<hbm>>) dst(%arg12 : memref<80x128xf32, #tpu.memory_space<vmem>>)
        %add3A_153 = arith.constant 1 : i32
        %add3A_154 = arith.addi %add3A_135, %add3A_153 : i32
        %lt3A_155 = arith.cmpi slt, %add3A_154, %select_n3A : i32
        %ge3A = arith.constant 1 : i32
        %ge3A_156 = arith.cmpi sge, %add3A_135, %ge3A : i32
        %and3A_157 = arith.andi %lt3A_155, %ge3A_156 : i1
        %convert_element_type3A_158 = arith.extui %and3A_157 : i1 to i32
        %cond3A_159 = arith.constant 0 : i32
        %cond3A_160 = arith.cmpi ne, %convert_element_type3A_158, %cond3A_159 : i32
        scf.if %cond3A_160 {
          %dma_wait3A_179 = arith.constant 1 : i32
          %dma_wait3A_180 = arith.constant 0 : i32
          %dma_wait3A_181 = tpu.memref_slice %arg7[%dma_wait3A_179, %dma_wait3A_180] : memref<2x80xi32, #tpu.memory_space<vmem>> -> memref<1x80xi32, #tpu.memory_space<vmem>>
          %dma_wait3A_182 = tpu.memref_squeeze %dma_wait3A_181 : memref<1x80xi32, #tpu.memory_space<vmem>> -> memref<80xi32, #tpu.memory_space<vmem>>
          %dma_wait3A_183 = arith.constant 0 : i32
          %dma_wait3A_184 = arith.constant 0 : i32
          %dma_wait3A_185 = tpu.memref_slice %arg13[%dma_wait3A_183, %dma_wait3A_184] : memref<10000x128xf32, #tpu.memory_space<vmem_shared>> -> memref<10000x128xf32, #tpu.memory_space<vmem_shared>>
          tpu.wait_indirect_dma semaphore(%arg16 : memref<!tpu.dma_semaphore, #tpu.memory_space<semaphore_mem>>) src(%arg9 : memref<80x128xf32, #tpu.memory_space<vmem>>) dst(%dma_wait3A_185 : memref<10000x128xf32, #tpu.memory_space<vmem_shared>>)
        } else {
        }
        %add3A_161 = arith.constant 1 : i32
        %add3A_162 = arith.addi %add3A_135, %add3A_161 : i32
        %lt3A_163 = arith.cmpi slt, %add3A_162, %select_n3A : i32
        %convert_element_type3A_164 = arith.extui %lt3A_163 : i1 to i32
        %cond3A_165 = arith.constant 0 : i32
        %cond3A_166 = arith.cmpi ne, %convert_element_type3A_164, %cond3A_165 : i32
        scf.if %cond3A_166 {
          %add3A_179 = arith.constant 1 : i32
          %add3A_180 = arith.addi %add3A_135, %add3A_179 : i32
          %mul3A_181 = arith.constant 32 : i32
          %mul3A_182 = arith.muli %add3A_180, %mul3A_181 : i32
          %add3A_183 = arith.addi %add3A, %mul3A_182 : i32
          %mul3A_184 = arith.constant 80 : i32
          %mul3A_185 = arith.muli %add3A_183, %mul3A_184 : i32
          %multiple_of3A_186 = tpu.assume_multiple %mul3A_185, 8 : i32
          "tpu.region"() ({
            %run_scoped3A = tpu.sem_alloc : memref<!tpu.dma_semaphore, #tpu.memory_space<semaphore_mem>>
            %dma_start3A_198 = arith.constant 0 : i32
            %dma_start3A_199 = arith.constant 0 : i32
            %dma_start3A_200 = tpu.memref_slice %arg2[%add3A_183, %dma_start3A_198, %dma_start3A_199] : memref<4000x2x80xi32, #tpu.memory_space<hbm>> -> memref<1x2x80xi32, #tpu.memory_space<hbm>>
            %dma_start3A_201 = tpu.memref_squeeze %dma_start3A_200 : memref<1x2x80xi32, #tpu.memory_space<hbm>> -> memref<2x80xi32, #tpu.memory_space<hbm>>
            %dma_start3A_202 = arith.constant 0 : i32
            %dma_start3A_203 = arith.constant 0 : i32
            %dma_start3A_204 = tpu.memref_slice %arg2[%add3A_183, %dma_start3A_202, %dma_start3A_203] : memref<4000x2x80xi32, #tpu.memory_space<hbm>> -> memref<1x2x80xi32, #tpu.memory_space<hbm>>
            %dma_start3A_205 = tpu.memref_squeeze %dma_start3A_204 : memref<1x2x80xi32, #tpu.memory_space<hbm>> -> memref<2x80xi32, #tpu.memory_space<hbm>>
            tpu.enqueue_dma source(%dma_start3A_205 : memref<2x80xi32, #tpu.memory_space<hbm>>) target(%arg7 : memref<2x80xi32, #tpu.memory_space<vmem>>) target_semaphore(%run_scoped3A : memref<!tpu.dma_semaphore, #tpu.memory_space<semaphore_mem>>)
            %dma_wait3A_206 = arith.constant 0 : i32
            %dma_wait3A_207 = arith.constant 0 : i32
            %dma_wait3A_208 = tpu.memref_slice %arg2[%add3A_183, %dma_wait3A_206, %dma_wait3A_207] : memref<4000x2x80xi32, #tpu.memory_space<hbm>> -> memref<1x2x80xi32, #tpu.memory_space<hbm>>
            %dma_wait3A_209 = tpu.memref_squeeze %dma_wait3A_208 : memref<1x2x80xi32, #tpu.memory_space<hbm>> -> memref<2x80xi32, #tpu.memory_space<hbm>>
            %dma_wait3A_210 = arith.constant 0 : i32
            %dma_wait3A_211 = arith.constant 0 : i32
            %dma_wait3A_212 = tpu.memref_slice %arg2[%add3A_183, %dma_wait3A_210, %dma_wait3A_211] : memref<4000x2x80xi32, #tpu.memory_space<hbm>> -> memref<1x2x80xi32, #tpu.memory_space<hbm>>
            %dma_wait3A_213 = tpu.memref_squeeze %dma_wait3A_212 : memref<1x2x80xi32, #tpu.memory_space<hbm>> -> memref<2x80xi32, #tpu.memory_space<hbm>>
            tpu.wait_dma2 semaphore(%run_scoped3A : memref<!tpu.dma_semaphore, #tpu.memory_space<semaphore_mem>>) src(%dma_wait3A_213 : memref<2x80xi32, #tpu.memory_space<hbm>>) dst(%arg7 : memref<2x80xi32, #tpu.memory_space<vmem>>)
            tpu.yield
          }) : () -> ()
          %dma_start3A_187 = arith.constant 0 : i32
          %dma_start3A_188 = arith.constant 0 : i32
          %dma_start3A_189 = tpu.memref_slice %arg7[%dma_start3A_187, %dma_start3A_188] : memref<2x80xi32, #tpu.memory_space<vmem>> -> memref<1x80xi32, #tpu.memory_space<vmem>>
          %dma_start3A_190 = tpu.memref_squeeze %dma_start3A_189 : memref<1x80xi32, #tpu.memory_space<vmem>> -> memref<80xi32, #tpu.memory_space<vmem>>
          %dma_start3A_191 = arith.constant 0 : i32
          %dma_start3A_192 = arith.constant 0 : i32
          %dma_start3A_193 = tpu.memref_slice %arg4[%dma_start3A_191, %dma_start3A_192] : memref<10000x128xf32, #tpu.memory_space<hbm>> -> memref<10000x128xf32, #tpu.memory_space<hbm>>
          tpu.enqueue_indirect_dma source(%dma_start3A_193 : memref<10000x128xf32, #tpu.memory_space<hbm>>) target(%arg9 : memref<80x128xf32, #tpu.memory_space<vmem>>) offsets(%dma_start3A_190 : memref<80xi32, #tpu.memory_space<vmem>>) semaphore(%arg14 : memref<!tpu.dma_semaphore, #tpu.memory_space<semaphore_mem>>)
          %dma_start3A_194 = arith.constant 0 : i32
          %dma_start3A_195 = tpu.memref_slice %arg3[%multiple_of3A_186, %dma_start3A_194] : memref<320000x128xf32, #tpu.memory_space<hbm>> -> memref<80x128xf32, #tpu.memory_space<hbm>>
          %dma_start3A_196 = arith.constant 0 : i32
          %dma_start3A_197 = tpu.memref_slice %arg3[%multiple_of3A_186, %dma_start3A_196] : memref<320000x128xf32, #tpu.memory_space<hbm>> -> memref<80x128xf32, #tpu.memory_space<hbm>>
          tpu.enqueue_dma source(%dma_start3A_197 : memref<80x128xf32, #tpu.memory_space<hbm>>) target(%arg10 : memref<80x128xf32, #tpu.memory_space<vmem>>) target_semaphore(%arg15 : memref<!tpu.dma_semaphore, #tpu.memory_space<semaphore_mem>>)
        } else {
        }
        %scan3A_167 = arith.constant 0 : i32
        %scan3A_168 = arith.constant 80 : i32
        %scan3A_169 = arith.addi %scan3A_167, %scan3A_168 : i32
        %scan3A_170 = arith.constant 1 : i32
        scf.for %scan3A_179 = %scan3A_167 to %scan3A_169 step %scan3A_170  : i32 {
          %mul3A_180 = arith.constant 1 : i32
          %mul3A_181 = arith.muli %scan3A_179, %mul3A_180 : i32
          %add3A_182 = arith.constant 0 : i32
          %add3A_183 = arith.addi %add3A_182, %mul3A_181 : i32
          %get3A = arith.index_cast %add3A_183 : i32 to index
          %get3A_184 = arith.constant 0 : index
          %get3A_185 = tpu.vector_load %arg11[%get3A, %get3A_184] {strides = array<i32>} : memref<80x128xf32, #tpu.memory_space<vmem>>, vector<1x16xf32>,
          %get3A_186 = vector.shape_cast %get3A_185 : vector<1x16xf32> to vector<16xf32>
          %get3A_187 = arith.index_cast %add3A_183 : i32 to index
          %get3A_188 = arith.constant 0 : index
          %get3A_189 = tpu.vector_load %arg12[%get3A_187, %get3A_188] {strides = array<i32>} : memref<80x128xf32, #tpu.memory_space<vmem>>, vector<1x16xf32>,
          %get3A_190 = vector.shape_cast %get3A_189 : vector<1x16xf32> to vector<16xf32>
          %mul3A_191 = arith.mulf %get3A_186, %get3A_190 : vector<16xf32>
          %swap3A = arith.index_cast %add3A_183 : i32 to index
          %swap3A_192 = arith.constant 0 : index
          %swap3A_193 = tpu.vector_load %arg11[%swap3A, %swap3A_192] {strides = array<i32>} : memref<80x128xf32, #tpu.memory_space<vmem>>, vector<1x16xf32>,
          %swap3A_194 = vector.shape_cast %swap3A_193 : vector<1x16xf32> to vector<16xf32>
          %swap3A_195 = vector.shape_cast %mul3A_191 : vector<16xf32> to vector<1x16xf32>
          tpu.vector_store %arg11[%swap3A, %swap3A_192], %swap3A_195 {strides = array<i32>} : memref<80x128xf32, #tpu.memory_space<vmem>>, vector<1x16xf32>,
          %get3A_196 = arith.index_cast %add3A_183 : i32 to index
          %get3A_197 = arith.constant 16 : index
          %get3A_198 = tpu.vector_load %arg11[%get3A_196, %get3A_197] {strides = array<i32>} : memref<80x128xf32, #tpu.memory_space<vmem>>, vector<1x16xf32>,
          %get3A_199 = vector.shape_cast %get3A_198 : vector<1x16xf32> to vector<16xf32>
          %get3A_200 = arith.index_cast %add3A_183 : i32 to index
          %get3A_201 = arith.constant 16 : index
          %get3A_202 = tpu.vector_load %arg12[%get3A_200, %get3A_201] {strides = array<i32>} : memref<80x128xf32, #tpu.memory_space<vmem>>, vector<1x16xf32>,
          %get3A_203 = vector.shape_cast %get3A_202 : vector<1x16xf32> to vector<16xf32>
          %mul3A_204 = arith.mulf %get3A_199, %get3A_203 : vector<16xf32>
          %swap3A_205 = arith.index_cast %add3A_183 : i32 to index
          %swap3A_206 = arith.constant 16 : index
          %swap3A_207 = tpu.vector_load %arg11[%swap3A_205, %swap3A_206] {strides = array<i32>} : memref<80x128xf32, #tpu.memory_space<vmem>>, vector<1x16xf32>,
          %swap3A_208 = vector.shape_cast %swap3A_207 : vector<1x16xf32> to vector<16xf32>
          %swap3A_209 = vector.shape_cast %mul3A_204 : vector<16xf32> to vector<1x16xf32>
          tpu.vector_store %arg11[%swap3A_205, %swap3A_206], %swap3A_209 {strides = array<i32>} : memref<80x128xf32, #tpu.memory_space<vmem>>, vector<1x16xf32>,
          %get3A_210 = arith.index_cast %add3A_183 : i32 to index
          %get3A_211 = arith.constant 32 : index
          %get3A_212 = tpu.vector_load %arg11[%get3A_210, %get3A_211] {strides = array<i32>} : memref<80x128xf32, #tpu.memory_space<vmem>>, vector<1x16xf32>,
          %get3A_213 = vector.shape_cast %get3A_212 : vector<1x16xf32> to vector<16xf32>
          %get3A_214 = arith.index_cast %add3A_183 : i32 to index
          %get3A_215 = arith.constant 32 : index
          %get3A_216 = tpu.vector_load %arg12[%get3A_214, %get3A_215] {strides = array<i32>} : memref<80x128xf32, #tpu.memory_space<vmem>>, vector<1x16xf32>,
          %get3A_217 = vector.shape_cast %get3A_216 : vector<1x16xf32> to vector<16xf32>
          %mul3A_218 = arith.mulf %get3A_213, %get3A_217 : vector<16xf32>
          %swap3A_219 = arith.index_cast %add3A_183 : i32 to index
          %swap3A_220 = arith.constant 32 : index
          %swap3A_221 = tpu.vector_load %arg11[%swap3A_219, %swap3A_220] {strides = array<i32>} : memref<80x128xf32, #tpu.memory_space<vmem>>, vector<1x16xf32>,
          %swap3A_222 = vector.shape_cast %swap3A_221 : vector<1x16xf32> to vector<16xf32>
          %swap3A_223 = vector.shape_cast %mul3A_218 : vector<16xf32> to vector<1x16xf32>
          tpu.vector_store %arg11[%swap3A_219, %swap3A_220], %swap3A_223 {strides = array<i32>} : memref<80x128xf32, #tpu.memory_space<vmem>>, vector<1x16xf32>,
          %get3A_224 = arith.index_cast %add3A_183 : i32 to index
          %get3A_225 = arith.constant 48 : index
          %get3A_226 = tpu.vector_load %arg11[%get3A_224, %get3A_225] {strides = array<i32>} : memref<80x128xf32, #tpu.memory_space<vmem>>, vector<1x16xf32>,
          %get3A_227 = vector.shape_cast %get3A_226 : vector<1x16xf32> to vector<16xf32>
          %get3A_228 = arith.index_cast %add3A_183 : i32 to index
          %get3A_229 = arith.constant 48 : index
          %get3A_230 = tpu.vector_load %arg12[%get3A_228, %get3A_229] {strides = array<i32>} : memref<80x128xf32, #tpu.memory_space<vmem>>, vector<1x16xf32>,
          %get3A_231 = vector.shape_cast %get3A_230 : vector<1x16xf32> to vector<16xf32>
          %mul3A_232 = arith.mulf %get3A_227, %get3A_231 : vector<16xf32>
          %swap3A_233 = arith.index_cast %add3A_183 : i32 to index
          %swap3A_234 = arith.constant 48 : index
          %swap3A_235 = tpu.vector_load %arg11[%swap3A_233, %swap3A_234] {strides = array<i32>} : memref<80x128xf32, #tpu.memory_space<vmem>>, vector<1x16xf32>,
          %swap3A_236 = vector.shape_cast %swap3A_235 : vector<1x16xf32> to vector<16xf32>
          %swap3A_237 = vector.shape_cast %mul3A_232 : vector<16xf32> to vector<1x16xf32>
          tpu.vector_store %arg11[%swap3A_233, %swap3A_234], %swap3A_237 {strides = array<i32>} : memref<80x128xf32, #tpu.memory_space<vmem>>, vector<1x16xf32>,
          %get3A_238 = arith.index_cast %add3A_183 : i32 to index
          %get3A_239 = arith.constant 64 : index
          %get3A_240 = tpu.vector_load %arg11[%get3A_238, %get3A_239] {strides = array<i32>} : memref<80x128xf32, #tpu.memory_space<vmem>>, vector<1x16xf32>,
          %get3A_241 = vector.shape_cast %get3A_240 : vector<1x16xf32> to vector<16xf32>
          %get3A_242 = arith.index_cast %add3A_183 : i32 to index
          %get3A_243 = arith.constant 64 : index
          %get3A_244 = tpu.vector_load %arg12[%get3A_242, %get3A_243] {strides = array<i32>} : memref<80x128xf32, #tpu.memory_space<vmem>>, vector<1x16xf32>,
          %get3A_245 = vector.shape_cast %get3A_244 : vector<1x16xf32> to vector<16xf32>
          %mul3A_246 = arith.mulf %get3A_241, %get3A_245 : vector<16xf32>
          %swap3A_247 = arith.index_cast %add3A_183 : i32 to index
          %swap3A_248 = arith.constant 64 : index
          %swap3A_249 = tpu.vector_load %arg11[%swap3A_247, %swap3A_248] {strides = array<i32>} : memref<80x128xf32, #tpu.memory_space<vmem>>, vector<1x16xf32>,
          %swap3A_250 = vector.shape_cast %swap3A_249 : vector<1x16xf32> to vector<16xf32>
          %swap3A_251 = vector.shape_cast %mul3A_246 : vector<16xf32> to vector<1x16xf32>
          tpu.vector_store %arg11[%swap3A_247, %swap3A_248], %swap3A_251 {strides = array<i32>} : memref<80x128xf32, #tpu.memory_space<vmem>>, vector<1x16xf32>,
          %get3A_252 = arith.index_cast %add3A_183 : i32 to index
          %get3A_253 = arith.constant 80 : index
          %get3A_254 = tpu.vector_load %arg11[%get3A_252, %get3A_253] {strides = array<i32>} : memref<80x128xf32, #tpu.memory_space<vmem>>, vector<1x16xf32>,
          %get3A_255 = vector.shape_cast %get3A_254 : vector<1x16xf32> to vector<16xf32>
          %get3A_256 = arith.index_cast %add3A_183 : i32 to index
          %get3A_257 = arith.constant 80 : index
          %get3A_258 = tpu.vector_load %arg12[%get3A_256, %get3A_257] {strides = array<i32>} : memref<80x128xf32, #tpu.memory_space<vmem>>, vector<1x16xf32>,
          %get3A_259 = vector.shape_cast %get3A_258 : vector<1x16xf32> to vector<16xf32>
          %mul3A_260 = arith.mulf %get3A_255, %get3A_259 : vector<16xf32>
          %swap3A_261 = arith.index_cast %add3A_183 : i32 to index
          %swap3A_262 = arith.constant 80 : index
          %swap3A_263 = tpu.vector_load %arg11[%swap3A_261, %swap3A_262] {strides = array<i32>} : memref<80x128xf32, #tpu.memory_space<vmem>>, vector<1x16xf32>,
          %swap3A_264 = vector.shape_cast %swap3A_263 : vector<1x16xf32> to vector<16xf32>
          %swap3A_265 = vector.shape_cast %mul3A_260 : vector<16xf32> to vector<1x16xf32>
          tpu.vector_store %arg11[%swap3A_261, %swap3A_262], %swap3A_265 {strides = array<i32>} : memref<80x128xf32, #tpu.memory_space<vmem>>, vector<1x16xf32>,
          %get3A_266 = arith.index_cast %add3A_183 : i32 to index
          %get3A_267 = arith.constant 96 : index
          %get3A_268 = tpu.vector_load %arg11[%get3A_266, %get3A_267] {strides = array<i32>} : memref<80x128xf32, #tpu.memory_space<vmem>>, vector<1x16xf32>,
          %get3A_269 = vector.shape_cast %get3A_268 : vector<1x16xf32> to vector<16xf32>
          %get3A_270 = arith.index_cast %add3A_183 : i32 to index
          %get3A_271 = arith.constant 96 : index
          %get3A_272 = tpu.vector_load %arg12[%get3A_270, %get3A_271] {strides = array<i32>} : memref<80x128xf32, #tpu.memory_space<vmem>>, vector<1x16xf32>,
          %get3A_273 = vector.shape_cast %get3A_272 : vector<1x16xf32> to vector<16xf32>
          %mul3A_274 = arith.mulf %get3A_269, %get3A_273 : vector<16xf32>
          %swap3A_275 = arith.index_cast %add3A_183 : i32 to index
          %swap3A_276 = arith.constant 96 : index
          %swap3A_277 = tpu.vector_load %arg11[%swap3A_275, %swap3A_276] {strides = array<i32>} : memref<80x128xf32, #tpu.memory_space<vmem>>, vector<1x16xf32>,
          %swap3A_278 = vector.shape_cast %swap3A_277 : vector<1x16xf32> to vector<16xf32>
          %swap3A_279 = vector.shape_cast %mul3A_274 : vector<16xf32> to vector<1x16xf32>
          tpu.vector_store %arg11[%swap3A_275, %swap3A_276], %swap3A_279 {strides = array<i32>} : memref<80x128xf32, #tpu.memory_space<vmem>>, vector<1x16xf32>,
          %get3A_280 = arith.index_cast %add3A_183 : i32 to index
          %get3A_281 = arith.constant 112 : index
          %get3A_282 = tpu.vector_load %arg11[%get3A_280, %get3A_281] {strides = array<i32>} : memref<80x128xf32, #tpu.memory_space<vmem>>, vector<1x16xf32>,
          %get3A_283 = vector.shape_cast %get3A_282 : vector<1x16xf32> to vector<16xf32>
          %get3A_284 = arith.index_cast %add3A_183 : i32 to index
          %get3A_285 = arith.constant 112 : index
          %get3A_286 = tpu.vector_load %arg12[%get3A_284, %get3A_285] {strides = array<i32>} : memref<80x128xf32, #tpu.memory_space<vmem>>, vector<1x16xf32>,
          %get3A_287 = vector.shape_cast %get3A_286 : vector<1x16xf32> to vector<16xf32>
          %mul3A_288 = arith.mulf %get3A_283, %get3A_287 : vector<16xf32>
          %swap3A_289 = arith.index_cast %add3A_183 : i32 to index
          %swap3A_290 = arith.constant 112 : index
          %swap3A_291 = tpu.vector_load %arg11[%swap3A_289, %swap3A_290] {strides = array<i32>} : memref<80x128xf32, #tpu.memory_space<vmem>>, vector<1x16xf32>,
          %swap3A_292 = vector.shape_cast %swap3A_291 : vector<1x16xf32> to vector<16xf32>
          %swap3A_293 = vector.shape_cast %mul3A_288 : vector<16xf32> to vector<1x16xf32>
          tpu.vector_store %arg11[%swap3A_289, %swap3A_290], %swap3A_293 {strides = array<i32>} : memref<80x128xf32, #tpu.memory_space<vmem>>, vector<1x16xf32>,
        }
        %scan3A_171 = arith.constant 80 : i32
        %dma_start3A_172 = arith.constant 1 : i32
        %dma_start3A_173 = arith.constant 0 : i32
        %dma_start3A_174 = tpu.memref_slice %arg8[%dma_start3A_172, %dma_start3A_173] : memref<2x80xi32, #tpu.memory_space<vmem>> -> memref<1x80xi32, #tpu.memory_space<vmem>>
        %dma_start3A_175 = tpu.memref_squeeze %dma_start3A_174 : memref<1x80xi32, #tpu.memory_space<vmem>> -> memref<80xi32, #tpu.memory_space<vmem>>
        %dma_start3A_176 = arith.constant 0 : i32
        %dma_start3A_177 = arith.constant 0 : i32
        %dma_start3A_178 = tpu.memref_slice %arg13[%dma_start3A_176, %dma_start3A_177] : memref<10000x128xf32, #tpu.memory_space<vmem_shared>> -> memref<10000x128xf32, #tpu.memory_space<vmem_shared>>
        tpu.enqueue_indirect_dma source(%arg11 : memref<80x128xf32, #tpu.memory_space<vmem>>) target(%dma_start3A_178 : memref<10000x128xf32, #tpu.memory_space<vmem_shared>>) offsets(%dma_start3A_175 : memref<80xi32, #tpu.memory_space<vmem>>) semaphore(%arg19 : memref<!tpu.dma_semaphore, #tpu.memory_space<semaphore_mem>>) {add = true}
      } else {
      }
    }
    %dma_wait3A = arith.constant 1 : i32
    %dma_wait3A_105 = arith.constant 0 : i32
    %dma_wait3A_106 = tpu.memref_slice %arg7[%dma_wait3A, %dma_wait3A_105] : memref<2x80xi32, #tpu.memory_space<vmem>> -> memref<1x80xi32, #tpu.memory_space<vmem>>
    %dma_wait3A_107 = tpu.memref_squeeze %dma_wait3A_106 : memref<1x80xi32, #tpu.memory_space<vmem>> -> memref<80xi32, #tpu.memory_space<vmem>>
    %dma_wait3A_108 = arith.constant 0 : i32
    %dma_wait3A_109 = arith.constant 0 : i32
    %dma_wait3A_110 = tpu.memref_slice %arg13[%dma_wait3A_108, %dma_wait3A_109] : memref<10000x128xf32, #tpu.memory_space<vmem_shared>> -> memref<10000x128xf32, #tpu.memory_space<vmem_shared>>
    tpu.wait_indirect_dma semaphore(%arg16 : memref<!tpu.dma_semaphore, #tpu.memory_space<semaphore_mem>>) src(%arg9 : memref<80x128xf32, #tpu.memory_space<vmem>>) dst(%dma_wait3A_110 : memref<10000x128xf32, #tpu.memory_space<vmem_shared>>)
    %dma_wait3A_111 = arith.constant 1 : i32
    %dma_wait3A_112 = arith.constant 0 : i32
    %dma_wait3A_113 = tpu.memref_slice %arg8[%dma_wait3A_111, %dma_wait3A_112] : memref<2x80xi32, #tpu.memory_space<vmem>> -> memref<1x80xi32, #tpu.memory_space<vmem>>
    %dma_wait3A_114 = tpu.memref_squeeze %dma_wait3A_113 : memref<1x80xi32, #tpu.memory_space<vmem>> -> memref<80xi32, #tpu.memory_space<vmem>>
    %dma_wait3A_115 = arith.constant 0 : i32
    %dma_wait3A_116 = arith.constant 0 : i32
    %dma_wait3A_117 = tpu.memref_slice %arg13[%dma_wait3A_115, %dma_wait3A_116] : memref<10000x128xf32, #tpu.memory_space<vmem_shared>> -> memref<10000x128xf32, #tpu.memory_space<vmem_shared>>
    tpu.wait_indirect_dma semaphore(%arg19 : memref<!tpu.dma_semaphore, #tpu.memory_space<semaphore_mem>>) src(%arg11 : memref<80x128xf32, #tpu.memory_space<vmem>>) dst(%dma_wait3A_117 : memref<10000x128xf32, #tpu.memory_space<vmem_shared>>)
    %barrier3A_118 = arith.constant 0 : index
    tpu.barrier barrier_id(%barrier3A_118)
    %eq3A = arith.constant 0 : i32
    %eq3A_119 = arith.cmpi eq, %arg0, %eq3A : i32
    %convert_element_type3A = arith.extui %eq3A_119 : i1 to i32
    %cond3A = arith.constant 0 : i32
    %cond3A_120 = arith.cmpi ne, %convert_element_type3A, %cond3A : i32
    scf.if %cond3A_120 {
      %sub3A_126 = arith.constant 125 : i32
      %sub3A_127 = arith.subi %sub3A_126, %arg1 : i32
      %sub3A_128 = arith.constant 16 : i32
      %sub3A_129 = arith.constant 1 : i32
      %sub3A_130 = arith.subi %sub3A_128, %sub3A_129 : i32
      %add3A_131 = arith.addi %sub3A_127, %sub3A_130 : i32
      %div3A_132 = arith.constant 16 : i32
      %div3A_133 = arith.divsi %add3A_131, %div3A_132 : i32
      %while3A_134 = arith.constant 16 : i32
      %while3A_135 = arith.constant 0 : i32
      %while3A_136 = arith.subi %div3A_133, %while3A_135 : i32
      %while3A_137 = arith.addi %while3A_135, %while3A_136 : i32
      %while3A_138 = arith.constant 1 : i32
      %while3A_139 = arith.divsi %while3A_136, %while3A_138 : i32
      %while3A_140 = arith.muli %while3A_139, %while3A_138 : i32
      %while3A_141 = arith.addi %while3A_135, %while3A_140 : i32
      %while3A_142 = arith.constant 1 : i32
      scf.for %while3A_144 = %while3A_135 to %while3A_141 step %while3A_142  : i32 {
        %mul3A_145 = arith.muli %while3A_144, %while3A_134 : i32
        %add3A_146 = arith.addi %arg1, %mul3A_145 : i32
        %mul3A_147 = arith.constant 80 : i32
        %mul3A_148 = arith.muli %add3A_146, %mul3A_147 : i32
        %multiple_of3A_149 = tpu.assume_multiple %mul3A_148, 8 : i32
        "tpu.region"() ({
          %run_scoped3A = tpu.sem_alloc : memref<!tpu.dma_semaphore, #tpu.memory_space<semaphore_mem>>
          %dma_start3A_150 = arith.constant 0 : i32
          %dma_start3A_151 = tpu.memref_slice %arg5[%multiple_of3A_149, %dma_start3A_150] : memref<10000x128xf32, #tpu.memory_space<hbm>> -> memref<80x128xf32, #tpu.memory_space<hbm>>
          %dma_start3A_152 = arith.constant 0 : i32
          %dma_start3A_153 = tpu.memref_slice %arg13[%multiple_of3A_149, %dma_start3A_152] : memref<10000x128xf32, #tpu.memory_space<vmem_shared>> -> memref<80x128xf32, #tpu.memory_space<vmem_shared>>
          tpu.enqueue_dma source(%dma_start3A_153 : memref<80x128xf32, #tpu.memory_space<vmem_shared>>) target(%dma_start3A_151 : memref<80x128xf32, #tpu.memory_space<hbm>>) target_semaphore(%run_scoped3A : memref<!tpu.dma_semaphore, #tpu.memory_space<semaphore_mem>>)
          %dma_wait3A_154 = arith.constant 0 : i32
          %dma_wait3A_155 = tpu.memref_slice %arg5[%multiple_of3A_149, %dma_wait3A_154] : memref<10000x128xf32, #tpu.memory_space<hbm>> -> memref<80x128xf32, #tpu.memory_space<hbm>>
          %dma_wait3A_156 = arith.constant 0 : i32
          %dma_wait3A_157 = tpu.memref_slice %arg13[%multiple_of3A_149, %dma_wait3A_156] : memref<10000x128xf32, #tpu.memory_space<vmem_shared>> -> memref<80x128xf32, #tpu.memory_space<vmem_shared>>
          tpu.wait_dma2 semaphore(%run_scoped3A : memref<!tpu.dma_semaphore, #tpu.memory_space<semaphore_mem>>) src(%dma_wait3A_157 : memref<80x128xf32, #tpu.memory_space<vmem_shared>>) dst(%dma_wait3A_155 : memref<80x128xf32, #tpu.memory_space<hbm>>)
          tpu.yield
        }) : () -> ()
      }
      %while3A_143 = arith.constant 1 : i32
      scf.for %while3A_144 = %while3A_141 to %while3A_137 step %while3A_143  : i32 {
        %mul3A_145 = arith.muli %while3A_144, %while3A_134 : i32
        %add3A_146 = arith.addi %arg1, %mul3A_145 : i32
        %mul3A_147 = arith.constant 80 : i32
        %mul3A_148 = arith.muli %add3A_146, %mul3A_147 : i32
        %multiple_of3A_149 = tpu.assume_multiple %mul3A_148, 8 : i32
        "tpu.region"() ({
          %run_scoped3A = tpu.sem_alloc : memref<!tpu.dma_semaphore, #tpu.memory_space<semaphore_mem>>
          %dma_start3A_150 = arith.constant 0 : i32
          %dma_start3A_151 = tpu.memref_slice %arg5[%multiple_of3A_149, %dma_start3A_150] : memref<10000x128xf32, #tpu.memory_space<hbm>> -> memref<80x128xf32, #tpu.memory_space<hbm>>
          %dma_start3A_152 = arith.constant 0 : i32
          %dma_start3A_153 = tpu.memref_slice %arg13[%multiple_of3A_149, %dma_start3A_152] : memref<10000x128xf32, #tpu.memory_space<vmem_shared>> -> memref<80x128xf32, #tpu.memory_space<vmem_shared>>
          tpu.enqueue_dma source(%dma_start3A_153 : memref<80x128xf32, #tpu.memory_space<vmem_shared>>) target(%dma_start3A_151 : memref<80x128xf32, #tpu.memory_space<hbm>>) target_semaphore(%run_scoped3A : memref<!tpu.dma_semaphore, #tpu.memory_space<semaphore_mem>>)
          %dma_wait3A_154 = arith.constant 0 : i32
          %dma_wait3A_155 = tpu.memref_slice %arg5[%multiple_of3A_149, %dma_wait3A_154] : memref<10000x128xf32, #tpu.memory_space<hbm>> -> memref<80x128xf32, #tpu.memory_space<hbm>>
          %dma_wait3A_156 = arith.constant 0 : i32
          %dma_wait3A_157 = tpu.memref_slice %arg13[%multiple_of3A_149, %dma_wait3A_156] : memref<10000x128xf32, #tpu.memory_space<vmem_shared>> -> memref<80x128xf32, #tpu.memory_space<vmem_shared>>
          tpu.wait_dma2 semaphore(%run_scoped3A : memref<!tpu.dma_semaphore, #tpu.memory_space<semaphore_mem>>) src(%dma_wait3A_157 : memref<80x128xf32, #tpu.memory_space<vmem_shared>>) dst(%dma_wait3A_155 : memref<80x128xf32, #tpu.memory_space<hbm>>)
          tpu.yield
        }) : () -> ()
      }
    } else {
    }
    %eq3A_121 = arith.constant 1 : i32
    %eq3A_122 = arith.cmpi eq, %arg0, %eq3A_121 : i32
    %convert_element_type3A_123 = arith.extui %eq3A_122 : i1 to i32
    %cond3A_124 = arith.constant 0 : i32
    %cond3A_125 = arith.cmpi ne, %convert_element_type3A_123, %cond3A_124 : i32
    scf.if %cond3A_125 {
      %sub3A_126 = arith.constant 125 : i32
      %sub3A_127 = arith.subi %sub3A_126, %arg1 : i32
      %sub3A_128 = arith.constant 16 : i32
      %sub3A_129 = arith.constant 1 : i32
      %sub3A_130 = arith.subi %sub3A_128, %sub3A_129 : i32
      %add3A_131 = arith.addi %sub3A_127, %sub3A_130 : i32
      %div3A_132 = arith.constant 16 : i32
      %div3A_133 = arith.divsi %add3A_131, %div3A_132 : i32
      %while3A_134 = arith.constant 16 : i32
      %while3A_135 = arith.constant 0 : i32
      %while3A_136 = arith.subi %div3A_133, %while3A_135 : i32
      %while3A_137 = arith.addi %while3A_135, %while3A_136 : i32
      %while3A_138 = arith.constant 1 : i32
      %while3A_139 = arith.divsi %while3A_136, %while3A_138 : i32
      %while3A_140 = arith.muli %while3A_139, %while3A_138 : i32
      %while3A_141 = arith.addi %while3A_135, %while3A_140 : i32
      %while3A_142 = arith.constant 1 : i32
      scf.for %while3A_144 = %while3A_135 to %while3A_141 step %while3A_142  : i32 {
        %mul3A_145 = arith.muli %while3A_144, %while3A_134 : i32
        %add3A_146 = arith.addi %arg1, %mul3A_145 : i32
        %mul3A_147 = arith.constant 80 : i32
        %mul3A_148 = arith.muli %add3A_146, %mul3A_147 : i32
        %multiple_of3A_149 = tpu.assume_multiple %mul3A_148, 8 : i32
        "tpu.region"() ({
          %run_scoped3A = tpu.sem_alloc : memref<!tpu.dma_semaphore, #tpu.memory_space<semaphore_mem>>
          %dma_start3A_150 = arith.constant 0 : i32
          %dma_start3A_151 = tpu.memref_slice %arg6[%multiple_of3A_149, %dma_start3A_150] : memref<10000x128xf32, #tpu.memory_space<hbm>> -> memref<80x128xf32, #tpu.memory_space<hbm>>
          %dma_start3A_152 = arith.constant 0 : i32
          %dma_start3A_153 = tpu.memref_slice %arg13[%multiple_of3A_149, %dma_start3A_152] : memref<10000x128xf32, #tpu.memory_space<vmem_shared>> -> memref<80x128xf32, #tpu.memory_space<vmem_shared>>
          tpu.enqueue_dma source(%dma_start3A_153 : memref<80x128xf32, #tpu.memory_space<vmem_shared>>) target(%dma_start3A_151 : memref<80x128xf32, #tpu.memory_space<hbm>>) target_semaphore(%run_scoped3A : memref<!tpu.dma_semaphore, #tpu.memory_space<semaphore_mem>>)
          %dma_wait3A_154 = arith.constant 0 : i32
          %dma_wait3A_155 = tpu.memref_slice %arg6[%multiple_of3A_149, %dma_wait3A_154] : memref<10000x128xf32, #tpu.memory_space<hbm>> -> memref<80x128xf32, #tpu.memory_space<hbm>>
          %dma_wait3A_156 = arith.constant 0 : i32
          %dma_wait3A_157 = tpu.memref_slice %arg13[%multiple_of3A_149, %dma_wait3A_156] : memref<10000x128xf32, #tpu.memory_space<vmem_shared>> -> memref<80x128xf32, #tpu.memory_space<vmem_shared>>
          tpu.wait_dma2 semaphore(%run_scoped3A : memref<!tpu.dma_semaphore, #tpu.memory_space<semaphore_mem>>) src(%dma_wait3A_157 : memref<80x128xf32, #tpu.memory_space<vmem_shared>>) dst(%dma_wait3A_155 : memref<80x128xf32, #tpu.memory_space<hbm>>)
          tpu.yield
        }) : () -> ()
      }
      %while3A_143 = arith.constant 1 : i32
      scf.for %while3A_144 = %while3A_141 to %while3A_137 step %while3A_143  : i32 {
        %mul3A_145 = arith.muli %while3A_144, %while3A_134 : i32
        %add3A_146 = arith.addi %arg1, %mul3A_145 : i32
        %mul3A_147 = arith.constant 80 : i32
        %mul3A_148 = arith.muli %add3A_146, %mul3A_147 : i32
        %multiple_of3A_149 = tpu.assume_multiple %mul3A_148, 8 : i32
        "tpu.region"() ({
          %run_scoped3A = tpu.sem_alloc : memref<!tpu.dma_semaphore, #tpu.memory_space<semaphore_mem>>
          %dma_start3A_150 = arith.constant 0 : i32
          %dma_start3A_151 = tpu.memref_slice %arg6[%multiple_of3A_149, %dma_start3A_150] : memref<10000x128xf32, #tpu.memory_space<hbm>> -> memref<80x128xf32, #tpu.memory_space<hbm>>
          %dma_start3A_152 = arith.constant 0 : i32
          %dma_start3A_153 = tpu.memref_slice %arg13[%multiple_of3A_149, %dma_start3A_152] : memref<10000x128xf32, #tpu.memory_space<vmem_shared>> -> memref<80x128xf32, #tpu.memory_space<vmem_shared>>
          tpu.enqueue_dma source(%dma_start3A_153 : memref<80x128xf32, #tpu.memory_space<vmem_shared>>) target(%dma_start3A_151 : memref<80x128xf32, #tpu.memory_space<hbm>>) target_semaphore(%run_scoped3A : memref<!tpu.dma_semaphore, #tpu.memory_space<semaphore_mem>>)
          %dma_wait3A_154 = arith.constant 0 : i32
          %dma_wait3A_155 = tpu.memref_slice %arg6[%multiple_of3A_149, %dma_wait3A_154] : memref<10000x128xf32, #tpu.memory_space<hbm>> -> memref<80x128xf32, #tpu.memory_space<hbm>>
          %dma_wait3A_156 = arith.constant 0 : i32
          %dma_wait3A_157 = tpu.memref_slice %arg13[%multiple_of3A_149, %dma_wait3A_156] : memref<10000x128xf32, #tpu.memory_space<vmem_shared>> -> memref<80x128xf32, #tpu.memory_space<vmem_shared>>
          tpu.wait_dma2 semaphore(%run_scoped3A : memref<!tpu.dma_semaphore, #tpu.memory_space<semaphore_mem>>) src(%dma_wait3A_157 : memref<80x128xf32, #tpu.memory_space<vmem_shared>>) dst(%dma_wait3A_155 : memref<80x128xf32, #tpu.memory_space<hbm>>)
          tpu.yield
        }) : () -> ()
      }
    } else {
    }
    return
  }
}

#map = affine_map<(d0, d1) -> (0)>
#map1 = affine_map<(d0, d1) -> (0, 0)>
module attributes {stable_mosaic.version = 14 : i64} {
  func.func @_p1b_body(%arg0: i32, %arg1: i32, %arg2: memref<320000xi32, #tpu.memory_space<hbm>>, %arg3: memref<320000x128xf32, #tpu.memory_space<hbm>>, %arg4: memref<10000x128xf32, #tpu.memory_space<hbm>>, %arg5: memref<10000x128xf32, #tpu.memory_space<hbm>>, %arg6: memref<128xi32, #tpu.memory_space<vmem>>, %arg7: memref<128xi32, #tpu.memory_space<vmem>>, %arg8: memref<128x128xf32, #tpu.memory_space<vmem>>, %arg9: memref<128x128xf32, #tpu.memory_space<vmem>>, %arg10: memref<10000x128xf32, #tpu.memory_space<vmem_shared>>, %arg11: memref<!tpu.dma_semaphore, #tpu.memory_space<semaphore_mem>>, %arg12: memref<!tpu.dma_semaphore, #tpu.memory_space<semaphore_mem>>, %arg13: memref<!tpu.dma_semaphore, #tpu.memory_space<semaphore_mem>>, %arg14: memref<!tpu.dma_semaphore, #tpu.memory_space<semaphore_mem>>) attributes {dimension_semantics = [#tpu.dimension_semantics<core_parallel>, #tpu.dimension_semantics<subcore_parallel>], iteration_bounds = array<i64: 2, 16>, scalar_prefetch = 0 : i64, scratch_operands = 9 : i64, tpu.core_type = #tpu.core_type<sc_vector_subcore>, window_params = [{transform_indices = #map}, {transform_indices = #map1}, {transform_indices = #map1}, {transform_indices = #map1}]} {
    %mul3A = arith.constant 2 : i32
    %mul3A_0 = arith.muli %arg1, %mul3A : i32
    %add3A = arith.addi %mul3A_0, %arg0 : i32
    %scan3A = arith.constant 0 : i32
    %scan3A_1 = arith.constant 128 : i32
    %scan3A_2 = arith.addi %scan3A, %scan3A_1 : i32
    %scan3A_3 = arith.constant 1 : i32
    scf.for %scan3A_118 = %scan3A to %scan3A_2 step %scan3A_3  : i32 {
      %mul3A_119 = arith.constant 1 : i32
      %mul3A_120 = arith.muli %scan3A_118, %mul3A_119 : i32
      %add3A_121 = arith.constant 0 : i32
      %add3A_122 = arith.addi %add3A_121, %mul3A_120 : i32
      %broadcast_in_dim3A = arith.constant 0.000000e+00 : f32
      %broadcast_in_dim3A_123 = vector.broadcast %broadcast_in_dim3A : f32 to vector<16xf32>
      %swap3A = arith.index_cast %add3A_122 : i32 to index
      %swap3A_124 = arith.constant 0 : index
      %swap3A_125 = tpu.vector_load %arg8[%swap3A, %swap3A_124] {strides = array<i32>} : memref<128x128xf32, #tpu.memory_space<vmem>>, vector<1x16xf32>,
      %swap3A_126 = vector.shape_cast %swap3A_125 : vector<1x16xf32> to vector<16xf32>
      %swap3A_127 = vector.shape_cast %broadcast_in_dim3A_123 : vector<16xf32> to vector<1x16xf32>
      tpu.vector_store %arg8[%swap3A, %swap3A_124], %swap3A_127 {strides = array<i32>} : memref<128x128xf32, #tpu.memory_space<vmem>>, vector<1x16xf32>,
      %broadcast_in_dim3A_128 = arith.constant 0.000000e+00 : f32
      %broadcast_in_dim3A_129 = vector.broadcast %broadcast_in_dim3A_128 : f32 to vector<16xf32>
      %swap3A_130 = arith.index_cast %add3A_122 : i32 to index
      %swap3A_131 = arith.constant 16 : index
      %swap3A_132 = tpu.vector_load %arg8[%swap3A_130, %swap3A_131] {strides = array<i32>} : memref<128x128xf32, #tpu.memory_space<vmem>>, vector<1x16xf32>,
      %swap3A_133 = vector.shape_cast %swap3A_132 : vector<1x16xf32> to vector<16xf32>
      %swap3A_134 = vector.shape_cast %broadcast_in_dim3A_129 : vector<16xf32> to vector<1x16xf32>
      tpu.vector_store %arg8[%swap3A_130, %swap3A_131], %swap3A_134 {strides = array<i32>} : memref<128x128xf32, #tpu.memory_space<vmem>>, vector<1x16xf32>,
      %broadcast_in_dim3A_135 = arith.constant 0.000000e+00 : f32
      %broadcast_in_dim3A_136 = vector.broadcast %broadcast_in_dim3A_135 : f32 to vector<16xf32>
      %swap3A_137 = arith.index_cast %add3A_122 : i32 to index
      %swap3A_138 = arith.constant 32 : index
      %swap3A_139 = tpu.vector_load %arg8[%swap3A_137, %swap3A_138] {strides = array<i32>} : memref<128x128xf32, #tpu.memory_space<vmem>>, vector<1x16xf32>,
      %swap3A_140 = vector.shape_cast %swap3A_139 : vector<1x16xf32> to vector<16xf32>
      %swap3A_141 = vector.shape_cast %broadcast_in_dim3A_136 : vector<16xf32> to vector<1x16xf32>
      tpu.vector_store %arg8[%swap3A_137, %swap3A_138], %swap3A_141 {strides = array<i32>} : memref<128x128xf32, #tpu.memory_space<vmem>>, vector<1x16xf32>,
      %broadcast_in_dim3A_142 = arith.constant 0.000000e+00 : f32
      %broadcast_in_dim3A_143 = vector.broadcast %broadcast_in_dim3A_142 : f32 to vector<16xf32>
      %swap3A_144 = arith.index_cast %add3A_122 : i32 to index
      %swap3A_145 = arith.constant 48 : index
      %swap3A_146 = tpu.vector_load %arg8[%swap3A_144, %swap3A_145] {strides = array<i32>} : memref<128x128xf32, #tpu.memory_space<vmem>>, vector<1x16xf32>,
      %swap3A_147 = vector.shape_cast %swap3A_146 : vector<1x16xf32> to vector<16xf32>
      %swap3A_148 = vector.shape_cast %broadcast_in_dim3A_143 : vector<16xf32> to vector<1x16xf32>
      tpu.vector_store %arg8[%swap3A_144, %swap3A_145], %swap3A_148 {strides = array<i32>} : memref<128x128xf32, #tpu.memory_space<vmem>>, vector<1x16xf32>,
      %broadcast_in_dim3A_149 = arith.constant 0.000000e+00 : f32
      %broadcast_in_dim3A_150 = vector.broadcast %broadcast_in_dim3A_149 : f32 to vector<16xf32>
      %swap3A_151 = arith.index_cast %add3A_122 : i32 to index
      %swap3A_152 = arith.constant 64 : index
      %swap3A_153 = tpu.vector_load %arg8[%swap3A_151, %swap3A_152] {strides = array<i32>} : memref<128x128xf32, #tpu.memory_space<vmem>>, vector<1x16xf32>,
      %swap3A_154 = vector.shape_cast %swap3A_153 : vector<1x16xf32> to vector<16xf32>
      %swap3A_155 = vector.shape_cast %broadcast_in_dim3A_150 : vector<16xf32> to vector<1x16xf32>
      tpu.vector_store %arg8[%swap3A_151, %swap3A_152], %swap3A_155 {strides = array<i32>} : memref<128x128xf32, #tpu.memory_space<vmem>>, vector<1x16xf32>,
      %broadcast_in_dim3A_156 = arith.constant 0.000000e+00 : f32
      %broadcast_in_dim3A_157 = vector.broadcast %broadcast_in_dim3A_156 : f32 to vector<16xf32>
      %swap3A_158 = arith.index_cast %add3A_122 : i32 to index
      %swap3A_159 = arith.constant 80 : index
      %swap3A_160 = tpu.vector_load %arg8[%swap3A_158, %swap3A_159] {strides = array<i32>} : memref<128x128xf32, #tpu.memory_space<vmem>>, vector<1x16xf32>,
      %swap3A_161 = vector.shape_cast %swap3A_160 : vector<1x16xf32> to vector<16xf32>
      %swap3A_162 = vector.shape_cast %broadcast_in_dim3A_157 : vector<16xf32> to vector<1x16xf32>
      tpu.vector_store %arg8[%swap3A_158, %swap3A_159], %swap3A_162 {strides = array<i32>} : memref<128x128xf32, #tpu.memory_space<vmem>>, vector<1x16xf32>,
      %broadcast_in_dim3A_163 = arith.constant 0.000000e+00 : f32
      %broadcast_in_dim3A_164 = vector.broadcast %broadcast_in_dim3A_163 : f32 to vector<16xf32>
      %swap3A_165 = arith.index_cast %add3A_122 : i32 to index
      %swap3A_166 = arith.constant 96 : index
      %swap3A_167 = tpu.vector_load %arg8[%swap3A_165, %swap3A_166] {strides = array<i32>} : memref<128x128xf32, #tpu.memory_space<vmem>>, vector<1x16xf32>,
      %swap3A_168 = vector.shape_cast %swap3A_167 : vector<1x16xf32> to vector<16xf32>
      %swap3A_169 = vector.shape_cast %broadcast_in_dim3A_164 : vector<16xf32> to vector<1x16xf32>
      tpu.vector_store %arg8[%swap3A_165, %swap3A_166], %swap3A_169 {strides = array<i32>} : memref<128x128xf32, #tpu.memory_space<vmem>>, vector<1x16xf32>,
      %broadcast_in_dim3A_170 = arith.constant 0.000000e+00 : f32
      %broadcast_in_dim3A_171 = vector.broadcast %broadcast_in_dim3A_170 : f32 to vector<16xf32>
      %swap3A_172 = arith.index_cast %add3A_122 : i32 to index
      %swap3A_173 = arith.constant 112 : index
      %swap3A_174 = tpu.vector_load %arg8[%swap3A_172, %swap3A_173] {strides = array<i32>} : memref<128x128xf32, #tpu.memory_space<vmem>>, vector<1x16xf32>,
      %swap3A_175 = vector.shape_cast %swap3A_174 : vector<1x16xf32> to vector<16xf32>
      %swap3A_176 = vector.shape_cast %broadcast_in_dim3A_171 : vector<16xf32> to vector<1x16xf32>
      tpu.vector_store %arg8[%swap3A_172, %swap3A_173], %swap3A_176 {strides = array<i32>} : memref<128x128xf32, #tpu.memory_space<vmem>>, vector<1x16xf32>,
    }
    %scan3A_4 = arith.constant 128 : i32
    %sub3A = arith.constant 78 : i32
    %sub3A_5 = arith.subi %sub3A, %arg1 : i32
    %sub3A_6 = arith.constant 16 : i32
    %sub3A_7 = arith.constant 1 : i32
    %sub3A_8 = arith.subi %sub3A_6, %sub3A_7 : i32
    %add3A_9 = arith.addi %sub3A_5, %sub3A_8 : i32
    %div3A = arith.constant 16 : i32
    %div3A_10 = arith.divsi %add3A_9, %div3A : i32
    %while3A = arith.constant 16 : i32
    %while3A_11 = arith.constant 0 : i32
    %while3A_12 = arith.subi %div3A_10, %while3A_11 : i32
    %while3A_13 = arith.addi %while3A_11, %while3A_12 : i32
    %while3A_14 = arith.constant 1 : i32
    %while3A_15 = arith.divsi %while3A_12, %while3A_14 : i32
    %while3A_16 = arith.muli %while3A_15, %while3A_14 : i32
    %while3A_17 = arith.addi %while3A_11, %while3A_16 : i32
    %while3A_18 = arith.constant 1 : i32
    scf.for %while3A_118 = %while3A_11 to %while3A_17 step %while3A_18  : i32 {
      %mul3A_119 = arith.muli %while3A_118, %while3A : i32
      %add3A_120 = arith.addi %arg1, %mul3A_119 : i32
      %mul3A_121 = arith.constant 128 : i32
      %mul3A_122 = arith.muli %add3A_120, %mul3A_121 : i32
      %multiple_of3A_123 = tpu.assume_multiple %mul3A_122, 8 : i32
      "tpu.region"() ({
        %run_scoped3A = tpu.sem_alloc : memref<!tpu.dma_semaphore, #tpu.memory_space<semaphore_mem>>
        %dma_start3A_124 = arith.constant 0 : i32
        %dma_start3A_125 = tpu.memref_slice %arg10[%multiple_of3A_123, %dma_start3A_124] : memref<10000x128xf32, #tpu.memory_space<vmem_shared>> -> memref<128x128xf32, #tpu.memory_space<vmem_shared>>
        %dma_start3A_126 = arith.constant 0 : i32
        %dma_start3A_127 = tpu.memref_slice %arg10[%multiple_of3A_123, %dma_start3A_126] : memref<10000x128xf32, #tpu.memory_space<vmem_shared>> -> memref<128x128xf32, #tpu.memory_space<vmem_shared>>
        tpu.enqueue_dma source(%arg8 : memref<128x128xf32, #tpu.memory_space<vmem>>) target(%dma_start3A_127 : memref<128x128xf32, #tpu.memory_space<vmem_shared>>) target_semaphore(%run_scoped3A : memref<!tpu.dma_semaphore, #tpu.memory_space<semaphore_mem>>)
        %dma_wait3A_128 = arith.constant 0 : i32
        %dma_wait3A_129 = tpu.memref_slice %arg10[%multiple_of3A_123, %dma_wait3A_128] : memref<10000x128xf32, #tpu.memory_space<vmem_shared>> -> memref<128x128xf32, #tpu.memory_space<vmem_shared>>
        %dma_wait3A_130 = arith.constant 0 : i32
        %dma_wait3A_131 = tpu.memref_slice %arg10[%multiple_of3A_123, %dma_wait3A_130] : memref<10000x128xf32, #tpu.memory_space<vmem_shared>> -> memref<128x128xf32, #tpu.memory_space<vmem_shared>>
        tpu.wait_dma2 semaphore(%run_scoped3A : memref<!tpu.dma_semaphore, #tpu.memory_space<semaphore_mem>>) src(%arg8 : memref<128x128xf32, #tpu.memory_space<vmem>>) dst(%dma_wait3A_131 : memref<128x128xf32, #tpu.memory_space<vmem_shared>>)
        tpu.yield
      }) : () -> ()
    }
    %while3A_19 = arith.constant 1 : i32
    scf.for %while3A_118 = %while3A_17 to %while3A_13 step %while3A_19  : i32 {
      %mul3A_119 = arith.muli %while3A_118, %while3A : i32
      %add3A_120 = arith.addi %arg1, %mul3A_119 : i32
      %mul3A_121 = arith.constant 128 : i32
      %mul3A_122 = arith.muli %add3A_120, %mul3A_121 : i32
      %multiple_of3A_123 = tpu.assume_multiple %mul3A_122, 8 : i32
      "tpu.region"() ({
        %run_scoped3A = tpu.sem_alloc : memref<!tpu.dma_semaphore, #tpu.memory_space<semaphore_mem>>
        %dma_start3A_124 = arith.constant 0 : i32
        %dma_start3A_125 = tpu.memref_slice %arg10[%multiple_of3A_123, %dma_start3A_124] : memref<10000x128xf32, #tpu.memory_space<vmem_shared>> -> memref<128x128xf32, #tpu.memory_space<vmem_shared>>
        %dma_start3A_126 = arith.constant 0 : i32
        %dma_start3A_127 = tpu.memref_slice %arg10[%multiple_of3A_123, %dma_start3A_126] : memref<10000x128xf32, #tpu.memory_space<vmem_shared>> -> memref<128x128xf32, #tpu.memory_space<vmem_shared>>
        tpu.enqueue_dma source(%arg8 : memref<128x128xf32, #tpu.memory_space<vmem>>) target(%dma_start3A_127 : memref<128x128xf32, #tpu.memory_space<vmem_shared>>) target_semaphore(%run_scoped3A : memref<!tpu.dma_semaphore, #tpu.memory_space<semaphore_mem>>)
        %dma_wait3A_128 = arith.constant 0 : i32
        %dma_wait3A_129 = tpu.memref_slice %arg10[%multiple_of3A_123, %dma_wait3A_128] : memref<10000x128xf32, #tpu.memory_space<vmem_shared>> -> memref<128x128xf32, #tpu.memory_space<vmem_shared>>
        %dma_wait3A_130 = arith.constant 0 : i32
        %dma_wait3A_131 = tpu.memref_slice %arg10[%multiple_of3A_123, %dma_wait3A_130] : memref<10000x128xf32, #tpu.memory_space<vmem_shared>> -> memref<128x128xf32, #tpu.memory_space<vmem_shared>>
        tpu.wait_dma2 semaphore(%run_scoped3A : memref<!tpu.dma_semaphore, #tpu.memory_space<semaphore_mem>>) src(%arg8 : memref<128x128xf32, #tpu.memory_space<vmem>>) dst(%dma_wait3A_131 : memref<128x128xf32, #tpu.memory_space<vmem_shared>>)
        tpu.yield
      }) : () -> ()
    }
    %eq3A = arith.constant 0 : i32
    %eq3A_20 = arith.cmpi eq, %arg1, %eq3A : i32
    %convert_element_type3A = arith.extui %eq3A_20 : i1 to i32
    %cond3A = arith.constant 0 : i32
    %cond3A_21 = arith.cmpi ne, %convert_element_type3A, %cond3A : i32
    scf.if %cond3A_21 {
      "tpu.region"() ({
        %run_scoped3A = tpu.sem_alloc : memref<!tpu.dma_semaphore, #tpu.memory_space<semaphore_mem>>
        %dma_start3A_118 = arith.constant 0 : i32
        %dma_start3A_119 = arith.constant 0 : i32
        %dma_start3A_120 = tpu.memref_slice %arg8[%dma_start3A_118, %dma_start3A_119] : memref<128x128xf32, #tpu.memory_space<vmem>> -> memref<16x128xf32, #tpu.memory_space<vmem>>
        %dma_start3A_121 = arith.constant 9984 : i32
        %dma_start3A_122 = arith.constant 0 : i32
        %dma_start3A_123 = tpu.memref_slice %arg10[%dma_start3A_121, %dma_start3A_122] : memref<10000x128xf32, #tpu.memory_space<vmem_shared>> -> memref<16x128xf32, #tpu.memory_space<vmem_shared>>
        %dma_start3A_124 = arith.constant 9984 : i32
        %dma_start3A_125 = arith.constant 0 : i32
        %dma_start3A_126 = tpu.memref_slice %arg10[%dma_start3A_124, %dma_start3A_125] : memref<10000x128xf32, #tpu.memory_space<vmem_shared>> -> memref<16x128xf32, #tpu.memory_space<vmem_shared>>
        %dma_start3A_127 = arith.constant 0 : i32
        %dma_start3A_128 = arith.constant 0 : i32
        %dma_start3A_129 = tpu.memref_slice %arg8[%dma_start3A_127, %dma_start3A_128] : memref<128x128xf32, #tpu.memory_space<vmem>> -> memref<16x128xf32, #tpu.memory_space<vmem>>
        tpu.enqueue_dma source(%dma_start3A_129 : memref<16x128xf32, #tpu.memory_space<vmem>>) target(%dma_start3A_126 : memref<16x128xf32, #tpu.memory_space<vmem_shared>>) target_semaphore(%run_scoped3A : memref<!tpu.dma_semaphore, #tpu.memory_space<semaphore_mem>>)
        %dma_wait3A_130 = arith.constant 0 : i32
        %dma_wait3A_131 = arith.constant 0 : i32
        %dma_wait3A_132 = tpu.memref_slice %arg8[%dma_wait3A_130, %dma_wait3A_131] : memref<128x128xf32, #tpu.memory_space<vmem>> -> memref<16x128xf32, #tpu.memory_space<vmem>>
        %dma_wait3A_133 = arith.constant 9984 : i32
        %dma_wait3A_134 = arith.constant 0 : i32
        %dma_wait3A_135 = tpu.memref_slice %arg10[%dma_wait3A_133, %dma_wait3A_134] : memref<10000x128xf32, #tpu.memory_space<vmem_shared>> -> memref<16x128xf32, #tpu.memory_space<vmem_shared>>
        %dma_wait3A_136 = arith.constant 9984 : i32
        %dma_wait3A_137 = arith.constant 0 : i32
        %dma_wait3A_138 = tpu.memref_slice %arg10[%dma_wait3A_136, %dma_wait3A_137] : memref<10000x128xf32, #tpu.memory_space<vmem_shared>> -> memref<16x128xf32, #tpu.memory_space<vmem_shared>>
        %dma_wait3A_139 = arith.constant 0 : i32
        %dma_wait3A_140 = arith.constant 0 : i32
        %dma_wait3A_141 = tpu.memref_slice %arg8[%dma_wait3A_139, %dma_wait3A_140] : memref<128x128xf32, #tpu.memory_space<vmem>> -> memref<16x128xf32, #tpu.memory_space<vmem>>
        tpu.wait_dma2 semaphore(%run_scoped3A : memref<!tpu.dma_semaphore, #tpu.memory_space<semaphore_mem>>) src(%dma_wait3A_141 : memref<16x128xf32, #tpu.memory_space<vmem>>) dst(%dma_wait3A_138 : memref<16x128xf32, #tpu.memory_space<vmem_shared>>)
        tpu.yield
      }) : () -> ()
    } else {
    }
    %barrier3A = arith.constant 0 : index
    tpu.barrier barrier_id(%barrier3A)
    %sub3A_22 = arith.constant 2500 : i32
    %sub3A_23 = arith.subi %sub3A_22, %add3A : i32
    %add3A_24 = arith.constant 32 : i32
    %add3A_25 = arith.addi %sub3A_23, %add3A_24 : i32
    %sub3A_26 = arith.constant 1 : i32
    %sub3A_27 = arith.subi %add3A_25, %sub3A_26 : i32
    %jit3A = arith.constant 32 : i32
    %div3A_28 = arith.divsi %sub3A_27, %jit3A : i32
    %sign3A = arith.constant 0 : i32
    %sign3A_29 = arith.cmpi sgt, %sub3A_27, %sign3A : i32
    %sign3A_30 = arith.extui %sign3A_29 : i1 to i32
    %sign3A_31 = arith.constant 0 : i32
    %sign3A_32 = arith.cmpi slt, %sub3A_27, %sign3A_31 : i32
    %sign3A_33 = arith.extui %sign3A_32 : i1 to i32
    %sign3A_34 = arith.subi %sign3A_30, %sign3A_33 : i32
    %sign3A_35 = arith.constant 0 : i32
    %sign3A_36 = arith.cmpi sgt, %jit3A, %sign3A_35 : i32
    %sign3A_37 = arith.extui %sign3A_36 : i1 to i32
    %sign3A_38 = arith.constant 0 : i32
    %sign3A_39 = arith.cmpi slt, %jit3A, %sign3A_38 : i32
    %sign3A_40 = arith.extui %sign3A_39 : i1 to i32
    %sign3A_41 = arith.subi %sign3A_37, %sign3A_40 : i32
    %ne3A = arith.cmpi ne, %sign3A_34, %sign3A_41 : i32
    %rem3A = arith.remsi %sub3A_27, %jit3A : i32
    %ne3A_42 = arith.constant 0 : i32
    %ne3A_43 = arith.cmpi ne, %rem3A, %ne3A_42 : i32
    %and3A = arith.andi %ne3A, %ne3A_43 : i1
    %sub3A_44 = arith.constant 1 : i32
    %sub3A_45 = arith.subi %div3A_28, %sub3A_44 : i32
    %select_n3A = arith.select %and3A, %sub3A_45, %div3A_28 : i32
    %add3A_46 = arith.constant 0 : i32
    %add3A_47 = arith.addi %add3A, %add3A_46 : i32
    %mul3A_48 = arith.constant 128 : i32
    %mul3A_49 = arith.muli %add3A_47, %mul3A_48 : i32
    %multiple_of3A = tpu.assume_multiple %mul3A_49, 8 : i32
    %dma_start3A = tpu.memref_slice %arg2[%multiple_of3A] : memref<320000xi32, #tpu.memory_space<hbm>> -> memref<128xi32, #tpu.memory_space<hbm>>
    %dma_start3A_50 = tpu.memref_slice %arg2[%multiple_of3A] : memref<320000xi32, #tpu.memory_space<hbm>> -> memref<128xi32, #tpu.memory_space<hbm>>
    tpu.enqueue_dma source(%dma_start3A_50 : memref<128xi32, #tpu.memory_space<hbm>>) target(%arg6 : memref<128xi32, #tpu.memory_space<vmem>>) target_semaphore(%arg11 : memref<!tpu.dma_semaphore, #tpu.memory_space<semaphore_mem>>)
    %dma_start3A_51 = arith.constant 0 : i32
    %dma_start3A_52 = tpu.memref_slice %arg3[%multiple_of3A, %dma_start3A_51] : memref<320000x128xf32, #tpu.memory_space<hbm>> -> memref<128x128xf32, #tpu.memory_space<hbm>>
    %dma_start3A_53 = arith.constant 0 : i32
    %dma_start3A_54 = tpu.memref_slice %arg3[%multiple_of3A, %dma_start3A_53] : memref<320000x128xf32, #tpu.memory_space<hbm>> -> memref<128x128xf32, #tpu.memory_space<hbm>>
    tpu.enqueue_dma source(%dma_start3A_54 : memref<128x128xf32, #tpu.memory_space<hbm>>) target(%arg8 : memref<128x128xf32, #tpu.memory_space<vmem>>) target_semaphore(%arg11 : memref<!tpu.dma_semaphore, #tpu.memory_space<semaphore_mem>>)
    %add3A_55 = arith.constant 1 : i32
    %add3A_56 = arith.addi %select_n3A, %add3A_55 : i32
    %jit3A_57 = arith.constant 2 : i32
    %div3A_58 = arith.divsi %add3A_56, %jit3A_57 : i32
    %sign3A_59 = arith.constant 0 : i32
    %sign3A_60 = arith.cmpi sgt, %add3A_56, %sign3A_59 : i32
    %sign3A_61 = arith.extui %sign3A_60 : i1 to i32
    %sign3A_62 = arith.constant 0 : i32
    %sign3A_63 = arith.cmpi slt, %add3A_56, %sign3A_62 : i32
    %sign3A_64 = arith.extui %sign3A_63 : i1 to i32
    %sign3A_65 = arith.subi %sign3A_61, %sign3A_64 : i32
    %sign3A_66 = arith.constant 0 : i32
    %sign3A_67 = arith.cmpi sgt, %jit3A_57, %sign3A_66 : i32
    %sign3A_68 = arith.extui %sign3A_67 : i1 to i32
    %sign3A_69 = arith.constant 0 : i32
    %sign3A_70 = arith.cmpi slt, %jit3A_57, %sign3A_69 : i32
    %sign3A_71 = arith.extui %sign3A_70 : i1 to i32
    %sign3A_72 = arith.subi %sign3A_68, %sign3A_71 : i32
    %ne3A_73 = arith.cmpi ne, %sign3A_65, %sign3A_72 : i32
    %rem3A_74 = arith.remsi %add3A_56, %jit3A_57 : i32
    %ne3A_75 = arith.constant 0 : i32
    %ne3A_76 = arith.cmpi ne, %rem3A_74, %ne3A_75 : i32
    %and3A_77 = arith.andi %ne3A_73, %ne3A_76 : i1
    %sub3A_78 = arith.constant 1 : i32
    %sub3A_79 = arith.subi %div3A_58, %sub3A_78 : i32
    %select_n3A_80 = arith.select %and3A_77, %sub3A_79, %div3A_58 : i32
    %mul3A_81 = arith.constant 2 : i32
    %mul3A_82 = arith.muli %select_n3A_80, %mul3A_81 : i32
    %sub3A_83 = arith.constant 0 : i32
    %sub3A_84 = arith.subi %mul3A_82, %sub3A_83 : i32
    %sub3A_85 = arith.constant 2 : i32
    %sub3A_86 = arith.constant 1 : i32
    %sub3A_87 = arith.subi %sub3A_85, %sub3A_86 : i32
    %add3A_88 = arith.addi %sub3A_84, %sub3A_87 : i32
    %div3A_89 = arith.constant 2 : i32
    %div3A_90 = arith.divsi %add3A_88, %div3A_89 : i32
    %while3A_91 = arith.constant 2 : i32
    %while3A_92 = arith.constant 0 : i32
    %while3A_93 = arith.constant 0 : i32
    %while3A_94 = arith.subi %div3A_90, %while3A_93 : i32
    %while3A_95 = arith.addi %while3A_93, %while3A_94 : i32
    %while3A_96 = arith.constant 1 : i32
    %while3A_97 = arith.divsi %while3A_94, %while3A_96 : i32
    %while3A_98 = arith.muli %while3A_97, %while3A_96 : i32
    %while3A_99 = arith.addi %while3A_93, %while3A_98 : i32
    %while3A_100 = arith.constant 1 : i32
    scf.for %while3A_118 = %while3A_93 to %while3A_99 step %while3A_100  : i32 {
      %mul3A_119 = arith.muli %while3A_118, %while3A_91 : i32
      %add3A_120 = arith.addi %while3A_92, %mul3A_119 : i32
      %add3A_121 = arith.constant 0 : i32
      %add3A_122 = arith.addi %add3A_120, %add3A_121 : i32
      %lt3A = arith.cmpi slt, %add3A_122, %select_n3A : i32
      %convert_element_type3A_123 = arith.extui %lt3A : i1 to i32
      %cond3A_124 = arith.constant 0 : i32
      %cond3A_125 = arith.cmpi ne, %convert_element_type3A_123, %cond3A_124 : i32
      scf.if %cond3A_125 {
        %dma_wait3A_132 = arith.constant 0 : i32
        %dma_wait3A_133 = tpu.memref_slice %arg2[%dma_wait3A_132] : memref<320000xi32, #tpu.memory_space<hbm>> -> memref<128xi32, #tpu.memory_space<hbm>>
        %dma_wait3A_134 = arith.constant 0 : i32
        %dma_wait3A_135 = tpu.memref_slice %arg2[%dma_wait3A_134] : memref<320000xi32, #tpu.memory_space<hbm>> -> memref<128xi32, #tpu.memory_space<hbm>>
        tpu.wait_dma2 semaphore(%arg11 : memref<!tpu.dma_semaphore, #tpu.memory_space<semaphore_mem>>) src(%dma_wait3A_135 : memref<128xi32, #tpu.memory_space<hbm>>) dst(%arg6 : memref<128xi32, #tpu.memory_space<vmem>>)
        %dma_wait3A_136 = arith.constant 0 : i32
        %dma_wait3A_137 = arith.constant 0 : i32
        %dma_wait3A_138 = tpu.memref_slice %arg3[%dma_wait3A_136, %dma_wait3A_137] : memref<320000x128xf32, #tpu.memory_space<hbm>> -> memref<128x128xf32, #tpu.memory_space<hbm>>
        %dma_wait3A_139 = arith.constant 0 : i32
        %dma_wait3A_140 = arith.constant 0 : i32
        %dma_wait3A_141 = tpu.memref_slice %arg3[%dma_wait3A_139, %dma_wait3A_140] : memref<320000x128xf32, #tpu.memory_space<hbm>> -> memref<128x128xf32, #tpu.memory_space<hbm>>
        tpu.wait_dma2 semaphore(%arg11 : memref<!tpu.dma_semaphore, #tpu.memory_space<semaphore_mem>>) src(%dma_wait3A_141 : memref<128x128xf32, #tpu.memory_space<hbm>>) dst(%arg8 : memref<128x128xf32, #tpu.memory_space<vmem>>)
        %add3A_142 = arith.constant 1 : i32
        %add3A_143 = arith.addi %add3A_122, %add3A_142 : i32
        %lt3A_144 = arith.cmpi slt, %add3A_143, %select_n3A : i32
        %ge3A = arith.constant 1 : i32
        %ge3A_145 = arith.cmpi sge, %add3A_122, %ge3A : i32
        %and3A_146 = arith.andi %lt3A_144, %ge3A_145 : i1
        %convert_element_type3A_147 = arith.extui %and3A_146 : i1 to i32
        %cond3A_148 = arith.constant 0 : i32
        %cond3A_149 = arith.cmpi ne, %convert_element_type3A_147, %cond3A_148 : i32
        scf.if %cond3A_149 {
          %dma_wait3A_159 = arith.constant 0 : i32
          %dma_wait3A_160 = arith.constant 0 : i32
          %dma_wait3A_161 = tpu.memref_slice %arg10[%dma_wait3A_159, %dma_wait3A_160] : memref<10000x128xf32, #tpu.memory_space<vmem_shared>> -> memref<10000x128xf32, #tpu.memory_space<vmem_shared>>
          tpu.wait_indirect_dma semaphore(%arg14 : memref<!tpu.dma_semaphore, #tpu.memory_space<semaphore_mem>>) src(%arg9 : memref<128x128xf32, #tpu.memory_space<vmem>>) dst(%dma_wait3A_161 : memref<10000x128xf32, #tpu.memory_space<vmem_shared>>)
        } else {
        }
        %add3A_150 = arith.constant 1 : i32
        %add3A_151 = arith.addi %add3A_122, %add3A_150 : i32
        %lt3A_152 = arith.cmpi slt, %add3A_151, %select_n3A : i32
        %convert_element_type3A_153 = arith.extui %lt3A_152 : i1 to i32
        %cond3A_154 = arith.constant 0 : i32
        %cond3A_155 = arith.cmpi ne, %convert_element_type3A_153, %cond3A_154 : i32
        scf.if %cond3A_155 {
          %add3A_159 = arith.constant 1 : i32
          %add3A_160 = arith.addi %add3A_122, %add3A_159 : i32
          %mul3A_161 = arith.constant 32 : i32
          %mul3A_162 = arith.muli %add3A_160, %mul3A_161 : i32
          %add3A_163 = arith.addi %add3A, %mul3A_162 : i32
          %mul3A_164 = arith.constant 128 : i32
          %mul3A_165 = arith.muli %add3A_163, %mul3A_164 : i32
          %multiple_of3A_166 = tpu.assume_multiple %mul3A_165, 8 : i32
          %dma_start3A_167 = tpu.memref_slice %arg2[%multiple_of3A_166] : memref<320000xi32, #tpu.memory_space<hbm>> -> memref<128xi32, #tpu.memory_space<hbm>>
          %dma_start3A_168 = tpu.memref_slice %arg2[%multiple_of3A_166] : memref<320000xi32, #tpu.memory_space<hbm>> -> memref<128xi32, #tpu.memory_space<hbm>>
          tpu.enqueue_dma source(%dma_start3A_168 : memref<128xi32, #tpu.memory_space<hbm>>) target(%arg7 : memref<128xi32, #tpu.memory_space<vmem>>) target_semaphore(%arg12 : memref<!tpu.dma_semaphore, #tpu.memory_space<semaphore_mem>>)
          %dma_start3A_169 = arith.constant 0 : i32
          %dma_start3A_170 = tpu.memref_slice %arg3[%multiple_of3A_166, %dma_start3A_169] : memref<320000x128xf32, #tpu.memory_space<hbm>> -> memref<128x128xf32, #tpu.memory_space<hbm>>
          %dma_start3A_171 = arith.constant 0 : i32
          %dma_start3A_172 = tpu.memref_slice %arg3[%multiple_of3A_166, %dma_start3A_171] : memref<320000x128xf32, #tpu.memory_space<hbm>> -> memref<128x128xf32, #tpu.memory_space<hbm>>
          tpu.enqueue_dma source(%dma_start3A_172 : memref<128x128xf32, #tpu.memory_space<hbm>>) target(%arg9 : memref<128x128xf32, #tpu.memory_space<vmem>>) target_semaphore(%arg12 : memref<!tpu.dma_semaphore, #tpu.memory_space<semaphore_mem>>)
        } else {
        }
        %dma_start3A_156 = arith.constant 0 : i32
        %dma_start3A_157 = arith.constant 0 : i32
        %dma_start3A_158 = tpu.memref_slice %arg10[%dma_start3A_156, %dma_start3A_157] : memref<10000x128xf32, #tpu.memory_space<vmem_shared>> -> memref<10000x128xf32, #tpu.memory_space<vmem_shared>>
        tpu.enqueue_indirect_dma source(%arg8 : memref<128x128xf32, #tpu.memory_space<vmem>>) target(%dma_start3A_158 : memref<10000x128xf32, #tpu.memory_space<vmem_shared>>) offsets(%arg6 : memref<128xi32, #tpu.memory_space<vmem>>) semaphore(%arg13 : memref<!tpu.dma_semaphore, #tpu.memory_space<semaphore_mem>>) {add = true}
      } else {
      }
      %add3A_126 = arith.constant 1 : i32
      %add3A_127 = arith.addi %add3A_120, %add3A_126 : i32
      %lt3A_128 = arith.cmpi slt, %add3A_127, %select_n3A : i32
      %convert_element_type3A_129 = arith.extui %lt3A_128 : i1 to i32
      %cond3A_130 = arith.constant 0 : i32
      %cond3A_131 = arith.cmpi ne, %convert_element_type3A_129, %cond3A_130 : i32
      scf.if %cond3A_131 {
        %dma_wait3A_132 = arith.constant 0 : i32
        %dma_wait3A_133 = tpu.memref_slice %arg2[%dma_wait3A_132] : memref<320000xi32, #tpu.memory_space<hbm>> -> memref<128xi32, #tpu.memory_space<hbm>>
        %dma_wait3A_134 = arith.constant 0 : i32
        %dma_wait3A_135 = tpu.memref_slice %arg2[%dma_wait3A_134] : memref<320000xi32, #tpu.memory_space<hbm>> -> memref<128xi32, #tpu.memory_space<hbm>>
        tpu.wait_dma2 semaphore(%arg12 : memref<!tpu.dma_semaphore, #tpu.memory_space<semaphore_mem>>) src(%dma_wait3A_135 : memref<128xi32, #tpu.memory_space<hbm>>) dst(%arg7 : memref<128xi32, #tpu.memory_space<vmem>>)
        %dma_wait3A_136 = arith.constant 0 : i32
        %dma_wait3A_137 = arith.constant 0 : i32
        %dma_wait3A_138 = tpu.memref_slice %arg3[%dma_wait3A_136, %dma_wait3A_137] : memref<320000x128xf32, #tpu.memory_space<hbm>> -> memref<128x128xf32, #tpu.memory_space<hbm>>
        %dma_wait3A_139 = arith.constant 0 : i32
        %dma_wait3A_140 = arith.constant 0 : i32
        %dma_wait3A_141 = tpu.memref_slice %arg3[%dma_wait3A_139, %dma_wait3A_140] : memref<320000x128xf32, #tpu.memory_space<hbm>> -> memref<128x128xf32, #tpu.memory_space<hbm>>
        tpu.wait_dma2 semaphore(%arg12 : memref<!tpu.dma_semaphore, #tpu.memory_space<semaphore_mem>>) src(%dma_wait3A_141 : memref<128x128xf32, #tpu.memory_space<hbm>>) dst(%arg9 : memref<128x128xf32, #tpu.memory_space<vmem>>)
        %add3A_142 = arith.constant 1 : i32
        %add3A_143 = arith.addi %add3A_127, %add3A_142 : i32
        %lt3A_144 = arith.cmpi slt, %add3A_143, %select_n3A : i32
        %ge3A = arith.constant 1 : i32
        %ge3A_145 = arith.cmpi sge, %add3A_127, %ge3A : i32
        %and3A_146 = arith.andi %lt3A_144, %ge3A_145 : i1
        %convert_element_type3A_147 = arith.extui %and3A_146 : i1 to i32
        %cond3A_148 = arith.constant 0 : i32
        %cond3A_149 = arith.cmpi ne, %convert_element_type3A_147, %cond3A_148 : i32
        scf.if %cond3A_149 {
          %dma_wait3A_159 = arith.constant 0 : i32
          %dma_wait3A_160 = arith.constant 0 : i32
          %dma_wait3A_161 = tpu.memref_slice %arg10[%dma_wait3A_159, %dma_wait3A_160] : memref<10000x128xf32, #tpu.memory_space<vmem_shared>> -> memref<10000x128xf32, #tpu.memory_space<vmem_shared>>
          tpu.wait_indirect_dma semaphore(%arg13 : memref<!tpu.dma_semaphore, #tpu.memory_space<semaphore_mem>>) src(%arg8 : memref<128x128xf32, #tpu.memory_space<vmem>>) dst(%dma_wait3A_161 : memref<10000x128xf32, #tpu.memory_space<vmem_shared>>)
        } else {
        }
        %add3A_150 = arith.constant 1 : i32
        %add3A_151 = arith.addi %add3A_127, %add3A_150 : i32
        %lt3A_152 = arith.cmpi slt, %add3A_151, %select_n3A : i32
        %convert_element_type3A_153 = arith.extui %lt3A_152 : i1 to i32
        %cond3A_154 = arith.constant 0 : i32
        %cond3A_155 = arith.cmpi ne, %convert_element_type3A_153, %cond3A_154 : i32
        scf.if %cond3A_155 {
          %add3A_159 = arith.constant 1 : i32
          %add3A_160 = arith.addi %add3A_127, %add3A_159 : i32
          %mul3A_161 = arith.constant 32 : i32
          %mul3A_162 = arith.muli %add3A_160, %mul3A_161 : i32
          %add3A_163 = arith.addi %add3A, %mul3A_162 : i32
          %mul3A_164 = arith.constant 128 : i32
          %mul3A_165 = arith.muli %add3A_163, %mul3A_164 : i32
          %multiple_of3A_166 = tpu.assume_multiple %mul3A_165, 8 : i32
          %dma_start3A_167 = tpu.memref_slice %arg2[%multiple_of3A_166] : memref<320000xi32, #tpu.memory_space<hbm>> -> memref<128xi32, #tpu.memory_space<hbm>>
          %dma_start3A_168 = tpu.memref_slice %arg2[%multiple_of3A_166] : memref<320000xi32, #tpu.memory_space<hbm>> -> memref<128xi32, #tpu.memory_space<hbm>>
          tpu.enqueue_dma source(%dma_start3A_168 : memref<128xi32, #tpu.memory_space<hbm>>) target(%arg6 : memref<128xi32, #tpu.memory_space<vmem>>) target_semaphore(%arg11 : memref<!tpu.dma_semaphore, #tpu.memory_space<semaphore_mem>>)
          %dma_start3A_169 = arith.constant 0 : i32
          %dma_start3A_170 = tpu.memref_slice %arg3[%multiple_of3A_166, %dma_start3A_169] : memref<320000x128xf32, #tpu.memory_space<hbm>> -> memref<128x128xf32, #tpu.memory_space<hbm>>
          %dma_start3A_171 = arith.constant 0 : i32
          %dma_start3A_172 = tpu.memref_slice %arg3[%multiple_of3A_166, %dma_start3A_171] : memref<320000x128xf32, #tpu.memory_space<hbm>> -> memref<128x128xf32, #tpu.memory_space<hbm>>
          tpu.enqueue_dma source(%dma_start3A_172 : memref<128x128xf32, #tpu.memory_space<hbm>>) target(%arg8 : memref<128x128xf32, #tpu.memory_space<vmem>>) target_semaphore(%arg11 : memref<!tpu.dma_semaphore, #tpu.memory_space<semaphore_mem>>)
        } else {
        }
        %dma_start3A_156 = arith.constant 0 : i32
        %dma_start3A_157 = arith.constant 0 : i32
        %dma_start3A_158 = tpu.memref_slice %arg10[%dma_start3A_156, %dma_start3A_157] : memref<10000x128xf32, #tpu.memory_space<vmem_shared>> -> memref<10000x128xf32, #tpu.memory_space<vmem_shared>>
        tpu.enqueue_indirect_dma source(%arg9 : memref<128x128xf32, #tpu.memory_space<vmem>>) target(%dma_start3A_158 : memref<10000x128xf32, #tpu.memory_space<vmem_shared>>) offsets(%arg7 : memref<128xi32, #tpu.memory_space<vmem>>) semaphore(%arg14 : memref<!tpu.dma_semaphore, #tpu.memory_space<semaphore_mem>>) {add = true}
      } else {
      }
    }
    %while3A_101 = arith.constant 1 : i32
    scf.for %while3A_118 = %while3A_99 to %while3A_95 step %while3A_101  : i32 {
      %mul3A_119 = arith.muli %while3A_118, %while3A_91 : i32
      %add3A_120 = arith.addi %while3A_92, %mul3A_119 : i32
      %add3A_121 = arith.constant 0 : i32
      %add3A_122 = arith.addi %add3A_120, %add3A_121 : i32
      %lt3A = arith.cmpi slt, %add3A_122, %select_n3A : i32
      %convert_element_type3A_123 = arith.extui %lt3A : i1 to i32
      %cond3A_124 = arith.constant 0 : i32
      %cond3A_125 = arith.cmpi ne, %convert_element_type3A_123, %cond3A_124 : i32
      scf.if %cond3A_125 {
        %dma_wait3A_132 = arith.constant 0 : i32
        %dma_wait3A_133 = tpu.memref_slice %arg2[%dma_wait3A_132] : memref<320000xi32, #tpu.memory_space<hbm>> -> memref<128xi32, #tpu.memory_space<hbm>>
        %dma_wait3A_134 = arith.constant 0 : i32
        %dma_wait3A_135 = tpu.memref_slice %arg2[%dma_wait3A_134] : memref<320000xi32, #tpu.memory_space<hbm>> -> memref<128xi32, #tpu.memory_space<hbm>>
        tpu.wait_dma2 semaphore(%arg11 : memref<!tpu.dma_semaphore, #tpu.memory_space<semaphore_mem>>) src(%dma_wait3A_135 : memref<128xi32, #tpu.memory_space<hbm>>) dst(%arg6 : memref<128xi32, #tpu.memory_space<vmem>>)
        %dma_wait3A_136 = arith.constant 0 : i32
        %dma_wait3A_137 = arith.constant 0 : i32
        %dma_wait3A_138 = tpu.memref_slice %arg3[%dma_wait3A_136, %dma_wait3A_137] : memref<320000x128xf32, #tpu.memory_space<hbm>> -> memref<128x128xf32, #tpu.memory_space<hbm>>
        %dma_wait3A_139 = arith.constant 0 : i32
        %dma_wait3A_140 = arith.constant 0 : i32
        %dma_wait3A_141 = tpu.memref_slice %arg3[%dma_wait3A_139, %dma_wait3A_140] : memref<320000x128xf32, #tpu.memory_space<hbm>> -> memref<128x128xf32, #tpu.memory_space<hbm>>
        tpu.wait_dma2 semaphore(%arg11 : memref<!tpu.dma_semaphore, #tpu.memory_space<semaphore_mem>>) src(%dma_wait3A_141 : memref<128x128xf32, #tpu.memory_space<hbm>>) dst(%arg8 : memref<128x128xf32, #tpu.memory_space<vmem>>)
        %add3A_142 = arith.constant 1 : i32
        %add3A_143 = arith.addi %add3A_122, %add3A_142 : i32
        %lt3A_144 = arith.cmpi slt, %add3A_143, %select_n3A : i32
        %ge3A = arith.constant 1 : i32
        %ge3A_145 = arith.cmpi sge, %add3A_122, %ge3A : i32
        %and3A_146 = arith.andi %lt3A_144, %ge3A_145 : i1
        %convert_element_type3A_147 = arith.extui %and3A_146 : i1 to i32
        %cond3A_148 = arith.constant 0 : i32
        %cond3A_149 = arith.cmpi ne, %convert_element_type3A_147, %cond3A_148 : i32
        scf.if %cond3A_149 {
          %dma_wait3A_159 = arith.constant 0 : i32
          %dma_wait3A_160 = arith.constant 0 : i32
          %dma_wait3A_161 = tpu.memref_slice %arg10[%dma_wait3A_159, %dma_wait3A_160] : memref<10000x128xf32, #tpu.memory_space<vmem_shared>> -> memref<10000x128xf32, #tpu.memory_space<vmem_shared>>
          tpu.wait_indirect_dma semaphore(%arg14 : memref<!tpu.dma_semaphore, #tpu.memory_space<semaphore_mem>>) src(%arg9 : memref<128x128xf32, #tpu.memory_space<vmem>>) dst(%dma_wait3A_161 : memref<10000x128xf32, #tpu.memory_space<vmem_shared>>)
        } else {
        }
        %add3A_150 = arith.constant 1 : i32
        %add3A_151 = arith.addi %add3A_122, %add3A_150 : i32
        %lt3A_152 = arith.cmpi slt, %add3A_151, %select_n3A : i32
        %convert_element_type3A_153 = arith.extui %lt3A_152 : i1 to i32
        %cond3A_154 = arith.constant 0 : i32
        %cond3A_155 = arith.cmpi ne, %convert_element_type3A_153, %cond3A_154 : i32
        scf.if %cond3A_155 {
          %add3A_159 = arith.constant 1 : i32
          %add3A_160 = arith.addi %add3A_122, %add3A_159 : i32
          %mul3A_161 = arith.constant 32 : i32
          %mul3A_162 = arith.muli %add3A_160, %mul3A_161 : i32
          %add3A_163 = arith.addi %add3A, %mul3A_162 : i32
          %mul3A_164 = arith.constant 128 : i32
          %mul3A_165 = arith.muli %add3A_163, %mul3A_164 : i32
          %multiple_of3A_166 = tpu.assume_multiple %mul3A_165, 8 : i32
          %dma_start3A_167 = tpu.memref_slice %arg2[%multiple_of3A_166] : memref<320000xi32, #tpu.memory_space<hbm>> -> memref<128xi32, #tpu.memory_space<hbm>>
          %dma_start3A_168 = tpu.memref_slice %arg2[%multiple_of3A_166] : memref<320000xi32, #tpu.memory_space<hbm>> -> memref<128xi32, #tpu.memory_space<hbm>>
          tpu.enqueue_dma source(%dma_start3A_168 : memref<128xi32, #tpu.memory_space<hbm>>) target(%arg7 : memref<128xi32, #tpu.memory_space<vmem>>) target_semaphore(%arg12 : memref<!tpu.dma_semaphore, #tpu.memory_space<semaphore_mem>>)
          %dma_start3A_169 = arith.constant 0 : i32
          %dma_start3A_170 = tpu.memref_slice %arg3[%multiple_of3A_166, %dma_start3A_169] : memref<320000x128xf32, #tpu.memory_space<hbm>> -> memref<128x128xf32, #tpu.memory_space<hbm>>
          %dma_start3A_171 = arith.constant 0 : i32
          %dma_start3A_172 = tpu.memref_slice %arg3[%multiple_of3A_166, %dma_start3A_171] : memref<320000x128xf32, #tpu.memory_space<hbm>> -> memref<128x128xf32, #tpu.memory_space<hbm>>
          tpu.enqueue_dma source(%dma_start3A_172 : memref<128x128xf32, #tpu.memory_space<hbm>>) target(%arg9 : memref<128x128xf32, #tpu.memory_space<vmem>>) target_semaphore(%arg12 : memref<!tpu.dma_semaphore, #tpu.memory_space<semaphore_mem>>)
        } else {
        }
        %dma_start3A_156 = arith.constant 0 : i32
        %dma_start3A_157 = arith.constant 0 : i32
        %dma_start3A_158 = tpu.memref_slice %arg10[%dma_start3A_156, %dma_start3A_157] : memref<10000x128xf32, #tpu.memory_space<vmem_shared>> -> memref<10000x128xf32, #tpu.memory_space<vmem_shared>>
        tpu.enqueue_indirect_dma source(%arg8 : memref<128x128xf32, #tpu.memory_space<vmem>>) target(%dma_start3A_158 : memref<10000x128xf32, #tpu.memory_space<vmem_shared>>) offsets(%arg6 : memref<128xi32, #tpu.memory_space<vmem>>) semaphore(%arg13 : memref<!tpu.dma_semaphore, #tpu.memory_space<semaphore_mem>>) {add = true}
      } else {
      }
      %add3A_126 = arith.constant 1 : i32
      %add3A_127 = arith.addi %add3A_120, %add3A_126 : i32
      %lt3A_128 = arith.cmpi slt, %add3A_127, %select_n3A : i32
      %convert_element_type3A_129 = arith.extui %lt3A_128 : i1 to i32
      %cond3A_130 = arith.constant 0 : i32
      %cond3A_131 = arith.cmpi ne, %convert_element_type3A_129, %cond3A_130 : i32
      scf.if %cond3A_131 {
        %dma_wait3A_132 = arith.constant 0 : i32
        %dma_wait3A_133 = tpu.memref_slice %arg2[%dma_wait3A_132] : memref<320000xi32, #tpu.memory_space<hbm>> -> memref<128xi32, #tpu.memory_space<hbm>>
        %dma_wait3A_134 = arith.constant 0 : i32
        %dma_wait3A_135 = tpu.memref_slice %arg2[%dma_wait3A_134] : memref<320000xi32, #tpu.memory_space<hbm>> -> memref<128xi32, #tpu.memory_space<hbm>>
        tpu.wait_dma2 semaphore(%arg12 : memref<!tpu.dma_semaphore, #tpu.memory_space<semaphore_mem>>) src(%dma_wait3A_135 : memref<128xi32, #tpu.memory_space<hbm>>) dst(%arg7 : memref<128xi32, #tpu.memory_space<vmem>>)
        %dma_wait3A_136 = arith.constant 0 : i32
        %dma_wait3A_137 = arith.constant 0 : i32
        %dma_wait3A_138 = tpu.memref_slice %arg3[%dma_wait3A_136, %dma_wait3A_137] : memref<320000x128xf32, #tpu.memory_space<hbm>> -> memref<128x128xf32, #tpu.memory_space<hbm>>
        %dma_wait3A_139 = arith.constant 0 : i32
        %dma_wait3A_140 = arith.constant 0 : i32
        %dma_wait3A_141 = tpu.memref_slice %arg3[%dma_wait3A_139, %dma_wait3A_140] : memref<320000x128xf32, #tpu.memory_space<hbm>> -> memref<128x128xf32, #tpu.memory_space<hbm>>
        tpu.wait_dma2 semaphore(%arg12 : memref<!tpu.dma_semaphore, #tpu.memory_space<semaphore_mem>>) src(%dma_wait3A_141 : memref<128x128xf32, #tpu.memory_space<hbm>>) dst(%arg9 : memref<128x128xf32, #tpu.memory_space<vmem>>)
        %add3A_142 = arith.constant 1 : i32
        %add3A_143 = arith.addi %add3A_127, %add3A_142 : i32
        %lt3A_144 = arith.cmpi slt, %add3A_143, %select_n3A : i32
        %ge3A = arith.constant 1 : i32
        %ge3A_145 = arith.cmpi sge, %add3A_127, %ge3A : i32
        %and3A_146 = arith.andi %lt3A_144, %ge3A_145 : i1
        %convert_element_type3A_147 = arith.extui %and3A_146 : i1 to i32
        %cond3A_148 = arith.constant 0 : i32
        %cond3A_149 = arith.cmpi ne, %convert_element_type3A_147, %cond3A_148 : i32
        scf.if %cond3A_149 {
          %dma_wait3A_159 = arith.constant 0 : i32
          %dma_wait3A_160 = arith.constant 0 : i32
          %dma_wait3A_161 = tpu.memref_slice %arg10[%dma_wait3A_159, %dma_wait3A_160] : memref<10000x128xf32, #tpu.memory_space<vmem_shared>> -> memref<10000x128xf32, #tpu.memory_space<vmem_shared>>
          tpu.wait_indirect_dma semaphore(%arg13 : memref<!tpu.dma_semaphore, #tpu.memory_space<semaphore_mem>>) src(%arg8 : memref<128x128xf32, #tpu.memory_space<vmem>>) dst(%dma_wait3A_161 : memref<10000x128xf32, #tpu.memory_space<vmem_shared>>)
        } else {
        }
        %add3A_150 = arith.constant 1 : i32
        %add3A_151 = arith.addi %add3A_127, %add3A_150 : i32
        %lt3A_152 = arith.cmpi slt, %add3A_151, %select_n3A : i32
        %convert_element_type3A_153 = arith.extui %lt3A_152 : i1 to i32
        %cond3A_154 = arith.constant 0 : i32
        %cond3A_155 = arith.cmpi ne, %convert_element_type3A_153, %cond3A_154 : i32
        scf.if %cond3A_155 {
          %add3A_159 = arith.constant 1 : i32
          %add3A_160 = arith.addi %add3A_127, %add3A_159 : i32
          %mul3A_161 = arith.constant 32 : i32
          %mul3A_162 = arith.muli %add3A_160, %mul3A_161 : i32
          %add3A_163 = arith.addi %add3A, %mul3A_162 : i32
          %mul3A_164 = arith.constant 128 : i32
          %mul3A_165 = arith.muli %add3A_163, %mul3A_164 : i32
          %multiple_of3A_166 = tpu.assume_multiple %mul3A_165, 8 : i32
          %dma_start3A_167 = tpu.memref_slice %arg2[%multiple_of3A_166] : memref<320000xi32, #tpu.memory_space<hbm>> -> memref<128xi32, #tpu.memory_space<hbm>>
          %dma_start3A_168 = tpu.memref_slice %arg2[%multiple_of3A_166] : memref<320000xi32, #tpu.memory_space<hbm>> -> memref<128xi32, #tpu.memory_space<hbm>>
          tpu.enqueue_dma source(%dma_start3A_168 : memref<128xi32, #tpu.memory_space<hbm>>) target(%arg6 : memref<128xi32, #tpu.memory_space<vmem>>) target_semaphore(%arg11 : memref<!tpu.dma_semaphore, #tpu.memory_space<semaphore_mem>>)
          %dma_start3A_169 = arith.constant 0 : i32
          %dma_start3A_170 = tpu.memref_slice %arg3[%multiple_of3A_166, %dma_start3A_169] : memref<320000x128xf32, #tpu.memory_space<hbm>> -> memref<128x128xf32, #tpu.memory_space<hbm>>
          %dma_start3A_171 = arith.constant 0 : i32
          %dma_start3A_172 = tpu.memref_slice %arg3[%multiple_of3A_166, %dma_start3A_171] : memref<320000x128xf32, #tpu.memory_space<hbm>> -> memref<128x128xf32, #tpu.memory_space<hbm>>
          tpu.enqueue_dma source(%dma_start3A_172 : memref<128x128xf32, #tpu.memory_space<hbm>>) target(%arg8 : memref<128x128xf32, #tpu.memory_space<vmem>>) target_semaphore(%arg11 : memref<!tpu.dma_semaphore, #tpu.memory_space<semaphore_mem>>)
        } else {
        }
        %dma_start3A_156 = arith.constant 0 : i32
        %dma_start3A_157 = arith.constant 0 : i32
        %dma_start3A_158 = tpu.memref_slice %arg10[%dma_start3A_156, %dma_start3A_157] : memref<10000x128xf32, #tpu.memory_space<vmem_shared>> -> memref<10000x128xf32, #tpu.memory_space<vmem_shared>>
        tpu.enqueue_indirect_dma source(%arg9 : memref<128x128xf32, #tpu.memory_space<vmem>>) target(%dma_start3A_158 : memref<10000x128xf32, #tpu.memory_space<vmem_shared>>) offsets(%arg7 : memref<128xi32, #tpu.memory_space<vmem>>) semaphore(%arg14 : memref<!tpu.dma_semaphore, #tpu.memory_space<semaphore_mem>>) {add = true}
      } else {
      }
    }
    %dma_wait3A = arith.constant 0 : i32
    %dma_wait3A_102 = arith.constant 0 : i32
    %dma_wait3A_103 = tpu.memref_slice %arg10[%dma_wait3A, %dma_wait3A_102] : memref<10000x128xf32, #tpu.memory_space<vmem_shared>> -> memref<10000x128xf32, #tpu.memory_space<vmem_shared>>
    tpu.wait_indirect_dma semaphore(%arg13 : memref<!tpu.dma_semaphore, #tpu.memory_space<semaphore_mem>>) src(%arg8 : memref<128x128xf32, #tpu.memory_space<vmem>>) dst(%dma_wait3A_103 : memref<10000x128xf32, #tpu.memory_space<vmem_shared>>)
    %dma_wait3A_104 = arith.constant 0 : i32
    %dma_wait3A_105 = arith.constant 0 : i32
    %dma_wait3A_106 = tpu.memref_slice %arg10[%dma_wait3A_104, %dma_wait3A_105] : memref<10000x128xf32, #tpu.memory_space<vmem_shared>> -> memref<10000x128xf32, #tpu.memory_space<vmem_shared>>
    tpu.wait_indirect_dma semaphore(%arg14 : memref<!tpu.dma_semaphore, #tpu.memory_space<semaphore_mem>>) src(%arg9 : memref<128x128xf32, #tpu.memory_space<vmem>>) dst(%dma_wait3A_106 : memref<10000x128xf32, #tpu.memory_space<vmem_shared>>)
    %barrier3A_107 = arith.constant 0 : index
    tpu.barrier barrier_id(%barrier3A_107)
    %eq3A_108 = arith.constant 0 : i32
    %eq3A_109 = arith.cmpi eq, %arg0, %eq3A_108 : i32
    %convert_element_type3A_110 = arith.extui %eq3A_109 : i1 to i32
    %cond3A_111 = arith.constant 0 : i32
    %cond3A_112 = arith.cmpi ne, %convert_element_type3A_110, %cond3A_111 : i32
    scf.if %cond3A_112 {
      %sub3A_118 = arith.constant 78 : i32
      %sub3A_119 = arith.subi %sub3A_118, %arg1 : i32
      %sub3A_120 = arith.constant 16 : i32
      %sub3A_121 = arith.constant 1 : i32
      %sub3A_122 = arith.subi %sub3A_120, %sub3A_121 : i32
      %add3A_123 = arith.addi %sub3A_119, %sub3A_122 : i32
      %div3A_124 = arith.constant 16 : i32
      %div3A_125 = arith.divsi %add3A_123, %div3A_124 : i32
      %while3A_126 = arith.constant 16 : i32
      %while3A_127 = arith.constant 0 : i32
      %while3A_128 = arith.subi %div3A_125, %while3A_127 : i32
      %while3A_129 = arith.addi %while3A_127, %while3A_128 : i32
      %while3A_130 = arith.constant 1 : i32
      %while3A_131 = arith.divsi %while3A_128, %while3A_130 : i32
      %while3A_132 = arith.muli %while3A_131, %while3A_130 : i32
      %while3A_133 = arith.addi %while3A_127, %while3A_132 : i32
      %while3A_134 = arith.constant 1 : i32
      scf.for %while3A_141 = %while3A_127 to %while3A_133 step %while3A_134  : i32 {
        %mul3A_142 = arith.muli %while3A_141, %while3A_126 : i32
        %add3A_143 = arith.addi %arg1, %mul3A_142 : i32
        %mul3A_144 = arith.constant 128 : i32
        %mul3A_145 = arith.muli %add3A_143, %mul3A_144 : i32
        %multiple_of3A_146 = tpu.assume_multiple %mul3A_145, 8 : i32
        "tpu.region"() ({
          %run_scoped3A = tpu.sem_alloc : memref<!tpu.dma_semaphore, #tpu.memory_space<semaphore_mem>>
          %dma_start3A_147 = arith.constant 0 : i32
          %dma_start3A_148 = tpu.memref_slice %arg4[%multiple_of3A_146, %dma_start3A_147] : memref<10000x128xf32, #tpu.memory_space<hbm>> -> memref<128x128xf32, #tpu.memory_space<hbm>>
          %dma_start3A_149 = arith.constant 0 : i32
          %dma_start3A_150 = tpu.memref_slice %arg10[%multiple_of3A_146, %dma_start3A_149] : memref<10000x128xf32, #tpu.memory_space<vmem_shared>> -> memref<128x128xf32, #tpu.memory_space<vmem_shared>>
          tpu.enqueue_dma source(%dma_start3A_150 : memref<128x128xf32, #tpu.memory_space<vmem_shared>>) target(%dma_start3A_148 : memref<128x128xf32, #tpu.memory_space<hbm>>) target_semaphore(%run_scoped3A : memref<!tpu.dma_semaphore, #tpu.memory_space<semaphore_mem>>)
          %dma_wait3A_151 = arith.constant 0 : i32
          %dma_wait3A_152 = tpu.memref_slice %arg4[%multiple_of3A_146, %dma_wait3A_151] : memref<10000x128xf32, #tpu.memory_space<hbm>> -> memref<128x128xf32, #tpu.memory_space<hbm>>
          %dma_wait3A_153 = arith.constant 0 : i32
          %dma_wait3A_154 = tpu.memref_slice %arg10[%multiple_of3A_146, %dma_wait3A_153] : memref<10000x128xf32, #tpu.memory_space<vmem_shared>> -> memref<128x128xf32, #tpu.memory_space<vmem_shared>>
          tpu.wait_dma2 semaphore(%run_scoped3A : memref<!tpu.dma_semaphore, #tpu.memory_space<semaphore_mem>>) src(%dma_wait3A_154 : memref<128x128xf32, #tpu.memory_space<vmem_shared>>) dst(%dma_wait3A_152 : memref<128x128xf32, #tpu.memory_space<hbm>>)
          tpu.yield
        }) : () -> ()
      }
      %while3A_135 = arith.constant 1 : i32
      scf.for %while3A_141 = %while3A_133 to %while3A_129 step %while3A_135  : i32 {
        %mul3A_142 = arith.muli %while3A_141, %while3A_126 : i32
        %add3A_143 = arith.addi %arg1, %mul3A_142 : i32
        %mul3A_144 = arith.constant 128 : i32
        %mul3A_145 = arith.muli %add3A_143, %mul3A_144 : i32
        %multiple_of3A_146 = tpu.assume_multiple %mul3A_145, 8 : i32
        "tpu.region"() ({
          %run_scoped3A = tpu.sem_alloc : memref<!tpu.dma_semaphore, #tpu.memory_space<semaphore_mem>>
          %dma_start3A_147 = arith.constant 0 : i32
          %dma_start3A_148 = tpu.memref_slice %arg4[%multiple_of3A_146, %dma_start3A_147] : memref<10000x128xf32, #tpu.memory_space<hbm>> -> memref<128x128xf32, #tpu.memory_space<hbm>>
          %dma_start3A_149 = arith.constant 0 : i32
          %dma_start3A_150 = tpu.memref_slice %arg10[%multiple_of3A_146, %dma_start3A_149] : memref<10000x128xf32, #tpu.memory_space<vmem_shared>> -> memref<128x128xf32, #tpu.memory_space<vmem_shared>>
          tpu.enqueue_dma source(%dma_start3A_150 : memref<128x128xf32, #tpu.memory_space<vmem_shared>>) target(%dma_start3A_148 : memref<128x128xf32, #tpu.memory_space<hbm>>) target_semaphore(%run_scoped3A : memref<!tpu.dma_semaphore, #tpu.memory_space<semaphore_mem>>)
          %dma_wait3A_151 = arith.constant 0 : i32
          %dma_wait3A_152 = tpu.memref_slice %arg4[%multiple_of3A_146, %dma_wait3A_151] : memref<10000x128xf32, #tpu.memory_space<hbm>> -> memref<128x128xf32, #tpu.memory_space<hbm>>
          %dma_wait3A_153 = arith.constant 0 : i32
          %dma_wait3A_154 = tpu.memref_slice %arg10[%multiple_of3A_146, %dma_wait3A_153] : memref<10000x128xf32, #tpu.memory_space<vmem_shared>> -> memref<128x128xf32, #tpu.memory_space<vmem_shared>>
          tpu.wait_dma2 semaphore(%run_scoped3A : memref<!tpu.dma_semaphore, #tpu.memory_space<semaphore_mem>>) src(%dma_wait3A_154 : memref<128x128xf32, #tpu.memory_space<vmem_shared>>) dst(%dma_wait3A_152 : memref<128x128xf32, #tpu.memory_space<hbm>>)
          tpu.yield
        }) : () -> ()
      }
      %eq3A_136 = arith.constant 0 : i32
      %eq3A_137 = arith.cmpi eq, %arg1, %eq3A_136 : i32
      %convert_element_type3A_138 = arith.extui %eq3A_137 : i1 to i32
      %cond3A_139 = arith.constant 0 : i32
      %cond3A_140 = arith.cmpi ne, %convert_element_type3A_138, %cond3A_139 : i32
      scf.if %cond3A_140 {
        "tpu.region"() ({
          %run_scoped3A = tpu.sem_alloc : memref<!tpu.dma_semaphore, #tpu.memory_space<semaphore_mem>>
          %dma_start3A_141 = arith.constant 9984 : i32
          %dma_start3A_142 = arith.constant 0 : i32
          %dma_start3A_143 = tpu.memref_slice %arg4[%dma_start3A_141, %dma_start3A_142] : memref<10000x128xf32, #tpu.memory_space<hbm>> -> memref<16x128xf32, #tpu.memory_space<hbm>>
          %dma_start3A_144 = arith.constant 9984 : i32
          %dma_start3A_145 = arith.constant 0 : i32
          %dma_start3A_146 = tpu.memref_slice %arg10[%dma_start3A_144, %dma_start3A_145] : memref<10000x128xf32, #tpu.memory_space<vmem_shared>> -> memref<16x128xf32, #tpu.memory_space<vmem_shared>>
          tpu.enqueue_dma source(%dma_start3A_146 : memref<16x128xf32, #tpu.memory_space<vmem_shared>>) target(%dma_start3A_143 : memref<16x128xf32, #tpu.memory_space<hbm>>) target_semaphore(%run_scoped3A : memref<!tpu.dma_semaphore, #tpu.memory_space<semaphore_mem>>)
          %dma_wait3A_147 = arith.constant 9984 : i32
          %dma_wait3A_148 = arith.constant 0 : i32
          %dma_wait3A_149 = tpu.memref_slice %arg4[%dma_wait3A_147, %dma_wait3A_148] : memref<10000x128xf32, #tpu.memory_space<hbm>> -> memref<16x128xf32, #tpu.memory_space<hbm>>
          %dma_wait3A_150 = arith.constant 9984 : i32
          %dma_wait3A_151 = arith.constant 0 : i32
          %dma_wait3A_152 = tpu.memref_slice %arg10[%dma_wait3A_150, %dma_wait3A_151] : memref<10000x128xf32, #tpu.memory_space<vmem_shared>> -> memref<16x128xf32, #tpu.memory_space<vmem_shared>>
          tpu.wait_dma2 semaphore(%run_scoped3A : memref<!tpu.dma_semaphore, #tpu.memory_space<semaphore_mem>>) src(%dma_wait3A_152 : memref<16x128xf32, #tpu.memory_space<vmem_shared>>) dst(%dma_wait3A_149 : memref<16x128xf32, #tpu.memory_space<hbm>>)
          tpu.yield
        }) : () -> ()
      } else {
      }
    } else {
    }
    %eq3A_113 = arith.constant 1 : i32
    %eq3A_114 = arith.cmpi eq, %arg0, %eq3A_113 : i32
    %convert_element_type3A_115 = arith.extui %eq3A_114 : i1 to i32
    %cond3A_116 = arith.constant 0 : i32
    %cond3A_117 = arith.cmpi ne, %convert_element_type3A_115, %cond3A_116 : i32
    scf.if %cond3A_117 {
      %sub3A_118 = arith.constant 78 : i32
      %sub3A_119 = arith.subi %sub3A_118, %arg1 : i32
      %sub3A_120 = arith.constant 16 : i32
      %sub3A_121 = arith.constant 1 : i32
      %sub3A_122 = arith.subi %sub3A_120, %sub3A_121 : i32
      %add3A_123 = arith.addi %sub3A_119, %sub3A_122 : i32
      %div3A_124 = arith.constant 16 : i32
      %div3A_125 = arith.divsi %add3A_123, %div3A_124 : i32
      %while3A_126 = arith.constant 16 : i32
      %while3A_127 = arith.constant 0 : i32
      %while3A_128 = arith.subi %div3A_125, %while3A_127 : i32
      %while3A_129 = arith.addi %while3A_127, %while3A_128 : i32
      %while3A_130 = arith.constant 1 : i32
      %while3A_131 = arith.divsi %while3A_128, %while3A_130 : i32
      %while3A_132 = arith.muli %while3A_131, %while3A_130 : i32
      %while3A_133 = arith.addi %while3A_127, %while3A_132 : i32
      %while3A_134 = arith.constant 1 : i32
      scf.for %while3A_141 = %while3A_127 to %while3A_133 step %while3A_134  : i32 {
        %mul3A_142 = arith.muli %while3A_141, %while3A_126 : i32
        %add3A_143 = arith.addi %arg1, %mul3A_142 : i32
        %mul3A_144 = arith.constant 128 : i32
        %mul3A_145 = arith.muli %add3A_143, %mul3A_144 : i32
        %multiple_of3A_146 = tpu.assume_multiple %mul3A_145, 8 : i32
        "tpu.region"() ({
          %run_scoped3A = tpu.sem_alloc : memref<!tpu.dma_semaphore, #tpu.memory_space<semaphore_mem>>
          %dma_start3A_147 = arith.constant 0 : i32
          %dma_start3A_148 = tpu.memref_slice %arg5[%multiple_of3A_146, %dma_start3A_147] : memref<10000x128xf32, #tpu.memory_space<hbm>> -> memref<128x128xf32, #tpu.memory_space<hbm>>
          %dma_start3A_149 = arith.constant 0 : i32
          %dma_start3A_150 = tpu.memref_slice %arg10[%multiple_of3A_146, %dma_start3A_149] : memref<10000x128xf32, #tpu.memory_space<vmem_shared>> -> memref<128x128xf32, #tpu.memory_space<vmem_shared>>
          tpu.enqueue_dma source(%dma_start3A_150 : memref<128x128xf32, #tpu.memory_space<vmem_shared>>) target(%dma_start3A_148 : memref<128x128xf32, #tpu.memory_space<hbm>>) target_semaphore(%run_scoped3A : memref<!tpu.dma_semaphore, #tpu.memory_space<semaphore_mem>>)
          %dma_wait3A_151 = arith.constant 0 : i32
          %dma_wait3A_152 = tpu.memref_slice %arg5[%multiple_of3A_146, %dma_wait3A_151] : memref<10000x128xf32, #tpu.memory_space<hbm>> -> memref<128x128xf32, #tpu.memory_space<hbm>>
          %dma_wait3A_153 = arith.constant 0 : i32
          %dma_wait3A_154 = tpu.memref_slice %arg10[%multiple_of3A_146, %dma_wait3A_153] : memref<10000x128xf32, #tpu.memory_space<vmem_shared>> -> memref<128x128xf32, #tpu.memory_space<vmem_shared>>
          tpu.wait_dma2 semaphore(%run_scoped3A : memref<!tpu.dma_semaphore, #tpu.memory_space<semaphore_mem>>) src(%dma_wait3A_154 : memref<128x128xf32, #tpu.memory_space<vmem_shared>>) dst(%dma_wait3A_152 : memref<128x128xf32, #tpu.memory_space<hbm>>)
          tpu.yield
        }) : () -> ()
      }
      %while3A_135 = arith.constant 1 : i32
      scf.for %while3A_141 = %while3A_133 to %while3A_129 step %while3A_135  : i32 {
        %mul3A_142 = arith.muli %while3A_141, %while3A_126 : i32
        %add3A_143 = arith.addi %arg1, %mul3A_142 : i32
        %mul3A_144 = arith.constant 128 : i32
        %mul3A_145 = arith.muli %add3A_143, %mul3A_144 : i32
        %multiple_of3A_146 = tpu.assume_multiple %mul3A_145, 8 : i32
        "tpu.region"() ({
          %run_scoped3A = tpu.sem_alloc : memref<!tpu.dma_semaphore, #tpu.memory_space<semaphore_mem>>
          %dma_start3A_147 = arith.constant 0 : i32
          %dma_start3A_148 = tpu.memref_slice %arg5[%multiple_of3A_146, %dma_start3A_147] : memref<10000x128xf32, #tpu.memory_space<hbm>> -> memref<128x128xf32, #tpu.memory_space<hbm>>
          %dma_start3A_149 = arith.constant 0 : i32
          %dma_start3A_150 = tpu.memref_slice %arg10[%multiple_of3A_146, %dma_start3A_149] : memref<10000x128xf32, #tpu.memory_space<vmem_shared>> -> memref<128x128xf32, #tpu.memory_space<vmem_shared>>
          tpu.enqueue_dma source(%dma_start3A_150 : memref<128x128xf32, #tpu.memory_space<vmem_shared>>) target(%dma_start3A_148 : memref<128x128xf32, #tpu.memory_space<hbm>>) target_semaphore(%run_scoped3A : memref<!tpu.dma_semaphore, #tpu.memory_space<semaphore_mem>>)
          %dma_wait3A_151 = arith.constant 0 : i32
          %dma_wait3A_152 = tpu.memref_slice %arg5[%multiple_of3A_146, %dma_wait3A_151] : memref<10000x128xf32, #tpu.memory_space<hbm>> -> memref<128x128xf32, #tpu.memory_space<hbm>>
          %dma_wait3A_153 = arith.constant 0 : i32
          %dma_wait3A_154 = tpu.memref_slice %arg10[%multiple_of3A_146, %dma_wait3A_153] : memref<10000x128xf32, #tpu.memory_space<vmem_shared>> -> memref<128x128xf32, #tpu.memory_space<vmem_shared>>
          tpu.wait_dma2 semaphore(%run_scoped3A : memref<!tpu.dma_semaphore, #tpu.memory_space<semaphore_mem>>) src(%dma_wait3A_154 : memref<128x128xf32, #tpu.memory_space<vmem_shared>>) dst(%dma_wait3A_152 : memref<128x128xf32, #tpu.memory_space<hbm>>)
          tpu.yield
        }) : () -> ()
      }
      %eq3A_136 = arith.constant 0 : i32
      %eq3A_137 = arith.cmpi eq, %arg1, %eq3A_136 : i32
      %convert_element_type3A_138 = arith.extui %eq3A_137 : i1 to i32
      %cond3A_139 = arith.constant 0 : i32
      %cond3A_140 = arith.cmpi ne, %convert_element_type3A_138, %cond3A_139 : i32
      scf.if %cond3A_140 {
        "tpu.region"() ({
          %run_scoped3A = tpu.sem_alloc : memref<!tpu.dma_semaphore, #tpu.memory_space<semaphore_mem>>
          %dma_start3A_141 = arith.constant 9984 : i32
          %dma_start3A_142 = arith.constant 0 : i32
          %dma_start3A_143 = tpu.memref_slice %arg5[%dma_start3A_141, %dma_start3A_142] : memref<10000x128xf32, #tpu.memory_space<hbm>> -> memref<16x128xf32, #tpu.memory_space<hbm>>
          %dma_start3A_144 = arith.constant 9984 : i32
          %dma_start3A_145 = arith.constant 0 : i32
          %dma_start3A_146 = tpu.memref_slice %arg10[%dma_start3A_144, %dma_start3A_145] : memref<10000x128xf32, #tpu.memory_space<vmem_shared>> -> memref<16x128xf32, #tpu.memory_space<vmem_shared>>
          tpu.enqueue_dma source(%dma_start3A_146 : memref<16x128xf32, #tpu.memory_space<vmem_shared>>) target(%dma_start3A_143 : memref<16x128xf32, #tpu.memory_space<hbm>>) target_semaphore(%run_scoped3A : memref<!tpu.dma_semaphore, #tpu.memory_space<semaphore_mem>>)
          %dma_wait3A_147 = arith.constant 9984 : i32
          %dma_wait3A_148 = arith.constant 0 : i32
          %dma_wait3A_149 = tpu.memref_slice %arg5[%dma_wait3A_147, %dma_wait3A_148] : memref<10000x128xf32, #tpu.memory_space<hbm>> -> memref<16x128xf32, #tpu.memory_space<hbm>>
          %dma_wait3A_150 = arith.constant 9984 : i32
          %dma_wait3A_151 = arith.constant 0 : i32
          %dma_wait3A_152 = tpu.memref_slice %arg10[%dma_wait3A_150, %dma_wait3A_151] : memref<10000x128xf32, #tpu.memory_space<vmem_shared>> -> memref<16x128xf32, #tpu.memory_space<vmem_shared>>
          tpu.wait_dma2 semaphore(%run_scoped3A : memref<!tpu.dma_semaphore, #tpu.memory_space<semaphore_mem>>) src(%dma_wait3A_152 : memref<16x128xf32, #tpu.memory_space<vmem_shared>>) dst(%dma_wait3A_149 : memref<16x128xf32, #tpu.memory_space<hbm>>)
          tpu.yield
        }) : () -> ()
      } else {
      }
    } else {
    }
    return
  }
}

module attributes {stable_mosaic.version = 14 : i64} {
  func.func @_ee_body(%arg0: i32, %arg1: memref<10000x16xf32, #tpu.memory_space<vmem>>, %arg2: memref<128x16xf32, #tpu.memory_space<vmem>>, %arg3: memref<10000x128xf32, #tpu.memory_space<vmem>>) attributes {dimension_semantics = [#tpu.dimension_semantics<arbitrary>], iteration_bounds = array<i64: 32>, scalar_prefetch = 0 : i64, scratch_operands = 0 : i64, tpu.core_type = #tpu.core_type<tc>, window_params = [{transform_indices = @transform_0, window_bounds = array<i64: 10000, 16>}, {pipeline_mode = #tpu.pipeline_mode<synchronous>, transform_indices = @transform_1, window_bounds = array<i64: 128, 16>}, {transform_indices = @transform_2, window_bounds = array<i64: 10000, 128>}]} {
    %get3A = arith.constant 0 : index
    %get3A_0 = arith.constant 0 : index
    %get3A_1 = vector.load %arg1[%get3A, %get3A_0] : memref<10000x16xf32, #tpu.memory_space<vmem>>, vector<10000x16xf32>
    %get3A_2 = arith.constant 0 : index
    %get3A_3 = arith.constant 0 : index
    %get3A_4 = vector.load %arg2[%get3A_2, %get3A_3] : memref<128x16xf32, #tpu.memory_space<vmem>>, vector<128x16xf32>
    %transpose3A = tpu.transpose %get3A_4, [1, 0] : vector<128x16xf32> -> vector<16x128xf32>
    %dot_general3A = arith.constant dense<0.000000e+00> : vector<10000x128xf32>
    %dot_general3A_5 = tpu.matmul %get3A_1, %transpose3A, %dot_general3A {dimension_numbers = #tpu.dot_dimension_numbers<[1], [0], [0], [1], [0, 0, 1, 1], [], []>, transpose_lhs_hint = false} : vector<10000x16xf32>, vector<16x128xf32>, vector<10000x128xf32> -> vector<10000x128xf32>
    %swap3A = arith.constant 0 : index
    %swap3A_6 = arith.constant 0 : index
    %swap3A_7 = vector.load %arg3[%swap3A, %swap3A_6] : memref<10000x128xf32, #tpu.memory_space<vmem>>, vector<10000x128xf32>
    tpu.vector_store %arg3[%swap3A, %swap3A_6], %dot_general3A_5 {strides = array<i32>} : memref<10000x128xf32, #tpu.memory_space<vmem>>, vector<10000x128xf32>,
    return
  }
  func.func @transform_0(%arg0: i32) -> (i32, i32) {
    %c0_i32 = arith.constant 0 : i32
    %c0_i32_0 = arith.constant 0 : i32
    return %arg0, %c0_i32 : i32, i32
  }
  func.func @transform_1(%arg0: i32) -> (i32, i32) {
    %c0_i32 = arith.constant 0 : i32
    %c0_i32_0 = arith.constant 0 : i32
    %c0_i32_1 = arith.constant 0 : i32
    return %c0_i32, %c0_i32_0 : i32, i32
  }
  func.func @transform_2(%arg0: i32) -> (i32, i32) {
    %c0_i32 = arith.constant 0 : i32
    %c0_i32_0 = arith.constant 0 : i32
    return %arg0, %c0_i32 : i32, i32
  }
}

module attributes {stable_mosaic.version = 14 : i64} {
  func.func @_proj_body(%arg0: i32, %arg1: memref<2000x128xf32, #tpu.memory_space<vmem>>, %arg2: memref<128x128xf32, #tpu.memory_space<vmem>>, %arg3: memref<128x128xf32, #tpu.memory_space<vmem>>, %arg4: memref<128x128xf32, #tpu.memory_space<vmem>>, %arg5: memref<128x128xf32, #tpu.memory_space<vmem>>, %arg6: memref<1x128xf32, #tpu.memory_space<vmem>>, %arg7: memref<2000x128xf32, #tpu.memory_space<vmem>>, %arg8: memref<2000x128xf32, #tpu.memory_space<vmem>>, %arg9: memref<2000x128xf32, #tpu.memory_space<vmem>>, %arg10: memref<2000x128xf32, #tpu.memory_space<vmem>>) attributes {dimension_semantics = [#tpu.dimension_semantics<arbitrary>], iteration_bounds = array<i64: 5>, scalar_prefetch = 0 : i64, scratch_operands = 0 : i64, tpu.core_type = #tpu.core_type<tc>, window_params = [{transform_indices = @transform_0, window_bounds = array<i64: 2000, 128>}, {pipeline_mode = #tpu.pipeline_mode<synchronous>, transform_indices = @transform_1, window_bounds = array<i64: 128, 128>}, {pipeline_mode = #tpu.pipeline_mode<synchronous>, transform_indices = @transform_2, window_bounds = array<i64: 128, 128>}, {pipeline_mode = #tpu.pipeline_mode<synchronous>, transform_indices = @transform_3, window_bounds = array<i64: 128, 128>}, {pipeline_mode = #tpu.pipeline_mode<synchronous>, transform_indices = @transform_4, window_bounds = array<i64: 128, 128>}, {pipeline_mode = #tpu.pipeline_mode<synchronous>, transform_indices = @transform_5, window_bounds = array<i64: 1, 128>}, {transform_indices = @transform_6, window_bounds = array<i64: 2000, 128>}, {transform_indices = @transform_7, window_bounds = array<i64: 2000, 128>}, {transform_indices = @transform_8, window_bounds = array<i64: 2000, 128>}, {transform_indices = @transform_9, window_bounds = array<i64: 2000, 128>}]} {
    %get3A = arith.constant 0 : index
    %get3A_0 = arith.constant 0 : index
    %get3A_1 = vector.load %arg1[%get3A, %get3A_0] : memref<2000x128xf32, #tpu.memory_space<vmem>>, vector<2000x128xf32>
    %get3A_2 = arith.constant 0 : index
    %get3A_3 = arith.constant 0 : index
    %get3A_4 = vector.load %arg2[%get3A_2, %get3A_3] : memref<128x128xf32, #tpu.memory_space<vmem>>, vector<128x128xf32>
    %transpose3A = tpu.transpose %get3A_4, [1, 0] : vector<128x128xf32> -> vector<128x128xf32>
    %dot_general3A = arith.constant dense<0.000000e+00> : vector<2000x128xf32>
    %dot_general3A_5 = tpu.matmul %get3A_1, %transpose3A, %dot_general3A {dimension_numbers = #tpu.dot_dimension_numbers<[1], [0], [0], [1], [0, 0, 1, 1], [], []>, transpose_lhs_hint = false} : vector<2000x128xf32>, vector<128x128xf32>, vector<2000x128xf32> -> vector<2000x128xf32>
    %swap3A = arith.constant 0 : index
    %swap3A_6 = arith.constant 0 : index
    %swap3A_7 = vector.load %arg7[%swap3A, %swap3A_6] : memref<2000x128xf32, #tpu.memory_space<vmem>>, vector<2000x128xf32>
    tpu.vector_store %arg7[%swap3A, %swap3A_6], %dot_general3A_5 {strides = array<i32>} : memref<2000x128xf32, #tpu.memory_space<vmem>>, vector<2000x128xf32>,
    %get3A_8 = arith.constant 0 : index
    %get3A_9 = arith.constant 0 : index
    %get3A_10 = vector.load %arg4[%get3A_8, %get3A_9] : memref<128x128xf32, #tpu.memory_space<vmem>>, vector<128x128xf32>
    %transpose3A_11 = tpu.transpose %get3A_10, [1, 0] : vector<128x128xf32> -> vector<128x128xf32>
    %dot_general3A_12 = arith.constant dense<0.000000e+00> : vector<2000x128xf32>
    %dot_general3A_13 = tpu.matmul %get3A_1, %transpose3A_11, %dot_general3A_12 {dimension_numbers = #tpu.dot_dimension_numbers<[1], [0], [0], [1], [0, 0, 1, 1], [], []>, transpose_lhs_hint = false} : vector<2000x128xf32>, vector<128x128xf32>, vector<2000x128xf32> -> vector<2000x128xf32>
    %swap3A_14 = arith.constant 0 : index
    %swap3A_15 = arith.constant 0 : index
    %swap3A_16 = vector.load %arg8[%swap3A_14, %swap3A_15] : memref<2000x128xf32, #tpu.memory_space<vmem>>, vector<2000x128xf32>
    tpu.vector_store %arg8[%swap3A_14, %swap3A_15], %dot_general3A_13 {strides = array<i32>} : memref<2000x128xf32, #tpu.memory_space<vmem>>, vector<2000x128xf32>,
    %get3A_17 = arith.constant 0 : index
    %get3A_18 = arith.constant 0 : index
    %get3A_19 = vector.load %arg5[%get3A_17, %get3A_18] : memref<128x128xf32, #tpu.memory_space<vmem>>, vector<128x128xf32>
    %transpose3A_20 = tpu.transpose %get3A_19, [1, 0] : vector<128x128xf32> -> vector<128x128xf32>
    %dot_general3A_21 = arith.constant dense<0.000000e+00> : vector<2000x128xf32>
    %dot_general3A_22 = tpu.matmul %get3A_1, %transpose3A_20, %dot_general3A_21 {dimension_numbers = #tpu.dot_dimension_numbers<[1], [0], [0], [1], [0, 0, 1, 1], [], []>, transpose_lhs_hint = false} : vector<2000x128xf32>, vector<128x128xf32>, vector<2000x128xf32> -> vector<2000x128xf32>
    %swap3A_23 = arith.constant 0 : index
    %swap3A_24 = arith.constant 0 : index
    %swap3A_25 = vector.load %arg9[%swap3A_23, %swap3A_24] : memref<2000x128xf32, #tpu.memory_space<vmem>>, vector<2000x128xf32>
    tpu.vector_store %arg9[%swap3A_23, %swap3A_24], %dot_general3A_22 {strides = array<i32>} : memref<2000x128xf32, #tpu.memory_space<vmem>>, vector<2000x128xf32>,
    %get3A_26 = arith.constant 0 : index
    %get3A_27 = arith.constant 0 : index
    %get3A_28 = vector.load %arg3[%get3A_26, %get3A_27] : memref<128x128xf32, #tpu.memory_space<vmem>>, vector<128x128xf32>
    %transpose3A_29 = tpu.transpose %get3A_28, [1, 0] : vector<128x128xf32> -> vector<128x128xf32>
    %dot_general3A_30 = arith.constant dense<0.000000e+00> : vector<2000x128xf32>
    %dot_general3A_31 = tpu.matmul %get3A_1, %transpose3A_29, %dot_general3A_30 {dimension_numbers = #tpu.dot_dimension_numbers<[1], [0], [0], [1], [0, 0, 1, 1], [], []>, transpose_lhs_hint = false} : vector<2000x128xf32>, vector<128x128xf32>, vector<2000x128xf32> -> vector<2000x128xf32>
    %get3A_32 = arith.constant 0 : index
    %get3A_33 = arith.constant 0 : index
    %get3A_34 = vector.load %arg6[%get3A_32, %get3A_33] : memref<1x128xf32, #tpu.memory_space<vmem>>, vector<1x128xf32>
    %add3A = vector.broadcast %get3A_34 : vector<1x128xf32> to vector<2000x128xf32>
    %add3A_35 = arith.addf %dot_general3A_31, %add3A : vector<2000x128xf32>
    %swap3A_36 = arith.constant 0 : index
    %swap3A_37 = arith.constant 0 : index
    %swap3A_38 = vector.load %arg10[%swap3A_36, %swap3A_37] : memref<2000x128xf32, #tpu.memory_space<vmem>>, vector<2000x128xf32>
    tpu.vector_store %arg10[%swap3A_36, %swap3A_37], %add3A_35 {strides = array<i32>} : memref<2000x128xf32, #tpu.memory_space<vmem>>, vector<2000x128xf32>,
    return
  }
  func.func @transform_0(%arg0: i32) -> (i32, i32) {
    %c0_i32 = arith.constant 0 : i32
    %c0_i32_0 = arith.constant 0 : i32
    return %arg0, %c0_i32 : i32, i32
  }
  func.func @transform_1(%arg0: i32) -> (i32, i32) {
    %c0_i32 = arith.constant 0 : i32
    %c0_i32_0 = arith.constant 0 : i32
    %c0_i32_1 = arith.constant 0 : i32
    return %c0_i32, %c0_i32_0 : i32, i32
  }
  func.func @transform_2(%arg0: i32) -> (i32, i32) {
    %c0_i32 = arith.constant 0 : i32
    %c0_i32_0 = arith.constant 0 : i32
    %c0_i32_1 = arith.constant 0 : i32
    return %c0_i32, %c0_i32_0 : i32, i32
  }
  func.func @transform_3(%arg0: i32) -> (i32, i32) {
    %c0_i32 = arith.constant 0 : i32
    %c0_i32_0 = arith.constant 0 : i32
    %c0_i32_1 = arith.constant 0 : i32
    return %c0_i32, %c0_i32_0 : i32, i32
  }
  func.func @transform_4(%arg0: i32) -> (i32, i32) {
    %c0_i32 = arith.constant 0 : i32
    %c0_i32_0 = arith.constant 0 : i32
    %c0_i32_1 = arith.constant 0 : i32
    return %c0_i32, %c0_i32_0 : i32, i32
  }
  func.func @transform_5(%arg0: i32) -> (i32, i32) {
    %c0_i32 = arith.constant 0 : i32
    %c0_i32_0 = arith.constant 0 : i32
    %c0_i32_1 = arith.constant 0 : i32
    return %c0_i32, %c0_i32_0 : i32, i32
  }
  func.func @transform_6(%arg0: i32) -> (i32, i32) {
    %c0_i32 = arith.constant 0 : i32
    %c0_i32_0 = arith.constant 0 : i32
    return %arg0, %c0_i32 : i32, i32
  }
  func.func @transform_7(%arg0: i32) -> (i32, i32) {
    %c0_i32 = arith.constant 0 : i32
    %c0_i32_0 = arith.constant 0 : i32
    return %arg0, %c0_i32 : i32, i32
  }
  func.func @transform_8(%arg0: i32) -> (i32, i32) {
    %c0_i32 = arith.constant 0 : i32
    %c0_i32_0 = arith.constant 0 : i32
    return %arg0, %c0_i32 : i32, i32
  }
  func.func @transform_9(%arg0: i32) -> (i32, i32) {
    %c0_i32 = arith.constant 0 : i32
    %c0_i32_0 = arith.constant 0 : i32
    return %arg0, %c0_i32 : i32, i32
  }
}

module attributes {stable_mosaic.version = 14 : i64} {
  func.func @_mid_body(%arg0: i32, %arg1: memref<2000x128xf32, #tpu.memory_space<vmem>>, %arg2: memref<2000x128xf32, #tpu.memory_space<vmem>>, %arg3: memref<2000x128xf32, #tpu.memory_space<vmem>>, %arg4: memref<2000x128xf32, #tpu.memory_space<vmem>>, %arg5: memref<2000x128xf32, #tpu.memory_space<vmem>>, %arg6: memref<2000x128xf32, #tpu.memory_space<vmem>>, %arg7: memref<2000x128xf32, #tpu.memory_space<vmem>>) attributes {dimension_semantics = [#tpu.dimension_semantics<arbitrary>], iteration_bounds = array<i64: 5>, scalar_prefetch = 0 : i64, scratch_operands = 0 : i64, tpu.core_type = #tpu.core_type<tc>, window_params = [{transform_indices = @transform_0, window_bounds = array<i64: 2000, 128>}, {transform_indices = @transform_1, window_bounds = array<i64: 2000, 128>}, {transform_indices = @transform_2, window_bounds = array<i64: 2000, 128>}, {transform_indices = @transform_3, window_bounds = array<i64: 2000, 128>}, {transform_indices = @transform_4, window_bounds = array<i64: 2000, 128>}, {transform_indices = @transform_5, window_bounds = array<i64: 2000, 128>}, {transform_indices = @transform_6, window_bounds = array<i64: 2000, 128>}]} {
    %get3A = arith.constant 0 : index
    %get3A_0 = arith.constant 0 : index
    %get3A_1 = vector.load %arg1[%get3A, %get3A_0] : memref<2000x128xf32, #tpu.memory_space<vmem>>, vector<2000x128xf32>
    %get3A_2 = arith.constant 0 : index
    %get3A_3 = arith.constant 0 : index
    %get3A_4 = vector.load %arg2[%get3A_2, %get3A_3] : memref<2000x128xf32, #tpu.memory_space<vmem>>, vector<2000x128xf32>
    %add3A = arith.addf %get3A_1, %get3A_4 : vector<2000x128xf32>
    %add3A_5 = arith.constant 1.000000e-16 : f32
    %add3A_6 = vector.broadcast %add3A_5 : f32 to vector<2000x128xf32>
    %add3A_7 = arith.addf %add3A, %add3A_6 : vector<2000x128xf32>
    %rsqrt3A = math.rsqrt %add3A_7 : vector<2000x128xf32>
    %swap3A = arith.constant 0 : index
    %swap3A_8 = arith.constant 0 : index
    %swap3A_9 = vector.load %arg6[%swap3A, %swap3A_8] : memref<2000x128xf32, #tpu.memory_space<vmem>>, vector<2000x128xf32>
    tpu.vector_store %arg6[%swap3A, %swap3A_8], %rsqrt3A {strides = array<i32>} : memref<2000x128xf32, #tpu.memory_space<vmem>>, vector<2000x128xf32>,
    %get3A_10 = arith.constant 0 : index
    %get3A_11 = arith.constant 0 : index
    %get3A_12 = vector.load %arg3[%get3A_10, %get3A_11] : memref<2000x128xf32, #tpu.memory_space<vmem>>, vector<2000x128xf32>
    %get3A_13 = arith.constant 0 : index
    %get3A_14 = arith.constant 0 : index
    %get3A_15 = vector.load %arg4[%get3A_13, %get3A_14] : memref<2000x128xf32, #tpu.memory_space<vmem>>, vector<2000x128xf32>
    %add3A_16 = arith.addf %get3A_12, %get3A_15 : vector<2000x128xf32>
    %add3A_17 = arith.constant 1.000000e-16 : f32
    %add3A_18 = vector.broadcast %add3A_17 : f32 to vector<2000x128xf32>
    %add3A_19 = arith.addf %add3A_16, %add3A_18 : vector<2000x128xf32>
    %rsqrt3A_20 = math.rsqrt %add3A_19 : vector<2000x128xf32>
    %get3A_21 = arith.constant 0 : index
    %get3A_22 = arith.constant 0 : index
    %get3A_23 = vector.load %arg5[%get3A_21, %get3A_22] : memref<2000x128xf32, #tpu.memory_space<vmem>>, vector<2000x128xf32>
    %mul3A = arith.mulf %get3A_23, %rsqrt3A_20 : vector<2000x128xf32>
    %swap3A_24 = arith.constant 0 : index
    %swap3A_25 = arith.constant 0 : index
    %swap3A_26 = vector.load %arg7[%swap3A_24, %swap3A_25] : memref<2000x128xf32, #tpu.memory_space<vmem>>, vector<2000x128xf32>
    tpu.vector_store %arg7[%swap3A_24, %swap3A_25], %mul3A {strides = array<i32>} : memref<2000x128xf32, #tpu.memory_space<vmem>>, vector<2000x128xf32>,
    return
  }
  func.func @transform_0(%arg0: i32) -> (i32, i32) {
    %c0_i32 = arith.constant 0 : i32
    %c0_i32_0 = arith.constant 0 : i32
    return %arg0, %c0_i32 : i32, i32
  }
  func.func @transform_1(%arg0: i32) -> (i32, i32) {
    %c0_i32 = arith.constant 0 : i32
    %c0_i32_0 = arith.constant 0 : i32
    return %arg0, %c0_i32 : i32, i32
  }
  func.func @transform_2(%arg0: i32) -> (i32, i32) {
    %c0_i32 = arith.constant 0 : i32
    %c0_i32_0 = arith.constant 0 : i32
    return %arg0, %c0_i32 : i32, i32
  }
  func.func @transform_3(%arg0: i32) -> (i32, i32) {
    %c0_i32 = arith.constant 0 : i32
    %c0_i32_0 = arith.constant 0 : i32
    return %arg0, %c0_i32 : i32, i32
  }
  func.func @transform_4(%arg0: i32) -> (i32, i32) {
    %c0_i32 = arith.constant 0 : i32
    %c0_i32_0 = arith.constant 0 : i32
    return %arg0, %c0_i32 : i32, i32
  }
  func.func @transform_5(%arg0: i32) -> (i32, i32) {
    %c0_i32 = arith.constant 0 : i32
    %c0_i32_0 = arith.constant 0 : i32
    return %arg0, %c0_i32 : i32, i32
  }
  func.func @transform_6(%arg0: i32) -> (i32, i32) {
    %c0_i32 = arith.constant 0 : i32
    %c0_i32_0 = arith.constant 0 : i32
    return %arg0, %c0_i32 : i32, i32
  }
}

module attributes {stable_mosaic.version = 14 : i64} {
  func.func @_post_body(%arg0: i32, %arg1: memref<2000x128xf32, #tpu.memory_space<vmem>>, %arg2: memref<2000x128xf32, #tpu.memory_space<vmem>>, %arg3: memref<2000x128xf32, #tpu.memory_space<vmem>>, %arg4: memref<2000x128xf32, #tpu.memory_space<vmem>>, %arg5: memref<1x128xf32, #tpu.memory_space<vmem>>, %arg6: memref<1x128xf32, #tpu.memory_space<vmem>>, %arg7: memref<128x128xf32, #tpu.memory_space<vmem>>, %arg8: memref<1x128xf32, #tpu.memory_space<vmem>>, %arg9: memref<2000x128xf32, #tpu.memory_space<vmem>>) attributes {dimension_semantics = [#tpu.dimension_semantics<arbitrary>], iteration_bounds = array<i64: 5>, scalar_prefetch = 0 : i64, scratch_operands = 0 : i64, tpu.core_type = #tpu.core_type<tc>, window_params = [{transform_indices = @transform_0, window_bounds = array<i64: 2000, 128>}, {transform_indices = @transform_1, window_bounds = array<i64: 2000, 128>}, {transform_indices = @transform_2, window_bounds = array<i64: 2000, 128>}, {transform_indices = @transform_3, window_bounds = array<i64: 2000, 128>}, {pipeline_mode = #tpu.pipeline_mode<synchronous>, transform_indices = @transform_4, window_bounds = array<i64: 1, 128>}, {pipeline_mode = #tpu.pipeline_mode<synchronous>, transform_indices = @transform_5, window_bounds = array<i64: 1, 128>}, {pipeline_mode = #tpu.pipeline_mode<synchronous>, transform_indices = @transform_6, window_bounds = array<i64: 128, 128>}, {pipeline_mode = #tpu.pipeline_mode<synchronous>, transform_indices = @transform_7, window_bounds = array<i64: 1, 128>}, {transform_indices = @transform_8, window_bounds = array<i64: 2000, 128>}]} {
    %get3A = arith.constant 0 : index
    %get3A_0 = arith.constant 0 : index
    %get3A_1 = vector.load %arg1[%get3A, %get3A_0] : memref<2000x128xf32, #tpu.memory_space<vmem>>, vector<2000x128xf32>
    %get3A_2 = arith.constant 0 : index
    %get3A_3 = arith.constant 0 : index
    %get3A_4 = vector.load %arg2[%get3A_2, %get3A_3] : memref<2000x128xf32, #tpu.memory_space<vmem>>, vector<2000x128xf32>
    %add3A = arith.addf %get3A_1, %get3A_4 : vector<2000x128xf32>
    %get3A_5 = arith.constant 0 : index
    %get3A_6 = arith.constant 0 : index
    %get3A_7 = vector.load %arg3[%get3A_5, %get3A_6] : memref<2000x128xf32, #tpu.memory_space<vmem>>, vector<2000x128xf32>
    %mul3A = arith.mulf %add3A, %get3A_7 : vector<2000x128xf32>
    %reduce_sum3A = arith.constant dense<0.000000e+00> : vector<2000xf32>
    %reduce_sum3A_8 = vector.multi_reduction <add>, %mul3A, %reduce_sum3A [1] : vector<2000x128xf32> to vector<2000xf32>
    %broadcast_in_dim3A = vector.shape_cast %reduce_sum3A_8 : vector<2000xf32> to vector<2000x1xf32>
    %div3A = arith.constant 1.280000e+02 : f32
    %div3A_9 = vector.broadcast %div3A : f32 to vector<2000x1xf32>
    %div3A_10 = arith.divf %broadcast_in_dim3A, %div3A_9 : vector<2000x1xf32>
    %sub3A = vector.broadcast %div3A_10 : vector<2000x1xf32> to vector<2000x128xf32>
    %sub3A_11 = arith.subf %mul3A, %sub3A : vector<2000x128xf32>
    %integer_pow3A = arith.mulf %sub3A_11, %sub3A_11 : vector<2000x128xf32>
    %reduce_sum3A_12 = arith.constant dense<0.000000e+00> : vector<2000xf32>
    %reduce_sum3A_13 = vector.multi_reduction <add>, %integer_pow3A, %reduce_sum3A_12 [1] : vector<2000x128xf32> to vector<2000xf32>
    %broadcast_in_dim3A_14 = vector.shape_cast %reduce_sum3A_13 : vector<2000xf32> to vector<2000x1xf32>
    %div3A_15 = arith.constant 1.280000e+02 : f32
    %div3A_16 = vector.broadcast %div3A_15 : f32 to vector<2000x1xf32>
    %div3A_17 = arith.divf %broadcast_in_dim3A_14, %div3A_16 : vector<2000x1xf32>
    %add3A_18 = arith.constant 9.99999971E-10 : f32
    %add3A_19 = vector.broadcast %add3A_18 : f32 to vector<2000x1xf32>
    %add3A_20 = arith.addf %div3A_17, %add3A_19 : vector<2000x1xf32>
    %sub3A_21 = vector.broadcast %div3A_10 : vector<2000x1xf32> to vector<2000x128xf32>
    %sub3A_22 = arith.subf %mul3A, %sub3A_21 : vector<2000x128xf32>
    %get3A_23 = arith.constant 0 : index
    %get3A_24 = arith.constant 0 : index
    %get3A_25 = vector.load %arg5[%get3A_23, %get3A_24] : memref<1x128xf32, #tpu.memory_space<vmem>>, vector<1x128xf32>
    %mul3A_26 = vector.broadcast %get3A_25 : vector<1x128xf32> to vector<2000x128xf32>
    %mul3A_27 = arith.mulf %sub3A_22, %mul3A_26 : vector<2000x128xf32>
    %rsqrt3A = math.rsqrt %add3A_20 : vector<2000x1xf32>
    %mul3A_28 = vector.broadcast %rsqrt3A : vector<2000x1xf32> to vector<2000x128xf32>
    %mul3A_29 = arith.mulf %mul3A_27, %mul3A_28 : vector<2000x128xf32>
    %get3A_30 = arith.constant 0 : index
    %get3A_31 = arith.constant 0 : index
    %get3A_32 = vector.load %arg6[%get3A_30, %get3A_31] : memref<1x128xf32, #tpu.memory_space<vmem>>, vector<1x128xf32>
    %add3A_33 = vector.broadcast %get3A_32 : vector<1x128xf32> to vector<2000x128xf32>
    %add3A_34 = arith.addf %mul3A_29, %add3A_33 : vector<2000x128xf32>
    %get3A_35 = arith.constant 0 : index
    %get3A_36 = arith.constant 0 : index
    %get3A_37 = vector.load %arg7[%get3A_35, %get3A_36] : memref<128x128xf32, #tpu.memory_space<vmem>>, vector<128x128xf32>
    %transpose3A = tpu.transpose %get3A_37, [1, 0] : vector<128x128xf32> -> vector<128x128xf32>
    %dot_general3A = arith.constant dense<0.000000e+00> : vector<2000x128xf32>
    %dot_general3A_38 = tpu.matmul %add3A_34, %transpose3A, %dot_general3A {dimension_numbers = #tpu.dot_dimension_numbers<[1], [0], [0], [1], [0, 0, 1, 1], [], []>, transpose_lhs_hint = false} : vector<2000x128xf32>, vector<128x128xf32>, vector<2000x128xf32> -> vector<2000x128xf32>
    %get3A_39 = arith.constant 0 : index
    %get3A_40 = arith.constant 0 : index
    %get3A_41 = vector.load %arg8[%get3A_39, %get3A_40] : memref<1x128xf32, #tpu.memory_space<vmem>>, vector<1x128xf32>
    %add3A_42 = vector.broadcast %get3A_41 : vector<1x128xf32> to vector<2000x128xf32>
    %add3A_43 = arith.addf %dot_general3A_38, %add3A_42 : vector<2000x128xf32>
    %get3A_44 = arith.constant 0 : index
    %get3A_45 = arith.constant 0 : index
    %get3A_46 = vector.load %arg4[%get3A_44, %get3A_45] : memref<2000x128xf32, #tpu.memory_space<vmem>>, vector<2000x128xf32>
    %add3A_47 = arith.addf %add3A_43, %get3A_46 : vector<2000x128xf32>
    %swap3A = arith.constant 0 : index
    %swap3A_48 = arith.constant 0 : index
    %swap3A_49 = vector.load %arg9[%swap3A, %swap3A_48] : memref<2000x128xf32, #tpu.memory_space<vmem>>, vector<2000x128xf32>
    tpu.vector_store %arg9[%swap3A, %swap3A_48], %add3A_47 {strides = array<i32>} : memref<2000x128xf32, #tpu.memory_space<vmem>>, vector<2000x128xf32>,
    return
  }
  func.func @transform_0(%arg0: i32) -> (i32, i32) {
    %c0_i32 = arith.constant 0 : i32
    %c0_i32_0 = arith.constant 0 : i32
    return %arg0, %c0_i32 : i32, i32
  }
  func.func @transform_1(%arg0: i32) -> (i32, i32) {
    %c0_i32 = arith.constant 0 : i32
    %c0_i32_0 = arith.constant 0 : i32
    return %arg0, %c0_i32 : i32, i32
  }
  func.func @transform_2(%arg0: i32) -> (i32, i32) {
    %c0_i32 = arith.constant 0 : i32
    %c0_i32_0 = arith.constant 0 : i32
    return %arg0, %c0_i32 : i32, i32
  }
  func.func @transform_3(%arg0: i32) -> (i32, i32) {
    %c0_i32 = arith.constant 0 : i32
    %c0_i32_0 = arith.constant 0 : i32
    return %arg0, %c0_i32 : i32, i32
  }
  func.func @transform_4(%arg0: i32) -> (i32, i32) {
    %c0_i32 = arith.constant 0 : i32
    %c0_i32_0 = arith.constant 0 : i32
    %c0_i32_1 = arith.constant 0 : i32
    return %c0_i32, %c0_i32_0 : i32, i32
  }
  func.func @transform_5(%arg0: i32) -> (i32, i32) {
    %c0_i32 = arith.constant 0 : i32
    %c0_i32_0 = arith.constant 0 : i32
    %c0_i32_1 = arith.constant 0 : i32
    return %c0_i32, %c0_i32_0 : i32, i32
  }
  func.func @transform_6(%arg0: i32) -> (i32, i32) {
    %c0_i32 = arith.constant 0 : i32
    %c0_i32_0 = arith.constant 0 : i32
    %c0_i32_1 = arith.constant 0 : i32
    return %c0_i32, %c0_i32_0 : i32, i32
  }
  func.func @transform_7(%arg0: i32) -> (i32, i32) {
    %c0_i32 = arith.constant 0 : i32
    %c0_i32_0 = arith.constant 0 : i32
    %c0_i32_1 = arith.constant 0 : i32
    return %c0_i32, %c0_i32_0 : i32, i32
  }
  func.func @transform_8(%arg0: i32) -> (i32, i32) {
    %c0_i32 = arith.constant 0 : i32
    %c0_i32_0 = arith.constant 0 : i32
    return %arg0, %c0_i32 : i32, i32
  }
}

</mosaic_0001>

<sc_bundles>
// kernel: kernel.12.cloned.1.call-start
scs
__scs_entry_jumppad:
0x0: {  	(pc) =	sbr.rel $0x88, $3  }
0x1: {  	(tag) =	ssettag $0x0;
	lr =	simm.s32 $0x1  }
0x2: {  	[smem:$0x3F94] =	sst lr;
	_ =	strace $0xD0000000  }
0x3: {  	_ = 	snop  }
0x4: {  	_ = 	snop  }
0x5: {  	_ = 	snop  }
0x6: {  	_ = 	snop  }
0x7: {  	_ = 	snop  }
__scs_overlays_trampoline_lowered:
0x8: {  	[smem:$0x3FA3] =	sst s0  }
0x9: {  	[smem:$0x3FA4] =	sst s1  }
0xa: {  	[smem:$0x3FA5] =	sst s2  }
0xb: {  	[smem:$0x3FA6] =	sst s3  }
0xc: {  	[smem:$0x3FA7] =	sst s4  }
0xd: {  	[smem:$0x3FA8] =	sst s5  }
0xe: {  	[smem:$0x3FA9] =	sst s6  }
0xf: {  	[smem:$0x3FAA] =	sst s7  }
0x10: {  	[smem:$0x3FAB] =	sst s8  }
0x11: {  	[smem:$0x3FAC] =	sst s9;
	s0 =	simm.s32 @!p0 $0x0  }
0x12: {  	s1 =	sld [smem:$0x3F92];
	s0 =	simm.s32 @p0 $0x1  }
0x13: {  	[smem:$0x3FAD] =	sst s0;
	s0 =	simm.s32 @!p1 $0x0  }
0x14: {  	s2 =	sld [smem:$0x3F91];
	s0 =	simm.s32 @p1 $0x1  }
0x15: {  	[smem:$0x3FAE] =	sst s0;
	s0 =	simm.s32 @!p2 $0x0  }
0x16: {  	s3 =	sld [smem:$0x3FDB];
	s0 =	simm.s32 @p2 $0x1  }
0x17: {  	s4 =	simm.s32 $0x1BF5;
	[smem:$0x3FB0] =	sst s0  }
0x18: {  	s0 =	sld [smem:$0x3F93];
	_ =	swait.ge [sflag:s4], $0x0  }
0x19: {  	s7 =	sld [smem:$0x3F94]  }
0x1a: {  	s8 =	sadd.s32 $0xFFFFE003, lr  }
0x1b: {  	s9 =	sadd.s32 $0xFFFFFEF7, lr;
	s5 =	simm.s32 $0xFFFFFFFF;
	p2 =	slt.u32 s8, $0xFFFFF086  }
0x1c: {  	p1 =	slt.u32 s9, $0xF7A;
	s5 =	simm.s32 @!p2 $0x0  }
0x1d: {  	s5 =	simm.s32 @p1 $0x1;
	p0 =	seq.s32 s7, s2  }
0x1e: {  	s7 =	smul.u32 @!p0 $0xF7A, s2;
	p2 =	seq.s32 @!p0 s5, $0x0  }
0x1f: {  	s9 =	smul.u32 $0xF7A, s1;
	s8 =	simm.s32 @!p0 $0x1BF5;
	p2 =	por !p2, p0  }
0x20: {  	[sflag:s8] =	ssyncset.s32 @!p0 $0xFFFFF086;
	s6 =	sadd.s32 @!p0 s3, s7;
	s7 =	simm.s32 @!p0 $0x108  }
0x21: {  	s3 =	sadd.s32 s3, s9;
	s6 =	sadd.s32 @!p0 $0x88, s6;
	s7 =	simm.s32 @p2 $0x1082  }
0x22: {  	[simem:s7], [sflag:s8] =	dma.local @!p0 [hbm:s6], $0xF7A  }
0x23: {  	s9 =	sor.u32 $0xD0000000, s2;
	s6 =	simm.s32 $0x108;
	_ =	swait.ge @!p0 [sflag:s8], $0x0  }
0x24: {  	s3 =	sadd.s32 $0x88, s3;
	s6 =	simm.s32 @!p1 $0x1082;
	[sflag:s4] =	ssyncset.s32 $0xFFFFF086  }
0x25: {  	[simem:s6], [sflag:s4] =	dma.local [hbm:s3], $0xF7A  }
0x26: {  	[smem:$0x3F94] =	sst s1;
	(tag) =	ssettag s2;
	_ =	strace s9  }
0x27: {  	s1 =	sld [smem:$0x3FA4]  }
0x28: {  	s2 =	sld [smem:$0x3FA5]  }
0x29: {  	s4 =	sld [smem:$0x3FA7]  }
0x2a: {  	p0 =	seq.s32 s5, $0x0;
	s5 =	sld [smem:$0x3FA8]  }
0x2b: {  	s6 =	sld [smem:$0x3FA9]  }
0x2c: {  	s7 =	sld [smem:$0x3FAA]  }
0x2d: {  	s3 =	simm.s32 $0x108;
	s8 =	sld [smem:$0x3FAB]  }
0x2e: {  	s3 =	simm.s32 @!p0 $0x1082;
	s9 =	sld [smem:$0x3FAC]  }
0x2f: {  	lr =	sadd.s32 s0, s3;
	s0 =	sld [smem:$0x3FA3]  }
0x30: {  	s3 =	sld [smem:$0x3FA6]  }
0x31: {  	[smem:$0x3FAF] =	sst s10  }
0x32: {  	s10 =	sld [smem:$0x3FAD];
	_ =	sdelay $0x3  }
0x33: {  	p0 =	seq.s32 s10, $0x1;
	s10 =	sld [smem:$0x3FAF];
	_ =	sdelay $0x3  }
0x34: {  	[smem:$0x3FAF] =	sst s10  }
0x35: {  	s10 =	sld [smem:$0x3FAE];
	_ =	sdelay $0x3  }
0x36: {  	p1 =	seq.s32 s10, $0x1;
	s10 =	sld [smem:$0x3FAF];
	_ =	sdelay $0x3  }
0x37: {  	[smem:$0x3FAF] =	sst s10  }
0x38: {  	s10 =	sld [smem:$0x3FB0]  }
0x39: {  	_ = 	snop;
	(pc) =	sbr.ind lr, $3  }
0x3a: {  	_ = 	snop  }
0x3b: {  	_ = 	snop  }
0x3c: {  	p2 =	seq.s32 s10, $0x1;
	s10 =	sld [smem:$0x3FAF]  }
0x3d: {  	_ =	shalt  }
0x3e: {  	_ =	shalt  }
0x3f: {  	_ =	shalt  }
0x40: {  	_ =	shalt  }
0x41: {  	_ =	shalt  }
0x42: {  	_ =	shalt  }
0x43: {  	_ =	shalt  }
0x44: {  	_ =	shalt  }
0x45: {  	_ =	shalt  }
0x46: {  	_ =	shalt  }
0x47: {  	_ =	shalt  }
0x48: {  	_ =	shalt  }
0x49: {  	_ =	shalt  }
0x4a: {  	_ =	shalt  }
0x4b: {  	_ =	shalt  }
0x4c: {  	_ =	shalt  }
0x4d: {  	_ =	shalt  }
0x4e: {  	_ =	shalt  }
0x4f: {  	_ =	shalt  }
0x50: {  	_ =	shalt  }
0x51: {  	_ =	shalt  }
0x52: {  	_ =	shalt  }
0x53: {  	_ =	shalt  }
0x54: {  	_ =	shalt  }
0x55: {  	_ =	shalt  }
0x56: {  	_ =	shalt  }
0x57: {  	_ =	shalt  }
0x58: {  	_ =	shalt  }
0x59: {  	_ =	shalt  }
0x5a: {  	_ =	shalt  }
0x5b: {  	_ =	shalt  }
0x5c: {  	_ =	shalt  }
0x5d: {  	_ =	shalt  }
0x5e: {  	_ =	shalt  }
0x5f: {  	_ =	shalt  }
0x60: {  	_ =	shalt  }
0x61: {  	_ =	shalt  }
0x62: {  	_ =	shalt  }
0x63: {  	_ =	shalt  }
0x64: {  	_ =	shalt  }
0x65: {  	_ =	shalt  }
0x66: {  	_ =	shalt  }
0x67: {  	_ =	shalt  }
0x68: {  	_ =	shalt  }
0x69: {  	_ =	shalt  }
0x6a: {  	_ =	shalt  }
0x6b: {  	_ =	shalt  }
0x6c: {  	_ =	shalt  }
0x6d: {  	_ =	shalt  }
0x6e: {  	_ =	shalt  }
0x6f: {  	_ =	shalt  }
0x70: {  	_ =	shalt  }
0x71: {  	_ =	shalt  }
0x72: {  	_ =	shalt  }
0x73: {  	_ =	shalt  }
0x74: {  	_ =	shalt  }
0x75: {  	_ =	shalt  }
0x76: {  	_ =	shalt  }
0x77: {  	_ =	shalt  }
0x78: {  	_ =	shalt  }
0x79: {  	_ =	shalt  }
0x7a: {  	_ =	shalt  }
0x7b: {  	_ =	shalt  }
0x7c: {  	_ =	shalt  }
0x7d: {  	_ =	shalt  }
0x7e: {  	_ =	shalt  }
0x7f: {  	_ =	shalt  }
0x80: {  	_ =	shalt  }
0x81: {  	_ =	shalt  }
0x82: {  	_ =	shalt  }
0x83: {  	_ =	shalt  }
0x84: {  	_ =	shalt  }
0x85: {  	_ =	shalt  }
0x86: {  	_ =	shalt  }
0x87: {  	_ =	shalt  }
.Lfunc_end0:
.L_simem_size_0:
called_computation.1_lowered:
.L_overlay_start_0:
0x88: {  	s2 =	sld [smem:$0x3FD9]  }
0x89: {  	s3 =	sld [smem:$0x3FFE];
	_ =	sdelay $0x1  }
0x8a: {  	s1 =	srdreg.scid  }
0x8b: {  	s0 =	sand.u32 $0x1, s1  }
0x8c: {  	s17 =	sshll.u32 s0, $0xA;
	s2 =	sadd.s32 s3, s2  }
0x8d: {  	s2 =	sadd.s32 s2, s17  }
0x8e: {  	[smem:$0x3FBB] =	sst s2  }
0x8f: {  	_ = 	snop  }
0x90: {  	s2 =	sld [smem:$0x3FD0];
	(tm) =	ssettm $0x1  }
0x91: {  	s18 =	sld [smem:$0x3FFB];
	_ =	sdelay $0x3  }
0x92: {  	_ =	strace s18  }
0x93: {  	s3 =	sld [smem:$0x3FFC];
	_ =	sdelay $0x3  }
0x94: {  	_ =	strace s3  }
0x95: {  	s3 =	sld [smem:$0x3FFD];
	_ =	sdelay $0x3  }
0x96: {  	_ =	strace s3  }
0x97: {  	_ =	strace $0x8FFFFFFF  }
0x98: {  	s19 =	sld [smem:$0x3FDB];
	_ =	sdelay $0x1  }
0x99: {  	s4 =	simm.s32 $_scs_section_size  }
0x9a: {  	s5 =	simm.s32 $_size__tile_overlayer_lowered;
	s6 =	simm.s32 $_tile_overlayer_lowered  }
0x9b: {  	s22 =	simm.s32 $0x1BFF;
	s21 =	sshll.u32 s6, $0x1;
	s3 =	sadd.s32 s4, s19  }
0x9c: {  	s7 =	simm.s32 $0x0;
	s20 =	sshll.u32 s5, $0x1;
	s5 =	sadd.s32 s21, s3  }
0x9d: {  	[timem:s7], [sflag:s22] =	dma.local [hbm:s5], s20  }
0x9e: {  	_ =	swait.ge [sflag:s22], s20  }
0x9f: {  	s4 =	ssub.s32 $0x0, s20;
	[sflag:s22] =	ssyncset.done $0x0  }
0xa0: {  	[sflag:s22] =	ssyncadd.s32 s4;
	_ =	sdelay $0x1  }
0xa1: {  	s23 =	simm.s32 $0x1B8B  }
0xa2: {  	_ =	swait.ge [sflag:s23], $0x1  }
0xa3: {  	[sflag:s23] =	ssyncset.done $0x0  }
0xa4: {  	s25 =	simm.s32 $0x1B8E;
	s24 =	sld [smem:$0x3FFE];
	[sflag:s23] =	ssyncadd.s32 $0xFFFFFFFF  }
0xa5: {  	s26 =	simm.s32 $execute0_lowered;
	[smem:$0x3FD2] =	sst s25  }
0xa6: {  	s5 =	sshll.u32 s26, $0x1;
	_ =	strace $0x80000049;
	[dreg:$0x1] =	wrdreg $0xFFFFFFFF  }
0xa7: {  	s28 =	simm.s32 $_size_execute0_lowered;
	s3 =	sadd.s32 s3, s5;
	[dreg:$0x0] =	wrdreg $0x0  }
0xa8: {  	s5 =	sshll.u32 s28, $0x1;
	[dreg:$0x2] =	wrdreg s3  }
0xa9: {  	[dreg:$0x3] =	wrdreg s5  }
0xaa: {  	[dreg:$0x4] =	wrdreg $0xC0  }
0xab: {  	_ =	task [dreg:s7], $0x5FFFF  }
0xac: {  	[dreg:$0x1] =	wrdreg $0xFFFFFFFF  }
0xad: {  	[dreg:$0x0] =	wrdreg $0x60  }
0xae: {  	[dreg:$0x2] =	wrdreg s24  }
0xaf: {  	[dreg:$0x3] =	wrdreg s2  }
0xb0: {  	[dreg:$0x4] =	wrdreg $0x81000  }
0xb1: {  	[dreg:$0x5] =	wrdreg $0x9  }
0xb2: {  	_ =	task.clear_ibuf [dreg:s7], $0x6FFFF;
	_ =	strace $0x90000049  }
0xb3: {  	s29 =	simm.s32 $0x9;
	_ =	strace $0x8000004B  }
0xb4: {  	_ =	swait.ge [sflag:s29], $0x1  }
0xb5: {  	[sflag:s29] =	ssyncadd.s32 $0xFFFFFFFF  }
0xb6: {  	_ =	strace $0x9000004B  }
0xb7: {  	_ =	sfence  }
0xb8: {  	s30 =	sld [smem:$0x0];
	_ =	sdelay $0x2  }
0xb9: {  	s31 =	sshll.u32 s1, $0xD;
	s1 =	sshrl.u32 s1, $0x2  }
0xba: {  	s3 =	sand.u32 $0x4000, s31;
	s1 =	sadd.s32 s1, s30  }
0xbb: {  	s0 =	sor.u32 s3, s0;
	s1 =	sshll.u32 s1, $0x11  }
0xbc: {  	s0 =	sor.u32 s1, s0  }
0xbd: {  	s0 =	sadd.s32 $0x8F2B, s0  }
0xbe: {  	[sflag:s0] =	ssyncadd.remote.s32 $0x1  }
0xbf: {  	_ =	sfence.sel $0xFFFF  }
0xc0: {  	[dreg:$0x0] =	wrdreg $0xFFFFFFFF;
	(pc) =	sbr.abs _section_cstart, $3  }
0xc1: {  	[dreg:$0x1] =	wrdreg $0xFFFFFFFF  }
0xc2: {  	_ =	task.clear_ibuf [dreg:s7], $0x2FFFF;
	_ =	strace $0x9FFFFFFF  }
0xc3: {  	(tm) =	ssettm $0x7FFFFFFF  }
tec
execute0_lowered:
.L_overlay_start_1:
0x0: {  	(tag) =	ssettag $0x1  }
0x1: {  	s0 =	rddreg [dreg:$0x0]  }
0x2: {  	s12 =	rddreg [dreg:$0x1]  }
0x3: {  	s2 =	rddreg [dreg:$0x2];
	s3 =	simm.s32 $0x0  }
0x4: {  	s1 =	srdreg.scid;
	s16 =	stileid.u32;
	s28 =	simm.s32 $0x80  }
0x5: {  	s29 =	simm.s32 $0x4100;
	s30 =	simm.s32 $0x2;
	s31 =	simm.s32 $0x3  }
0x6: {  	[smem:$0x7FF] =	sst s3;
	s1 =	sand.u32 $0x1, s1;
	s4 =	sadd.s32 $0xEF600, s0  }
0x7: {  	s6 =	sadd.s32 $0x9C8A00, s0;
	s14 =	sadd.s32 $0x4A00, s0;
	s22 =	sshll.u32 s16, $0x1  }
0x8: {  	s23 =	ssub.s32 $0x5D, s16;
	s8 =	sshll.u32 s16, $0xE;
	s9 =	sadd.s32 $0x138000, s2  }
0x9: {  	s20 =	sshll.u32 s16, $0xC;
	p1 =	sne.s32 s16, $0x0;
	p2 =	seq.s32 s16, $0x0  }
0xa: {  	_ =	strace $0x8000004A;
	s5 =	ssub.s32 $0x2, s1;
	s8 =	sadd.s32 s8, s2  }
0xb: {  	p0 =	seq.s32 s1, $0x1;
	[dreg:$0x4] =	wrdreg s14;
	s7 =	sshrl.u32 s5, $0x1  }
0xc: {  	s21 =	ssub.s32 s5, s7;
	s5 =	sor.u32 s1, s22;
	s7 =	sshrl.u32 s23, $0x4  }
0xd: {  	s22 =	sshll.u32 s1, $0xB;
	s23 =	sshll.u32 s16, $0x8;
	s1 =	sshll.u32 s1, $0x7  }
0xe: {  	s10 =	ssub.s32 $0x9E3, s5;
	s11 =	sshll.u32 s5, $0x4;
	s24 =	sshll.u32 s5, $0xB  }
0xf: {  	s5 =	sshll.u32 s5, $0x7;
	s0 =	smax.u32 s21, $0x1;
	s21 =	sadd.s32 s20, s6  }
0x10: {  	s10 =	sshrl.u32 s10, $0x5;
	s11 =	sadd.s32 s4, s11;
	[dreg:$0x7] =	wrdreg s0  }
0x11: {  	s25 =	sor.u32 $0x1000, s5;
	s5 =	sor.u32 $0x2000, s5;
	[dreg:$0x5] =	wrdreg s11  }
0x12: {  	s11 =	sadd.s32 s6, s24;
	s13 =	sadd.s32 $0xFFFFFFFF, s10;
	s26 =	sshrl.u32 s25, $0x3  }
0x13: {  	s0 =	sshll.u32 s25, $0x4;
	s15 =	sshrl.u32 s5, $0x3;
	s17 =	sshll.u32 s5, $0x4  }
0x14: {  	s18 =	sadd.s32 $0x1, s10;
	s24 =	sor.u32 s1, s23;
	s25 =	sshll.u32 s16, $0xB  }
0x15: {  	s1 =	simm.s32 $0x0;
	[dreg:$0x6] =	wrdreg s11;
	s11 =	sadd.s32 s4, s26  }
0x16: {  	s0 =	sadd.s32 s6, s0;
	s19 =	sshrl.u32 s18, $0x1;
	[dreg:$0x8] =	wrdreg s11  }
0x17: {  	s26 =	sadd.s32 s25, s12;
	[dreg:$0x9] =	wrdreg s0;
	s0 =	sadd.s32 s4, s15  }
0x18: {  	s23 =	sadd.s32 s25, s14;
	[dreg:$0xa] =	wrdreg s0;
	s0 =	sadd.s32 s6, s17  }
.Ltmp0:
0x19: {  	[dreg:$0xb] =	wrdreg s0;
	s0 =	ssub.s32 $0x1, s19;
	(pc) =	sbr.rel .LBB2_1-.Ltmp0, $4  }
0x1a: {  	s25 =	simm.s32 $0x5;
	[dreg:$0xc] =	wrdreg s0;
	s0 =	sadd.s32 s22, s21  }
0x1b: {  	s11 =	sor.u32 $0x4000, s24;
	s15 =	sadd.s32 $0x40000, s0;
	s0 =	simm.s32 @!p2 $0x0  }
0x1c: {  	[dreg:$0xd] =	wrdreg s26;
	s24 =	simm.s32 $0x100;
	s0 =	simm.s32 @p2 $0x1  }
0x1d: {  	v0 =	vimm.f32 $0.0e+00;
	s26 =	simm.s32 $0x1;
	[smem:$0x7FD] =	sst s0;
	s0 =	simm.s32 $0x4  }
.LBB2_17:
0x1e: {  	s5 =	sadd.s32 $0x27000, s5;
	s6 =	sshrl.u32 s9, $0x3;
	s12 =	simm.s32 $0x1C05  }
0x1f: {  	[hbm:s5], [sflag:s12] =	dma.local [spmem:s6], $0x100  }
0x20: {  	_ =	swait.ge [sflag:s25], $0x100  }
0x21: {  	[sflag:s25] =	ssyncset.done $0x0  }
0x22: {  	[sflag:s25] =	ssyncadd.s32 $0xFFFFFF00  }
.LBB2_18:
0x23: {  	s1 =	sadd.s32 $0x1, s1;
	s5 =	rddreg [dreg:$0x7]  }
0x24: {  	p2 =	sne.s32 s1, s5  }
.Ltmp1:
0x25: {  	_ = 	snop;
	(pc) =	sbr.rel @!p2 .LBB2_19-.Ltmp1, $1  }
0x26: {  	_ =	sdelay $0x3  }
.LBB2_1:
0x27: {  	s5 =	simm.s32 $0x0;
	s6 =	simm.s32 $0x200  }
.LBB2_2:
0x28: {  	p2 =	sne.s32 s6, $0xFE00;
	[tilespmem:s5+$0x170] =	vst v0  }
0x29: {  	[tilespmem:s5+$0x100] =	vst v0  }
0x2a: {  	[tilespmem:s5+$0x110] =	vst v0  }
.Ltmp2:
0x2b: {  	[tilespmem:s5+$0x120] =	vst v0;
	(pc) =	sbr.rel @p2 .LBB2_2-.Ltmp2, $4  }
0x2c: {  	[tilespmem:s5+$0x130] =	vst v0  }
0x2d: {  	[tilespmem:s5+$0x140] =	vst v0  }
0x2e: {  	[tilespmem:s5+$0x150] =	vst v0  }
0x2f: {  	[tilespmem:s5+$0x160] =	vst v0;
	s5 =	sshra.s32 s6, $0x2;
	s6 =	sadd.s32 $0x200, s6  }
0x30: {  	[tilespmem:s5+$0x170] =	vst v0  }
0x31: {  	[tilespmem:s5+$0x100] =	vst v0  }
0x32: {  	[tilespmem:s5+$0x110] =	vst v0  }
0x33: {  	[tilespmem:s5+$0x120] =	vst v0  }
0x34: {  	[tilespmem:s5+$0x130] =	vst v0  }
0x35: {  	[tilespmem:s5+$0x140] =	vst v0;
	p2 =	sne.s32 s7, $0x1  }
.Ltmp3:
0x36: {  	[tilespmem:s5+$0x150] =	vst v0;
	(pc) =	sbr.rel @!p2 .LBB2_5-.Ltmp3, $4  }
0x37: {  	[tilespmem:s5+$0x160] =	vst v0  }
0x38: {  	[spmem:s8] =	stream.linear.scatter [tilespmem:s24], [sflag:$0x5], $0x4000, $0x38;
	[tilespmem:$0x1B980] =	vst v63  }
0x39: {  	_ =	swait.ge [sflag:s25], $0x4000  }
0x3a: {  	s5 =	sadd.s32 $0xFFFFFFFF, s7;
	s6 =	smov.u32 s8;
	[sflag:s25] =	ssyncset.done $0x0  }
.LBB2_4:
0x3b: {  	p2 =	sne.s32 s5, $0x1;
	[sflag:s25] =	ssyncadd.s32 $0xFFFFC000;
	s6 =	sadd.s32 $0x40000, s6  }
.Ltmp4:
0x3c: {  	s5 =	sadd.s32 $0xFFFFFFFF, s5;
	(pc) =	sbr.rel @p2 .LBB2_4-.Ltmp4, $4  }
0x3d: {  	_ = 	snop  }
0x3e: {  	[spmem:s6] =	stream.linear.scatter [tilespmem:s24], [sflag:$0x5], $0x4000, $0x38;
	[tilespmem:$0x1B980] =	vst v63  }
0x3f: {  	_ =	swait.ge [sflag:s25], $0x4000  }
0x40: {  	[sflag:s25] =	ssyncset.done $0x0  }
.LBB2_5:
0x41: {  	[sflag:s25] =	ssyncadd.s32 $0xFFFFC000;
	s5 =	simm.s32 @!p1 $0x100  }
0x42: {  	[spmem:s9] =	stream.linear.scatter @!p1 [tilespmem:s5], [sflag:$0x5], $0x800, $0x38;
	[tilespmem:$0x1B980] =	vst v63  }
0x43: {  	s5 =	simm.s32 @!p1 $0x5  }
0x44: {  	_ =	swait.ge @!p1 [sflag:s5], $0x800  }
0x45: {  	[sflag:s5] =	ssyncset.done @!p1 $0x0  }
0x46: {  	[sflag:s5] =	ssyncadd.s32 @!p1 $0xFFFFF800  }
0x47: {  	[bflag:$0x0] =	sbarrier.arrive $0xFFFF  }
0x48: {  	s16 =	rddreg [dreg:$0x5]  }
0x49: {  	[tilespmem:s3], [sflag:$0x1] =	stream.linear.gather [hbm4b:s16+s3], $0x80, $0x38;
	[tilespmem:$0x1B980] =	vst v63  }
0x4a: {  	s17 =	rddreg [dreg:$0x6]  }
0x4b: {  	[tilespmem:s24], [sflag:$0x1] =	stream.linear.gather [hbm4b:s17+s3], $0x4000, $0x38;
	[tilespmem:$0x1B980] =	vst v63  }
0x4c: {  	_ =	swait.ge [sflag:s26], $0x80  }
0x4d: {  	[sflag:s26] =	ssyncset.done $0x0  }
0x4e: {  	[sflag:s26] =	ssyncadd.s32 $0xFFFFFF80  }
0x4f: {  	_ =	swait.ge [sflag:s26], $0x4000  }
0x50: {  	[sflag:s26] =	ssyncset.done $0x0  }
0x51: {  	s18 =	rddreg [dreg:$0x8];
	[sflag:s26] =	ssyncadd.s32 $0xFFFFC000  }
0x52: {  	[tilespmem:s28], [sflag:$0x2] =	stream.linear.gather [hbm4b:s18+s3], $0x80, $0x38;
	[tilespmem:$0x1B980] =	vst v63  }
0x53: {  	s19 =	rddreg [dreg:$0x9]  }
0x54: {  	[tilespmem:s29], [sflag:$0x2] =	stream.linear.gather [hbm4b:s19+s3], $0x4000, $0x38;
	[tilespmem:$0x1B980] =	vst v63  }
0x55: {  	_ = 	snop  }
0x56: {  	[spmem:s2] =	stream.indirect.scatter.add.f32 [tilespmem:s24], [sflag:$0x3], $0x80, s3, s28, $0xb8;
	[tilespmem:$0x1B980] =	vst v63  }
0x57: {  	_ =	swait.ge [sflag:s30], $0x80  }
0x58: {  	[sflag:s30] =	ssyncset.done $0x0  }
0x59: {  	[sflag:s30] =	ssyncadd.s32 $0xFFFFFF80  }
0x5a: {  	_ =	swait.ge [sflag:s30], $0x4000  }
0x5b: {  	[sflag:s30] =	ssyncset.done $0x0  }
0x5c: {  	[sflag:s30] =	ssyncadd.s32 $0xFFFFC000  }
0x5d: {  	_ =	swait.ge [sflag:s31], $0x4000  }
0x5e: {  	[sflag:s31] =	ssyncset.done $0x0;
	s22 =	rddreg [dreg:$0xc]  }
0x5f: {  	s20 =	rddreg [dreg:$0xa];
	[sflag:s31] =	ssyncadd.s32 $0xFFFFC000;
	s5 =	sadd.s32 $0x1, s22  }
0x60: {  	[tilespmem:s3], [sflag:$0x1] =	stream.linear.gather [hbm4b:s20+s3], $0x80, $0x38;
	[tilespmem:$0x1B980] =	vst v63  }
0x61: {  	p2 =	seq.s32 s5, $0x0  }
.Ltmp5:
0x62: {  	_ = 	snop;
	(pc) =	sbr.rel @p2 .LBB2_6-.Ltmp5, $4  }
0x63: {  	s6 =	simm.s32 $0x4;
	s21 =	rddreg [dreg:$0xb]  }
0x64: {  	[tilespmem:s24], [sflag:$0x1] =	stream.linear.gather [hbm4b:s21+s3], $0x4000, $0x38;
	[tilespmem:$0x1B980] =	vst v63  }
0x65: {  	s14 =	simm.s32 $0x2;
	p3 =	sle.u32 s10, $0x2;
	p4 =	por $0x0, $0x0  }
0x66: {  	[spmem:s2] =	stream.indirect.scatter.add.f32 [tilespmem:s29], [sflag:$0x4], $0x80, s28, s28, $0xb8;
	[tilespmem:$0x1B980] =	vst v63  }
0x67: {  	s6 =	simm.s32 @!p3 $0x1  }
0x68: {  	_ =	swait.ge @!p3 [sflag:s6], $0x80  }
0x69: {  	[sflag:s6] =	ssyncset.done @!p3 $0x0  }
0x6a: {  	[sflag:s6] =	ssyncadd.s32 @!p3 $0xFFFFFF80  }
0x6b: {  	p2 =	sle.u32 @!p3 s10, $0x3;
	_ =	swait.ge @!p3 [sflag:s6], $0x4000  }
0x6c: {  	p2 =	por p2, p3;
	[sflag:s6] =	ssyncset.done @!p3 $0x0  }
0x6d: {  	[sflag:s6] =	ssyncadd.s32 @!p3 $0xFFFFC000;
	s6 =	simm.s32 @!p2 $0x4  }
0x6e: {  	s14 =	simm.s32 @!p3 $0x100;
	s12 =	sadd.s32 @!p2 $0xFFFFF000, s11;
	_ =	swait.ge @!p2 [sflag:s6], $0x4000  }
0x6f: {  	s16 =	simm.s32 @!p2 $0x80;
	s12 =	sshrl.u32 @!p2 s12, $0x3;
	[sflag:s6] =	ssyncset.done @!p2 $0x0  }
0x70: {  	s12 =	sadd.s32 @!p2 s4, s12;
	[sflag:s6] =	ssyncadd.s32 @!p2 $0xFFFFC000;
	s6 =	simm.s32 @!p2 $0x0  }
0x71: {  	[tilespmem:s16], [sflag:$0x2] =	stream.linear.gather @!p2 [hbm4b:s12+s6], $0x80, $0x38;
	[tilespmem:$0x1B980] =	vst v63  }
0x72: {  	p5 =	sle.u32 s13, $0x2;
	s12 =	sadd.s32 @!p2 $0xFFFF0000, s15;
	s16 =	simm.s32 @!p2 $0x4100  }
0x73: {  	[tilespmem:s16], [sflag:$0x2] =	stream.linear.gather @!p2 [hbm4b:s12+s6], $0x4000, $0x38;
	[tilespmem:$0x1B980] =	vst v63  }
0x74: {  	s6 =	simm.s32 @!p3 $0x80;
	s12 =	simm.s32 @!p3 $0x0;
	s16 =	simm.s32 @!p5 $0x2  }
0x75: {  	[spmem:s2] =	stream.indirect.scatter.add.f32 @!p3 [tilespmem:s14], [sflag:$0x3], $0x80, s12, s6, $0xb8;
	[tilespmem:$0x1B980] =	vst v63  }
0x76: {  	_ =	swait.ge @!p5 [sflag:s16], $0x80  }
0x77: {  	s20 =	sadd.s32 $0x20000, s15;
	s21 =	sadd.s32 $0x2000, s11;
	[sflag:s16] =	ssyncset.done @!p5 $0x0  }
0x78: {  	p4 =	por $0x1, $0x1;
	p2 =	sle.u32 @!p5 s10, $0x4;
	[sflag:s16] =	ssyncadd.s32 @!p5 $0xFFFFFF80  }
0x79: {  	s17 =	simm.s32 @!p5 $0x4100;
	p2 =	por p2, p5;
	_ =	swait.ge @!p5 [sflag:s16], $0x4000  }
0x7a: {  	s12 =	sadd.s32 $0x1, s5;
	s5 =	simm.s32 @!p2 $0x3;
	[sflag:s16] =	ssyncset.done @!p5 $0x0  }
0x7b: {  	s6 =	sshrl.u32 @!p2 s11, $0x3;
	p6 =	seq.s32 s12, $0x0;
	[sflag:s16] =	ssyncadd.s32 @!p5 $0xFFFFC000  }
.Ltmp6:
0x7c: {  	s18 =	simm.s32 @!p2 $0x100;
	_ =	swait.ge @!p2 [sflag:s5], $0x4000;
	(pc) =	sbr.rel @p6 .LBB2_8-.Ltmp6, $4  }
0x7d: {  	s19 =	simm.s32 @!p2 $0x0;
	s14 =	simm.s32 $0x4;
	[sflag:s5] =	ssyncset.done @!p2 $0x0  }
0x7e: {  	p3 =	sle.u32 s10, $0x4;
	s6 =	sadd.s32 @!p2 s4, s6;
	[sflag:s5] =	ssyncadd.s32 @!p2 $0xFFFFC000  }
0x7f: {  	[tilespmem:s19], [sflag:$0x1] =	stream.linear.gather @!p2 [hbm4b:s6+s19], $0x80, $0x38;
	[tilespmem:$0x1B980] =	vst v63  }
0x80: {  	s16 =	simm.s32 @!p5 $0x80;
	s5 =	smov.u32 s15;
	s6 =	simm.s32 $0x6  }
.LBB2_9:
0x81: {  	[tilespmem:s18], [sflag:$0x1] =	stream.linear.gather @!p2 [hbm4b:s5+s19], $0x4000, $0x38;
	[tilespmem:$0x1B980] =	vst v63  }
0x82: {  	s12 =	sadd.s32 $0x1, s12;
	s18 =	simm.s32 @!p3 $0x1;
	s5 =	smov.u32 s20  }
0x83: {  	[spmem:s2] =	stream.indirect.scatter.add.f32 @!p5 [tilespmem:s17], [sflag:$0x4], $0x80, s16, s16, $0xb8;
	[tilespmem:$0x1B980] =	vst v63  }
0x84: {  	p6 =	seq.s32 s12, $0x0;
	_ =	swait.ge @!p3 [sflag:s18], $0x80  }
0x85: {  	[sflag:s18] =	ssyncset.done @!p3 $0x0  }
0x86: {  	s16 =	sadd.s32 @!p3 $0xFFFFFFFF, s6;
	[sflag:s18] =	ssyncadd.s32 @!p3 $0xFFFFFF80  }
0x87: {  	p2 =	sge.u32 @!p3 s16, s10;
	_ =	swait.ge @!p3 [sflag:s18], $0x4000  }
0x88: {  	p2 =	por p2, p3;
	[sflag:s18] =	ssyncset.done @!p3 $0x0  }
0x89: {  	s16 =	simm.s32 @!p2 $0x4;
	s17 =	sadd.s32 @!p2 $0xFFFFF000, s21;
	[sflag:s18] =	ssyncadd.s32 @!p3 $0xFFFFC000  }
0x8a: {  	s17 =	sshrl.u32 @!p2 s17, $0x3;
	_ =	swait.ge @!p2 [sflag:s16], $0x4000  }
0x8b: {  	s17 =	sadd.s32 @!p2 s4, s17;
	s18 =	simm.s32 @!p3 $0x100;
	[sflag:s16] =	ssyncset.done @!p2 $0x0  }
0x8c: {  	s19 =	simm.s32 @!p2 $0x80;
	[sflag:s16] =	ssyncadd.s32 @!p2 $0xFFFFC000;
	s16 =	simm.s32 @!p2 $0x0  }
0x8d: {  	[tilespmem:s19], [sflag:$0x2] =	stream.linear.gather @!p2 [hbm4b:s17+s16], $0x80, $0x38;
	[tilespmem:$0x1B980] =	vst v63  }
0x8e: {  	p5 =	sge.u32 s14, s13;
	s17 =	sadd.s32 @!p2 $0xFFFF0000, s20;
	s19 =	simm.s32 @!p2 $0x4100  }
0x8f: {  	[tilespmem:s19], [sflag:$0x2] =	stream.linear.gather @!p2 [hbm4b:s17+s16], $0x4000, $0x38;
	[tilespmem:$0x1B980] =	vst v63  }
0x90: {  	s14 =	simm.s32 @!p3 $0x80;
	s16 =	simm.s32 @!p3 $0x0;
	s19 =	simm.s32 @!p5 $0x2  }
0x91: {  	[spmem:s2] =	stream.indirect.scatter.add.f32 @!p3 [tilespmem:s18], [sflag:$0x3], $0x80, s16, s14, $0xb8;
	[tilespmem:$0x1B980] =	vst v63  }
0x92: {  	p2 =	sge.u32 @!p5 s6, s10;
	s16 =	simm.s32 @!p5 $0x80;
	_ =	swait.ge @!p5 [sflag:s19], $0x80  }
0x93: {  	s17 =	simm.s32 @!p5 $0x4100;
	[sflag:s19] =	ssyncset.done @!p5 $0x0  }
0x94: {  	[sflag:s19] =	ssyncadd.s32 @!p5 $0xFFFFFF80  }
0x95: {  	_ =	swait.ge @!p5 [sflag:s19], $0x4000  }
0x96: {  	p2 =	por p2, p5;
	[sflag:s19] =	ssyncset.done @!p5 $0x0  }
0x97: {  	s14 =	sshrl.u32 @!p2 s21, $0x3;
	[sflag:s19] =	ssyncadd.s32 @!p5 $0xFFFFC000;
	s19 =	simm.s32 @!p2 $0x3  }
.Ltmp7:
0x98: {  	s22 =	sadd.s32 @!p2 s4, s14;
	_ =	swait.ge @!p2 [sflag:s19], $0x4000;
	(pc) =	sbr.rel @!p6 .LBB2_9-.Ltmp7, $4  }
0x99: {  	s6 =	sadd.s32 $0x2, s6;
	s18 =	simm.s32 @!p2 $0x100;
	[sflag:s19] =	ssyncset.done @!p2 $0x0  }
0x9a: {  	s14 =	sadd.s32 $0xFFFFFFFE, s6;
	[sflag:s19] =	ssyncadd.s32 @!p2 $0xFFFFC000;
	s19 =	simm.s32 @!p2 $0x0  }
0x9b: {  	[tilespmem:s19], [sflag:$0x1] =	stream.linear.gather @!p2 [hbm4b:s22+s19], $0x80, $0x38;
	[tilespmem:$0x1B980] =	vst v63  }
0x9c: {  	s20 =	sadd.s32 $0x20000, s20;
	s21 =	sadd.s32 $0x2000, s21;
	p3 =	sge.u32 s14, s10  }
.LBB2_10:
0x9d: {  	p2 =	por p2, !p4  }
0x9e: {  	[tilespmem:s18], [sflag:$0x1] =	stream.linear.gather @!p2 [hbm4b:s5+s19], $0x4000, $0x38;
	[tilespmem:$0x1B980] =	vst v63  }
0x9f: {  	s5 =	simm.s32 @!p3 $0x1;
	p2 =	por p5, !p4  }
0xa0: {  	[spmem:s2] =	stream.indirect.scatter.add.f32 @!p2 [tilespmem:s17], [sflag:$0x4], $0x80, s16, s16, $0xb8;
	[tilespmem:$0x1B980] =	vst v63  }
0xa1: {  	_ =	swait.ge @!p3 [sflag:s5], $0x80  }
0xa2: {  	[sflag:s5] =	ssyncset.done @!p3 $0x0  }
0xa3: {  	s12 =	sadd.s32 @!p3 $0xFFFFFFFF, s6;
	[sflag:s5] =	ssyncadd.s32 @!p3 $0xFFFFFF80  }
0xa4: {  	p2 =	sge.u32 @!p3 s12, s10;
	_ =	swait.ge @!p3 [sflag:s5], $0x4000  }
0xa5: {  	p4 =	por p2, p3;
	[sflag:s5] =	ssyncset.done @!p3 $0x0  }
0xa6: {  	[sflag:s5] =	ssyncadd.s32 @!p3 $0xFFFFC000;
	s5 =	simm.s32 @!p4 $0x4  }
0xa7: {  	s16 =	simm.s32 @!p3 $0x100;
	s12 =	sadd.s32 @!p4 $0xFFFFF000, s21;
	_ =	swait.ge @!p4 [sflag:s5], $0x4000  }
0xa8: {  	s17 =	simm.s32 @!p4 $0x80;
	s12 =	sshrl.u32 @!p4 s12, $0x3;
	[sflag:s5] =	ssyncset.done @!p4 $0x0  }
0xa9: {  	s12 =	sadd.s32 @!p4 s4, s12;
	[sflag:s5] =	ssyncadd.s32 @!p4 $0xFFFFC000;
	s5 =	simm.s32 @!p4 $0x0  }
0xaa: {  	[tilespmem:s17], [sflag:$0x2] =	stream.linear.gather @!p4 [hbm4b:s12+s5], $0x80, $0x38;
	[tilespmem:$0x1B980] =	vst v63  }
0xab: {  	p2 =	sge.u32 s14, s13;
	s12 =	sadd.s32 @!p4 $0xFFFF0000, s20;
	s17 =	simm.s32 @!p4 $0x4100  }
0xac: {  	[tilespmem:s17], [sflag:$0x2] =	stream.linear.gather @!p4 [hbm4b:s12+s5], $0x4000, $0x38;
	[tilespmem:$0x1B980] =	vst v63  }
0xad: {  	s14 =	simm.s32 @!p2 $0x2;
	s5 =	simm.s32 @!p3 $0x80;
	s12 =	simm.s32 @!p3 $0x0  }
0xae: {  	[spmem:s2] =	stream.indirect.scatter.add.f32 @!p3 [tilespmem:s16], [sflag:$0x3], $0x80, s12, s5, $0xb8;
	[tilespmem:$0x1B980] =	vst v63  }
0xaf: {  	_ =	swait.ge @!p2 [sflag:s14], $0x80  }
0xb0: {  	[sflag:s14] =	ssyncset.done @!p2 $0x0  }
0xb1: {  	[sflag:s14] =	ssyncadd.s32 @!p2 $0xFFFFFF80  }
0xb2: {  	p3 =	sge.u32 @!p2 s6, s10;
	_ =	swait.ge @!p2 [sflag:s14], $0x4000  }
0xb3: {  	p3 =	por p3, p2;
	[sflag:s14] =	ssyncset.done @!p2 $0x0  }
0xb4: {  	s5 =	simm.s32 @!p3 $0x3;
	[sflag:s14] =	ssyncadd.s32 @!p2 $0xFFFFC000  }
0xb5: {  	_ =	swait.ge @!p3 [sflag:s5], $0x4000  }
0xb6: {  	s6 =	sshrl.u32 @!p3 s21, $0x3;
	[sflag:s5] =	ssyncset.done @!p3 $0x0  }
0xb7: {  	s6 =	sadd.s32 @!p3 s4, s6;
	[sflag:s5] =	ssyncadd.s32 @!p3 $0xFFFFC000;
	s5 =	simm.s32 @!p3 $0x0  }
0xb8: {  	[tilespmem:s5], [sflag:$0x1] =	stream.linear.gather @!p3 [hbm4b:s6+s5], $0x80, $0x38;
	[tilespmem:$0x1B980] =	vst v63  }
0xb9: {  	s6 =	simm.s32 @!p3 $0x100  }
0xba: {  	[tilespmem:s6], [sflag:$0x1] =	stream.linear.gather @!p3 [hbm4b:s20+s5], $0x4000, $0x38;
	[tilespmem:$0x1B980] =	vst v63  }
0xbb: {  	s5 =	simm.s32 @!p2 $0x80;
	s6 =	simm.s32 @!p2 $0x4100  }
0xbc: {  	[spmem:s2] =	stream.indirect.scatter.add.f32 @!p2 [tilespmem:s6], [sflag:$0x4], $0x80, s5, s5, $0xb8;
	[tilespmem:$0x1B980] =	vst v63  }
0xbd: {  	_ =	swait.ge [sflag:s31], $0x4000  }
0xbe: {  	[sflag:s31] =	ssyncset.done $0x0  }
0xbf: {  	[sflag:s31] =	ssyncadd.s32 $0xFFFFC000  }
.Ltmp8:
0xc0: {  	_ =	swait.ge [sflag:s0], $0x4000;
	(pc) =	sbr.rel @!p0 .LBB2_11-.Ltmp8, $4  }
0xc1: {  	[sflag:s0] =	ssyncset.done $0x0  }
0xc2: {  	s22 =	stileid.u32;
	[sflag:s0] =	ssyncadd.s32 $0xFFFFC000  }
0xc3: {  	s5 =	sshll.u32 s22, $0x6;
	[bflag:$0x0] =	sbarrier.arrive $0xFFFF  }
0xc4: {  	s6 =	sshrl.u32 s8, $0x3;
	s5 =	sor.u32 $0x1C05, s5  }
0xc5: {  	p2 =	sne.s32 s7, $0x1  }
.Ltmp9:
0xc6: {  	_ = 	snop;
	(pc) =	sbr.rel @!p2 .LBB2_16-.Ltmp9, $4  }
0xc7: {  	_ = 	snop  }
0xc8: {  	[hbm:s23], [sflag:s5] =	dma.local [spmem:s6], $0x800  }
0xc9: {  	s6 =	sadd.s32 $0xFFFFFFFF, s7  }
0xca: {  	s12 =	sadd.s32 $0x8000, s23;
	s14 =	smov.u32 s8;
	_ =	swait.ge [sflag:s25], $0x800  }
.LBB2_15:
0xcb: {  	[sflag:s25] =	ssyncset.done $0x0;
	s14 =	sadd.s32 $0x40000, s14;
	p2 =	sne.s32 s6, $0x1  }
.Ltmp10:
0xcc: {  	s16 =	sshrl.u32 s14, $0x3;
	[sflag:s25] =	ssyncadd.s32 $0xFFFFF800;
	(pc) =	sbr.rel @p2 .LBB2_15-.Ltmp10, $3  }
0xcd: {  	[hbm:s12], [sflag:s5] =	dma.local [spmem:s16], $0x800  }
0xce: {  	s6 =	sadd.s32 $0xFFFFFFFF, s6;
	_ =	sdelay $0x1  }
0xcf: {  	s12 =	sadd.s32 $0x8000, s12;
	_ =	swait.ge [sflag:s25], $0x800  }
.LBB2_16:
.Ltmp11:
0xd0: {  	(pc) =	sbr.rel @p1 .LBB2_18-.Ltmp11, $4  }
.Ltmp12:
0xd1: {  	(pc) =	sbr.rel @!p1 .LBB2_17-.Ltmp12, $4  }
0xd2: {  	_ = 	snop  }
0xd3: {  	[sflag:s25] =	ssyncset.done $0x0  }
0xd4: {  	s5 =	rddreg [dreg:$0x4];
	[sflag:s25] =	ssyncadd.s32 $0xFFFFF800  }
0xd5: {  	_ = 	snop  }
.LBB2_11:
0xd6: {  	p2 =	sne.s32 s7, $0x1  }
.Ltmp13:
0xd7: {  	_ = 	snop;
	(pc) =	sbr.rel @!p2 .LBB2_13-.Ltmp13, $4  }
0xd8: {  	_ = 	snop  }
0xd9: {  	s12 =	rddreg [dreg:$0xd];
	s14 =	smov.u32 s8  }
0xda: {  	[hbm:s12], [sflag:s5] =	dma.local [spmem:s6], $0x800  }
0xdb: {  	s6 =	sadd.s32 $0xFFFFFFFF, s7;
	s12 =	sadd.s32 $0x8000, s12;
	_ =	swait.ge [sflag:s25], $0x800  }
.LBB2_12:
0xdc: {  	[sflag:s25] =	ssyncset.done $0x0;
	s14 =	sadd.s32 $0x40000, s14;
	p2 =	sne.s32 s6, $0x1  }
.Ltmp14:
0xdd: {  	s16 =	sshrl.u32 s14, $0x3;
	[sflag:s25] =	ssyncadd.s32 $0xFFFFF800;
	(pc) =	sbr.rel @p2 .LBB2_12-.Ltmp14, $3  }
0xde: {  	[hbm:s12], [sflag:s5] =	dma.local [spmem:s16], $0x800  }
0xdf: {  	s6 =	sadd.s32 $0xFFFFFFFF, s6;
	_ =	sdelay $0x1  }
0xe0: {  	s12 =	sadd.s32 $0x8000, s12;
	_ =	swait.ge [sflag:s25], $0x800  }
.LBB2_13:
0xe1: {  	s6 =	sld [smem:$0x7FD];
	_ =	sdelay $0x2  }
0xe2: {  	p2 =	seq.s32 s6, $0x1  }
.Ltmp15:
0xe3: {  	_ = 	snop;
	(pc) =	sbr.rel @!p2 .LBB2_18-.Ltmp15, $4  }
.Ltmp16:
0xe4: {  	_ = 	snop;
	(pc) =	sbr.rel @p2 .LBB2_17-.Ltmp16, $4  }
0xe5: {  	[sflag:s25] =	ssyncset.done $0x0  }
0xe6: {  	[sflag:s25] =	ssyncadd.s32 $0xFFFFF800  }
0xe7: {  	s5 =	rddreg [dreg:$0x1]  }
0xe8: {  	_ = 	snop  }
.LBB2_6:
.Ltmp17:
0xe9: {  	(pc) =	sbr.rel .LBB2_10-.Ltmp17, $2  }
0xea: {  	_ =	sdelay $0x2  }
0xeb: {  	s20 =	smov.u32 s15;
	s21 =	smov.u32 s11  }
.LBB2_8:
.Ltmp18:
0xec: {  	(pc) =	sbr.rel .LBB2_10-.Ltmp18, $2  }
0xed: {  	_ =	sdelay $0x2  }
0xee: {  	s5 =	smov.u32 s15  }
.LBB2_19:
0xef: {  	_ =	sfence.sel $0x180000  }
0xf0: {  	[bflag:$0x0] =	sbarrier.arrive $0xFFFF  }
0xf1: {  	_ =	strace $0x9000004A  }
0xf2: {  	[bflag:$0x2] =	sbarrier.arrive $0xFFFF  }
0xf3: {  	s0 =	rddreg [dreg:$0x3]  }
0xf4: {  	s0 =	sadd.s32 @!p1 $0x100000, s0  }
0xf5: {  	[sflag:s0] =	ssyncadd.tile.s32 @!p1 $0x1;
	_ =	shalt  }
.Lfunc_end2:
_tile_overlayer_lowered:
.L_overlay_start_2:
0xf6: {  	(tag) =	ssettag $0x2  }
0xf7: {  	s0 =	rddreg [dreg:$0x0];
	s2 =	stileid.u32  }
0xf8: {  	s1 =	rddreg [dreg:$0x1];
	p0 =	sne.s32 s2, $0x0  }
0xf9: {  	s3 =	rddreg [dreg:$0x2];
	[bflag:$0x3] =	sbarrier.arrive $0xFFFF;
	s2 =	simm.s32 @!p0 $0x1C05  }
0xfa: {  	[timem:s3], [sflag:s2] =	dma.local @!p0 [hbm:s0], s1  }
0xfb: {  	s0 =	simm.s32 @!p0 $0x5  }
0xfc: {  	_ =	swait.ge @!p0 [sflag:s0], s1  }
0xfd: {  	s1 =	ssub.s32 @!p0 $0x0, s1;
	[sflag:s0] =	ssyncset.done @!p0 $0x0  }
0xfe: {  	[sflag:s0] =	ssyncadd.s32 @!p0 s1  }
0xff: {  	[bflag:$0x3] =	sbarrier.arrive $0xFFFF  }
0x100: {  	_ =	shalt  }

// kernel: kernel.15.cloned.1.call-start
scs
__scs_entry_jumppad:
0x0: {  	(pc) =	sbr.rel $0x88, $3  }
0x1: {  	(tag) =	ssettag $0x0;
	lr =	simm.s32 $0x1  }
0x2: {  	[smem:$0x3F94] =	sst lr;
	_ =	strace $0xD0000000  }
0x3: {  	_ = 	snop  }
0x4: {  	_ = 	snop  }
0x5: {  	_ = 	snop  }
0x6: {  	_ = 	snop  }
0x7: {  	_ = 	snop  }
__scs_overlays_trampoline_lowered:
0x8: {  	[smem:$0x3FA3] =	sst s0  }
0x9: {  	[smem:$0x3FA4] =	sst s1  }
0xa: {  	[smem:$0x3FA5] =	sst s2  }
0xb: {  	[smem:$0x3FA6] =	sst s3  }
0xc: {  	[smem:$0x3FA7] =	sst s4  }
0xd: {  	[smem:$0x3FA8] =	sst s5  }
0xe: {  	[smem:$0x3FA9] =	sst s6  }
0xf: {  	[smem:$0x3FAA] =	sst s7  }
0x10: {  	[smem:$0x3FAB] =	sst s8  }
0x11: {  	[smem:$0x3FAC] =	sst s9;
	s0 =	simm.s32 @!p0 $0x0  }
0x12: {  	s1 =	sld [smem:$0x3F92];
	s0 =	simm.s32 @p0 $0x1  }
0x13: {  	[smem:$0x3FAD] =	sst s0;
	s0 =	simm.s32 @!p1 $0x0  }
0x14: {  	s2 =	sld [smem:$0x3F91];
	s0 =	simm.s32 @p1 $0x1  }
0x15: {  	[smem:$0x3FAE] =	sst s0;
	s0 =	simm.s32 @!p2 $0x0  }
0x16: {  	s3 =	sld [smem:$0x3FDB];
	s0 =	simm.s32 @p2 $0x1  }
0x17: {  	s4 =	simm.s32 $0x1BF5;
	[smem:$0x3FB0] =	sst s0  }
0x18: {  	s0 =	sld [smem:$0x3F93];
	_ =	swait.ge [sflag:s4], $0x0  }
0x19: {  	s7 =	sld [smem:$0x3F94]  }
0x1a: {  	s8 =	sadd.s32 $0xFFFFE003, lr  }
0x1b: {  	s9 =	sadd.s32 $0xFFFFFEF7, lr;
	s5 =	simm.s32 $0xFFFFFFFF;
	p2 =	slt.u32 s8, $0xFFFFF086  }
0x1c: {  	p1 =	slt.u32 s9, $0xF7A;
	s5 =	simm.s32 @!p2 $0x0  }
0x1d: {  	s5 =	simm.s32 @p1 $0x1;
	p0 =	seq.s32 s7, s2  }
0x1e: {  	s7 =	smul.u32 @!p0 $0xF7A, s2;
	p2 =	seq.s32 @!p0 s5, $0x0  }
0x1f: {  	s9 =	smul.u32 $0xF7A, s1;
	s8 =	simm.s32 @!p0 $0x1BF5;
	p2 =	por !p2, p0  }
0x20: {  	[sflag:s8] =	ssyncset.s32 @!p0 $0xFFFFF086;
	s6 =	sadd.s32 @!p0 s3, s7;
	s7 =	simm.s32 @!p0 $0x108  }
0x21: {  	s3 =	sadd.s32 s3, s9;
	s6 =	sadd.s32 @!p0 $0x88, s6;
	s7 =	simm.s32 @p2 $0x1082  }
0x22: {  	[simem:s7], [sflag:s8] =	dma.local @!p0 [hbm:s6], $0xF7A  }
0x23: {  	s9 =	sor.u32 $0xD0000000, s2;
	s6 =	simm.s32 $0x108;
	_ =	swait.ge @!p0 [sflag:s8], $0x0  }
0x24: {  	s3 =	sadd.s32 $0x88, s3;
	s6 =	simm.s32 @!p1 $0x1082;
	[sflag:s4] =	ssyncset.s32 $0xFFFFF086  }
0x25: {  	[simem:s6], [sflag:s4] =	dma.local [hbm:s3], $0xF7A  }
0x26: {  	[smem:$0x3F94] =	sst s1;
	(tag) =	ssettag s2;
	_ =	strace s9  }
0x27: {  	s1 =	sld [smem:$0x3FA4]  }
0x28: {  	s2 =	sld [smem:$0x3FA5]  }
0x29: {  	s4 =	sld [smem:$0x3FA7]  }
0x2a: {  	p0 =	seq.s32 s5, $0x0;
	s5 =	sld [smem:$0x3FA8]  }
0x2b: {  	s6 =	sld [smem:$0x3FA9]  }
0x2c: {  	s7 =	sld [smem:$0x3FAA]  }
0x2d: {  	s3 =	simm.s32 $0x108;
	s8 =	sld [smem:$0x3FAB]  }
0x2e: {  	s3 =	simm.s32 @!p0 $0x1082;
	s9 =	sld [smem:$0x3FAC]  }
0x2f: {  	lr =	sadd.s32 s0, s3;
	s0 =	sld [smem:$0x3FA3]  }
0x30: {  	s3 =	sld [smem:$0x3FA6]  }
0x31: {  	[smem:$0x3FAF] =	sst s10  }
0x32: {  	s10 =	sld [smem:$0x3FAD];
	_ =	sdelay $0x3  }
0x33: {  	p0 =	seq.s32 s10, $0x1;
	s10 =	sld [smem:$0x3FAF];
	_ =	sdelay $0x3  }
0x34: {  	[smem:$0x3FAF] =	sst s10  }
0x35: {  	s10 =	sld [smem:$0x3FAE];
	_ =	sdelay $0x3  }
0x36: {  	p1 =	seq.s32 s10, $0x1;
	s10 =	sld [smem:$0x3FAF];
	_ =	sdelay $0x3  }
0x37: {  	[smem:$0x3FAF] =	sst s10  }
0x38: {  	s10 =	sld [smem:$0x3FB0]  }
0x39: {  	_ = 	snop;
	(pc) =	sbr.ind lr, $3  }
0x3a: {  	_ = 	snop  }
0x3b: {  	_ = 	snop  }
0x3c: {  	p2 =	seq.s32 s10, $0x1;
	s10 =	sld [smem:$0x3FAF]  }
0x3d: {  	_ =	shalt  }
0x3e: {  	_ =	shalt  }
0x3f: {  	_ =	shalt  }
0x40: {  	_ =	shalt  }
0x41: {  	_ =	shalt  }
0x42: {  	_ =	shalt  }
0x43: {  	_ =	shalt  }
0x44: {  	_ =	shalt  }
0x45: {  	_ =	shalt  }
0x46: {  	_ =	shalt  }
0x47: {  	_ =	shalt  }
0x48: {  	_ =	shalt  }
0x49: {  	_ =	shalt  }
0x4a: {  	_ =	shalt  }
0x4b: {  	_ =	shalt  }
0x4c: {  	_ =	shalt  }
0x4d: {  	_ =	shalt  }
0x4e: {  	_ =	shalt  }
0x4f: {  	_ =	shalt  }
0x50: {  	_ =	shalt  }
0x51: {  	_ =	shalt  }
0x52: {  	_ =	shalt  }
0x53: {  	_ =	shalt  }
0x54: {  	_ =	shalt  }
0x55: {  	_ =	shalt  }
0x56: {  	_ =	shalt  }
0x57: {  	_ =	shalt  }
0x58: {  	_ =	shalt  }
0x59: {  	_ =	shalt  }
0x5a: {  	_ =	shalt  }
0x5b: {  	_ =	shalt  }
0x5c: {  	_ =	shalt  }
0x5d: {  	_ =	shalt  }
0x5e: {  	_ =	shalt  }
0x5f: {  	_ =	shalt  }
0x60: {  	_ =	shalt  }
0x61: {  	_ =	shalt  }
0x62: {  	_ =	shalt  }
0x63: {  	_ =	shalt  }
0x64: {  	_ =	shalt  }
0x65: {  	_ =	shalt  }
0x66: {  	_ =	shalt  }
0x67: {  	_ =	shalt  }
0x68: {  	_ =	shalt  }
0x69: {  	_ =	shalt  }
0x6a: {  	_ =	shalt  }
0x6b: {  	_ =	shalt  }
0x6c: {  	_ =	shalt  }
0x6d: {  	_ =	shalt  }
0x6e: {  	_ =	shalt  }
0x6f: {  	_ =	shalt  }
0x70: {  	_ =	shalt  }
0x71: {  	_ =	shalt  }
0x72: {  	_ =	shalt  }
0x73: {  	_ =	shalt  }
0x74: {  	_ =	shalt  }
0x75: {  	_ =	shalt  }
0x76: {  	_ =	shalt  }
0x77: {  	_ =	shalt  }
0x78: {  	_ =	shalt  }
0x79: {  	_ =	shalt  }
0x7a: {  	_ =	shalt  }
0x7b: {  	_ =	shalt  }
0x7c: {  	_ =	shalt  }
0x7d: {  	_ =	shalt  }
0x7e: {  	_ =	shalt  }
0x7f: {  	_ =	shalt  }
0x80: {  	_ =	shalt  }
0x81: {  	_ =	shalt  }
0x82: {  	_ =	shalt  }
0x83: {  	_ =	shalt  }
0x84: {  	_ =	shalt  }
0x85: {  	_ =	shalt  }
0x86: {  	_ =	shalt  }
0x87: {  	_ =	shalt  }
.Lfunc_end0:
.L_simem_size_0:
called_computation.2_lowered:
.L_overlay_start_0:
0x88: {  	s2 =	sld [smem:$0x3FD9]  }
0x89: {  	s3 =	sld [smem:$0x3FFE];
	_ =	sdelay $0x1  }
0x8a: {  	s1 =	srdreg.scid  }
0x8b: {  	s0 =	sand.u32 $0x1, s1  }
0x8c: {  	s17 =	sshll.u32 s0, $0xA;
	s2 =	sadd.s32 s3, s2  }
0x8d: {  	s2 =	sadd.s32 s2, s17  }
0x8e: {  	[smem:$0x3FBB] =	sst s2  }
0x8f: {  	_ = 	snop  }
0x90: {  	s2 =	sld [smem:$0x3FD0];
	(tm) =	ssettm $0x1  }
0x91: {  	s18 =	sld [smem:$0x3FFB];
	_ =	sdelay $0x3  }
0x92: {  	_ =	strace s18  }
0x93: {  	s3 =	sld [smem:$0x3FFC];
	_ =	sdelay $0x3  }
0x94: {  	_ =	strace s3  }
0x95: {  	s3 =	sld [smem:$0x3FFD];
	_ =	sdelay $0x3  }
0x96: {  	_ =	strace s3  }
0x97: {  	_ =	strace $0x8FFFFFFF  }
0x98: {  	s19 =	sld [smem:$0x3FDB];
	_ =	sdelay $0x1  }
0x99: {  	s4 =	simm.s32 $_scs_section_size  }
0x9a: {  	s5 =	simm.s32 $_size__tile_overlayer_lowered;
	s6 =	simm.s32 $_tile_overlayer_lowered  }
0x9b: {  	s22 =	simm.s32 $0x1BFF;
	s21 =	sshll.u32 s6, $0x1;
	s3 =	sadd.s32 s4, s19  }
0x9c: {  	s7 =	simm.s32 $0x0;
	s20 =	sshll.u32 s5, $0x1;
	s5 =	sadd.s32 s21, s3  }
0x9d: {  	[timem:s7], [sflag:s22] =	dma.local [hbm:s5], s20  }
0x9e: {  	_ =	swait.ge [sflag:s22], s20  }
0x9f: {  	s4 =	ssub.s32 $0x0, s20;
	[sflag:s22] =	ssyncset.done $0x0  }
0xa0: {  	[sflag:s22] =	ssyncadd.s32 s4;
	_ =	sdelay $0x1  }
0xa1: {  	s23 =	simm.s32 $0x1B8B  }
0xa2: {  	_ =	swait.ge [sflag:s23], $0x1  }
0xa3: {  	[sflag:s23] =	ssyncset.done $0x0  }
0xa4: {  	s25 =	simm.s32 $0x1B8E;
	s24 =	sld [smem:$0x3FFE];
	[sflag:s23] =	ssyncadd.s32 $0xFFFFFFFF  }
0xa5: {  	s26 =	simm.s32 $execute0_lowered;
	[smem:$0x3FD2] =	sst s25  }
0xa6: {  	s5 =	sshll.u32 s26, $0x1;
	_ =	strace $0x8000004C;
	[dreg:$0x1] =	wrdreg $0xFFFFFFFF  }
0xa7: {  	s28 =	simm.s32 $_size_execute0_lowered;
	s3 =	sadd.s32 s3, s5;
	[dreg:$0x0] =	wrdreg $0x0  }
0xa8: {  	s5 =	sshll.u32 s28, $0x1;
	[dreg:$0x2] =	wrdreg s3  }
0xa9: {  	[dreg:$0x3] =	wrdreg s5  }
0xaa: {  	[dreg:$0x4] =	wrdreg $0xC0  }
0xab: {  	_ =	task [dreg:s7], $0x5FFFF  }
0xac: {  	[dreg:$0x1] =	wrdreg $0xFFFFFFFF  }
0xad: {  	[dreg:$0x0] =	wrdreg $0x60  }
0xae: {  	[dreg:$0x2] =	wrdreg s24  }
0xaf: {  	[dreg:$0x3] =	wrdreg s2  }
0xb0: {  	[dreg:$0x4] =	wrdreg $0xA2000  }
0xb1: {  	[dreg:$0x5] =	wrdreg $0x9  }
0xb2: {  	_ =	task.clear_ibuf [dreg:s7], $0x6FFFF;
	_ =	strace $0x9000004C  }
0xb3: {  	s29 =	simm.s32 $0x9;
	_ =	strace $0x8000004E  }
0xb4: {  	_ =	swait.ge [sflag:s29], $0x1  }
0xb5: {  	[sflag:s29] =	ssyncadd.s32 $0xFFFFFFFF  }
0xb6: {  	_ =	strace $0x9000004E  }
0xb7: {  	_ =	sfence  }
0xb8: {  	s30 =	sld [smem:$0x0];
	_ =	sdelay $0x2  }
0xb9: {  	s31 =	sshll.u32 s1, $0xD;
	s1 =	sshrl.u32 s1, $0x2  }
0xba: {  	s3 =	sand.u32 $0x4000, s31;
	s1 =	sadd.s32 s1, s30  }
0xbb: {  	s0 =	sor.u32 s3, s0;
	s1 =	sshll.u32 s1, $0x11  }
0xbc: {  	s0 =	sor.u32 s1, s0  }
0xbd: {  	s0 =	sadd.s32 $0x8F2B, s0  }
0xbe: {  	[sflag:s0] =	ssyncadd.remote.s32 $0x1  }
0xbf: {  	_ =	sfence.sel $0xFFFF  }
0xc0: {  	[dreg:$0x0] =	wrdreg $0xFFFFFFFF;
	(pc) =	sbr.abs _section_cstart, $3  }
0xc1: {  	[dreg:$0x1] =	wrdreg $0xFFFFFFFF  }
0xc2: {  	_ =	task.clear_ibuf [dreg:s7], $0x2FFFF;
	_ =	strace $0x9FFFFFFF  }
0xc3: {  	(tm) =	ssettm $0x7FFFFFFF  }
tec
execute0_lowered:
.L_overlay_start_1:
0x0: {  	(tag) =	ssettag $0x1  }
0x1: {  	s0 =	rddreg [dreg:$0x0]  }
0x2: {  	s1 =	rddreg [dreg:$0x1]  }
0x3: {  	s2 =	rddreg [dreg:$0x2];
	s4 =	simm.s32 $0x0;
	s13 =	stileid.u32  }
0x4: {  	s3 =	srdreg.scid;
	s16 =	simm.s32 $0x200;
	s17 =	simm.s32 $0x7  }
0x5: {  	s18 =	simm.s32 $0x50;
	s19 =	simm.s32 $0x2A00;
	s20 =	simm.s32 $0x1  }
0x6: {  	s21 =	simm.s32 $0x2;
	s28 =	simm.s32 $0x4;
	s29 =	simm.s32 $0x5  }
0x7: {  	s30 =	simm.s32 $0x3;
	s31 =	simm.s32 $0x180;
	[smem:$0x7FF] =	sst s4  }
0x8: {  	s5 =	sadd.s32 $0x2BC00, s0;
	s8 =	smul.u32 $0x500, s13;
	s3 =	sand.u32 $0x1, s3  }
0x9: {  	s7 =	sshll.u32 s13, $0x1;
	s6 =	sadd.s32 $0x9C8A00, s0;
	s11 =	ssub.s32 $0x8C, s13  }
0xa: {  	s13 =	smul.u32 $0xA000, s13;
	_ =	strace $0x8000004D;
	s9 =	ssub.s32 $0x2, s3  }
0xb: {  	s7 =	sor.u32 s3, s7;
	p0 =	seq.s32 s3, $0x1;
	s0 =	sadd.s32 s8, s0  }
0xc: {  	s22 =	sshrl.u32 s9, $0x1;
	s10 =	smul.u32 $0x500, s7;
	s12 =	sshll.u32 s7, $0x5  }
0xd: {  	s8 =	sshrl.u32 s11, $0x4;
	s11 =	sor.u32 $0x40, s7;
	s24 =	sshrl.u32 s13, $0x2  }
0xe: {  	s9 =	ssub.s32 s9, s22;
	s23 =	sadd.s32 s5, s12;
	s13 =	sadd.s32 s24, s2  }
.Ltmp0:
0xf: {  	s26 =	sadd.s32 $0x4A00, s0;
	s15 =	sadd.s32 $0x7A000, s0;
	(pc) =	sbr.rel .LBB2_1-.Ltmp0, $4  }
0x10: {  	s22 =	simm.s32 $0x6;
	s24 =	simm.s32 $0x5200;
	[dreg:$0x4] =	wrdreg s23  }
0x11: {  	s0 =	simm.s32 $0x0;
	s10 =	sadd.s32 s6, s10;
	[dreg:$0x7] =	wrdreg s26  }
0x12: {  	s25 =	smax.u32 s9, $0x1;
	s23 =	simm.s32 $0x100;
	[dreg:$0x5] =	wrdreg s10  }
0x13: {  	v0 =	vimm.f32 $0.0e+00;
	s26 =	simm.s32 $0x80;
	[dreg:$0x6] =	wrdreg s25;
	s25 =	simm.s32 $0x7A00  }
.LBB2_23:
0x14: {  	[sflag:s17] =	ssyncset.done $0x0  }
0x15: {  	[sflag:s17] =	ssyncadd.s32 $0xFFFFFB00  }
.LBB2_24:
0x16: {  	s0 =	sadd.s32 $0x1, s0;
	s3 =	rddreg [dreg:$0x6]  }
0x17: {  	p1 =	sne.s32 s0, s3  }
.Ltmp1:
0x18: {  	_ = 	snop;
	(pc) =	sbr.rel @!p1 .LBB2_25-.Ltmp1, $1  }
0x19: {  	_ =	sdelay $0x3  }
.LBB2_1:
0x1a: {  	s3 =	simm.s32 $0x0;
	s9 =	simm.s32 $0x200  }
.LBB2_2:
0x1b: {  	p1 =	sne.s32 s9, $0x9E00;
	[tilespmem:s3+$0x270] =	vst v0  }
0x1c: {  	[tilespmem:s3+$0x200] =	vst v0  }
0x1d: {  	[tilespmem:s3+$0x210] =	vst v0  }
.Ltmp2:
0x1e: {  	[tilespmem:s3+$0x220] =	vst v0;
	(pc) =	sbr.rel @p1 .LBB2_2-.Ltmp2, $4  }
0x1f: {  	[tilespmem:s3+$0x230] =	vst v0  }
0x20: {  	[tilespmem:s3+$0x240] =	vst v0  }
0x21: {  	[tilespmem:s3+$0x250] =	vst v0  }
0x22: {  	[tilespmem:s3+$0x260] =	vst v0;
	s3 =	sshra.s32 s9, $0x2;
	s9 =	sadd.s32 $0x200, s9  }
0x23: {  	[tilespmem:s3+$0x270] =	vst v0  }
0x24: {  	[tilespmem:s3+$0x200] =	vst v0  }
0x25: {  	[tilespmem:s3+$0x210] =	vst v0  }
0x26: {  	[tilespmem:s3+$0x220] =	vst v0  }
0x27: {  	[tilespmem:s3+$0x230] =	vst v0  }
0x28: {  	[tilespmem:s3+$0x240] =	vst v0;
	p1 =	sne.s32 s8, $0x1  }
.Ltmp3:
0x29: {  	[tilespmem:s3+$0x250] =	vst v0;
	(pc) =	sbr.rel @!p1 .LBB2_5-.Ltmp3, $4  }
0x2a: {  	[tilespmem:s3+$0x260] =	vst v0  }
0x2b: {  	[spmem:s13] =	stream.linear.scatter [tilespmem:s16], [sflag:$0x7], $0x2800, $0x38;
	[tilespmem:$0x1DA80] =	vst v63  }
0x2c: {  	_ =	swait.ge [sflag:s17], $0x2800  }
0x2d: {  	s3 =	sadd.s32 $0xFFFFFFFF, s8;
	s9 =	smov.u32 s13;
	[sflag:s17] =	ssyncset.done $0x0  }
.LBB2_4:
0x2e: {  	p1 =	sne.s32 s3, $0x1;
	[sflag:s17] =	ssyncadd.s32 $0xFFFFD800;
	s9 =	sadd.s32 $0x28000, s9  }
.Ltmp4:
0x2f: {  	s3 =	sadd.s32 $0xFFFFFFFF, s3;
	(pc) =	sbr.rel @p1 .LBB2_4-.Ltmp4, $4  }
0x30: {  	_ = 	snop  }
0x31: {  	[spmem:s9] =	stream.linear.scatter [tilespmem:s16], [sflag:$0x7], $0x2800, $0x38;
	[tilespmem:$0x1DA80] =	vst v63  }
0x32: {  	_ =	swait.ge [sflag:s17], $0x2800  }
0x33: {  	[sflag:s17] =	ssyncset.done $0x0  }
.LBB2_5:
0x34: {  	[sflag:s17] =	ssyncadd.s32 $0xFFFFD800  }
0x35: {  	[bflag:$0x0] =	sbarrier.arrive $0xFFFF  }
0x36: {  	s3 =	simm.s32 $0x0;
	s9 =	rddreg [dreg:$0x4]  }
0x37: {  	[tilespmem:s3], [sflag:$0x7] =	stream.linear.gather [hbm4b:s9+s3], $0x100, $0x38;
	[tilespmem:$0x1DA80] =	vst v63  }
0x38: {  	_ =	swait.ge [sflag:s17], $0x100  }
.Ltmp5:
0x39: {  	[sflag:s17] =	ssyncset.done $0x0;
	(pc) =	sbr.rel .LBB2_6-.Ltmp5, $4  }
0x3a: {  	[sflag:s17] =	ssyncadd.s32 $0xFFFFFF00  }
0x3b: {  	[tilespmem:s16], [sflag:$0x1] =	stream.indirect.gather [hbm4b:s1+s18], $0x80, s3, s18, $0xb8;
	[tilespmem:$0x1DA80] =	vst v63  }
0x3c: {  	s14 =	rddreg [dreg:$0x5]  }
0x3d: {  	[tilespmem:s19], [sflag:$0x2] =	stream.linear.gather [hbm4b:s14+s3], $0x2800, $0x38;
	[tilespmem:$0x1DA80] =	vst v63  }
.LBB2_16:
0x3e: {  	s3 =	sadd.s32 $0x1, s3  }
0x3f: {  	p1 =	sne.s32 s3, $0x3F  }
.Ltmp6:
0x40: {  	_ = 	snop;
	(pc) =	sbr.rel @!p1 .LBB2_17-.Ltmp6, $1  }
0x41: {  	_ =	sdelay $0x3  }
.LBB2_6:
0x42: {  	s9 =	sshllo.u32 s3, $0x1;
	p1 =	seq.s32 s3, $0x0  }
0x43: {  	p2 =	sgt.u32 @!p1 s9, $0x7C  }
0x44: {  	_ =	swait.ge [sflag:s20], $0x2800;
	p1 =	por p1, p2  }
.Ltmp7:
0x45: {  	[sflag:s20] =	ssyncset.done $0x0;
	(pc) =	sbr.rel @p1 .LBB2_8-.Ltmp7, $4  }
0x46: {  	[sflag:s20] =	ssyncadd.s32 $0xFFFFD800  }
0x47: {  	_ =	swait.ge [sflag:s21], $0x2800  }
0x48: {  	[sflag:s21] =	ssyncset.done $0x0  }
0x49: {  	[sflag:s21] =	ssyncadd.s32 $0xFFFFD800  }
0x4a: {  	_ =	swait.ge [sflag:s22], $0x2800  }
0x4b: {  	[sflag:s22] =	ssyncset.done $0x0  }
0x4c: {  	[sflag:s22] =	ssyncadd.s32 $0xFFFFD800  }
.LBB2_9:
0x4d: {  	s10 =	sshll.u32 s9, $0x5  }
0x4e: {  	s10 =	sor.u32 s7, s10  }
0x4f: {  	s12 =	sshll.u32 s10, $0x5  }
0x50: {  	s12 =	sadd.s32 s5, s12  }
0x51: {  	[tilespmem:s23], [sflag:$0x7] =	stream.linear.gather [hbm4b:s12+s4], $0x100, $0x38;
	[tilespmem:$0x1DA80] =	vst v63  }
0x52: {  	_ =	swait.ge [sflag:s17], $0x100  }
0x53: {  	[sflag:s17] =	ssyncset.done $0x0  }
0x54: {  	s10 =	smul.u32 $0x500, s10;
	[sflag:s17] =	ssyncadd.s32 $0xFFFFFF00  }
0x55: {  	[tilespmem:s24], [sflag:$0x4] =	stream.indirect.gather [hbm4b:s1+s18], $0x80, s23, s18, $0xb8;
	[tilespmem:$0x1DA80] =	vst v63  }
0x56: {  	s10 =	sadd.s32 s6, s10  }
0x57: {  	[tilespmem:s25], [sflag:$0x5] =	stream.linear.gather [hbm4b:s10+s4], $0x2800, $0x38;
	[tilespmem:$0x1DA80] =	vst v63  }
.LBB2_10:
0x58: {  	s10 =	simm.s32 $0x0  }
0x59: {  	v8 =	vld [tilespmem:s10+$0x2A00]  }
0x5a: {  	v12 =	vld [tilespmem:s10+$0x2A10]  }
0x5b: {  	v6 =	vld [tilespmem:s10+$0x2A20]  }
0x5c: {  	v5 =	vld [tilespmem:s10+$0x2A30]  }
0x5d: {  	v4 =	vld [tilespmem:s10+$0x2A40]  }
0x5e: {  	v3 =	vld [tilespmem:s10+$0x2A50]  }
0x5f: {  	v2 =	vld [tilespmem:s10+$0x2A60]  }
0x60: {  	v1 =	vld [tilespmem:s10+$0x2A70]  }
0x61: {  	v13 =	vld [tilespmem:s10+$0x200]  }
0x62: {  	v14 =	vld [tilespmem:s10+$0x210]  }
0x63: {  	v11 =	vld [tilespmem:s10+$0x220]  }
0x64: {  	v10 =	vld [tilespmem:s10+$0x230]  }
0x65: {  	v9 =	vld [tilespmem:s10+$0x240]  }
0x66: {  	v7 =	vld [tilespmem:s10+$0x250];
	v13 =	vmul.f32 v8, v13  }
0x67: {  	s12 =	simm.s32 $0x200;
	v12 =	vmul.f32 v12, v14;
	v8 =	vld [tilespmem:s10+$0x260]  }
.LBB2_11:
0x68: {  	s14 =	sshra.s32 s12, $0x2;
	p1 =	sne.s32 s12, $0x9E00;
	[tilespmem:s10+$0x200] =	vst v13;
	v6 =	vmul.f32 v6, v11;
	v11 =	vld [tilespmem:s10+$0x270]  }
0x69: {  	v13 =	vld [tilespmem:s14+$0x2A00];
	[tilespmem:s10+$0x210] =	vst v12;
	v5 =	vmul.f32 v5, v10  }
0x6a: {  	v12 =	vld [tilespmem:s14+$0x2A10];
	[tilespmem:s10+$0x220] =	vst v6;
	v4 =	vmul.f32 v4, v9  }
0x6b: {  	v6 =	vld [tilespmem:s14+$0x2A20];
	[tilespmem:s10+$0x230] =	vst v5;
	v3 =	vmul.f32 v3, v7  }
0x6c: {  	v5 =	vld [tilespmem:s14+$0x2A30];
	[tilespmem:s10+$0x240] =	vst v4;
	v2 =	vmul.f32 v2, v8  }
0x6d: {  	v4 =	vld [tilespmem:s14+$0x2A40];
	[tilespmem:s10+$0x250] =	vst v3;
	v1 =	vmul.f32 v1, v11  }
0x6e: {  	v3 =	vld [tilespmem:s14+$0x2A50];
	[tilespmem:s10+$0x260] =	vst v2  }
0x6f: {  	v2 =	vld [tilespmem:s14+$0x2A60];
	[tilespmem:s10+$0x270] =	vst v1;
	s10 =	smov.u32 s14  }
0x70: {  	v1 =	vld [tilespmem:s10+$0x2A70]  }
0x71: {  	v7 =	vld [tilespmem:s10+$0x200]  }
0x72: {  	v8 =	vld [tilespmem:s10+$0x210]  }
.Ltmp8:
0x73: {  	v11 =	vld [tilespmem:s10+$0x220];
	(pc) =	sbr.rel @p1 .LBB2_11-.Ltmp8, $4  }
0x74: {  	v10 =	vld [tilespmem:s10+$0x230]  }
0x75: {  	v9 =	vld [tilespmem:s10+$0x240]  }
0x76: {  	v13 =	vmul.f32 v13, v7;
	v7 =	vld [tilespmem:s10+$0x250]  }
0x77: {  	s12 =	sadd.s32 $0x200, s12;
	v12 =	vmul.f32 v12, v8;
	v8 =	vld [tilespmem:s10+$0x260]  }
0x78: {  	[tilespmem:s10+$0x200] =	vst v13;
	v6 =	vmul.f32 v6, v11;
	v63 =	vld [tilespmem:s10+$0x270]  }
0x79: {  	[tilespmem:s10+$0x210] =	vst v12;
	v5 =	vmul.f32 v5, v10  }
0x7a: {  	[tilespmem:s10+$0x220] =	vst v6;
	v4 =	vmul.f32 v4, v9  }
0x7b: {  	p1 =	sgt.u32 s9, $0x7C;
	[tilespmem:s10+$0x230] =	vst v5;
	v3 =	vmul.f32 v3, v7  }
.Ltmp9:
0x7c: {  	[tilespmem:s10+$0x240] =	vst v4;
	v2 =	vmul.f32 v2, v8;
	(pc) =	sbr.rel @p1 .LBB2_16-.Ltmp9, $4  }
0x7d: {  	[tilespmem:s10+$0x250] =	vst v3;
	v1 =	vmul.f32 v1, v63  }
0x7e: {  	[tilespmem:s10+$0x260] =	vst v2  }
0x7f: {  	[tilespmem:s10+$0x270] =	vst v1  }
0x80: {  	[spmem:s2] =	stream.indirect.scatter.add.f32 [tilespmem:s16], [sflag:$0x3], $0x80, s26, s18, $0xb8;
	[tilespmem:$0x1DA80] =	vst v63  }
0x81: {  	_ =	swait.ge [sflag:s28], $0x2800  }
0x82: {  	[sflag:s28] =	ssyncset.done $0x0  }
0x83: {  	[sflag:s28] =	ssyncadd.s32 $0xFFFFD800  }
0x84: {  	_ =	swait.ge [sflag:s29], $0x2800  }
0x85: {  	[sflag:s29] =	ssyncset.done $0x0  }
0x86: {  	s9 =	sshll.u32 s3, $0x6;
	[sflag:s29] =	ssyncadd.s32 $0xFFFFD800  }
0x87: {  	s9 =	sadd.s32 s11, s9;
	_ =	swait.ge [sflag:s30], $0x2800  }
0x88: {  	s10 =	sshll.u32 s9, $0x5;
	[sflag:s30] =	ssyncset.done $0x0  }
0x89: {  	s12 =	simm.s32 $0x0;
	s10 =	sadd.s32 s5, s10;
	[sflag:s30] =	ssyncadd.s32 $0xFFFFD800  }
0x8a: {  	[tilespmem:s12], [sflag:$0x7] =	stream.linear.gather [hbm4b:s10+s12], $0x100, $0x38;
	[tilespmem:$0x1DA80] =	vst v63  }
0x8b: {  	_ =	swait.ge [sflag:s17], $0x100  }
0x8c: {  	[sflag:s17] =	ssyncset.done $0x0  }
0x8d: {  	s9 =	smul.u32 $0x500, s9;
	[sflag:s17] =	ssyncadd.s32 $0xFFFFFF00  }
0x8e: {  	[tilespmem:s16], [sflag:$0x1] =	stream.indirect.gather [hbm4b:s1+s18], $0x80, s12, s18, $0xb8;
	[tilespmem:$0x1DA80] =	vst v63  }
0x8f: {  	s9 =	sadd.s32 s6, s9  }
0x90: {  	[tilespmem:s19], [sflag:$0x2] =	stream.linear.gather [hbm4b:s9+s12], $0x2800, $0x38;
	[tilespmem:$0x1DA80] =	vst v63  }
0x91: {  	s9 =	simm.s32 $0x0  }
0x92: {  	v8 =	vld [tilespmem:s9+$0x7A00]  }
0x93: {  	v12 =	vld [tilespmem:s9+$0x7A10]  }
0x94: {  	v6 =	vld [tilespmem:s9+$0x7A20]  }
0x95: {  	v5 =	vld [tilespmem:s9+$0x7A30]  }
0x96: {  	v4 =	vld [tilespmem:s9+$0x7A40]  }
0x97: {  	v3 =	vld [tilespmem:s9+$0x7A50]  }
0x98: {  	v2 =	vld [tilespmem:s9+$0x7A60]  }
0x99: {  	v1 =	vld [tilespmem:s9+$0x7A70]  }
0x9a: {  	v13 =	vld [tilespmem:s9+$0x5200]  }
0x9b: {  	v14 =	vld [tilespmem:s9+$0x5210]  }
0x9c: {  	v11 =	vld [tilespmem:s9+$0x5220]  }
0x9d: {  	v10 =	vld [tilespmem:s9+$0x5230]  }
0x9e: {  	v9 =	vld [tilespmem:s9+$0x5240]  }
0x9f: {  	v7 =	vld [tilespmem:s9+$0x5250];
	v13 =	vmul.f32 v8, v13  }
0xa0: {  	s10 =	simm.s32 $0x200;
	v12 =	vmul.f32 v12, v14;
	v8 =	vld [tilespmem:s9+$0x5260]  }
.LBB2_14:
0xa1: {  	s12 =	sshra.s32 s10, $0x2;
	p1 =	sne.s32 s10, $0x9E00;
	[tilespmem:s9+$0x5200] =	vst v13;
	v6 =	vmul.f32 v6, v11;
	v11 =	vld [tilespmem:s9+$0x5270]  }
0xa2: {  	v13 =	vld [tilespmem:s12+$0x7A00];
	[tilespmem:s9+$0x5210] =	vst v12;
	v5 =	vmul.f32 v5, v10  }
0xa3: {  	v12 =	vld [tilespmem:s12+$0x7A10];
	[tilespmem:s9+$0x5220] =	vst v6;
	v4 =	vmul.f32 v4, v9  }
0xa4: {  	v6 =	vld [tilespmem:s12+$0x7A20];
	[tilespmem:s9+$0x5230] =	vst v5;
	v3 =	vmul.f32 v3, v7  }
0xa5: {  	v5 =	vld [tilespmem:s12+$0x7A30];
	[tilespmem:s9+$0x5240] =	vst v4;
	v2 =	vmul.f32 v2, v8  }
0xa6: {  	v4 =	vld [tilespmem:s12+$0x7A40];
	[tilespmem:s9+$0x5250] =	vst v3;
	v1 =	vmul.f32 v1, v11  }
0xa7: {  	v3 =	vld [tilespmem:s12+$0x7A50];
	[tilespmem:s9+$0x5260] =	vst v2  }
0xa8: {  	v2 =	vld [tilespmem:s12+$0x7A60];
	[tilespmem:s9+$0x5270] =	vst v1;
	s9 =	smov.u32 s12  }
0xa9: {  	v1 =	vld [tilespmem:s9+$0x7A70]  }
0xaa: {  	v7 =	vld [tilespmem:s9+$0x5200]  }
0xab: {  	v8 =	vld [tilespmem:s9+$0x5210]  }
.Ltmp10:
0xac: {  	v11 =	vld [tilespmem:s9+$0x5220];
	(pc) =	sbr.rel @p1 .LBB2_14-.Ltmp10, $4  }
0xad: {  	v10 =	vld [tilespmem:s9+$0x5230]  }
0xae: {  	v9 =	vld [tilespmem:s9+$0x5240]  }
0xaf: {  	v13 =	vmul.f32 v13, v7;
	v7 =	vld [tilespmem:s9+$0x5250]  }
0xb0: {  	s10 =	sadd.s32 $0x200, s10;
	v12 =	vmul.f32 v12, v8;
	v8 =	vld [tilespmem:s9+$0x5260]  }
0xb1: {  	[tilespmem:s9+$0x5200] =	vst v13;
	v6 =	vmul.f32 v6, v11;
	v63 =	vld [tilespmem:s9+$0x5270]  }
0xb2: {  	[tilespmem:s9+$0x5210] =	vst v12;
	v5 =	vmul.f32 v5, v10  }
0xb3: {  	[tilespmem:s9+$0x5220] =	vst v6;
	v4 =	vmul.f32 v4, v9  }
0xb4: {  	[tilespmem:s9+$0x5230] =	vst v5;
	v3 =	vmul.f32 v3, v7  }
.Ltmp11:
0xb5: {  	[tilespmem:s9+$0x5240] =	vst v4;
	v2 =	vmul.f32 v2, v8;
	(pc) =	sbr.rel .LBB2_16-.Ltmp11, $4  }
0xb6: {  	[tilespmem:s9+$0x5250] =	vst v3;
	v1 =	vmul.f32 v1, v63  }
0xb7: {  	[tilespmem:s9+$0x5260] =	vst v2  }
0xb8: {  	[tilespmem:s9+$0x5270] =	vst v1  }
0xb9: {  	[spmem:s2] =	stream.indirect.scatter.add.f32 [tilespmem:s24], [sflag:$0x6], $0x80, s31, s18, $0xb8;
	[tilespmem:$0x1DA80] =	vst v63  }
.LBB2_8:
0xba: {  	p1 =	sgt.u32 s9, $0x7C  }
.Ltmp12:
0xbb: {  	_ = 	snop;
	(pc) =	sbr.rel @p1 .LBB2_10-.Ltmp12, $4  }
.Ltmp13:
0xbc: {  	_ = 	snop;
	(pc) =	sbr.rel @!p1 .LBB2_9-.Ltmp13, $4  }
0xbd: {  	_ = 	snop  }
0xbe: {  	_ = 	snop  }
0xbf: {  	_ = 	snop  }
0xc0: {  	_ = 	snop  }
.LBB2_17:
0xc1: {  	_ =	swait.ge [sflag:s30], $0x2800  }
0xc2: {  	[sflag:s30] =	ssyncset.done $0x0  }
0xc3: {  	[sflag:s30] =	ssyncadd.s32 $0xFFFFD800  }
.Ltmp14:
0xc4: {  	_ =	swait.ge [sflag:s22], $0x2800;
	(pc) =	sbr.rel @!p0 .LBB2_18-.Ltmp14, $4  }
0xc5: {  	[sflag:s22] =	ssyncset.done $0x0  }
0xc6: {  	s3 =	stileid.u32;
	[sflag:s22] =	ssyncadd.s32 $0xFFFFD800  }
0xc7: {  	s3 =	sshll.u32 s3, $0x6;
	[bflag:$0x0] =	sbarrier.arrive $0xFFFF  }
0xc8: {  	s9 =	sshrl.u32 s13, $0x3;
	s3 =	sor.u32 $0x1C07, s3  }
0xc9: {  	p1 =	sne.s32 s8, $0x1  }
.Ltmp15:
0xca: {  	_ = 	snop;
	(pc) =	sbr.rel @!p1 .LBB2_23-.Ltmp15, $4  }
0xcb: {  	_ = 	snop  }
0xcc: {  	[hbm:s15], [sflag:s3] =	dma.local [spmem:s9], $0x500  }
0xcd: {  	s9 =	sadd.s32 $0xFFFFFFFF, s8  }
0xce: {  	s10 =	sadd.s32 $0x5000, s15;
	s12 =	smov.u32 s13;
	_ =	swait.ge [sflag:s17], $0x500  }
.LBB2_22:
0xcf: {  	[sflag:s17] =	ssyncset.done $0x0;
	s12 =	sadd.s32 $0x28000, s12;
	p1 =	sne.s32 s9, $0x1  }
.Ltmp16:
0xd0: {  	s14 =	sshrl.u32 s12, $0x3;
	[sflag:s17] =	ssyncadd.s32 $0xFFFFFB00;
	(pc) =	sbr.rel @p1 .LBB2_22-.Ltmp16, $3  }
0xd1: {  	[hbm:s10], [sflag:s3] =	dma.local [spmem:s14], $0x500  }
0xd2: {  	s9 =	sadd.s32 $0xFFFFFFFF, s9;
	_ =	sdelay $0x1  }
0xd3: {  	s10 =	sadd.s32 $0x5000, s10;
	_ =	swait.ge [sflag:s17], $0x500  }
.Ltmp17:
0xd4: {  	_ = 	snop;
	(pc) =	sbr.rel .LBB2_23-.Ltmp17, $1  }
0xd5: {  	_ =	sdelay $0x3  }
.LBB2_18:
0xd6: {  	p1 =	seq.s32 s8, $0x1  }
.Ltmp18:
0xd7: {  	_ = 	snop;
	(pc) =	sbr.rel @p1 .LBB2_20-.Ltmp18, $4  }
0xd8: {  	_ = 	snop  }
0xd9: {  	s10 =	rddreg [dreg:$0x7];
	s12 =	smov.u32 s13  }
0xda: {  	[hbm:s10], [sflag:s3] =	dma.local [spmem:s9], $0x500  }
0xdb: {  	s9 =	sadd.s32 $0xFFFFFFFF, s8;
	s10 =	sadd.s32 $0x5000, s10;
	_ =	swait.ge [sflag:s17], $0x500  }
.LBB2_19:
0xdc: {  	[sflag:s17] =	ssyncset.done $0x0;
	s12 =	sadd.s32 $0x28000, s12;
	p1 =	seq.s32 s9, $0x1  }
.Ltmp19:
0xdd: {  	s14 =	sshrl.u32 s12, $0x3;
	[sflag:s17] =	ssyncadd.s32 $0xFFFFFB00;
	(pc) =	sbr.rel @!p1 .LBB2_19-.Ltmp19, $3  }
0xde: {  	[hbm:s10], [sflag:s3] =	dma.local [spmem:s14], $0x500  }
0xdf: {  	s9 =	sadd.s32 $0xFFFFFFFF, s9;
	_ =	sdelay $0x1  }
0xe0: {  	s10 =	sadd.s32 $0x5000, s10;
	_ =	swait.ge [sflag:s17], $0x500  }
.LBB2_20:
.Ltmp20:
0xe1: {  	(pc) =	sbr.rel .LBB2_24-.Ltmp20, $3  }
0xe2: {  	_ =	sdelay $0x1  }
0xe3: {  	[sflag:s17] =	ssyncset.done $0x0  }
0xe4: {  	[sflag:s17] =	ssyncadd.s32 $0xFFFFFB00  }
.LBB2_25:
0xe5: {  	_ =	sfence.sel $0x180000  }
0xe6: {  	[bflag:$0x0] =	sbarrier.arrive $0xFFFF  }
0xe7: {  	_ =	strace $0x9000004D  }
0xe8: {  	s0 =	stileid.u32;
	[bflag:$0x2] =	sbarrier.arrive $0xFFFF  }
0xe9: {  	p0 =	sne.s32 s0, $0x0;
	s0 =	rddreg [dreg:$0x3]  }
0xea: {  	s0 =	sadd.s32 @!p0 $0x100000, s0  }
0xeb: {  	[sflag:s0] =	ssyncadd.tile.s32 @!p0 $0x1;
	_ =	shalt  }
.Lfunc_end2:
_tile_overlayer_lowered:
.L_overlay_start_2:
0xec: {  	(tag) =	ssettag $0x2  }
0xed: {  	s0 =	rddreg [dreg:$0x0];
	s2 =	stileid.u32  }
0xee: {  	s1 =	rddreg [dreg:$0x1];
	p0 =	sne.s32 s2, $0x0  }
0xef: {  	s3 =	rddreg [dreg:$0x2];
	[bflag:$0x3] =	sbarrier.arrive $0xFFFF;
	s2 =	simm.s32 @!p0 $0x1C07  }
0xf0: {  	[timem:s3], [sflag:s2] =	dma.local @!p0 [hbm:s0], s1  }
0xf1: {  	s0 =	simm.s32 @!p0 $0x7  }
0xf2: {  	_ =	swait.ge @!p0 [sflag:s0], s1  }
0xf3: {  	s1 =	ssub.s32 @!p0 $0x0, s1;
	[sflag:s0] =	ssyncset.done @!p0 $0x0  }
0xf4: {  	[sflag:s0] =	ssyncadd.s32 @!p0 s1  }
0xf5: {  	[bflag:$0x3] =	sbarrier.arrive $0xFFFF  }
0xf6: {  	_ =	shalt  }

// kernel: kernel.9.cloned.1.call-start
scs
__scs_entry_jumppad:
0x0: {  	(pc) =	sbr.rel $0x88, $3  }
0x1: {  	(tag) =	ssettag $0x0;
	lr =	simm.s32 $0x1  }
0x2: {  	[smem:$0x3F94] =	sst lr;
	_ =	strace $0xD0000000  }
0x3: {  	_ = 	snop  }
0x4: {  	_ = 	snop  }
0x5: {  	_ = 	snop  }
0x6: {  	_ = 	snop  }
0x7: {  	_ = 	snop  }
__scs_overlays_trampoline_lowered:
0x8: {  	[smem:$0x3FA3] =	sst s0  }
0x9: {  	[smem:$0x3FA4] =	sst s1  }
0xa: {  	[smem:$0x3FA5] =	sst s2  }
0xb: {  	[smem:$0x3FA6] =	sst s3  }
0xc: {  	[smem:$0x3FA7] =	sst s4  }
0xd: {  	[smem:$0x3FA8] =	sst s5  }
0xe: {  	[smem:$0x3FA9] =	sst s6  }
0xf: {  	[smem:$0x3FAA] =	sst s7  }
0x10: {  	[smem:$0x3FAB] =	sst s8  }
0x11: {  	[smem:$0x3FAC] =	sst s9;
	s0 =	simm.s32 @!p0 $0x0  }
0x12: {  	s1 =	sld [smem:$0x3F92];
	s0 =	simm.s32 @p0 $0x1  }
0x13: {  	[smem:$0x3FAD] =	sst s0;
	s0 =	simm.s32 @!p1 $0x0  }
0x14: {  	s2 =	sld [smem:$0x3F91];
	s0 =	simm.s32 @p1 $0x1  }
0x15: {  	[smem:$0x3FAE] =	sst s0;
	s0 =	simm.s32 @!p2 $0x0  }
0x16: {  	s3 =	sld [smem:$0x3FDB];
	s0 =	simm.s32 @p2 $0x1  }
0x17: {  	s4 =	simm.s32 $0x1BF5;
	[smem:$0x3FB0] =	sst s0  }
0x18: {  	s0 =	sld [smem:$0x3F93];
	_ =	swait.ge [sflag:s4], $0x0  }
0x19: {  	s7 =	sld [smem:$0x3F94]  }
0x1a: {  	s8 =	sadd.s32 $0xFFFFE003, lr  }
0x1b: {  	s9 =	sadd.s32 $0xFFFFFEF7, lr;
	s5 =	simm.s32 $0xFFFFFFFF;
	p2 =	slt.u32 s8, $0xFFFFF086  }
0x1c: {  	p1 =	slt.u32 s9, $0xF7A;
	s5 =	simm.s32 @!p2 $0x0  }
0x1d: {  	s5 =	simm.s32 @p1 $0x1;
	p0 =	seq.s32 s7, s2  }
0x1e: {  	s7 =	smul.u32 @!p0 $0xF7A, s2;
	p2 =	seq.s32 @!p0 s5, $0x0  }
0x1f: {  	s9 =	smul.u32 $0xF7A, s1;
	s8 =	simm.s32 @!p0 $0x1BF5;
	p2 =	por !p2, p0  }
0x20: {  	[sflag:s8] =	ssyncset.s32 @!p0 $0xFFFFF086;
	s6 =	sadd.s32 @!p0 s3, s7;
	s7 =	simm.s32 @!p0 $0x108  }
0x21: {  	s3 =	sadd.s32 s3, s9;
	s6 =	sadd.s32 @!p0 $0x88, s6;
	s7 =	simm.s32 @p2 $0x1082  }
0x22: {  	[simem:s7], [sflag:s8] =	dma.local @!p0 [hbm:s6], $0xF7A  }
0x23: {  	s9 =	sor.u32 $0xD0000000, s2;
	s6 =	simm.s32 $0x108;
	_ =	swait.ge @!p0 [sflag:s8], $0x0  }
0x24: {  	s3 =	sadd.s32 $0x88, s3;
	s6 =	simm.s32 @!p1 $0x1082;
	[sflag:s4] =	ssyncset.s32 $0xFFFFF086  }
0x25: {  	[simem:s6], [sflag:s4] =	dma.local [hbm:s3], $0xF7A  }
0x26: {  	[smem:$0x3F94] =	sst s1;
	(tag) =	ssettag s2;
	_ =	strace s9  }
0x27: {  	s1 =	sld [smem:$0x3FA4]  }
0x28: {  	s2 =	sld [smem:$0x3FA5]  }
0x29: {  	s4 =	sld [smem:$0x3FA7]  }
0x2a: {  	p0 =	seq.s32 s5, $0x0;
	s5 =	sld [smem:$0x3FA8]  }
0x2b: {  	s6 =	sld [smem:$0x3FA9]  }
0x2c: {  	s7 =	sld [smem:$0x3FAA]  }
0x2d: {  	s3 =	simm.s32 $0x108;
	s8 =	sld [smem:$0x3FAB]  }
0x2e: {  	s3 =	simm.s32 @!p0 $0x1082;
	s9 =	sld [smem:$0x3FAC]  }
0x2f: {  	lr =	sadd.s32 s0, s3;
	s0 =	sld [smem:$0x3FA3]  }
0x30: {  	s3 =	sld [smem:$0x3FA6]  }
0x31: {  	[smem:$0x3FAF] =	sst s10  }
0x32: {  	s10 =	sld [smem:$0x3FAD];
	_ =	sdelay $0x3  }
0x33: {  	p0 =	seq.s32 s10, $0x1;
	s10 =	sld [smem:$0x3FAF];
	_ =	sdelay $0x3  }
0x34: {  	[smem:$0x3FAF] =	sst s10  }
0x35: {  	s10 =	sld [smem:$0x3FAE];
	_ =	sdelay $0x3  }
0x36: {  	p1 =	seq.s32 s10, $0x1;
	s10 =	sld [smem:$0x3FAF];
	_ =	sdelay $0x3  }
0x37: {  	[smem:$0x3FAF] =	sst s10  }
0x38: {  	s10 =	sld [smem:$0x3FB0]  }
0x39: {  	_ = 	snop;
	(pc) =	sbr.ind lr, $3  }
0x3a: {  	_ = 	snop  }
0x3b: {  	_ = 	snop  }
0x3c: {  	p2 =	seq.s32 s10, $0x1;
	s10 =	sld [smem:$0x3FAF]  }
0x3d: {  	_ =	shalt  }
0x3e: {  	_ =	shalt  }
0x3f: {  	_ =	shalt  }
0x40: {  	_ =	shalt  }
0x41: {  	_ =	shalt  }
0x42: {  	_ =	shalt  }
0x43: {  	_ =	shalt  }
0x44: {  	_ =	shalt  }
0x45: {  	_ =	shalt  }
0x46: {  	_ =	shalt  }
0x47: {  	_ =	shalt  }
0x48: {  	_ =	shalt  }
0x49: {  	_ =	shalt  }
0x4a: {  	_ =	shalt  }
0x4b: {  	_ =	shalt  }
0x4c: {  	_ =	shalt  }
0x4d: {  	_ =	shalt  }
0x4e: {  	_ =	shalt  }
0x4f: {  	_ =	shalt  }
0x50: {  	_ =	shalt  }
0x51: {  	_ =	shalt  }
0x52: {  	_ =	shalt  }
0x53: {  	_ =	shalt  }
0x54: {  	_ =	shalt  }
0x55: {  	_ =	shalt  }
0x56: {  	_ =	shalt  }
0x57: {  	_ =	shalt  }
0x58: {  	_ =	shalt  }
0x59: {  	_ =	shalt  }
0x5a: {  	_ =	shalt  }
0x5b: {  	_ =	shalt  }
0x5c: {  	_ =	shalt  }
0x5d: {  	_ =	shalt  }
0x5e: {  	_ =	shalt  }
0x5f: {  	_ =	shalt  }
0x60: {  	_ =	shalt  }
0x61: {  	_ =	shalt  }
0x62: {  	_ =	shalt  }
0x63: {  	_ =	shalt  }
0x64: {  	_ =	shalt  }
0x65: {  	_ =	shalt  }
0x66: {  	_ =	shalt  }
0x67: {  	_ =	shalt  }
0x68: {  	_ =	shalt  }
0x69: {  	_ =	shalt  }
0x6a: {  	_ =	shalt  }
0x6b: {  	_ =	shalt  }
0x6c: {  	_ =	shalt  }
0x6d: {  	_ =	shalt  }
0x6e: {  	_ =	shalt  }
0x6f: {  	_ =	shalt  }
0x70: {  	_ =	shalt  }
0x71: {  	_ =	shalt  }
0x72: {  	_ =	shalt  }
0x73: {  	_ =	shalt  }
0x74: {  	_ =	shalt  }
0x75: {  	_ =	shalt  }
0x76: {  	_ =	shalt  }
0x77: {  	_ =	shalt  }
0x78: {  	_ =	shalt  }
0x79: {  	_ =	shalt  }
0x7a: {  	_ =	shalt  }
0x7b: {  	_ =	shalt  }
0x7c: {  	_ =	shalt  }
0x7d: {  	_ =	shalt  }
0x7e: {  	_ =	shalt  }
0x7f: {  	_ =	shalt  }
0x80: {  	_ =	shalt  }
0x81: {  	_ =	shalt  }
0x82: {  	_ =	shalt  }
0x83: {  	_ =	shalt  }
0x84: {  	_ =	shalt  }
0x85: {  	_ =	shalt  }
0x86: {  	_ =	shalt  }
0x87: {  	_ =	shalt  }
.Lfunc_end0:
.L_simem_size_0:
called_computation_lowered:
.L_overlay_start_0:
0x88: {  	s2 =	sld [smem:$0x3FD9]  }
0x89: {  	s3 =	sld [smem:$0x3FFE];
	_ =	sdelay $0x1  }
0x8a: {  	s1 =	srdreg.scid  }
0x8b: {  	s0 =	sand.u32 $0x1, s1  }
0x8c: {  	s17 =	sshll.u32 s0, $0xA;
	s2 =	sadd.s32 s3, s2  }
0x8d: {  	s2 =	sadd.s32 s2, s17  }
0x8e: {  	[smem:$0x3FBB] =	sst s2  }
0x8f: {  	_ = 	snop  }
0x90: {  	s2 =	sld [smem:$0x3FD0];
	(tm) =	ssettm $0x1  }
0x91: {  	s18 =	sld [smem:$0x3FFB];
	_ =	sdelay $0x3  }
0x92: {  	_ =	strace s18  }
0x93: {  	s3 =	sld [smem:$0x3FFC];
	_ =	sdelay $0x3  }
0x94: {  	_ =	strace s3  }
0x95: {  	s3 =	sld [smem:$0x3FFD];
	_ =	sdelay $0x3  }
0x96: {  	_ =	strace s3  }
0x97: {  	_ =	strace $0x8FFFFFFF  }
0x98: {  	s19 =	sld [smem:$0x3FDB];
	_ =	sdelay $0x1  }
0x99: {  	s4 =	simm.s32 $_scs_section_size  }
0x9a: {  	s5 =	simm.s32 $_size__tile_overlayer_lowered;
	s6 =	simm.s32 $_tile_overlayer_lowered  }
0x9b: {  	s22 =	simm.s32 $0x1BFF;
	s21 =	sshll.u32 s6, $0x1;
	s3 =	sadd.s32 s4, s19  }
0x9c: {  	s7 =	simm.s32 $0x0;
	s20 =	sshll.u32 s5, $0x1;
	s5 =	sadd.s32 s21, s3  }
0x9d: {  	[timem:s7], [sflag:s22] =	dma.local [hbm:s5], s20  }
0x9e: {  	_ =	swait.ge [sflag:s22], s20  }
0x9f: {  	s4 =	ssub.s32 $0x0, s20;
	[sflag:s22] =	ssyncset.done $0x0  }
0xa0: {  	[sflag:s22] =	ssyncadd.s32 s4;
	_ =	sdelay $0x1  }
0xa1: {  	s23 =	simm.s32 $0x1B8B  }
0xa2: {  	_ =	swait.ge [sflag:s23], $0x1  }
0xa3: {  	[sflag:s23] =	ssyncset.done $0x0  }
0xa4: {  	s25 =	simm.s32 $0x1B8E;
	s24 =	sld [smem:$0x3FFE];
	[sflag:s23] =	ssyncadd.s32 $0xFFFFFFFF  }
0xa5: {  	s26 =	simm.s32 $execute0_lowered;
	[smem:$0x3FD2] =	sst s25  }
0xa6: {  	s5 =	sshll.u32 s26, $0x1;
	_ =	strace $0x80000046;
	[dreg:$0x1] =	wrdreg $0xFFFFFFFF  }
0xa7: {  	s28 =	simm.s32 $_size_execute0_lowered;
	s3 =	sadd.s32 s3, s5;
	[dreg:$0x0] =	wrdreg $0x0  }
0xa8: {  	s5 =	sshll.u32 s28, $0x1;
	[dreg:$0x2] =	wrdreg s3  }
0xa9: {  	[dreg:$0x3] =	wrdreg s5  }
0xaa: {  	[dreg:$0x4] =	wrdreg $0xC0  }
0xab: {  	_ =	task [dreg:s7], $0x5FFFF  }
0xac: {  	[dreg:$0x1] =	wrdreg $0xFFFFFFFF  }
0xad: {  	[dreg:$0x0] =	wrdreg $0x60  }
0xae: {  	[dreg:$0x2] =	wrdreg s2  }
0xaf: {  	[dreg:$0x3] =	wrdreg s24  }
0xb0: {  	[dreg:$0x4] =	wrdreg $0xC2000  }
0xb1: {  	[dreg:$0x5] =	wrdreg $0x9  }
0xb2: {  	_ =	task.clear_ibuf [dreg:s7], $0x6FFFF;
	_ =	strace $0x90000046  }
0xb3: {  	s29 =	simm.s32 $0x9;
	_ =	strace $0x80000048  }
0xb4: {  	_ =	swait.ge [sflag:s29], $0x1  }
0xb5: {  	[sflag:s29] =	ssyncadd.s32 $0xFFFFFFFF  }
0xb6: {  	_ =	strace $0x90000048  }
0xb7: {  	_ =	sfence  }
0xb8: {  	s30 =	sld [smem:$0x0];
	_ =	sdelay $0x2  }
0xb9: {  	s31 =	sshll.u32 s1, $0xD;
	s1 =	sshrl.u32 s1, $0x2  }
0xba: {  	s3 =	sand.u32 $0x4000, s31;
	s1 =	sadd.s32 s1, s30  }
0xbb: {  	s0 =	sor.u32 s3, s0;
	s1 =	sshll.u32 s1, $0x11  }
0xbc: {  	s0 =	sor.u32 s1, s0  }
0xbd: {  	s0 =	sadd.s32 $0x8F2B, s0  }
0xbe: {  	[sflag:s0] =	ssyncadd.remote.s32 $0x1  }
0xbf: {  	_ =	sfence.sel $0xFFFF  }
0xc0: {  	[dreg:$0x0] =	wrdreg $0xFFFFFFFF;
	(pc) =	sbr.abs _section_cstart, $3  }
0xc1: {  	[dreg:$0x1] =	wrdreg $0xFFFFFFFF  }
0xc2: {  	_ =	task.clear_ibuf [dreg:s7], $0x2FFFF;
	_ =	strace $0x9FFFFFFF  }
0xc3: {  	(tm) =	ssettm $0x7FFFFFFF  }
tec
execute0_lowered:
.L_overlay_start_1:
0x0: {  	(tag) =	ssettag $0x1  }
0x1: {  	s1 =	rddreg [dreg:$0x0]  }
0x2: {  	s0 =	rddreg [dreg:$0x1]  }
0x3: {  	s2 =	rddreg [dreg:$0x2];
	s3 =	simm.s32 $0x0;
	s6 =	srdreg.scid  }
0x4: {  	s14 =	stileid.u32;
	s28 =	simm.s32 $0x80;
	s29 =	simm.s32 $0x2200  }
0x5: {  	s30 =	simm.s32 $0x1;
	s31 =	simm.s32 $0x2;
	[smem:$0x7FF] =	sst s3  }
0x6: {  	s4 =	sadd.s32 $0x4A00, s0;
	s8 =	sand.u32 $0x1, s6;
	s6 =	sadd.s32 $0x4E6A00, s0  }
0x7: {  	s5 =	sadd.s32 $0x2BC00, s0;
	s7 =	sadd.s32 $0x9C8A00, s0;
	s13 =	sadd.s32 $0xA1200, s0  }
0x8: {  	s16 =	sadd.s32 $0xC8400, s0;
	s11 =	sshll.u32 s14, $0x1;
	s12 =	ssub.s32 $0xAB, s14  }
0x9: {  	s15 =	sshll.u32 s14, $0xD;
	s18 =	sadd.s32 $0x138000, s2;
	s25 =	sshll.u32 s14, $0xA  }
0xa: {  	p1 =	sne.s32 s14, $0x0;
	p2 =	seq.s32 s14, $0x0;
	_ =	strace $0x80000047  }
0xb: {  	s9 =	ssub.s32 $0x2, s8;
	s11 =	sor.u32 s8, s11;
	[dreg:$0x8] =	wrdreg s18  }
0xc: {  	s21 =	sshrl.u32 s12, $0x4;
	s17 =	sadd.s32 s15, s2;
	[dreg:$0x4] =	wrdreg s13  }
0xd: {  	p0 =	seq.s32 s8, $0x1;
	[dreg:$0x5] =	wrdreg s16;
	s8 =	simm.s32 $0x7  }
0xe: {  	s10 =	sshrl.u32 s9, $0x1;
	[dreg:$0x7] =	wrdreg s17;
	s19 =	ssub.s32 $0x13A7, s11  }
0xf: {  	s20 =	sshll.u32 s11, $0x5;
	s12 =	sshll.u32 s11, $0xA;
	s18 =	sshll.u32 s11, $0xD  }
0x10: {  	[dreg:$0x6] =	wrdreg s21;
	s26 =	ssub.s32 s9, s10;
	s22 =	sadd.s32 s1, s20  }
0x11: {  	s15 =	sshrl.u32 s19, $0x5;
	s23 =	sadd.s32 s6, s12;
	[dreg:$0x9] =	wrdreg s22  }
0x12: {  	s10 =	simm.s32 $0x8;
	s9 =	simm.s32 $0x8200;
	[dreg:$0xa] =	wrdreg s23  }
.Ltmp0:
0x13: {  	s24 =	sadd.s32 $0x1, s15;
	s0 =	smax.u32 s26, $0x1;
	(pc) =	sbr.rel .LBB2_1-.Ltmp0, $4  }
0x14: {  	s26 =	sadd.s32 s25, s13;
	s23 =	simm.s32 $0x4200;
	[dreg:$0xb] =	wrdreg s0  }
0x15: {  	s19 =	sshrl.u32 s24, $0x1;
	[dreg:$0xc] =	wrdreg s26;
	s0 =	sadd.s32 s25, s16  }
0x16: {  	s24 =	simm.s32 $0xB;
	s25 =	simm.s32 $0x40;
	s26 =	simm.s32 $0x6  }
0x17: {  	v0 =	vimm.f32 $0.0e+00;
	s16 =	simm.s32 $0x0;
	[dreg:$0xd] =	wrdreg s0;
	s0 =	simm.s32 $0x3  }
.LBB2_23:
0x18: {  	s13 =	rddreg [dreg:$0x8]  }
0x19: {  	s12 =	sadd.s32 $0x27000, s12;
	s14 =	simm.s32 $0x1C0B;
	s13 =	sshrl.u32 s13, $0x3  }
0x1a: {  	[hbm:s12], [sflag:s14] =	dma.local [spmem:s13], $0x100  }
0x1b: {  	_ =	swait.ge [sflag:s24], $0x100  }
0x1c: {  	[sflag:s24] =	ssyncset.done $0x0  }
0x1d: {  	[sflag:s24] =	ssyncadd.s32 $0xFFFFFF00  }
.LBB2_24:
0x1e: {  	s16 =	sadd.s32 $0x1, s16;
	s12 =	rddreg [dreg:$0xb]  }
0x1f: {  	p3 =	sne.s32 s16, s12  }
.Ltmp1:
0x20: {  	_ = 	snop;
	(pc) =	sbr.rel @!p3 .LBB2_25-.Ltmp1, $1  }
0x21: {  	_ =	sdelay $0x3  }
.LBB2_1:
0x22: {  	[dreg:$0xe] =	wrdreg s16;
	s12 =	simm.s32 $0x0;
	s13 =	simm.s32 $0x200  }
.LBB2_2:
0x23: {  	p3 =	sne.s32 s13, $0x7E00;
	[tilespmem:s12+$0x4270] =	vst v0  }
0x24: {  	[tilespmem:s12+$0x4200] =	vst v0  }
0x25: {  	[tilespmem:s12+$0x4210] =	vst v0  }
.Ltmp2:
0x26: {  	[tilespmem:s12+$0x4220] =	vst v0;
	(pc) =	sbr.rel @p3 .LBB2_2-.Ltmp2, $4  }
0x27: {  	[tilespmem:s12+$0x4230] =	vst v0  }
0x28: {  	[tilespmem:s12+$0x4240] =	vst v0  }
0x29: {  	[tilespmem:s12+$0x4250] =	vst v0  }
0x2a: {  	[tilespmem:s12+$0x4260] =	vst v0;
	s12 =	sshra.s32 s13, $0x2;
	s13 =	sadd.s32 $0x200, s13  }
0x2b: {  	[tilespmem:s12+$0x4270] =	vst v0  }
0x2c: {  	[tilespmem:s12+$0x4200] =	vst v0  }
0x2d: {  	[tilespmem:s12+$0x4210] =	vst v0  }
0x2e: {  	[tilespmem:s12+$0x4220] =	vst v0  }
0x2f: {  	[tilespmem:s12+$0x4230] =	vst v0  }
0x30: {  	[tilespmem:s12+$0x4240] =	vst v0;
	p3 =	sne.s32 s21, $0x1  }
.Ltmp3:
0x31: {  	[tilespmem:s12+$0x4250] =	vst v0;
	(pc) =	sbr.rel @!p3 .LBB2_5-.Ltmp3, $4  }
0x32: {  	[tilespmem:s12+$0x4260] =	vst v0;
	s13 =	rddreg [dreg:$0x7]  }
0x33: {  	[spmem:s13] =	stream.linear.scatter [tilespmem:s23], [sflag:$0xB], $0x2000, $0x38;
	[tilespmem:$0x1FA80] =	vst v63  }
0x34: {  	_ =	swait.ge [sflag:s24], $0x2000  }
0x35: {  	s12 =	sadd.s32 $0xFFFFFFFF, s21;
	[sflag:s24] =	ssyncset.done $0x0  }
.LBB2_4:
0x36: {  	p3 =	sne.s32 s12, $0x1;
	[sflag:s24] =	ssyncadd.s32 $0xFFFFE000;
	s13 =	sadd.s32 $0x20000, s13  }
.Ltmp4:
0x37: {  	s12 =	sadd.s32 $0xFFFFFFFF, s12;
	(pc) =	sbr.rel @p3 .LBB2_4-.Ltmp4, $4  }
0x38: {  	_ = 	snop  }
0x39: {  	[spmem:s13] =	stream.linear.scatter [tilespmem:s23], [sflag:$0xB], $0x2000, $0x38;
	[tilespmem:$0x1FA80] =	vst v63  }
0x3a: {  	_ =	swait.ge [sflag:s24], $0x2000  }
0x3b: {  	[sflag:s24] =	ssyncset.done $0x0  }
.LBB2_5:
0x3c: {  	[sflag:s24] =	ssyncadd.s32 $0xFFFFE000;
	s12 =	simm.s32 @!p1 $0x4200;
	s13 =	rddreg [dreg:$0x8]  }
0x3d: {  	[spmem:s13] =	stream.linear.scatter @!p1 [tilespmem:s12], [sflag:$0xB], $0x800, $0x38;
	[tilespmem:$0x1FA80] =	vst v63  }
0x3e: {  	s12 =	simm.s32 @!p1 $0xB  }
0x3f: {  	_ =	swait.ge @!p1 [sflag:s12], $0x800  }
0x40: {  	[sflag:s12] =	ssyncset.done @!p1 $0x0  }
0x41: {  	[sflag:s12] =	ssyncadd.s32 @!p1 $0xFFFFF800  }
0x42: {  	[bflag:$0x0] =	sbarrier.arrive $0xFFFF  }
0x43: {  	s17 =	simm.s32 $0x0;
	s20 =	rddreg [dreg:$0x9]  }
0x44: {  	[tilespmem:s17], [sflag:$0xB] =	stream.linear.gather [hbm4b:s20+s17], $0x100, $0x38;
	[tilespmem:$0x1FA80] =	vst v63  }
0x45: {  	_ =	swait.ge [sflag:s24], $0x100  }
0x46: {  	[sflag:s24] =	ssyncset.done $0x0  }
0x47: {  	s21 =	simm.s32 $0x200;
	[sflag:s24] =	ssyncadd.s32 $0xFFFFFF00  }
0x48: {  	[tilespmem:s21], [sflag:$0x1] =	stream.indirect.gather [hbm4b:s4+s25], $0x80, s17, s25, $0xb8;
	[tilespmem:$0x1FA80] =	vst v63  }
.Ltmp5:
0x49: {  	_ = 	snop;
	(pc) =	sbr.rel .LBB2_6-.Ltmp5, $4  }
0x4a: {  	_ = 	snop  }
0x4b: {  	[tilespmem:s29], [sflag:$0x2] =	stream.indirect.gather [hbm4b:s5+s25], $0x80, s28, s25, $0xb8;
	[tilespmem:$0x1FA80] =	vst v63  }
0x4c: {  	s22 =	rddreg [dreg:$0xa]  }
0x4d: {  	[tilespmem:s23], [sflag:$0x3] =	stream.linear.gather [hbm4b:s22+s17], $0x2000, $0x38;
	[tilespmem:$0x1FA80] =	vst v63  }
.LBB2_14:
0x4e: {  	v14 =	vld [tilespmem:s21+$0x8230];
	_ =	sdelay $0x2  }
0x4f: {  	v7 =	vmax.f32 v7, v12;
	v58 =	vmul.f32 $1.442695020e+00, v13;
	v2 =	vadd.f32 v2, v10  }
0x50: {  	v59 =	vmul.f32 $2.000000030e-01, v8;
	v5 =	vadd.f32 v9, v5;
	v6 =	vadd.f32 v6, v11  }
0x51: {  	v7 =	vmul.f32 $1.442695020e+00, v7;
	v60 =	vmul.f32 $2.000000030e-01, v2;
	v3 =	vadd.f32 v14, v3  }
0x52: {  	(erf) = vpow2.f32 v58;
	v8 =	vmax.f32 v8, v59;
	v4 =	vadd.f32 v4, v5  }
0x53: {  	v61 =	vmul.f32 $2.000000030e-01, v6;
	(erf) = vpow2.f32 v7;
	v1 =	vadd.f32 v1, v3  }
0x54: {  	v2 =	vmax.f32 v2, v60;
	v62 =	vmul.f32 $2.000000030e-01, v4;
	v3 =	vmul.f32 $1.442695020e+00, v8  }
0x55: {  	v5 =	vmax.f32 v6, v61;
	v2 =	vmul.f32 $1.442695020e+00, v2;
	v63 =	vmul.f32 $2.000000030e-01, v1  }
0x56: {  	v5 =	vmul.f32 $1.442695020e+00, v5;
	(erf) = vpow2.f32 v3;
	v3 =	vmax.f32 v4, v62  }
0x57: {  	(erf) = vpow2.f32 v2;
	v2 =	vmul.f32 $1.442695020e+00, v3;
	v1 =	vmax.f32 v1, v63  }
0x58: {  	(erf) = vpow2.f32 v5;
	v1 =	vmul.f32 $1.442695020e+00, v1  }
0x59: {  	(erf) = vpow2.f32 v2  }
0x5a: {  	(erf) = vpow2.f32 v1;
	_ =	sdelay $0x1  }
0x5b: {  	v1 =	vpop (erf)  }
0x5c: {  	v2 =	vpop (erf);
	[tilespmem:s21+$0x8200] =	vst v1  }
0x5d: {  	v1 =	vpop (erf);
	[tilespmem:s21+$0x8220] =	vst v2  }
0x5e: {  	[tilespmem:s21+$0x8210] =	vst v1;
	v1 =	vpop (erf)  }
0x5f: {  	[tilespmem:s21+$0x8240] =	vst v1;
	v1 =	vpop (erf)  }
0x60: {  	s12 =	sshll.u32 s20, $0x12;
	[tilespmem:s21+$0x8250] =	vst v1;
	v1 =	vpop (erf)  }
0x61: {  	s12 =	sor.u32 s18, s12;
	[tilespmem:s21+$0x8260] =	vst v1;
	v1 =	vpop (erf)  }
0x62: {  	s12 =	sshrl.u32 s12, $0x3;
	[tilespmem:s21+$0x8270] =	vst v1;
	v1 =	vpop (erf)  }
0x63: {  	s12 =	sadd.s32 s7, s12;
	[tilespmem:s21+$0x8230] =	vst v1  }
0x64: {  	[hbm4b:s12+s3] =	stream.linear.scatter [tilespmem:s9], [sflag:$0x9], $0x2000, $0x38;
	[tilespmem:$0x1FA80] =	vst v63  }
0x65: {  	s22 =	simm.s32 $0x180  }
0x66: {  	[spmem:s2] =	stream.indirect.scatter.add.f32 [tilespmem:s9], [sflag:$0xA], $0x80, s22, s25, $0xb8;
	[tilespmem:$0x1FA80] =	vst v63  }
.LBB2_15:
0x67: {  	s17 =	sadd.s32 $0x1, s17  }
0x68: {  	p3 =	sne.s32 s17, s19  }
.Ltmp6:
0x69: {  	_ = 	snop;
	(pc) =	sbr.rel @!p3 .LBB2_16-.Ltmp6, $1  }
0x6a: {  	_ =	sdelay $0x3  }
.LBB2_6:
0x6b: {  	s21 =	sshll.u32 s17, $0x1  }
0x6c: {  	p3 =	slt.u32 s21, s15  }
.Ltmp7:
0x6d: {  	_ = 	snop;
	(pc) =	sbr.rel @!p3 .LBB2_7-.Ltmp7, $1  }
0x6e: {  	_ =	sdelay $0x3  }
0x6f: {  	_ =	swait.ge [sflag:s30], $0x2000  }
0x70: {  	[sflag:s30] =	ssyncset.done $0x0  }
0x71: {  	[sflag:s30] =	ssyncadd.s32 $0xFFFFE000  }
0x72: {  	_ =	swait.ge [sflag:s31], $0x2000  }
0x73: {  	[sflag:s31] =	ssyncset.done $0x0  }
0x74: {  	s20 =	sor.u32 $0x1, s21;
	p3 =	seq.s32 s17, $0x0;
	[sflag:s31] =	ssyncadd.s32 $0xFFFFE000  }
0x75: {  	p4 =	sge.u32 @!p3 s20, s15;
	_ =	swait.ge [sflag:s0], $0x2000  }
0x76: {  	p4 =	por p4, p3;
	[sflag:s0] =	ssyncset.done $0x0  }
0x77: {  	s12 =	simm.s32 @!p4 $0x9;
	[sflag:s0] =	ssyncadd.s32 $0xFFFFE000  }
0x78: {  	_ =	swait.ge @!p4 [sflag:s12], $0x2000  }
0x79: {  	p3 =	sge.u32 s20, s15;
	[sflag:s12] =	ssyncset.done @!p4 $0x0  }
0x7a: {  	s13 =	sshll.u32 @!p3 s20, $0x5;
	[sflag:s12] =	ssyncadd.s32 @!p4 $0xFFFFE000;
	s12 =	simm.s32 @!p4 $0xA  }
0x7b: {  	s13 =	sor.u32 @!p3 s11, s13;
	_ =	swait.ge @!p4 [sflag:s12], $0x2000  }
0x7c: {  	s22 =	sshll.u32 @!p3 s13, $0x5;
	[sflag:s12] =	ssyncset.done @!p4 $0x0  }
0x7d: {  	[sflag:s12] =	ssyncadd.s32 @!p4 $0xFFFFE000;
	s12 =	sand.u32 @!p3 $0x1FFFFFE0, s22  }
0x7e: {  	s14 =	simm.s32 @!p3 $0x100;
	s22 =	simm.s32 @!p3 $0x0;
	s12 =	sadd.s32 @!p3 s1, s12  }
0x7f: {  	[tilespmem:s14], [sflag:$0xB] =	stream.linear.gather @!p3 [hbm4b:s12+s22], $0x100, $0x38;
	[tilespmem:$0x1FA80] =	vst v63  }
0x80: {  	s12 =	simm.s32 @!p3 $0xB  }
0x81: {  	_ =	swait.ge @!p3 [sflag:s12], $0x100  }
0x82: {  	[sflag:s12] =	ssyncset.done @!p3 $0x0  }
0x83: {  	s16 =	simm.s32 @!p3 $0x6200;
	[sflag:s12] =	ssyncadd.s32 @!p3 $0xFFFFFF00;
	s12 =	simm.s32 @!p3 $0x40  }
0x84: {  	[tilespmem:s16], [sflag:$0x6] =	stream.indirect.gather @!p3 [hbm4b:s4+s12], $0x80, s14, s12, $0xb8;
	[tilespmem:$0x1FA80] =	vst v63  }
0x85: {  	s14 =	simm.s32 @!p3 $0x180;
	s16 =	simm.s32 @!p3 $0x8200  }
0x86: {  	[tilespmem:s16], [sflag:$0x7] =	stream.indirect.gather @!p3 [hbm4b:s5+s12], $0x80, s14, s12, $0xb8;
	[tilespmem:$0x1FA80] =	vst v63  }
0x87: {  	s12 =	sshll.u32 @!p3 s13, $0xA  }
0x88: {  	s12 =	sand.u32 @!p3 $0x1FFFFC00, s12  }
0x89: {  	s13 =	simm.s32 @!p3 $0xA200;
	s12 =	sadd.s32 @!p3 s6, s12  }
0x8a: {  	[tilespmem:s13], [sflag:$0x8] =	stream.linear.gather @!p3 [hbm4b:s12+s22], $0x2000, $0x38;
	[tilespmem:$0x1FA80] =	vst v63  }
0x8b: {  	s22 =	simm.s32 $0x0  }
0x8c: {  	v9 =	vld [tilespmem:s22+$0x260]  }
0x8d: {  	v4 =	vld [tilespmem:s22+$0x4210]  }
0x8e: {  	v1 =	vld [tilespmem:s22+$0x4230]  }
0x8f: {  	v2 =	vld [tilespmem:s22+$0x4250]  }
0x90: {  	v3 =	vld [tilespmem:s22+$0x220]  }
0x91: {  	v6 =	vld [tilespmem:s22+$0x200]  }
0x92: {  	v7 =	vld [tilespmem:s22+$0x2200]  }
0x93: {  	v5 =	vld [tilespmem:s22+$0x210]  }
0x94: {  	v8 =	vld [tilespmem:s22+$0x4200]  }
0x95: {  	v11 =	vld [tilespmem:s22+$0x4240]  }
0x96: {  	v10 =	vld [tilespmem:s22+$0x250]  }
0x97: {  	v12 =	vld [tilespmem:s22+$0x2220];
	v6 =	vadd.f32 v7, v6  }
0x98: {  	v7 =	vld [tilespmem:s22+$0x2210]  }
0x99: {  	v13 =	vld [tilespmem:s22+$0x4220];
	v6 =	vadd.f32 v8, v6  }
0x9a: {  	v14 =	vld [tilespmem:s22+$0x2240]  }
0x9b: {  	v8 =	vld [tilespmem:s22+$0x240];
	v15 =	vmul.f32 $2.000000030e-01, v6  }
0x9c: {  	v16 =	vld [tilespmem:s22+$0x2250];
	v12 =	vadd.f32 v12, v3  }
0x9d: {  	v17 =	vld [tilespmem:s22+$0x2260];
	v5 =	vadd.f32 v7, v5;
	v6 =	vmax.f32 v6, v15  }
0x9e: {  	v3 =	vld [tilespmem:s22+$0x230];
	v13 =	vadd.f32 v13, v12;
	v12 =	vmul.f32 $1.442695020e+00, v6  }
0x9f: {  	v6 =	vld [tilespmem:s22+$0x4260];
	v7 =	vadd.f32 v4, v5  }
0xa0: {  	v15 =	vmul.f32 $2.000000030e-01, v13;
	v5 =	vld [tilespmem:s22+$0x270];
	v8 =	vadd.f32 v14, v8;
	(erf) = vpow2.f32 v12  }
0xa1: {  	v10 =	vadd.f32 v16, v10;
	v4 =	vld [tilespmem:s22+$0x4270];
	v12 =	vmul.f32 $2.000000030e-01, v7  }
0xa2: {  	s12 =	simm.s32 $0x200;
	v13 =	vmax.f32 v13, v15;
	v8 =	vadd.f32 v11, v8;
	v11 =	vadd.f32 v17, v9;
	v9 =	vld [tilespmem:s22+$0x2270]  }
.LBB2_9:
0xa3: {  	s13 =	sshra.s32 s12, $0x2;
	p3 =	sne.s32 s12, $0x7E00;
	s12 =	sadd.s32 $0x200, s12;
	v7 =	vmax.f32 v7, v12;
	v12 =	vmul.f32 $1.442695020e+00, v13;
	v13 =	vld [tilespmem:s22+$0x2230];
	v10 =	vadd.f32 v2, v10  }
0xa4: {  	v14 =	vld [tilespmem:s13+$0x260];
	v2 =	vmul.f32 $1.442695020e+00, v7;
	v7 =	vmul.f32 $2.000000030e-01, v8;
	v6 =	vadd.f32 v6, v11  }
0xa5: {  	v11 =	vld [tilespmem:s13+$0x4210];
	v15 =	vmul.f32 $2.000000030e-01, v10;
	(erf) = vpow2.f32 v12  }
0xa6: {  	v12 =	vld [tilespmem:s13+$0x4230];
	v7 =	vmax.f32 v8, v7;
	v8 =	vmul.f32 $2.000000030e-01, v6;
	(erf) = vpow2.f32 v2  }
0xa7: {  	v2 =	vld [tilespmem:s13+$0x4250];
	v7 =	vmul.f32 $1.442695020e+00, v7;
	v10 =	vmax.f32 v10, v15;
	v15 =	vadd.f32 v9, v5  }
0xa8: {  	v9 =	vld [tilespmem:s13+$0x220];
	v3 =	vadd.f32 v13, v3;
	v10 =	vmul.f32 $1.442695020e+00, v10;
	v6 =	vmax.f32 v6, v8  }
0xa9: {  	v8 =	vld [tilespmem:s13+$0x210];
	v6 =	vmul.f32 $1.442695020e+00, v6;
	v4 =	vadd.f32 v4, v15;
	v5 =	vpop (erf);
	(erf) = vpow2.f32 v7  }
0xaa: {  	v7 =	vld [tilespmem:s13+$0x200];
	[tilespmem:s22+$0x2200] =	vst v5;
	v5 =	vadd.f32 v1, v3;
	(erf) = vpow2.f32 v10  }
0xab: {  	v10 =	vld [tilespmem:s13+$0x2200];
	v13 =	vmul.f32 $2.000000030e-01, v4;
	(erf) = vpow2.f32 v6;
	v1 =	vmov v12  }
0xac: {  	v3 =	vld [tilespmem:s13+$0x230];
	v16 =	vmul.f32 $2.000000030e-01, v5  }
0xad: {  	v12 =	vld [tilespmem:s13+$0x4200];
	v4 =	vmax.f32 v4, v13  }
0xae: {  	v15 =	vld [tilespmem:s13+$0x4240];
	v5 =	vmax.f32 v5, v16;
	v4 =	vmul.f32 $1.442695020e+00, v4;
	v6 =	vpop (erf)  }
0xaf: {  	v13 =	vld [tilespmem:s13+$0x250];
	[tilespmem:s22+$0x2220] =	vst v6;
	v5 =	vmul.f32 $1.442695020e+00, v5;
	v6 =	vpop (erf)  }
0xb0: {  	v16 =	vadd.f32 v10, v7;
	v10 =	vld [tilespmem:s13+$0x2220];
	[tilespmem:s22+$0x2210] =	vst v6;
	(erf) = vpow2.f32 v4  }
0xb1: {  	v4 =	vld [tilespmem:s13+$0x2210];
	(erf) = vpow2.f32 v5  }
0xb2: {  	v5 =	vadd.f32 v12, v16;
	v6 =	vld [tilespmem:s13+$0x4220];
	v7 =	vpop (erf)  }
0xb3: {  	v12 =	vld [tilespmem:s13+$0x240];
	[tilespmem:s22+$0x2240] =	vst v7;
	v7 =	vpop (erf)  }
0xb4: {  	v16 =	vmul.f32 $2.000000030e-01, v5;
	v17 =	vld [tilespmem:s13+$0x2240];
	[tilespmem:s22+$0x2250] =	vst v7;
	v7 =	vpop (erf)  }
0xb5: {  	v9 =	vadd.f32 v10, v9;
	v10 =	vld [tilespmem:s13+$0x2250];
	[tilespmem:s22+$0x2260] =	vst v7  }
0xb6: {  	v5 =	vmax.f32 v5, v16;
	v4 =	vadd.f32 v4, v8;
	v16 =	vld [tilespmem:s13+$0x2260]  }
.Ltmp8:
0xb7: {  	v19 =	vmul.f32 $1.442695020e+00, v5;
	v9 =	vadd.f32 v6, v9;
	v6 =	vld [tilespmem:s13+$0x4260];
	(pc) =	sbr.rel @p3 .LBB2_9-.Ltmp8, $4  }
0xb8: {  	v7 =	vadd.f32 v11, v4;
	v5 =	vld [tilespmem:s13+$0x270]  }
0xb9: {  	v11 =	vmul.f32 $2.000000030e-01, v9;
	v17 =	vadd.f32 v17, v12;
	v4 =	vld [tilespmem:s13+$0x4270];
	(erf) = vpow2.f32 v19;
	v8 =	vpop (erf)  }
0xba: {  	v12 =	vmul.f32 $2.000000030e-01, v7;
	v10 =	vadd.f32 v10, v13;
	[tilespmem:s22+$0x2270] =	vst v8;
	v18 =	vpop (erf)  }
0xbb: {  	v13 =	vmax.f32 v9, v11;
	v8 =	vadd.f32 v15, v17;
	v11 =	vadd.f32 v16, v14;
	v9 =	vld [tilespmem:s13+$0x2270];
	[tilespmem:s22+$0x2230] =	vst v18;
	s22 =	smov.u32 s13  }
0xbc: {  	v14 =	vld [tilespmem:s22+$0x2230];
	_ =	sdelay $0x2  }
0xbd: {  	v7 =	vmax.f32 v7, v12;
	v58 =	vmul.f32 $1.442695020e+00, v13;
	v2 =	vadd.f32 v2, v10  }
0xbe: {  	v7 =	vmul.f32 $1.442695020e+00, v7;
	v59 =	vmul.f32 $2.000000030e-01, v8;
	v5 =	vadd.f32 v9, v5  }
0xbf: {  	v6 =	vadd.f32 v6, v11;
	v60 =	vmul.f32 $2.000000030e-01, v2;
	v3 =	vadd.f32 v14, v3  }
0xc0: {  	(erf) = vpow2.f32 v58;
	v8 =	vmax.f32 v8, v59;
	v4 =	vadd.f32 v4, v5  }
0xc1: {  	v61 =	vmul.f32 $2.000000030e-01, v6;
	(erf) = vpow2.f32 v7;
	v1 =	vadd.f32 v1, v3  }
0xc2: {  	v2 =	vmax.f32 v2, v60;
	v3 =	vmul.f32 $1.442695020e+00, v8;
	v62 =	vmul.f32 $2.000000030e-01, v4  }
0xc3: {  	v2 =	vmul.f32 $1.442695020e+00, v2;
	v5 =	vmax.f32 v6, v61;
	v63 =	vmul.f32 $2.000000030e-01, v1  }
0xc4: {  	v5 =	vmul.f32 $1.442695020e+00, v5;
	(erf) = vpow2.f32 v3;
	v3 =	vmax.f32 v4, v62  }
0xc5: {  	(erf) = vpow2.f32 v2;
	v1 =	vmax.f32 v1, v63;
	v2 =	vmul.f32 $1.442695020e+00, v3  }
0xc6: {  	(erf) = vpow2.f32 v5;
	v1 =	vmul.f32 $1.442695020e+00, v1  }
0xc7: {  	(erf) = vpow2.f32 v2  }
0xc8: {  	(erf) = vpow2.f32 v1;
	_ =	sdelay $0x1  }
0xc9: {  	v1 =	vpop (erf)  }
0xca: {  	v2 =	vpop (erf);
	[tilespmem:s22+$0x2200] =	vst v1  }
0xcb: {  	v1 =	vpop (erf);
	[tilespmem:s22+$0x2220] =	vst v2  }
0xcc: {  	[tilespmem:s22+$0x2210] =	vst v1;
	v1 =	vpop (erf)  }
0xcd: {  	[tilespmem:s22+$0x2240] =	vst v1;
	v1 =	vpop (erf)  }
0xce: {  	s12 =	sshll.u32 s17, $0x13;
	[tilespmem:s22+$0x2250] =	vst v1;
	v1 =	vpop (erf)  }
0xcf: {  	s12 =	sor.u32 s18, s12;
	[tilespmem:s22+$0x2260] =	vst v1;
	v1 =	vpop (erf)  }
.Ltmp9:
0xd0: {  	s12 =	sshrl.u32 s12, $0x3;
	[tilespmem:s22+$0x2270] =	vst v1;
	v1 =	vpop (erf);
	(pc) =	sbr.rel .LBB2_11-.Ltmp9, $4  }
0xd1: {  	s12 =	sadd.s32 s7, s12;
	[tilespmem:s22+$0x2230] =	vst v1  }
0xd2: {  	[hbm4b:s12+s3] =	stream.linear.scatter [tilespmem:s29], [sflag:$0x4], $0x2000, $0x38;
	[tilespmem:$0x1FA80] =	vst v63  }
0xd3: {  	_ = 	snop  }
0xd4: {  	[spmem:s2] =	stream.indirect.scatter.add.f32 [tilespmem:s29], [sflag:$0x5], $0x80, s28, s25, $0xb8;
	[tilespmem:$0x1FA80] =	vst v63  }
.LBB2_7:
0xd5: {  	s20 =	sor.u32 $0x1, s21  }
.LBB2_11:
0xd6: {  	p3 =	sge.u32 s20, s15  }
.Ltmp10:
0xd7: {  	_ = 	snop;
	(pc) =	sbr.rel @p3 .LBB2_15-.Ltmp10, $1  }
0xd8: {  	_ =	sdelay $0x3  }
0xd9: {  	_ =	swait.ge [sflag:s26], $0x2000  }
0xda: {  	[sflag:s26] =	ssyncset.done $0x0  }
0xdb: {  	[sflag:s26] =	ssyncadd.s32 $0xFFFFE000  }
0xdc: {  	_ =	swait.ge [sflag:s8], $0x2000  }
0xdd: {  	[sflag:s8] =	ssyncset.done $0x0  }
0xde: {  	[sflag:s8] =	ssyncadd.s32 $0xFFFFE000  }
0xdf: {  	s12 =	sadd.s32 $0x2, s21;
	_ =	swait.ge [sflag:s10], $0x2000  }
0xe0: {  	p3 =	sge.u32 s12, s15;
	[sflag:s10] =	ssyncset.done $0x0  }
0xe1: {  	s13 =	simm.s32 @!p3 $0x4;
	[sflag:s10] =	ssyncadd.s32 $0xFFFFE000  }
0xe2: {  	_ =	swait.ge @!p3 [sflag:s13], $0x2000  }
0xe3: {  	s12 =	sshll.u32 @!p3 s12, $0x5;
	[sflag:s13] =	ssyncset.done @!p3 $0x0  }
0xe4: {  	s12 =	sor.u32 @!p3 s11, s12;
	[sflag:s13] =	ssyncadd.s32 @!p3 $0xFFFFE000;
	s13 =	simm.s32 @!p3 $0x5  }
0xe5: {  	s14 =	sshll.u32 @!p3 s12, $0x5;
	_ =	swait.ge @!p3 [sflag:s13], $0x2000  }
0xe6: {  	s14 =	sand.u32 @!p3 $0x1FFFFBE0, s14;
	[sflag:s13] =	ssyncset.done @!p3 $0x0  }
0xe7: {  	[sflag:s13] =	ssyncadd.s32 @!p3 $0xFFFFE000;
	s13 =	sadd.s32 @!p3 s1, s14;
	s14 =	simm.s32 @!p3 $0x0  }
0xe8: {  	[tilespmem:s14], [sflag:$0xB] =	stream.linear.gather @!p3 [hbm4b:s13+s14], $0x100, $0x38;
	[tilespmem:$0x1FA80] =	vst v63  }
0xe9: {  	s13 =	simm.s32 @!p3 $0xB  }
0xea: {  	_ =	swait.ge @!p3 [sflag:s13], $0x100  }
0xeb: {  	s16 =	simm.s32 @!p3 $0x200;
	[sflag:s13] =	ssyncset.done @!p3 $0x0  }
0xec: {  	s12 =	sshll.u32 @!p3 s12, $0xA;
	[sflag:s13] =	ssyncadd.s32 @!p3 $0xFFFFFF00;
	s13 =	simm.s32 @!p3 $0x40  }
0xed: {  	[tilespmem:s16], [sflag:$0x1] =	stream.indirect.gather @!p3 [hbm4b:s4+s13], $0x80, s14, s13, $0xb8;
	[tilespmem:$0x1FA80] =	vst v63  }
0xee: {  	s21 =	simm.s32 @!p3 $0x2200;
	s12 =	sand.u32 @!p3 $0x1FFF7C00, s12;
	s16 =	simm.s32 @!p3 $0x80  }
0xef: {  	[tilespmem:s21], [sflag:$0x2] =	stream.indirect.gather @!p3 [hbm4b:s5+s13], $0x80, s16, s13, $0xb8;
	[tilespmem:$0x1FA80] =	vst v63  }
0xf0: {  	s12 =	sadd.s32 @!p3 s6, s12;
	s13 =	simm.s32 @!p3 $0x4200;
	s21 =	simm.s32 $0x0  }
0xf1: {  	[tilespmem:s13], [sflag:$0x3] =	stream.linear.gather @!p3 [hbm4b:s12+s14], $0x2000, $0x38;
	[tilespmem:$0x1FA80] =	vst v63  }
0xf2: {  	v9 =	vld [tilespmem:s21+$0x6260]  }
0xf3: {  	v4 =	vld [tilespmem:s21+$0xA210]  }
0xf4: {  	v1 =	vld [tilespmem:s21+$0xA230]  }
0xf5: {  	v2 =	vld [tilespmem:s21+$0xA250]  }
0xf6: {  	v3 =	vld [tilespmem:s21+$0x6220]  }
0xf7: {  	v6 =	vld [tilespmem:s21+$0x6200]  }
0xf8: {  	v7 =	vld [tilespmem:s21+$0x8200]  }
0xf9: {  	v5 =	vld [tilespmem:s21+$0x6210]  }
0xfa: {  	v8 =	vld [tilespmem:s21+$0xA200]  }
0xfb: {  	v11 =	vld [tilespmem:s21+$0xA240]  }
0xfc: {  	v10 =	vld [tilespmem:s21+$0x6250]  }
0xfd: {  	v12 =	vld [tilespmem:s21+$0x8220];
	v6 =	vadd.f32 v7, v6  }
0xfe: {  	v7 =	vld [tilespmem:s21+$0x8210]  }
0xff: {  	v13 =	vld [tilespmem:s21+$0xA220];
	v6 =	vadd.f32 v8, v6  }
0x100: {  	v14 =	vld [tilespmem:s21+$0x8240]  }
0x101: {  	v8 =	vld [tilespmem:s21+$0x6240];
	v15 =	vmul.f32 $2.000000030e-01, v6  }
0x102: {  	v16 =	vld [tilespmem:s21+$0x8250];
	v12 =	vadd.f32 v12, v3  }
0x103: {  	v17 =	vld [tilespmem:s21+$0x8260];
	v5 =	vadd.f32 v7, v5;
	v6 =	vmax.f32 v6, v15  }
0x104: {  	v3 =	vld [tilespmem:s21+$0x6230];
	v13 =	vadd.f32 v13, v12;
	v12 =	vmul.f32 $1.442695020e+00, v6  }
0x105: {  	v6 =	vld [tilespmem:s21+$0xA260];
	v7 =	vadd.f32 v4, v5  }
0x106: {  	v15 =	vmul.f32 $2.000000030e-01, v13;
	v5 =	vld [tilespmem:s21+$0x6270];
	v8 =	vadd.f32 v14, v8;
	(erf) = vpow2.f32 v12  }
0x107: {  	v10 =	vadd.f32 v16, v10;
	v4 =	vld [tilespmem:s21+$0xA270];
	v12 =	vmul.f32 $2.000000030e-01, v7  }
0x108: {  	s12 =	simm.s32 $0x200;
	v13 =	vmax.f32 v13, v15;
	v8 =	vadd.f32 v11, v8;
	v11 =	vadd.f32 v17, v9;
	v9 =	vld [tilespmem:s21+$0x8270]  }
.LBB2_13:
0x109: {  	s13 =	sshra.s32 s12, $0x2;
	p3 =	sne.s32 s12, $0x7E00;
	s12 =	sadd.s32 $0x200, s12;
	v7 =	vmax.f32 v7, v12;
	v12 =	vmul.f32 $1.442695020e+00, v13;
	v13 =	vld [tilespmem:s21+$0x8230];
	v10 =	vadd.f32 v2, v10  }
0x10a: {  	v6 =	vadd.f32 v6, v11;
	v14 =	vld [tilespmem:s13+$0x6260];
	v2 =	vmul.f32 $1.442695020e+00, v7;
	v7 =	vmul.f32 $2.000000030e-01, v8  }
0x10b: {  	v11 =	vld [tilespmem:s13+$0xA210];
	v15 =	vmul.f32 $2.000000030e-01, v10;
	(erf) = vpow2.f32 v12  }
0x10c: {  	v12 =	vld [tilespmem:s13+$0xA230];
	v7 =	vmax.f32 v8, v7;
	v8 =	vmul.f32 $2.000000030e-01, v6;
	(erf) = vpow2.f32 v2  }
0x10d: {  	v2 =	vld [tilespmem:s13+$0xA250];
	v7 =	vmul.f32 $1.442695020e+00, v7;
	v10 =	vmax.f32 v10, v15;
	v15 =	vadd.f32 v9, v5  }
0x10e: {  	v9 =	vld [tilespmem:s13+$0x6220];
	v3 =	vadd.f32 v13, v3;
	v10 =	vmul.f32 $1.442695020e+00, v10;
	v6 =	vmax.f32 v6, v8  }
0x10f: {  	v8 =	vld [tilespmem:s13+$0x6210];
	v6 =	vmul.f32 $1.442695020e+00, v6;
	v4 =	vadd.f32 v4, v15;
	v5 =	vpop (erf);
	(erf) = vpow2.f32 v7  }
0x110: {  	v7 =	vld [tilespmem:s13+$0x6200];
	[tilespmem:s21+$0x8200] =	vst v5;
	v5 =	vadd.f32 v1, v3;
	(erf) = vpow2.f32 v10  }
0x111: {  	v10 =	vld [tilespmem:s13+$0x8200];
	v13 =	vmul.f32 $2.000000030e-01, v4;
	(erf) = vpow2.f32 v6;
	v1 =	vmov v12  }
0x112: {  	v3 =	vld [tilespmem:s13+$0x6230];
	v16 =	vmul.f32 $2.000000030e-01, v5  }
0x113: {  	v12 =	vld [tilespmem:s13+$0xA200];
	v4 =	vmax.f32 v4, v13  }
0x114: {  	v15 =	vld [tilespmem:s13+$0xA240];
	v5 =	vmax.f32 v5, v16;
	v4 =	vmul.f32 $1.442695020e+00, v4;
	v6 =	vpop (erf)  }
0x115: {  	v13 =	vld [tilespmem:s13+$0x6250];
	[tilespmem:s21+$0x8220] =	vst v6;
	v5 =	vmul.f32 $1.442695020e+00, v5;
	v6 =	vpop (erf)  }
0x116: {  	v16 =	vadd.f32 v10, v7;
	v10 =	vld [tilespmem:s13+$0x8220];
	[tilespmem:s21+$0x8210] =	vst v6;
	(erf) = vpow2.f32 v4  }
0x117: {  	v4 =	vld [tilespmem:s13+$0x8210];
	(erf) = vpow2.f32 v5  }
0x118: {  	v5 =	vadd.f32 v12, v16;
	v6 =	vld [tilespmem:s13+$0xA220];
	v7 =	vpop (erf)  }
0x119: {  	v12 =	vld [tilespmem:s13+$0x6240];
	[tilespmem:s21+$0x8240] =	vst v7;
	v7 =	vpop (erf)  }
0x11a: {  	v16 =	vmul.f32 $2.000000030e-01, v5;
	v17 =	vld [tilespmem:s13+$0x8240];
	[tilespmem:s21+$0x8250] =	vst v7;
	v7 =	vpop (erf)  }
0x11b: {  	v9 =	vadd.f32 v10, v9;
	v10 =	vld [tilespmem:s13+$0x8250];
	[tilespmem:s21+$0x8260] =	vst v7  }
0x11c: {  	v5 =	vmax.f32 v5, v16;
	v4 =	vadd.f32 v4, v8;
	v16 =	vld [tilespmem:s13+$0x8260]  }
.Ltmp11:
0x11d: {  	v19 =	vmul.f32 $1.442695020e+00, v5;
	v9 =	vadd.f32 v6, v9;
	v6 =	vld [tilespmem:s13+$0xA260];
	(pc) =	sbr.rel @p3 .LBB2_13-.Ltmp11, $4  }
0x11e: {  	v7 =	vadd.f32 v11, v4;
	v5 =	vld [tilespmem:s13+$0x6270]  }
0x11f: {  	v11 =	vmul.f32 $2.000000030e-01, v9;
	v17 =	vadd.f32 v17, v12;
	v4 =	vld [tilespmem:s13+$0xA270];
	(erf) = vpow2.f32 v19;
	v8 =	vpop (erf)  }
0x120: {  	v12 =	vmul.f32 $2.000000030e-01, v7;
	v10 =	vadd.f32 v10, v13;
	[tilespmem:s21+$0x8270] =	vst v8;
	v18 =	vpop (erf)  }
0x121: {  	v13 =	vmax.f32 v9, v11;
	v8 =	vadd.f32 v15, v17;
	v11 =	vadd.f32 v16, v14;
	v9 =	vld [tilespmem:s13+$0x8270];
	[tilespmem:s21+$0x8230] =	vst v18;
	s21 =	smov.u32 s13  }
.Ltmp12:
0x122: {  	_ = 	snop;
	(pc) =	sbr.rel .LBB2_14-.Ltmp12, $1  }
0x123: {  	_ =	sdelay $0x3  }
.LBB2_16:
0x124: {  	s12 =	simm.s32 $0x4  }
0x125: {  	_ =	swait.ge [sflag:s12], $0x2000  }
0x126: {  	[sflag:s12] =	ssyncset.done $0x0  }
0x127: {  	s17 =	simm.s32 $0x5;
	[sflag:s12] =	ssyncadd.s32 $0xFFFFE000  }
0x128: {  	_ =	swait.ge [sflag:s17], $0x2000  }
0x129: {  	[sflag:s17] =	ssyncset.done $0x0  }
0x12a: {  	s20 =	simm.s32 $0x9;
	[sflag:s17] =	ssyncadd.s32 $0xFFFFE000  }
0x12b: {  	_ =	swait.ge [sflag:s20], $0x2000  }
0x12c: {  	[sflag:s20] =	ssyncset.done $0x0  }
0x12d: {  	s21 =	simm.s32 $0xA;
	[sflag:s20] =	ssyncadd.s32 $0xFFFFE000  }
.Ltmp13:
0x12e: {  	_ =	swait.ge [sflag:s21], $0x2000;
	(pc) =	sbr.rel @!p0 .LBB2_17-.Ltmp13, $4  }
0x12f: {  	[sflag:s21] =	ssyncset.done $0x0  }
0x130: {  	s22 =	stileid.u32;
	[sflag:s21] =	ssyncadd.s32 $0xFFFFE000  }
0x131: {  	s12 =	sshll.u32 s22, $0x6;
	[bflag:$0x0] =	sbarrier.arrive $0xFFFF  }
0x132: {  	s12 =	sor.u32 $0x1C0B, s12  }
0x133: {  	s20 =	rddreg [dreg:$0x7]  }
0x134: {  	s14 =	rddreg [dreg:$0xd];
	s13 =	sshrl.u32 s20, $0x3  }
0x135: {  	[hbm:s14], [sflag:s12] =	dma.local [spmem:s13], $0x400  }
0x136: {  	s21 =	rddreg [dreg:$0x6]  }
0x137: {  	p3 =	sne.s32 s21, $0x1  }
.Ltmp14:
0x138: {  	_ = 	snop;
	(pc) =	sbr.rel @!p3 .LBB2_22-.Ltmp14, $2  }
0x139: {  	_ =	sdelay $0x2  }
0x13a: {  	s17 =	sadd.s32 $0x4000, s14;
	_ =	swait.ge [sflag:s24], $0x400;
	s13 =	sadd.s32 $0xFFFFFFFF, s21  }
.LBB2_21:
0x13b: {  	[sflag:s24] =	ssyncset.done $0x0;
	s20 =	sadd.s32 $0x20000, s20;
	p3 =	sne.s32 s13, $0x1  }
.Ltmp15:
0x13c: {  	s14 =	sshrl.u32 s20, $0x3;
	[sflag:s24] =	ssyncadd.s32 $0xFFFFFC00;
	(pc) =	sbr.rel @p3 .LBB2_21-.Ltmp15, $3  }
0x13d: {  	[hbm:s17], [sflag:s12] =	dma.local [spmem:s14], $0x400  }
0x13e: {  	s13 =	sadd.s32 $0xFFFFFFFF, s13;
	_ =	sdelay $0x1  }
0x13f: {  	s17 =	sadd.s32 $0x4000, s17;
	_ =	swait.ge [sflag:s24], $0x400  }
.LBB2_22:
.Ltmp16:
0x140: {  	(pc) =	sbr.rel @p1 .LBB2_24-.Ltmp16, $4  }
.Ltmp17:
0x141: {  	(pc) =	sbr.rel @!p1 .LBB2_23-.Ltmp17, $4  }
0x142: {  	_ = 	snop  }
0x143: {  	[sflag:s24] =	ssyncset.done $0x0;
	s12 =	rddreg [dreg:$0x5]  }
0x144: {  	s16 =	rddreg [dreg:$0xe];
	[sflag:s24] =	ssyncadd.s32 $0xFFFFFC00  }
0x145: {  	_ = 	snop  }
.LBB2_17:
0x146: {  	s20 =	rddreg [dreg:$0x7]  }
0x147: {  	s14 =	rddreg [dreg:$0xc];
	s13 =	sshrl.u32 s20, $0x3  }
0x148: {  	[hbm:s14], [sflag:s12] =	dma.local [spmem:s13], $0x400  }
0x149: {  	s21 =	rddreg [dreg:$0x6]  }
0x14a: {  	p3 =	sne.s32 s21, $0x1  }
.Ltmp18:
0x14b: {  	_ = 	snop;
	(pc) =	sbr.rel @!p3 .LBB2_19-.Ltmp18, $2  }
0x14c: {  	_ =	sdelay $0x2  }
0x14d: {  	s17 =	sadd.s32 $0x4000, s14;
	_ =	swait.ge [sflag:s24], $0x400;
	s13 =	sadd.s32 $0xFFFFFFFF, s21  }
.LBB2_18:
0x14e: {  	[sflag:s24] =	ssyncset.done $0x0;
	s20 =	sadd.s32 $0x20000, s20;
	p3 =	sne.s32 s13, $0x1  }
.Ltmp19:
0x14f: {  	s14 =	sshrl.u32 s20, $0x3;
	[sflag:s24] =	ssyncadd.s32 $0xFFFFFC00;
	(pc) =	sbr.rel @p3 .LBB2_18-.Ltmp19, $3  }
0x150: {  	[hbm:s17], [sflag:s12] =	dma.local [spmem:s14], $0x400  }
0x151: {  	s13 =	sadd.s32 $0xFFFFFFFF, s13;
	_ =	sdelay $0x1  }
0x152: {  	s17 =	sadd.s32 $0x4000, s17;
	_ =	swait.ge [sflag:s24], $0x400  }
.LBB2_19:
.Ltmp20:
0x153: {  	(pc) =	sbr.rel @!p2 .LBB2_24-.Ltmp20, $4  }
.Ltmp21:
0x154: {  	(pc) =	sbr.rel @p2 .LBB2_23-.Ltmp21, $4  }
0x155: {  	_ = 	snop  }
0x156: {  	[sflag:s24] =	ssyncset.done $0x0;
	s12 =	rddreg [dreg:$0x4]  }
0x157: {  	s16 =	rddreg [dreg:$0xe];
	[sflag:s24] =	ssyncadd.s32 $0xFFFFFC00  }
0x158: {  	_ = 	snop  }
.LBB2_25:
0x159: {  	_ =	sfence.sel $0x180000  }
0x15a: {  	[bflag:$0x0] =	sbarrier.arrive $0xFFFF  }
0x15b: {  	_ =	strace $0x90000047  }
0x15c: {  	[bflag:$0x2] =	sbarrier.arrive $0xFFFF  }
0x15d: {  	s0 =	rddreg [dreg:$0x3]  }
0x15e: {  	s0 =	sadd.s32 @!p1 $0x100000, s0  }
0x15f: {  	[sflag:s0] =	ssyncadd.tile.s32 @!p1 $0x1;
	_ =	shalt  }
.Lfunc_end2:
_tile_overlayer_lowered:
.L_overlay_start_2:
0x160: {  	(tag) =	ssettag $0x2  }
0x161: {  	s0 =	rddreg [dreg:$0x0];
	s2 =	stileid.u32  }
0x162: {  	s1 =	rddreg [dreg:$0x1];
	p0 =	sne.s32 s2, $0x0  }
0x163: {  	s3 =	rddreg [dreg:$0x2];
	[bflag:$0x3] =	sbarrier.arrive $0xFFFF;
	s2 =	simm.s32 @!p0 $0x1C0B  }
0x164: {  	[timem:s3], [sflag:s2] =	dma.local @!p0 [hbm:s0], s1  }
0x165: {  	s0 =	simm.s32 @!p0 $0xB  }
0x166: {  	_ =	swait.ge @!p0 [sflag:s0], s1  }
0x167: {  	s1 =	ssub.s32 @!p0 $0x0, s1;
	[sflag:s0] =	ssyncset.done @!p0 $0x0  }
0x168: {  	[sflag:s0] =	ssyncadd.s32 @!p0 s1  }
0x169: {  	[bflag:$0x3] =	sbarrier.arrive $0xFFFF  }
0x16a: {  	_ =	shalt  }

</sc_bundles>
